<compile_context>
chip_gen: v7x
topology: tpu7x:2x2x1
jax: 0.10.2.dev20260603
libtpu: 0.0.44.dev20260713+nightly
codegen_flags: <defaults>
</compile_context>

<pallas_src>
import functools

import jax
import jax.numpy as jnp
from jax import lax
from jax.experimental import pallas as pl
from jax.experimental.pallas import tpu as pltpu
from jax.experimental.pallas import tpu_sc as plsc

N_GRAPHS_ = 1000
S_PAD = 112
BLK = 2000
NW = 32
RPW_A = 3136
RSUB_A = 784
RPW_B = 2528
RSUB_B = 632
WIN = 128
NBLK = 8
F = 32
GRP = 32
TRASH = N_GRAPHS_


def _energies_a(x2, k2, eq2, x3, k3, eq3):
    n2, s = x2.shape
    n3 = x3.shape[0]
    g2, g3 = n2 // BLK, n3 // BLK

    def body(x2r, k2r, eq2r, x3r, k3r, eq3r, u_ref):
        pid = pl.program_id(0)
        zpad = jnp.zeros((BLK, S_PAD - 100), jnp.float32)

        @pl.when(pid < g2)
        def _bond():
            u = 0.5 * k2r[...] * (x2r[...] - eq2r[...]) ** 2
            u_ref[...] = jnp.concatenate([u, zpad], axis=1)

        @pl.when(pid >= g2)
        def _angle():
            u = 0.5 * k3r[...] * (x3r[...] - eq3r[...]) ** 2
            u_ref[...] = jnp.concatenate([u, zpad], axis=1)

    def at2(i):
        return (jnp.where(i < g2, i, 0), 0)

    def at3(i):
        return (jnp.where(i >= g2, i - g2, 0), 0)

    return pl.pallas_call(
        body,
        grid=(g2 + g3,),
        in_specs=[
            pl.BlockSpec((BLK, s), at2),
            pl.BlockSpec((BLK, 1), at2),
            pl.BlockSpec((BLK, 1), at2),
            pl.BlockSpec((BLK, s), at3),
            pl.BlockSpec((BLK, 1), at3),
            pl.BlockSpec((BLK, 1), at3),
        ],
        out_specs=pl.BlockSpec((BLK, S_PAD), lambda i: (i, 0)),
        out_shape=jax.ShapeDtypeStruct((NW * RPW_A, S_PAD), jnp.float32),
    )(x2, k2, eq2, x3, k3, eq3)


def _energies_b(x4, k4):
    n4, s = x4.shape
    g4 = n4 // BLK

    def body(x4r, k4r, u_ref):
        zpad = jnp.zeros((BLK, S_PAD - 100), jnp.float32)
        x = x4r[...]
        k = k4r[...]
        t = x * x
        c = 1.0 + t * (-0.5 + t * (1.0 / 24.0 + t * (-1.0 / 720.0
            + t * (1.0 / 40320.0 + t * (-1.0 / 3628800.0
            + t * (1.0 / 479001600.0))))))
        b1 = jnp.zeros_like(x)
        b2 = jnp.zeros_like(x)
        for n in range(6, 0, -1):
            b1, b2 = k[:, n - 1:n] + 2.0 * c * b1 - b2, b1
        u = c * b1 - b2 + jnp.sum(k, axis=1, keepdims=True)
        u_ref[...] = jnp.concatenate([u, zpad], axis=1)

    return pl.pallas_call(
        body,
        grid=(g4,),
        in_specs=[
            pl.BlockSpec((BLK, s), lambda i: (i, 0)),
            pl.BlockSpec((BLK, 6), lambda i: (i, 0)),
        ],
        out_specs=pl.BlockSpec((BLK, S_PAD), lambda i: (i, 0)),
        out_shape=jax.ShapeDtypeStruct((NW * RPW_B, S_PAD), jnp.float32),
    )(x4, k4)


def _sc_segsum(u_all, idx_all, zwin, rpw, rsub):
    nsub = rpw // rsub
    mesh = plsc.VectorSubcoreMesh(core_axis_name="c", subcore_axis_name="s")

    @functools.partial(
        pl.kernel,
        out_type=(jax.ShapeDtypeStruct((NW * F, WIN, S_PAD), jnp.float32),
                  jax.ShapeDtypeStruct((NW, F, 16), jnp.int32)),
        mesh=mesh,
        scratch_types=[
            pltpu.VMEM((rsub, S_PAD), jnp.float32),
            pltpu.VMEM((rsub + 16,), jnp.int32),
            pltpu.VMEM((WIN, S_PAD), jnp.float32),
            pltpu.VMEM((16,), jnp.int32),
        ],
    )
    def k(u_hbm, idx_hbm, z_hbm, data_out, bid_out, ubuf, ibuf, wacc, bidv):
        c = lax.axis_index("c")
        s = lax.axis_index("s")
        wid = s * 2 + c
        base = wid * rpw

        pltpu.sync_copy(z_hbm, wacc)

        def row_body(i, carry):
            bcur, fc = carry
            g = ibuf[pl.ds(i, 16)][0]
            out_of = jnp.logical_or(g < bcur * WIN, g >= (bcur + 1) * WIN)

            def _flush():
                pltpu.sync_copy(wacc, data_out.at[wid * F + fc])
                pltpu.sync_copy(bidv, bid_out.at[wid, fc])
                pltpu.sync_copy(z_hbm, wacc)
                bidv[...] = jnp.full((16,), g // WIN, jnp.int32)
                return (g // WIN, fc + 1)

            bcur2, fc2 = lax.cond(out_of, _flush, lambda: (bcur, fc))
            r = g - bcur2 * WIN
            for j in range(7):
                row = ubuf.at[i, pl.ds(16 * j, 16)][...]
                plsc.addupdate(wacc.at[r, pl.ds(16 * j, 16)], row)
            return (bcur2, fc2)

        carry = None
        for sub in range(nsub):
            pltpu.sync_copy(u_hbm.at[pl.ds(base + sub * rsub, rsub)], ubuf)
            pltpu.sync_copy(idx_hbm.at[pl.ds(base + sub * rsub, rsub)],
                            ibuf.at[pl.ds(0, rsub)])
            if sub == 0:
                g0 = ibuf[pl.ds(0, 16)][0]
                bidv[...] = jnp.full((16,), g0 // WIN, jnp.int32)
                carry = (g0 // WIN, jnp.int32(0))
            carry = lax.fori_loop(0, rsub, row_body, carry)

        bcur, fc = carry
        pltpu.sync_copy(wacc, data_out.at[wid * F + fc])
        pltpu.sync_copy(bidv, bid_out.at[wid, fc])

        bidv[...] = jnp.full((16,), NBLK, jnp.int32)

        def _mark(fslot):
            @pl.when(fslot > fc)
            def _():
                pltpu.sync_copy(bidv, bid_out.at[wid, fslot])

        for fslot in range(F):
            _mark(fslot)

    return k(u_all, idx_all, zwin)


def _combine(data, bids_flat, prev):
    def body(bids_ref, d_ref, p_ref, o_ref):
        i = pl.program_id(0)

        @pl.when(i == 0)
        def _init():
            o_ref[...] = p_ref[...]

        for j in range(GRP):
            b = bids_ref[(i * GRP + j) * 16]
            o_ref[pl.ds(b * WIN, WIN), :] += d_ref[j]

    acc_shape = ((NBLK + 1) * WIN, S_PAD)
    grid_spec = pltpu.PrefetchScalarGridSpec(
        num_scalar_prefetch=1,
        grid=(NW * F // GRP,),
        in_specs=[
            pl.BlockSpec((GRP, WIN, S_PAD), lambda i, b: (i, 0, 0)),
            pl.BlockSpec(acc_shape, lambda i, b: (0, 0)),
        ],
        out_specs=pl.BlockSpec(acc_shape, lambda i, b: (0, 0)),
    )
    return pl.pallas_call(
        body,
        grid_spec=grid_spec,
        out_shape=jax.ShapeDtypeStruct(acc_shape, jnp.float32),
    )(bids_flat, data, prev)


def kernel(x_n2, k_n2, eq_n2, x_n3, k_n3, eq_n3, x_n4, k_n4,
           n2_graph_idx, n3_graph_idx, n4_graph_idx):
    zwin = jnp.zeros((WIN, S_PAD), jnp.float32)

    u_a = _energies_a(x_n2, k_n2, eq_n2, x_n3, k_n3, eq_n3)
    pad_a = NW * RPW_A - (x_n2.shape[0] + x_n3.shape[0])
    idx_a = jnp.concatenate([
        n2_graph_idx.astype(jnp.int32),
        n3_graph_idx.astype(jnp.int32),
        jnp.full((pad_a,), TRASH, jnp.int32),
    ])
    data_a, bids_a = _sc_segsum(u_a, idx_a, zwin, RPW_A, RSUB_A)

    u_b = _energies_b(x_n4, k_n4)
    pad_b = NW * RPW_B - x_n4.shape[0]
    idx_b = jnp.concatenate([
        n4_graph_idx.astype(jnp.int32),
        jnp.full((pad_b,), TRASH, jnp.int32),
    ])
    data_b, bids_b = _sc_segsum(u_b, idx_b, zwin, RPW_B, RSUB_B)

    zacc = jnp.zeros(((NBLK + 1) * WIN, S_PAD), jnp.float32)
    acc = _combine(data_a, bids_a.reshape(-1), zacc)
    acc = _combine(data_b, bids_b.reshape(-1), acc)
    return acc[:N_GRAPHS_, :100]

# --- scband reference (transcript-rebuilt; emitter-appended) ---
"""Pipeline reference for scband-energy-in-graph-36472862278058 (READ-ONLY COPY).

The authoritative reference and input builder live on the scoring server;
editing this copy changes nothing except your own understanding.
"""

import jax, jax.numpy as jnp
import numpy as np

N_GRAPHS = 1000
N_SNAPSHOTS = 100


def harmonic(x, k, eq):
    # esp.mm.functional.harmonic: u = 0.5 * k * (x - eq)**2
    return 0.5 * k * (x - eq) ** 2


def periodic_torsion(x, k):
    # esp.mm.torsion.periodic_torsion with default periodicity 1..n_multi, phases 0
    # u = sum_n k[..., n] * (cos(n * x - phase_n) + 1)
    n_multi = k.shape[-1]
    periodicity = jnp.arange(1, n_multi + 1, dtype=x.dtype)  # [n_multi]
    n_theta = x[:, :, None] * periodicity[None, None, :]  # [N4, S, n_multi]
    return (k[:, None, :] * (jnp.cos(n_theta) + 1.0)).sum(-1)  # [N4, S]


def setup_inputs(seed: int = 0) -> dict:
    key = jax.random.key(seed)
    ks = jax.random.split(key, 11)
    N2, N3, N4, S = 40000, 60000, 80000, N_SNAPSHOTS
    return {
        "x_n2": jax.random.uniform(ks[0], (N2, S), dtype=jnp.float32),
        "k_n2": jax.random.uniform(ks[1], (N2, 1), dtype=jnp.float32),
        "eq_n2": jax.random.uniform(ks[2], (N2, 1), dtype=jnp.float32),
        "x_n3": jax.random.uniform(ks[3], (N3, S), dtype=jnp.float32),
        "k_n3": jax.random.uniform(ks[4], (N3, 1), dtype=jnp.float32),
        "eq_n3": jax.random.uniform(ks[5], (N3, 1), dtype=jnp.float32),
        "x_n4": jax.random.uniform(ks[6], (N4, S), dtype=jnp.float32),
        "k_n4": jax.random.normal(ks[7], (N4, 6), dtype=jnp.float32),
        "n2_graph_idx": jnp.sort(jax.random.randint(ks[8], (N2,), 0, N_GRAPHS)),
        "n3_graph_idx": jnp.sort(jax.random.randint(ks[9], (N3,), 0, N_GRAPHS)),
        "n4_graph_idx": jnp.sort(jax.random.randint(ks[10], (N4,), 0, N_GRAPHS)),
    }


def reference(x_n2, k_n2, eq_n2, x_n3, k_n3, eq_n3, x_n4, k_n4,
              n2_graph_idx, n3_graph_idx, n4_graph_idx):
    # apply_bond on n2 nodes
    u_n2 = harmonic(x_n2, k_n2, eq_n2)            # [N2, S]
    # apply_angle on n3 nodes
    u_n3 = harmonic(x_n3, k_n3, eq_n3)            # [N3, S]
    # apply_torsion on n4 nodes
    u_n4 = periodic_torsion(x_n4, k_n4)           # [N4, S]

    # multi_update_all: copy_u + sum over <term>_in_g edges (term node -> graph node),
    # cross_reducer='sum' over terms
    u2_g = jax.ops.segment_sum(u_n2, n2_graph_idx, num_segments=N_GRAPHS)
    u3_g = jax.ops.segment_sum(u_n3, n3_graph_idx, num_segments=N_GRAPHS)
    u4_g = jax.ops.segment_sum(u_n4, n4_graph_idx, num_segments=N_GRAPHS)

    # final apply_nodes on 'g': u = sum of per-term energies
    u = u2_g + u3_g + u4_g                        # [N_GRAPHS, S]
    return u

if __name__ == "__main__":
    import jax
    _d = setup_inputs()
    print(jax.jit(kernel)(*tuple(_d.values())))

</pallas_src>

<mosaic_0001>
#map = affine_map<(d0, d1) -> (0, 0)>
#map1 = affine_map<(d0, d1) -> (0)>
#map2 = affine_map<(d0, d1) -> (0, 0, 0)>
module attributes {stable_mosaic.version = 14 : i64} {
  func.func @k(%arg0: i32, %arg1: i32, %arg2: memref<80896x112xf32, #tpu.memory_space<hbm>>, %arg3: memref<80896xi32, #tpu.memory_space<hbm>>, %arg4: memref<128x112xf32, #tpu.memory_space<hbm>>, %arg5: memref<1024x128x112xf32, #tpu.memory_space<hbm>>, %arg6: memref<32x32x16xi32, #tpu.memory_space<hbm>>, %arg7: memref<632x112xf32, #tpu.memory_space<vmem>>, %arg8: memref<648xi32, #tpu.memory_space<vmem>>, %arg9: memref<128x112xf32, #tpu.memory_space<vmem>>, %arg10: memref<16xi32, #tpu.memory_space<vmem>>) attributes {dimension_semantics = [#tpu.dimension_semantics<core_parallel>, #tpu.dimension_semantics<subcore_parallel>], iteration_bounds = array<i64: 2, 16>, scalar_prefetch = 0 : i64, scratch_operands = 4 : i64, tpu.core_type = #tpu.core_type<sc_vector_subcore>, window_params = [{transform_indices = #map}, {transform_indices = #map1}, {transform_indices = #map}, {transform_indices = #map2}, {transform_indices = #map2}]} {
    %mul3A = arith.constant 2 : i32
    %mul3A_0 = arith.muli %arg1, %mul3A : i32
    %add3A = arith.addi %mul3A_0, %arg0 : i32
    %mul3A_1 = arith.constant 2528 : i32
    %mul3A_2 = arith.muli %add3A, %mul3A_1 : i32
    "tpu.region"() ({
      %run_scoped3A = tpu.sem_alloc : memref<!tpu.dma_semaphore, #tpu.memory_space<semaphore_mem>>
      tpu.enqueue_dma source(%arg4 : memref<128x112xf32, #tpu.memory_space<hbm>>) target(%arg9 : memref<128x112xf32, #tpu.memory_space<vmem>>) target_semaphore(%run_scoped3A : memref<!tpu.dma_semaphore, #tpu.memory_space<semaphore_mem>>)
      tpu.wait_dma2 semaphore(%run_scoped3A : memref<!tpu.dma_semaphore, #tpu.memory_space<semaphore_mem>>) src(%arg4 : memref<128x112xf32, #tpu.memory_space<hbm>>) dst(%arg9 : memref<128x112xf32, #tpu.memory_space<vmem>>)
      tpu.yield
    }) : () -> ()
    %add3A_3 = arith.constant 0 : i32
    %add3A_4 = arith.addi %mul3A_2, %add3A_3 : i32
    "tpu.region"() ({
      %run_scoped3A = tpu.sem_alloc : memref<!tpu.dma_semaphore, #tpu.memory_space<semaphore_mem>>
      %dma_start3A = arith.constant 0 : i32
      %dma_start3A_254 = tpu.memref_slice %arg2[%add3A_4, %dma_start3A] : memref<80896x112xf32, #tpu.memory_space<hbm>> -> memref<632x112xf32, #tpu.memory_space<hbm>>
      %dma_start3A_255 = arith.constant 0 : i32
      %dma_start3A_256 = tpu.memref_slice %arg2[%add3A_4, %dma_start3A_255] : memref<80896x112xf32, #tpu.memory_space<hbm>> -> memref<632x112xf32, #tpu.memory_space<hbm>>
      tpu.enqueue_dma source(%dma_start3A_256 : memref<632x112xf32, #tpu.memory_space<hbm>>) target(%arg7 : memref<632x112xf32, #tpu.memory_space<vmem>>) target_semaphore(%run_scoped3A : memref<!tpu.dma_semaphore, #tpu.memory_space<semaphore_mem>>)
      %dma_wait3A = arith.constant 0 : i32
      %dma_wait3A_257 = tpu.memref_slice %arg2[%add3A_4, %dma_wait3A] : memref<80896x112xf32, #tpu.memory_space<hbm>> -> memref<632x112xf32, #tpu.memory_space<hbm>>
      %dma_wait3A_258 = arith.constant 0 : i32
      %dma_wait3A_259 = tpu.memref_slice %arg2[%add3A_4, %dma_wait3A_258] : memref<80896x112xf32, #tpu.memory_space<hbm>> -> memref<632x112xf32, #tpu.memory_space<hbm>>
      tpu.wait_dma2 semaphore(%run_scoped3A : memref<!tpu.dma_semaphore, #tpu.memory_space<semaphore_mem>>) src(%dma_wait3A_259 : memref<632x112xf32, #tpu.memory_space<hbm>>) dst(%arg7 : memref<632x112xf32, #tpu.memory_space<vmem>>)
      tpu.yield
    }) : () -> ()
    %add3A_5 = arith.constant 0 : i32
    %add3A_6 = arith.addi %mul3A_2, %add3A_5 : i32
    "tpu.region"() ({
      %run_scoped3A = tpu.sem_alloc : memref<!tpu.dma_semaphore, #tpu.memory_space<semaphore_mem>>
      %dma_start3A = arith.constant 0 : i32
      %dma_start3A_254 = tpu.memref_slice %arg8[%dma_start3A] : memref<648xi32, #tpu.memory_space<vmem>> -> memref<632xi32, #tpu.memory_space<vmem>>
      %dma_start3A_255 = tpu.memref_slice %arg3[%add3A_6] : memref<80896xi32, #tpu.memory_space<hbm>> -> memref<632xi32, #tpu.memory_space<hbm>>
      %dma_start3A_256 = arith.constant 0 : i32
      %dma_start3A_257 = tpu.memref_slice %arg8[%dma_start3A_256] : memref<648xi32, #tpu.memory_space<vmem>> -> memref<632xi32, #tpu.memory_space<vmem>>
      %dma_start3A_258 = tpu.memref_slice %arg3[%add3A_6] : memref<80896xi32, #tpu.memory_space<hbm>> -> memref<632xi32, #tpu.memory_space<hbm>>
      tpu.enqueue_dma source(%dma_start3A_258 : memref<632xi32, #tpu.memory_space<hbm>>) target(%dma_start3A_257 : memref<632xi32, #tpu.memory_space<vmem>>) target_semaphore(%run_scoped3A : memref<!tpu.dma_semaphore, #tpu.memory_space<semaphore_mem>>)
      %dma_wait3A = arith.constant 0 : i32
      %dma_wait3A_259 = tpu.memref_slice %arg8[%dma_wait3A] : memref<648xi32, #tpu.memory_space<vmem>> -> memref<632xi32, #tpu.memory_space<vmem>>
      %dma_wait3A_260 = tpu.memref_slice %arg3[%add3A_6] : memref<80896xi32, #tpu.memory_space<hbm>> -> memref<632xi32, #tpu.memory_space<hbm>>
      %dma_wait3A_261 = arith.constant 0 : i32
      %dma_wait3A_262 = tpu.memref_slice %arg8[%dma_wait3A_261] : memref<648xi32, #tpu.memory_space<vmem>> -> memref<632xi32, #tpu.memory_space<vmem>>
      %dma_wait3A_263 = tpu.memref_slice %arg3[%add3A_6] : memref<80896xi32, #tpu.memory_space<hbm>> -> memref<632xi32, #tpu.memory_space<hbm>>
      tpu.wait_dma2 semaphore(%run_scoped3A : memref<!tpu.dma_semaphore, #tpu.memory_space<semaphore_mem>>) src(%dma_wait3A_263 : memref<632xi32, #tpu.memory_space<hbm>>) dst(%dma_wait3A_262 : memref<632xi32, #tpu.memory_space<vmem>>)
      tpu.yield
    }) : () -> ()
    %get3A = arith.constant 0 : index
    %get3A_7 = tpu.vector_load %arg8[%get3A] {strides = array<i32>} : memref<648xi32, #tpu.memory_space<vmem>>, vector<16xi32>,
    %get3A_8 = vector.shape_cast %get3A_7 : vector<16xi32> to vector<16xi32>
    %slice3A = vector.extract_strided_slice %get3A_8 {offsets = [0], sizes = [1], strides = [1]} : vector<16xi32> to vector<1xi32>
    %squeeze3A = vector.extract %slice3A[0] : i32 from vector<1xi32>
    %jit3A = arith.constant 128 : i32
    %div3A = arith.divsi %squeeze3A, %jit3A : i32
    %sign3A = arith.constant 0 : i32
    %sign3A_9 = arith.cmpi sgt, %squeeze3A, %sign3A : i32
    %sign3A_10 = arith.extui %sign3A_9 : i1 to i32
    %sign3A_11 = arith.constant 0 : i32
    %sign3A_12 = arith.cmpi slt, %squeeze3A, %sign3A_11 : i32
    %sign3A_13 = arith.extui %sign3A_12 : i1 to i32
    %sign3A_14 = arith.subi %sign3A_10, %sign3A_13 : i32
    %sign3A_15 = arith.constant 0 : i32
    %sign3A_16 = arith.cmpi sgt, %jit3A, %sign3A_15 : i32
    %sign3A_17 = arith.extui %sign3A_16 : i1 to i32
    %sign3A_18 = arith.constant 0 : i32
    %sign3A_19 = arith.cmpi slt, %jit3A, %sign3A_18 : i32
    %sign3A_20 = arith.extui %sign3A_19 : i1 to i32
    %sign3A_21 = arith.subi %sign3A_17, %sign3A_20 : i32
    %ne3A = arith.cmpi ne, %sign3A_14, %sign3A_21 : i32
    %rem3A = arith.remsi %squeeze3A, %jit3A : i32
    %ne3A_22 = arith.constant 0 : i32
    %ne3A_23 = arith.cmpi ne, %rem3A, %ne3A_22 : i32
    %and3A = arith.andi %ne3A, %ne3A_23 : i1
    %sub3A = arith.constant 1 : i32
    %sub3A_24 = arith.subi %div3A, %sub3A : i32
    %select_n3A = arith.select %and3A, %sub3A_24, %div3A : i32
    %broadcast_in_dim3A = vector.broadcast %select_n3A : i32 to vector<16xi32>
    %swap3A = arith.constant 0 : index
    %swap3A_25 = tpu.vector_load %arg10[%swap3A] {strides = array<i32>} : memref<16xi32, #tpu.memory_space<vmem>>, vector<16xi32>,
    %swap3A_26 = vector.shape_cast %swap3A_25 : vector<16xi32> to vector<16xi32>
    %swap3A_27 = vector.shape_cast %broadcast_in_dim3A : vector<16xi32> to vector<16xi32>
    tpu.vector_store %arg10[%swap3A], %swap3A_27 {strides = array<i32>} : memref<16xi32, #tpu.memory_space<vmem>>, vector<16xi32>,
    %jit3A_28 = arith.constant 128 : i32
    %div3A_29 = arith.divsi %squeeze3A, %jit3A_28 : i32
    %sign3A_30 = arith.constant 0 : i32
    %sign3A_31 = arith.cmpi sgt, %squeeze3A, %sign3A_30 : i32
    %sign3A_32 = arith.extui %sign3A_31 : i1 to i32
    %sign3A_33 = arith.constant 0 : i32
    %sign3A_34 = arith.cmpi slt, %squeeze3A, %sign3A_33 : i32
    %sign3A_35 = arith.extui %sign3A_34 : i1 to i32
    %sign3A_36 = arith.subi %sign3A_32, %sign3A_35 : i32
    %sign3A_37 = arith.constant 0 : i32
    %sign3A_38 = arith.cmpi sgt, %jit3A_28, %sign3A_37 : i32
    %sign3A_39 = arith.extui %sign3A_38 : i1 to i32
    %sign3A_40 = arith.constant 0 : i32
    %sign3A_41 = arith.cmpi slt, %jit3A_28, %sign3A_40 : i32
    %sign3A_42 = arith.extui %sign3A_41 : i1 to i32
    %sign3A_43 = arith.subi %sign3A_39, %sign3A_42 : i32
    %ne3A_44 = arith.cmpi ne, %sign3A_36, %sign3A_43 : i32
    %rem3A_45 = arith.remsi %squeeze3A, %jit3A_28 : i32
    %ne3A_46 = arith.constant 0 : i32
    %ne3A_47 = arith.cmpi ne, %rem3A_45, %ne3A_46 : i32
    %and3A_48 = arith.andi %ne3A_44, %ne3A_47 : i1
    %sub3A_49 = arith.constant 1 : i32
    %sub3A_50 = arith.subi %div3A_29, %sub3A_49 : i32
    %select_n3A_51 = arith.select %and3A_48, %sub3A_50, %div3A_29 : i32
    %scan3A = arith.constant 0 : i32
    %scan3A_52 = arith.constant 0 : i32
    %scan3A_53 = arith.constant 632 : i32
    %scan3A_54 = arith.addi %scan3A_52, %scan3A_53 : i32
    %scan3A_55 = arith.constant 1 : i32
    %scan3A_56:2 = scf.for %scan3A_254 = %scan3A_52 to %scan3A_54 step %scan3A_55 iter_args(%scan3A_255 = %select_n3A_51, %scan3A_256 = %scan3A) -> (i32, i32)  : i32 {
      %get3A_257 = arith.index_cast %scan3A_254 : i32 to index
      %get3A_258 = tpu.vector_load %arg8[%get3A_257] {strides = array<i32>} : memref<648xi32, #tpu.memory_space<vmem>>, vector<16xi32>,
      %get3A_259 = vector.shape_cast %get3A_258 : vector<16xi32> to vector<16xi32>
      %slice3A_260 = vector.extract_strided_slice %get3A_259 {offsets = [0], sizes = [1], strides = [1]} : vector<16xi32> to vector<1xi32>
      %squeeze3A_261 = vector.extract %slice3A_260[0] : i32 from vector<1xi32>
      %mul3A_262 = arith.constant 128 : i32
      %mul3A_263 = arith.muli %scan3A_255, %mul3A_262 : i32
      %lt3A_264 = arith.cmpi slt, %squeeze3A_261, %mul3A_263 : i32
      %add3A_265 = arith.constant 1 : i32
      %add3A_266 = arith.addi %scan3A_255, %add3A_265 : i32
      %mul3A_267 = arith.constant 128 : i32
      %mul3A_268 = arith.muli %add3A_266, %mul3A_267 : i32
      %ge3A = arith.cmpi sge, %squeeze3A_261, %mul3A_268 : i32
      %or3A = arith.ori %lt3A_264, %ge3A : i1
      %convert_element_type3A_269 = arith.extui %or3A : i1 to i32
      %cond3A_270 = arith.constant 0 : i32
      %cond3A_271 = arith.cmpi ne, %convert_element_type3A_269, %cond3A_270 : i32
      %cond3A_272:2 = scf.if %cond3A_271 -> (i32, i32) {
        %mul3A_339 = arith.constant 32 : i32
        %mul3A_340 = arith.muli %add3A, %mul3A_339 : i32
        %add3A_341 = arith.addi %mul3A_340, %scan3A_256 : i32
        "tpu.region"() ({
          %run_scoped3A = tpu.sem_alloc : memref<!tpu.dma_semaphore, #tpu.memory_space<semaphore_mem>>
          %dma_start3A = arith.constant 0 : i32
          %dma_start3A_397 = arith.constant 0 : i32
          %dma_start3A_398 = tpu.memref_slice %arg5[%add3A_341, %dma_start3A, %dma_start3A_397] : memref<1024x128x112xf32, #tpu.memory_space<hbm>> -> memref<1x128x112xf32, #tpu.memory_space<hbm>>
          %dma_start3A_399 = tpu.memref_squeeze %dma_start3A_398 : memref<1x128x112xf32, #tpu.memory_space<hbm>> -> memref<128x112xf32, #tpu.memory_space<hbm>>
          %dma_start3A_400 = arith.constant 0 : i32
          %dma_start3A_401 = arith.constant 0 : i32
          %dma_start3A_402 = tpu.memref_slice %arg5[%add3A_341, %dma_start3A_400, %dma_start3A_401] : memref<1024x128x112xf32, #tpu.memory_space<hbm>> -> memref<1x128x112xf32, #tpu.memory_space<hbm>>
          %dma_start3A_403 = tpu.memref_squeeze %dma_start3A_402 : memref<1x128x112xf32, #tpu.memory_space<hbm>> -> memref<128x112xf32, #tpu.memory_space<hbm>>
          tpu.enqueue_dma source(%arg9 : memref<128x112xf32, #tpu.memory_space<vmem>>) target(%dma_start3A_403 : memref<128x112xf32, #tpu.memory_space<hbm>>) target_semaphore(%run_scoped3A : memref<!tpu.dma_semaphore, #tpu.memory_space<semaphore_mem>>)
          %dma_wait3A = arith.constant 0 : i32
          %dma_wait3A_404 = arith.constant 0 : i32
          %dma_wait3A_405 = tpu.memref_slice %arg5[%add3A_341, %dma_wait3A, %dma_wait3A_404] : memref<1024x128x112xf32, #tpu.memory_space<hbm>> -> memref<1x128x112xf32, #tpu.memory_space<hbm>>
          %dma_wait3A_406 = tpu.memref_squeeze %dma_wait3A_405 : memref<1x128x112xf32, #tpu.memory_space<hbm>> -> memref<128x112xf32, #tpu.memory_space<hbm>>
          %dma_wait3A_407 = arith.constant 0 : i32
          %dma_wait3A_408 = arith.constant 0 : i32
          %dma_wait3A_409 = tpu.memref_slice %arg5[%add3A_341, %dma_wait3A_407, %dma_wait3A_408] : memref<1024x128x112xf32, #tpu.memory_space<hbm>> -> memref<1x128x112xf32, #tpu.memory_space<hbm>>
          %dma_wait3A_410 = tpu.memref_squeeze %dma_wait3A_409 : memref<1x128x112xf32, #tpu.memory_space<hbm>> -> memref<128x112xf32, #tpu.memory_space<hbm>>
          tpu.wait_dma2 semaphore(%run_scoped3A : memref<!tpu.dma_semaphore, #tpu.memory_space<semaphore_mem>>) src(%arg9 : memref<128x112xf32, #tpu.memory_space<vmem>>) dst(%dma_wait3A_410 : memref<128x112xf32, #tpu.memory_space<hbm>>)
          tpu.yield
        }) : () -> ()
        "tpu.region"() ({
          %run_scoped3A = tpu.sem_alloc : memref<!tpu.dma_semaphore, #tpu.memory_space<semaphore_mem>>
          %dma_start3A = arith.constant 0 : i32
          %dma_start3A_397 = tpu.memref_slice %arg6[%add3A, %scan3A_256, %dma_start3A] : memref<32x32x16xi32, #tpu.memory_space<hbm>> -> memref<1x1x16xi32, #tpu.memory_space<hbm>>
          %dma_start3A_398 = tpu.memref_squeeze %dma_start3A_397 : memref<1x1x16xi32, #tpu.memory_space<hbm>> -> memref<16xi32, #tpu.memory_space<hbm>>
          %dma_start3A_399 = arith.constant 0 : i32
          %dma_start3A_400 = tpu.memref_slice %arg6[%add3A, %scan3A_256, %dma_start3A_399] : memref<32x32x16xi32, #tpu.memory_space<hbm>> -> memref<1x1x16xi32, #tpu.memory_space<hbm>>
          %dma_start3A_401 = tpu.memref_squeeze %dma_start3A_400 : memref<1x1x16xi32, #tpu.memory_space<hbm>> -> memref<16xi32, #tpu.memory_space<hbm>>
          tpu.enqueue_dma source(%arg10 : memref<16xi32, #tpu.memory_space<vmem>>) target(%dma_start3A_401 : memref<16xi32, #tpu.memory_space<hbm>>) target_semaphore(%run_scoped3A : memref<!tpu.dma_semaphore, #tpu.memory_space<semaphore_mem>>)
          %dma_wait3A = arith.constant 0 : i32
          %dma_wait3A_402 = tpu.memref_slice %arg6[%add3A, %scan3A_256, %dma_wait3A] : memref<32x32x16xi32, #tpu.memory_space<hbm>> -> memref<1x1x16xi32, #tpu.memory_space<hbm>>
          %dma_wait3A_403 = tpu.memref_squeeze %dma_wait3A_402 : memref<1x1x16xi32, #tpu.memory_space<hbm>> -> memref<16xi32, #tpu.memory_space<hbm>>
          %dma_wait3A_404 = arith.constant 0 : i32
          %dma_wait3A_405 = tpu.memref_slice %arg6[%add3A, %scan3A_256, %dma_wait3A_404] : memref<32x32x16xi32, #tpu.memory_space<hbm>> -> memref<1x1x16xi32, #tpu.memory_space<hbm>>
          %dma_wait3A_406 = tpu.memref_squeeze %dma_wait3A_405 : memref<1x1x16xi32, #tpu.memory_space<hbm>> -> memref<16xi32, #tpu.memory_space<hbm>>
          tpu.wait_dma2 semaphore(%run_scoped3A : memref<!tpu.dma_semaphore, #tpu.memory_space<semaphore_mem>>) src(%arg10 : memref<16xi32, #tpu.memory_space<vmem>>) dst(%dma_wait3A_406 : memref<16xi32, #tpu.memory_space<hbm>>)
          tpu.yield
        }) : () -> ()
        "tpu.region"() ({
          %run_scoped3A = tpu.sem_alloc : memref<!tpu.dma_semaphore, #tpu.memory_space<semaphore_mem>>
          tpu.enqueue_dma source(%arg4 : memref<128x112xf32, #tpu.memory_space<hbm>>) target(%arg9 : memref<128x112xf32, #tpu.memory_space<vmem>>) target_semaphore(%run_scoped3A : memref<!tpu.dma_semaphore, #tpu.memory_space<semaphore_mem>>)
          tpu.wait_dma2 semaphore(%run_scoped3A : memref<!tpu.dma_semaphore, #tpu.memory_space<semaphore_mem>>) src(%arg4 : memref<128x112xf32, #tpu.memory_space<hbm>>) dst(%arg9 : memref<128x112xf32, #tpu.memory_space<vmem>>)
          tpu.yield
        }) : () -> ()
        %jit3A_342 = arith.constant 128 : i32
        %div3A_343 = arith.divsi %squeeze3A_261, %jit3A_342 : i32
        %sign3A_344 = arith.constant 0 : i32
        %sign3A_345 = arith.cmpi sgt, %squeeze3A_261, %sign3A_344 : i32
        %sign3A_346 = arith.extui %sign3A_345 : i1 to i32
        %sign3A_347 = arith.constant 0 : i32
        %sign3A_348 = arith.cmpi slt, %squeeze3A_261, %sign3A_347 : i32
        %sign3A_349 = arith.extui %sign3A_348 : i1 to i32
        %sign3A_350 = arith.subi %sign3A_346, %sign3A_349 : i32
        %sign3A_351 = arith.constant 0 : i32
        %sign3A_352 = arith.cmpi sgt, %jit3A_342, %sign3A_351 : i32
        %sign3A_353 = arith.extui %sign3A_352 : i1 to i32
        %sign3A_354 = arith.constant 0 : i32
        %sign3A_355 = arith.cmpi slt, %jit3A_342, %sign3A_354 : i32
        %sign3A_356 = arith.extui %sign3A_355 : i1 to i32
        %sign3A_357 = arith.subi %sign3A_353, %sign3A_356 : i32
        %ne3A_358 = arith.cmpi ne, %sign3A_350, %sign3A_357 : i32
        %rem3A_359 = arith.remsi %squeeze3A_261, %jit3A_342 : i32
        %ne3A_360 = arith.constant 0 : i32
        %ne3A_361 = arith.cmpi ne, %rem3A_359, %ne3A_360 : i32
        %and3A_362 = arith.andi %ne3A_358, %ne3A_361 : i1
        %sub3A_363 = arith.constant 1 : i32
        %sub3A_364 = arith.subi %div3A_343, %sub3A_363 : i32
        %select_n3A_365 = arith.select %and3A_362, %sub3A_364, %div3A_343 : i32
        %broadcast_in_dim3A_366 = vector.broadcast %select_n3A_365 : i32 to vector<16xi32>
        %swap3A_367 = arith.constant 0 : index
        %swap3A_368 = tpu.vector_load %arg10[%swap3A_367] {strides = array<i32>} : memref<16xi32, #tpu.memory_space<vmem>>, vector<16xi32>,
        %swap3A_369 = vector.shape_cast %swap3A_368 : vector<16xi32> to vector<16xi32>
        %swap3A_370 = vector.shape_cast %broadcast_in_dim3A_366 : vector<16xi32> to vector<16xi32>
        tpu.vector_store %arg10[%swap3A_367], %swap3A_370 {strides = array<i32>} : memref<16xi32, #tpu.memory_space<vmem>>, vector<16xi32>,
        %jit3A_371 = arith.constant 128 : i32
        %div3A_372 = arith.divsi %squeeze3A_261, %jit3A_371 : i32
        %sign3A_373 = arith.constant 0 : i32
        %sign3A_374 = arith.cmpi sgt, %squeeze3A_261, %sign3A_373 : i32
        %sign3A_375 = arith.extui %sign3A_374 : i1 to i32
        %sign3A_376 = arith.constant 0 : i32
        %sign3A_377 = arith.cmpi slt, %squeeze3A_261, %sign3A_376 : i32
        %sign3A_378 = arith.extui %sign3A_377 : i1 to i32
        %sign3A_379 = arith.subi %sign3A_375, %sign3A_378 : i32
        %sign3A_380 = arith.constant 0 : i32
        %sign3A_381 = arith.cmpi sgt, %jit3A_371, %sign3A_380 : i32
        %sign3A_382 = arith.extui %sign3A_381 : i1 to i32
        %sign3A_383 = arith.constant 0 : i32
        %sign3A_384 = arith.cmpi slt, %jit3A_371, %sign3A_383 : i32
        %sign3A_385 = arith.extui %sign3A_384 : i1 to i32
        %sign3A_386 = arith.subi %sign3A_382, %sign3A_385 : i32
        %ne3A_387 = arith.cmpi ne, %sign3A_379, %sign3A_386 : i32
        %rem3A_388 = arith.remsi %squeeze3A_261, %jit3A_371 : i32
        %ne3A_389 = arith.constant 0 : i32
        %ne3A_390 = arith.cmpi ne, %rem3A_388, %ne3A_389 : i32
        %and3A_391 = arith.andi %ne3A_387, %ne3A_390 : i1
        %sub3A_392 = arith.constant 1 : i32
        %sub3A_393 = arith.subi %div3A_372, %sub3A_392 : i32
        %select_n3A_394 = arith.select %and3A_391, %sub3A_393, %div3A_372 : i32
        %add3A_395 = arith.constant 1 : i32
        %add3A_396 = arith.addi %scan3A_256, %add3A_395 : i32
        scf.yield %select_n3A_394, %add3A_396 : i32, i32
      } else {
        scf.yield %scan3A_255, %scan3A_256 : i32, i32
      }
      %mul3A_273 = arith.constant 128 : i32
      %mul3A_274 = arith.muli %cond3A_272#0, %mul3A_273 : i32
      %sub3A_275 = arith.subi %squeeze3A_261, %mul3A_274 : i32
      %get3A_276 = arith.index_cast %scan3A_254 : i32 to index
      %get3A_277 = arith.constant 0 : index
      %get3A_278 = tpu.vector_load %arg7[%get3A_276, %get3A_277] {strides = array<i32>} : memref<632x112xf32, #tpu.memory_space<vmem>>, vector<1x16xf32>,
      %get3A_279 = vector.shape_cast %get3A_278 : vector<1x16xf32> to vector<16xf32>
      %swap3A_280 = arith.index_cast %sub3A_275 : i32 to index
      %swap3A_281 = arith.constant 0 : index
      %swap3A_282 = tpu.vector_load %arg9[%swap3A_280, %swap3A_281] {strides = array<i32>} : memref<128x112xf32, #tpu.memory_space<vmem>>, vector<1x16xf32>,
      %swap3A_283 = vector.shape_cast %swap3A_282 : vector<1x16xf32> to vector<16xf32>
      %swap3A_284 = vector.shape_cast %get3A_279 : vector<16xf32> to vector<1x16xf32>
      tpu.vector_store %arg9[%swap3A_280, %swap3A_281], %swap3A_284 {add = true, strides = array<i32>} : memref<128x112xf32, #tpu.memory_space<vmem>>, vector<1x16xf32>,
      %get3A_285 = arith.index_cast %scan3A_254 : i32 to index
      %get3A_286 = arith.constant 16 : index
      %get3A_287 = tpu.vector_load %arg7[%get3A_285, %get3A_286] {strides = array<i32>} : memref<632x112xf32, #tpu.memory_space<vmem>>, vector<1x16xf32>,
      %get3A_288 = vector.shape_cast %get3A_287 : vector<1x16xf32> to vector<16xf32>
      %swap3A_289 = arith.index_cast %sub3A_275 : i32 to index
      %swap3A_290 = arith.constant 16 : index
      %swap3A_291 = tpu.vector_load %arg9[%swap3A_289, %swap3A_290] {strides = array<i32>} : memref<128x112xf32, #tpu.memory_space<vmem>>, vector<1x16xf32>,
      %swap3A_292 = vector.shape_cast %swap3A_291 : vector<1x16xf32> to vector<16xf32>
      %swap3A_293 = vector.shape_cast %get3A_288 : vector<16xf32> to vector<1x16xf32>
      tpu.vector_store %arg9[%swap3A_289, %swap3A_290], %swap3A_293 {add = true, strides = array<i32>} : memref<128x112xf32, #tpu.memory_space<vmem>>, vector<1x16xf32>,
      %get3A_294 = arith.index_cast %scan3A_254 : i32 to index
      %get3A_295 = arith.constant 32 : index
      %get3A_296 = tpu.vector_load %arg7[%get3A_294, %get3A_295] {strides = array<i32>} : memref<632x112xf32, #tpu.memory_space<vmem>>, vector<1x16xf32>,
      %get3A_297 = vector.shape_cast %get3A_296 : vector<1x16xf32> to vector<16xf32>
      %swap3A_298 = arith.index_cast %sub3A_275 : i32 to index
      %swap3A_299 = arith.constant 32 : index
      %swap3A_300 = tpu.vector_load %arg9[%swap3A_298, %swap3A_299] {strides = array<i32>} : memref<128x112xf32, #tpu.memory_space<vmem>>, vector<1x16xf32>,
      %swap3A_301 = vector.shape_cast %swap3A_300 : vector<1x16xf32> to vector<16xf32>
      %swap3A_302 = vector.shape_cast %get3A_297 : vector<16xf32> to vector<1x16xf32>
      tpu.vector_store %arg9[%swap3A_298, %swap3A_299], %swap3A_302 {add = true, strides = array<i32>} : memref<128x112xf32, #tpu.memory_space<vmem>>, vector<1x16xf32>,
      %get3A_303 = arith.index_cast %scan3A_254 : i32 to index
      %get3A_304 = arith.constant 48 : index
      %get3A_305 = tpu.vector_load %arg7[%get3A_303, %get3A_304] {strides = array<i32>} : memref<632x112xf32, #tpu.memory_space<vmem>>, vector<1x16xf32>,
      %get3A_306 = vector.shape_cast %get3A_305 : vector<1x16xf32> to vector<16xf32>
      %swap3A_307 = arith.index_cast %sub3A_275 : i32 to index
      %swap3A_308 = arith.constant 48 : index
      %swap3A_309 = tpu.vector_load %arg9[%swap3A_307, %swap3A_308] {strides = array<i32>} : memref<128x112xf32, #tpu.memory_space<vmem>>, vector<1x16xf32>,
      %swap3A_310 = vector.shape_cast %swap3A_309 : vector<1x16xf32> to vector<16xf32>
      %swap3A_311 = vector.shape_cast %get3A_306 : vector<16xf32> to vector<1x16xf32>
      tpu.vector_store %arg9[%swap3A_307, %swap3A_308], %swap3A_311 {add = true, strides = array<i32>} : memref<128x112xf32, #tpu.memory_space<vmem>>, vector<1x16xf32>,
      %get3A_312 = arith.index_cast %scan3A_254 : i32 to index
      %get3A_313 = arith.constant 64 : index
      %get3A_314 = tpu.vector_load %arg7[%get3A_312, %get3A_313] {strides = array<i32>} : memref<632x112xf32, #tpu.memory_space<vmem>>, vector<1x16xf32>,
      %get3A_315 = vector.shape_cast %get3A_314 : vector<1x16xf32> to vector<16xf32>
      %swap3A_316 = arith.index_cast %sub3A_275 : i32 to index
      %swap3A_317 = arith.constant 64 : index
      %swap3A_318 = tpu.vector_load %arg9[%swap3A_316, %swap3A_317] {strides = array<i32>} : memref<128x112xf32, #tpu.memory_space<vmem>>, vector<1x16xf32>,
      %swap3A_319 = vector.shape_cast %swap3A_318 : vector<1x16xf32> to vector<16xf32>
      %swap3A_320 = vector.shape_cast %get3A_315 : vector<16xf32> to vector<1x16xf32>
      tpu.vector_store %arg9[%swap3A_316, %swap3A_317], %swap3A_320 {add = true, strides = array<i32>} : memref<128x112xf32, #tpu.memory_space<vmem>>, vector<1x16xf32>,
      %get3A_321 = arith.index_cast %scan3A_254 : i32 to index
      %get3A_322 = arith.constant 80 : index
      %get3A_323 = tpu.vector_load %arg7[%get3A_321, %get3A_322] {strides = array<i32>} : memref<632x112xf32, #tpu.memory_space<vmem>>, vector<1x16xf32>,
      %get3A_324 = vector.shape_cast %get3A_323 : vector<1x16xf32> to vector<16xf32>
      %swap3A_325 = arith.index_cast %sub3A_275 : i32 to index
      %swap3A_326 = arith.constant 80 : index
      %swap3A_327 = tpu.vector_load %arg9[%swap3A_325, %swap3A_326] {strides = array<i32>} : memref<128x112xf32, #tpu.memory_space<vmem>>, vector<1x16xf32>,
      %swap3A_328 = vector.shape_cast %swap3A_327 : vector<1x16xf32> to vector<16xf32>
      %swap3A_329 = vector.shape_cast %get3A_324 : vector<16xf32> to vector<1x16xf32>
      tpu.vector_store %arg9[%swap3A_325, %swap3A_326], %swap3A_329 {add = true, strides = array<i32>} : memref<128x112xf32, #tpu.memory_space<vmem>>, vector<1x16xf32>,
      %get3A_330 = arith.index_cast %scan3A_254 : i32 to index
      %get3A_331 = arith.constant 96 : index
      %get3A_332 = tpu.vector_load %arg7[%get3A_330, %get3A_331] {strides = array<i32>} : memref<632x112xf32, #tpu.memory_space<vmem>>, vector<1x16xf32>,
      %get3A_333 = vector.shape_cast %get3A_332 : vector<1x16xf32> to vector<16xf32>
      %swap3A_334 = arith.index_cast %sub3A_275 : i32 to index
      %swap3A_335 = arith.constant 96 : index
      %swap3A_336 = tpu.vector_load %arg9[%swap3A_334, %swap3A_335] {strides = array<i32>} : memref<128x112xf32, #tpu.memory_space<vmem>>, vector<1x16xf32>,
      %swap3A_337 = vector.shape_cast %swap3A_336 : vector<1x16xf32> to vector<16xf32>
      %swap3A_338 = vector.shape_cast %get3A_333 : vector<16xf32> to vector<1x16xf32>
      tpu.vector_store %arg9[%swap3A_334, %swap3A_335], %swap3A_338 {add = true, strides = array<i32>} : memref<128x112xf32, #tpu.memory_space<vmem>>, vector<1x16xf32>,
      scf.yield %cond3A_272#0, %cond3A_272#1 : i32, i32
    }
    %scan3A_57 = arith.constant 632 : i32
    %add3A_58 = arith.constant 632 : i32
    %add3A_59 = arith.addi %mul3A_2, %add3A_58 : i32
    "tpu.region"() ({
      %run_scoped3A = tpu.sem_alloc : memref<!tpu.dma_semaphore, #tpu.memory_space<semaphore_mem>>
      %dma_start3A = arith.constant 0 : i32
      %dma_start3A_254 = tpu.memref_slice %arg2[%add3A_59, %dma_start3A] : memref<80896x112xf32, #tpu.memory_space<hbm>> -> memref<632x112xf32, #tpu.memory_space<hbm>>
      %dma_start3A_255 = arith.constant 0 : i32
      %dma_start3A_256 = tpu.memref_slice %arg2[%add3A_59, %dma_start3A_255] : memref<80896x112xf32, #tpu.memory_space<hbm>> -> memref<632x112xf32, #tpu.memory_space<hbm>>
      tpu.enqueue_dma source(%dma_start3A_256 : memref<632x112xf32, #tpu.memory_space<hbm>>) target(%arg7 : memref<632x112xf32, #tpu.memory_space<vmem>>) target_semaphore(%run_scoped3A : memref<!tpu.dma_semaphore, #tpu.memory_space<semaphore_mem>>)
      %dma_wait3A = arith.constant 0 : i32
      %dma_wait3A_257 = tpu.memref_slice %arg2[%add3A_59, %dma_wait3A] : memref<80896x112xf32, #tpu.memory_space<hbm>> -> memref<632x112xf32, #tpu.memory_space<hbm>>
      %dma_wait3A_258 = arith.constant 0 : i32
      %dma_wait3A_259 = tpu.memref_slice %arg2[%add3A_59, %dma_wait3A_258] : memref<80896x112xf32, #tpu.memory_space<hbm>> -> memref<632x112xf32, #tpu.memory_space<hbm>>
      tpu.wait_dma2 semaphore(%run_scoped3A : memref<!tpu.dma_semaphore, #tpu.memory_space<semaphore_mem>>) src(%dma_wait3A_259 : memref<632x112xf32, #tpu.memory_space<hbm>>) dst(%arg7 : memref<632x112xf32, #tpu.memory_space<vmem>>)
      tpu.yield
    }) : () -> ()
    %add3A_60 = arith.constant 632 : i32
    %add3A_61 = arith.addi %mul3A_2, %add3A_60 : i32
    "tpu.region"() ({
      %run_scoped3A = tpu.sem_alloc : memref<!tpu.dma_semaphore, #tpu.memory_space<semaphore_mem>>
      %dma_start3A = arith.constant 0 : i32
      %dma_start3A_254 = tpu.memref_slice %arg8[%dma_start3A] : memref<648xi32, #tpu.memory_space<vmem>> -> memref<632xi32, #tpu.memory_space<vmem>>
      %dma_start3A_255 = tpu.memref_slice %arg3[%add3A_61] : memref<80896xi32, #tpu.memory_space<hbm>> -> memref<632xi32, #tpu.memory_space<hbm>>
      %dma_start3A_256 = arith.constant 0 : i32
      %dma_start3A_257 = tpu.memref_slice %arg8[%dma_start3A_256] : memref<648xi32, #tpu.memory_space<vmem>> -> memref<632xi32, #tpu.memory_space<vmem>>
      %dma_start3A_258 = tpu.memref_slice %arg3[%add3A_61] : memref<80896xi32, #tpu.memory_space<hbm>> -> memref<632xi32, #tpu.memory_space<hbm>>
      tpu.enqueue_dma source(%dma_start3A_258 : memref<632xi32, #tpu.memory_space<hbm>>) target(%dma_start3A_257 : memref<632xi32, #tpu.memory_space<vmem>>) target_semaphore(%run_scoped3A : memref<!tpu.dma_semaphore, #tpu.memory_space<semaphore_mem>>)
      %dma_wait3A = arith.constant 0 : i32
      %dma_wait3A_259 = tpu.memref_slice %arg8[%dma_wait3A] : memref<648xi32, #tpu.memory_space<vmem>> -> memref<632xi32, #tpu.memory_space<vmem>>
      %dma_wait3A_260 = tpu.memref_slice %arg3[%add3A_61] : memref<80896xi32, #tpu.memory_space<hbm>> -> memref<632xi32, #tpu.memory_space<hbm>>
      %dma_wait3A_261 = arith.constant 0 : i32
      %dma_wait3A_262 = tpu.memref_slice %arg8[%dma_wait3A_261] : memref<648xi32, #tpu.memory_space<vmem>> -> memref<632xi32, #tpu.memory_space<vmem>>
      %dma_wait3A_263 = tpu.memref_slice %arg3[%add3A_61] : memref<80896xi32, #tpu.memory_space<hbm>> -> memref<632xi32, #tpu.memory_space<hbm>>
      tpu.wait_dma2 semaphore(%run_scoped3A : memref<!tpu.dma_semaphore, #tpu.memory_space<semaphore_mem>>) src(%dma_wait3A_263 : memref<632xi32, #tpu.memory_space<hbm>>) dst(%dma_wait3A_262 : memref<632xi32, #tpu.memory_space<vmem>>)
      tpu.yield
    }) : () -> ()
    %scan3A_62 = arith.constant 0 : i32
    %scan3A_63 = arith.constant 632 : i32
    %scan3A_64 = arith.addi %scan3A_62, %scan3A_63 : i32
    %scan3A_65 = arith.constant 1 : i32
    %scan3A_66:2 = scf.for %scan3A_254 = %scan3A_62 to %scan3A_64 step %scan3A_65 iter_args(%scan3A_255 = %scan3A_56#0, %scan3A_256 = %scan3A_56#1) -> (i32, i32)  : i32 {
      %get3A_257 = arith.index_cast %scan3A_254 : i32 to index
      %get3A_258 = tpu.vector_load %arg8[%get3A_257] {strides = array<i32>} : memref<648xi32, #tpu.memory_space<vmem>>, vector<16xi32>,
      %get3A_259 = vector.shape_cast %get3A_258 : vector<16xi32> to vector<16xi32>
      %slice3A_260 = vector.extract_strided_slice %get3A_259 {offsets = [0], sizes = [1], strides = [1]} : vector<16xi32> to vector<1xi32>
      %squeeze3A_261 = vector.extract %slice3A_260[0] : i32 from vector<1xi32>
      %mul3A_262 = arith.constant 128 : i32
      %mul3A_263 = arith.muli %scan3A_255, %mul3A_262 : i32
      %lt3A_264 = arith.cmpi slt, %squeeze3A_261, %mul3A_263 : i32
      %add3A_265 = arith.constant 1 : i32
      %add3A_266 = arith.addi %scan3A_255, %add3A_265 : i32
      %mul3A_267 = arith.constant 128 : i32
      %mul3A_268 = arith.muli %add3A_266, %mul3A_267 : i32
      %ge3A = arith.cmpi sge, %squeeze3A_261, %mul3A_268 : i32
      %or3A = arith.ori %lt3A_264, %ge3A : i1
      %convert_element_type3A_269 = arith.extui %or3A : i1 to i32
      %cond3A_270 = arith.constant 0 : i32
      %cond3A_271 = arith.cmpi ne, %convert_element_type3A_269, %cond3A_270 : i32
      %cond3A_272:2 = scf.if %cond3A_271 -> (i32, i32) {
        %mul3A_339 = arith.constant 32 : i32
        %mul3A_340 = arith.muli %add3A, %mul3A_339 : i32
        %add3A_341 = arith.addi %mul3A_340, %scan3A_256 : i32
        "tpu.region"() ({
          %run_scoped3A = tpu.sem_alloc : memref<!tpu.dma_semaphore, #tpu.memory_space<semaphore_mem>>
          %dma_start3A = arith.constant 0 : i32
          %dma_start3A_397 = arith.constant 0 : i32
          %dma_start3A_398 = tpu.memref_slice %arg5[%add3A_341, %dma_start3A, %dma_start3A_397] : memref<1024x128x112xf32, #tpu.memory_space<hbm>> -> memref<1x128x112xf32, #tpu.memory_space<hbm>>
          %dma_start3A_399 = tpu.memref_squeeze %dma_start3A_398 : memref<1x128x112xf32, #tpu.memory_space<hbm>> -> memref<128x112xf32, #tpu.memory_space<hbm>>
          %dma_start3A_400 = arith.constant 0 : i32
          %dma_start3A_401 = arith.constant 0 : i32
          %dma_start3A_402 = tpu.memref_slice %arg5[%add3A_341, %dma_start3A_400, %dma_start3A_401] : memref<1024x128x112xf32, #tpu.memory_space<hbm>> -> memref<1x128x112xf32, #tpu.memory_space<hbm>>
          %dma_start3A_403 = tpu.memref_squeeze %dma_start3A_402 : memref<1x128x112xf32, #tpu.memory_space<hbm>> -> memref<128x112xf32, #tpu.memory_space<hbm>>
          tpu.enqueue_dma source(%arg9 : memref<128x112xf32, #tpu.memory_space<vmem>>) target(%dma_start3A_403 : memref<128x112xf32, #tpu.memory_space<hbm>>) target_semaphore(%run_scoped3A : memref<!tpu.dma_semaphore, #tpu.memory_space<semaphore_mem>>)
          %dma_wait3A = arith.constant 0 : i32
          %dma_wait3A_404 = arith.constant 0 : i32
          %dma_wait3A_405 = tpu.memref_slice %arg5[%add3A_341, %dma_wait3A, %dma_wait3A_404] : memref<1024x128x112xf32, #tpu.memory_space<hbm>> -> memref<1x128x112xf32, #tpu.memory_space<hbm>>
          %dma_wait3A_406 = tpu.memref_squeeze %dma_wait3A_405 : memref<1x128x112xf32, #tpu.memory_space<hbm>> -> memref<128x112xf32, #tpu.memory_space<hbm>>
          %dma_wait3A_407 = arith.constant 0 : i32
          %dma_wait3A_408 = arith.constant 0 : i32
          %dma_wait3A_409 = tpu.memref_slice %arg5[%add3A_341, %dma_wait3A_407, %dma_wait3A_408] : memref<1024x128x112xf32, #tpu.memory_space<hbm>> -> memref<1x128x112xf32, #tpu.memory_space<hbm>>
          %dma_wait3A_410 = tpu.memref_squeeze %dma_wait3A_409 : memref<1x128x112xf32, #tpu.memory_space<hbm>> -> memref<128x112xf32, #tpu.memory_space<hbm>>
          tpu.wait_dma2 semaphore(%run_scoped3A : memref<!tpu.dma_semaphore, #tpu.memory_space<semaphore_mem>>) src(%arg9 : memref<128x112xf32, #tpu.memory_space<vmem>>) dst(%dma_wait3A_410 : memref<128x112xf32, #tpu.memory_space<hbm>>)
          tpu.yield
        }) : () -> ()
        "tpu.region"() ({
          %run_scoped3A = tpu.sem_alloc : memref<!tpu.dma_semaphore, #tpu.memory_space<semaphore_mem>>
          %dma_start3A = arith.constant 0 : i32
          %dma_start3A_397 = tpu.memref_slice %arg6[%add3A, %scan3A_256, %dma_start3A] : memref<32x32x16xi32, #tpu.memory_space<hbm>> -> memref<1x1x16xi32, #tpu.memory_space<hbm>>
          %dma_start3A_398 = tpu.memref_squeeze %dma_start3A_397 : memref<1x1x16xi32, #tpu.memory_space<hbm>> -> memref<16xi32, #tpu.memory_space<hbm>>
          %dma_start3A_399 = arith.constant 0 : i32
          %dma_start3A_400 = tpu.memref_slice %arg6[%add3A, %scan3A_256, %dma_start3A_399] : memref<32x32x16xi32, #tpu.memory_space<hbm>> -> memref<1x1x16xi32, #tpu.memory_space<hbm>>
          %dma_start3A_401 = tpu.memref_squeeze %dma_start3A_400 : memref<1x1x16xi32, #tpu.memory_space<hbm>> -> memref<16xi32, #tpu.memory_space<hbm>>
          tpu.enqueue_dma source(%arg10 : memref<16xi32, #tpu.memory_space<vmem>>) target(%dma_start3A_401 : memref<16xi32, #tpu.memory_space<hbm>>) target_semaphore(%run_scoped3A : memref<!tpu.dma_semaphore, #tpu.memory_space<semaphore_mem>>)
          %dma_wait3A = arith.constant 0 : i32
          %dma_wait3A_402 = tpu.memref_slice %arg6[%add3A, %scan3A_256, %dma_wait3A] : memref<32x32x16xi32, #tpu.memory_space<hbm>> -> memref<1x1x16xi32, #tpu.memory_space<hbm>>
          %dma_wait3A_403 = tpu.memref_squeeze %dma_wait3A_402 : memref<1x1x16xi32, #tpu.memory_space<hbm>> -> memref<16xi32, #tpu.memory_space<hbm>>
          %dma_wait3A_404 = arith.constant 0 : i32
          %dma_wait3A_405 = tpu.memref_slice %arg6[%add3A, %scan3A_256, %dma_wait3A_404] : memref<32x32x16xi32, #tpu.memory_space<hbm>> -> memref<1x1x16xi32, #tpu.memory_space<hbm>>
          %dma_wait3A_406 = tpu.memref_squeeze %dma_wait3A_405 : memref<1x1x16xi32, #tpu.memory_space<hbm>> -> memref<16xi32, #tpu.memory_space<hbm>>
          tpu.wait_dma2 semaphore(%run_scoped3A : memref<!tpu.dma_semaphore, #tpu.memory_space<semaphore_mem>>) src(%arg10 : memref<16xi32, #tpu.memory_space<vmem>>) dst(%dma_wait3A_406 : memref<16xi32, #tpu.memory_space<hbm>>)
          tpu.yield
        }) : () -> ()
        "tpu.region"() ({
          %run_scoped3A = tpu.sem_alloc : memref<!tpu.dma_semaphore, #tpu.memory_space<semaphore_mem>>
          tpu.enqueue_dma source(%arg4 : memref<128x112xf32, #tpu.memory_space<hbm>>) target(%arg9 : memref<128x112xf32, #tpu.memory_space<vmem>>) target_semaphore(%run_scoped3A : memref<!tpu.dma_semaphore, #tpu.memory_space<semaphore_mem>>)
          tpu.wait_dma2 semaphore(%run_scoped3A : memref<!tpu.dma_semaphore, #tpu.memory_space<semaphore_mem>>) src(%arg4 : memref<128x112xf32, #tpu.memory_space<hbm>>) dst(%arg9 : memref<128x112xf32, #tpu.memory_space<vmem>>)
          tpu.yield
        }) : () -> ()
        %jit3A_342 = arith.constant 128 : i32
        %div3A_343 = arith.divsi %squeeze3A_261, %jit3A_342 : i32
        %sign3A_344 = arith.constant 0 : i32
        %sign3A_345 = arith.cmpi sgt, %squeeze3A_261, %sign3A_344 : i32
        %sign3A_346 = arith.extui %sign3A_345 : i1 to i32
        %sign3A_347 = arith.constant 0 : i32
        %sign3A_348 = arith.cmpi slt, %squeeze3A_261, %sign3A_347 : i32
        %sign3A_349 = arith.extui %sign3A_348 : i1 to i32
        %sign3A_350 = arith.subi %sign3A_346, %sign3A_349 : i32
        %sign3A_351 = arith.constant 0 : i32
        %sign3A_352 = arith.cmpi sgt, %jit3A_342, %sign3A_351 : i32
        %sign3A_353 = arith.extui %sign3A_352 : i1 to i32
        %sign3A_354 = arith.constant 0 : i32
        %sign3A_355 = arith.cmpi slt, %jit3A_342, %sign3A_354 : i32
        %sign3A_356 = arith.extui %sign3A_355 : i1 to i32
        %sign3A_357 = arith.subi %sign3A_353, %sign3A_356 : i32
        %ne3A_358 = arith.cmpi ne, %sign3A_350, %sign3A_357 : i32
        %rem3A_359 = arith.remsi %squeeze3A_261, %jit3A_342 : i32
        %ne3A_360 = arith.constant 0 : i32
        %ne3A_361 = arith.cmpi ne, %rem3A_359, %ne3A_360 : i32
        %and3A_362 = arith.andi %ne3A_358, %ne3A_361 : i1
        %sub3A_363 = arith.constant 1 : i32
        %sub3A_364 = arith.subi %div3A_343, %sub3A_363 : i32
        %select_n3A_365 = arith.select %and3A_362, %sub3A_364, %div3A_343 : i32
        %broadcast_in_dim3A_366 = vector.broadcast %select_n3A_365 : i32 to vector<16xi32>
        %swap3A_367 = arith.constant 0 : index
        %swap3A_368 = tpu.vector_load %arg10[%swap3A_367] {strides = array<i32>} : memref<16xi32, #tpu.memory_space<vmem>>, vector<16xi32>,
        %swap3A_369 = vector.shape_cast %swap3A_368 : vector<16xi32> to vector<16xi32>
        %swap3A_370 = vector.shape_cast %broadcast_in_dim3A_366 : vector<16xi32> to vector<16xi32>
        tpu.vector_store %arg10[%swap3A_367], %swap3A_370 {strides = array<i32>} : memref<16xi32, #tpu.memory_space<vmem>>, vector<16xi32>,
        %jit3A_371 = arith.constant 128 : i32
        %div3A_372 = arith.divsi %squeeze3A_261, %jit3A_371 : i32
        %sign3A_373 = arith.constant 0 : i32
        %sign3A_374 = arith.cmpi sgt, %squeeze3A_261, %sign3A_373 : i32
        %sign3A_375 = arith.extui %sign3A_374 : i1 to i32
        %sign3A_376 = arith.constant 0 : i32
        %sign3A_377 = arith.cmpi slt, %squeeze3A_261, %sign3A_376 : i32
        %sign3A_378 = arith.extui %sign3A_377 : i1 to i32
        %sign3A_379 = arith.subi %sign3A_375, %sign3A_378 : i32
        %sign3A_380 = arith.constant 0 : i32
        %sign3A_381 = arith.cmpi sgt, %jit3A_371, %sign3A_380 : i32
        %sign3A_382 = arith.extui %sign3A_381 : i1 to i32
        %sign3A_383 = arith.constant 0 : i32
        %sign3A_384 = arith.cmpi slt, %jit3A_371, %sign3A_383 : i32
        %sign3A_385 = arith.extui %sign3A_384 : i1 to i32
        %sign3A_386 = arith.subi %sign3A_382, %sign3A_385 : i32
        %ne3A_387 = arith.cmpi ne, %sign3A_379, %sign3A_386 : i32
        %rem3A_388 = arith.remsi %squeeze3A_261, %jit3A_371 : i32
        %ne3A_389 = arith.constant 0 : i32
        %ne3A_390 = arith.cmpi ne, %rem3A_388, %ne3A_389 : i32
        %and3A_391 = arith.andi %ne3A_387, %ne3A_390 : i1
        %sub3A_392 = arith.constant 1 : i32
        %sub3A_393 = arith.subi %div3A_372, %sub3A_392 : i32
        %select_n3A_394 = arith.select %and3A_391, %sub3A_393, %div3A_372 : i32
        %add3A_395 = arith.constant 1 : i32
        %add3A_396 = arith.addi %scan3A_256, %add3A_395 : i32
        scf.yield %select_n3A_394, %add3A_396 : i32, i32
      } else {
        scf.yield %scan3A_255, %scan3A_256 : i32, i32
      }
      %mul3A_273 = arith.constant 128 : i32
      %mul3A_274 = arith.muli %cond3A_272#0, %mul3A_273 : i32
      %sub3A_275 = arith.subi %squeeze3A_261, %mul3A_274 : i32
      %get3A_276 = arith.index_cast %scan3A_254 : i32 to index
      %get3A_277 = arith.constant 0 : index
      %get3A_278 = tpu.vector_load %arg7[%get3A_276, %get3A_277] {strides = array<i32>} : memref<632x112xf32, #tpu.memory_space<vmem>>, vector<1x16xf32>,
      %get3A_279 = vector.shape_cast %get3A_278 : vector<1x16xf32> to vector<16xf32>
      %swap3A_280 = arith.index_cast %sub3A_275 : i32 to index
      %swap3A_281 = arith.constant 0 : index
      %swap3A_282 = tpu.vector_load %arg9[%swap3A_280, %swap3A_281] {strides = array<i32>} : memref<128x112xf32, #tpu.memory_space<vmem>>, vector<1x16xf32>,
      %swap3A_283 = vector.shape_cast %swap3A_282 : vector<1x16xf32> to vector<16xf32>
      %swap3A_284 = vector.shape_cast %get3A_279 : vector<16xf32> to vector<1x16xf32>
      tpu.vector_store %arg9[%swap3A_280, %swap3A_281], %swap3A_284 {add = true, strides = array<i32>} : memref<128x112xf32, #tpu.memory_space<vmem>>, vector<1x16xf32>,
      %get3A_285 = arith.index_cast %scan3A_254 : i32 to index
      %get3A_286 = arith.constant 16 : index
      %get3A_287 = tpu.vector_load %arg7[%get3A_285, %get3A_286] {strides = array<i32>} : memref<632x112xf32, #tpu.memory_space<vmem>>, vector<1x16xf32>,
      %get3A_288 = vector.shape_cast %get3A_287 : vector<1x16xf32> to vector<16xf32>
      %swap3A_289 = arith.index_cast %sub3A_275 : i32 to index
      %swap3A_290 = arith.constant 16 : index
      %swap3A_291 = tpu.vector_load %arg9[%swap3A_289, %swap3A_290] {strides = array<i32>} : memref<128x112xf32, #tpu.memory_space<vmem>>, vector<1x16xf32>,
      %swap3A_292 = vector.shape_cast %swap3A_291 : vector<1x16xf32> to vector<16xf32>
      %swap3A_293 = vector.shape_cast %get3A_288 : vector<16xf32> to vector<1x16xf32>
      tpu.vector_store %arg9[%swap3A_289, %swap3A_290], %swap3A_293 {add = true, strides = array<i32>} : memref<128x112xf32, #tpu.memory_space<vmem>>, vector<1x16xf32>,
      %get3A_294 = arith.index_cast %scan3A_254 : i32 to index
      %get3A_295 = arith.constant 32 : index
      %get3A_296 = tpu.vector_load %arg7[%get3A_294, %get3A_295] {strides = array<i32>} : memref<632x112xf32, #tpu.memory_space<vmem>>, vector<1x16xf32>,
      %get3A_297 = vector.shape_cast %get3A_296 : vector<1x16xf32> to vector<16xf32>
      %swap3A_298 = arith.index_cast %sub3A_275 : i32 to index
      %swap3A_299 = arith.constant 32 : index
      %swap3A_300 = tpu.vector_load %arg9[%swap3A_298, %swap3A_299] {strides = array<i32>} : memref<128x112xf32, #tpu.memory_space<vmem>>, vector<1x16xf32>,
      %swap3A_301 = vector.shape_cast %swap3A_300 : vector<1x16xf32> to vector<16xf32>
      %swap3A_302 = vector.shape_cast %get3A_297 : vector<16xf32> to vector<1x16xf32>
      tpu.vector_store %arg9[%swap3A_298, %swap3A_299], %swap3A_302 {add = true, strides = array<i32>} : memref<128x112xf32, #tpu.memory_space<vmem>>, vector<1x16xf32>,
      %get3A_303 = arith.index_cast %scan3A_254 : i32 to index
      %get3A_304 = arith.constant 48 : index
      %get3A_305 = tpu.vector_load %arg7[%get3A_303, %get3A_304] {strides = array<i32>} : memref<632x112xf32, #tpu.memory_space<vmem>>, vector<1x16xf32>,
      %get3A_306 = vector.shape_cast %get3A_305 : vector<1x16xf32> to vector<16xf32>
      %swap3A_307 = arith.index_cast %sub3A_275 : i32 to index
      %swap3A_308 = arith.constant 48 : index
      %swap3A_309 = tpu.vector_load %arg9[%swap3A_307, %swap3A_308] {strides = array<i32>} : memref<128x112xf32, #tpu.memory_space<vmem>>, vector<1x16xf32>,
      %swap3A_310 = vector.shape_cast %swap3A_309 : vector<1x16xf32> to vector<16xf32>
      %swap3A_311 = vector.shape_cast %get3A_306 : vector<16xf32> to vector<1x16xf32>
      tpu.vector_store %arg9[%swap3A_307, %swap3A_308], %swap3A_311 {add = true, strides = array<i32>} : memref<128x112xf32, #tpu.memory_space<vmem>>, vector<1x16xf32>,
      %get3A_312 = arith.index_cast %scan3A_254 : i32 to index
      %get3A_313 = arith.constant 64 : index
      %get3A_314 = tpu.vector_load %arg7[%get3A_312, %get3A_313] {strides = array<i32>} : memref<632x112xf32, #tpu.memory_space<vmem>>, vector<1x16xf32>,
      %get3A_315 = vector.shape_cast %get3A_314 : vector<1x16xf32> to vector<16xf32>
      %swap3A_316 = arith.index_cast %sub3A_275 : i32 to index
      %swap3A_317 = arith.constant 64 : index
      %swap3A_318 = tpu.vector_load %arg9[%swap3A_316, %swap3A_317] {strides = array<i32>} : memref<128x112xf32, #tpu.memory_space<vmem>>, vector<1x16xf32>,
      %swap3A_319 = vector.shape_cast %swap3A_318 : vector<1x16xf32> to vector<16xf32>
      %swap3A_320 = vector.shape_cast %get3A_315 : vector<16xf32> to vector<1x16xf32>
      tpu.vector_store %arg9[%swap3A_316, %swap3A_317], %swap3A_320 {add = true, strides = array<i32>} : memref<128x112xf32, #tpu.memory_space<vmem>>, vector<1x16xf32>,
      %get3A_321 = arith.index_cast %scan3A_254 : i32 to index
      %get3A_322 = arith.constant 80 : index
      %get3A_323 = tpu.vector_load %arg7[%get3A_321, %get3A_322] {strides = array<i32>} : memref<632x112xf32, #tpu.memory_space<vmem>>, vector<1x16xf32>,
      %get3A_324 = vector.shape_cast %get3A_323 : vector<1x16xf32> to vector<16xf32>
      %swap3A_325 = arith.index_cast %sub3A_275 : i32 to index
      %swap3A_326 = arith.constant 80 : index
      %swap3A_327 = tpu.vector_load %arg9[%swap3A_325, %swap3A_326] {strides = array<i32>} : memref<128x112xf32, #tpu.memory_space<vmem>>, vector<1x16xf32>,
      %swap3A_328 = vector.shape_cast %swap3A_327 : vector<1x16xf32> to vector<16xf32>
      %swap3A_329 = vector.shape_cast %get3A_324 : vector<16xf32> to vector<1x16xf32>
      tpu.vector_store %arg9[%swap3A_325, %swap3A_326], %swap3A_329 {add = true, strides = array<i32>} : memref<128x112xf32, #tpu.memory_space<vmem>>, vector<1x16xf32>,
      %get3A_330 = arith.index_cast %scan3A_254 : i32 to index
      %get3A_331 = arith.constant 96 : index
      %get3A_332 = tpu.vector_load %arg7[%get3A_330, %get3A_331] {strides = array<i32>} : memref<632x112xf32, #tpu.memory_space<vmem>>, vector<1x16xf32>,
      %get3A_333 = vector.shape_cast %get3A_332 : vector<1x16xf32> to vector<16xf32>
      %swap3A_334 = arith.index_cast %sub3A_275 : i32 to index
      %swap3A_335 = arith.constant 96 : index
      %swap3A_336 = tpu.vector_load %arg9[%swap3A_334, %swap3A_335] {strides = array<i32>} : memref<128x112xf32, #tpu.memory_space<vmem>>, vector<1x16xf32>,
      %swap3A_337 = vector.shape_cast %swap3A_336 : vector<1x16xf32> to vector<16xf32>
      %swap3A_338 = vector.shape_cast %get3A_333 : vector<16xf32> to vector<1x16xf32>
      tpu.vector_store %arg9[%swap3A_334, %swap3A_335], %swap3A_338 {add = true, strides = array<i32>} : memref<128x112xf32, #tpu.memory_space<vmem>>, vector<1x16xf32>,
      scf.yield %cond3A_272#0, %cond3A_272#1 : i32, i32
    }
    %scan3A_67 = arith.constant 632 : i32
    %add3A_68 = arith.constant 1264 : i32
    %add3A_69 = arith.addi %mul3A_2, %add3A_68 : i32
    "tpu.region"() ({
      %run_scoped3A = tpu.sem_alloc : memref<!tpu.dma_semaphore, #tpu.memory_space<semaphore_mem>>
      %dma_start3A = arith.constant 0 : i32
      %dma_start3A_254 = tpu.memref_slice %arg2[%add3A_69, %dma_start3A] : memref<80896x112xf32, #tpu.memory_space<hbm>> -> memref<632x112xf32, #tpu.memory_space<hbm>>
      %dma_start3A_255 = arith.constant 0 : i32
      %dma_start3A_256 = tpu.memref_slice %arg2[%add3A_69, %dma_start3A_255] : memref<80896x112xf32, #tpu.memory_space<hbm>> -> memref<632x112xf32, #tpu.memory_space<hbm>>
      tpu.enqueue_dma source(%dma_start3A_256 : memref<632x112xf32, #tpu.memory_space<hbm>>) target(%arg7 : memref<632x112xf32, #tpu.memory_space<vmem>>) target_semaphore(%run_scoped3A : memref<!tpu.dma_semaphore, #tpu.memory_space<semaphore_mem>>)
      %dma_wait3A = arith.constant 0 : i32
      %dma_wait3A_257 = tpu.memref_slice %arg2[%add3A_69, %dma_wait3A] : memref<80896x112xf32, #tpu.memory_space<hbm>> -> memref<632x112xf32, #tpu.memory_space<hbm>>
      %dma_wait3A_258 = arith.constant 0 : i32
      %dma_wait3A_259 = tpu.memref_slice %arg2[%add3A_69, %dma_wait3A_258] : memref<80896x112xf32, #tpu.memory_space<hbm>> -> memref<632x112xf32, #tpu.memory_space<hbm>>
      tpu.wait_dma2 semaphore(%run_scoped3A : memref<!tpu.dma_semaphore, #tpu.memory_space<semaphore_mem>>) src(%dma_wait3A_259 : memref<632x112xf32, #tpu.memory_space<hbm>>) dst(%arg7 : memref<632x112xf32, #tpu.memory_space<vmem>>)
      tpu.yield
    }) : () -> ()
    %add3A_70 = arith.constant 1264 : i32
    %add3A_71 = arith.addi %mul3A_2, %add3A_70 : i32
    "tpu.region"() ({
      %run_scoped3A = tpu.sem_alloc : memref<!tpu.dma_semaphore, #tpu.memory_space<semaphore_mem>>
      %dma_start3A = arith.constant 0 : i32
      %dma_start3A_254 = tpu.memref_slice %arg8[%dma_start3A] : memref<648xi32, #tpu.memory_space<vmem>> -> memref<632xi32, #tpu.memory_space<vmem>>
      %dma_start3A_255 = tpu.memref_slice %arg3[%add3A_71] : memref<80896xi32, #tpu.memory_space<hbm>> -> memref<632xi32, #tpu.memory_space<hbm>>
      %dma_start3A_256 = arith.constant 0 : i32
      %dma_start3A_257 = tpu.memref_slice %arg8[%dma_start3A_256] : memref<648xi32, #tpu.memory_space<vmem>> -> memref<632xi32, #tpu.memory_space<vmem>>
      %dma_start3A_258 = tpu.memref_slice %arg3[%add3A_71] : memref<80896xi32, #tpu.memory_space<hbm>> -> memref<632xi32, #tpu.memory_space<hbm>>
      tpu.enqueue_dma source(%dma_start3A_258 : memref<632xi32, #tpu.memory_space<hbm>>) target(%dma_start3A_257 : memref<632xi32, #tpu.memory_space<vmem>>) target_semaphore(%run_scoped3A : memref<!tpu.dma_semaphore, #tpu.memory_space<semaphore_mem>>)
      %dma_wait3A = arith.constant 0 : i32
      %dma_wait3A_259 = tpu.memref_slice %arg8[%dma_wait3A] : memref<648xi32, #tpu.memory_space<vmem>> -> memref<632xi32, #tpu.memory_space<vmem>>
      %dma_wait3A_260 = tpu.memref_slice %arg3[%add3A_71] : memref<80896xi32, #tpu.memory_space<hbm>> -> memref<632xi32, #tpu.memory_space<hbm>>
      %dma_wait3A_261 = arith.constant 0 : i32
      %dma_wait3A_262 = tpu.memref_slice %arg8[%dma_wait3A_261] : memref<648xi32, #tpu.memory_space<vmem>> -> memref<632xi32, #tpu.memory_space<vmem>>
      %dma_wait3A_263 = tpu.memref_slice %arg3[%add3A_71] : memref<80896xi32, #tpu.memory_space<hbm>> -> memref<632xi32, #tpu.memory_space<hbm>>
      tpu.wait_dma2 semaphore(%run_scoped3A : memref<!tpu.dma_semaphore, #tpu.memory_space<semaphore_mem>>) src(%dma_wait3A_263 : memref<632xi32, #tpu.memory_space<hbm>>) dst(%dma_wait3A_262 : memref<632xi32, #tpu.memory_space<vmem>>)
      tpu.yield
    }) : () -> ()
    %scan3A_72 = arith.constant 0 : i32
    %scan3A_73 = arith.constant 632 : i32
    %scan3A_74 = arith.addi %scan3A_72, %scan3A_73 : i32
    %scan3A_75 = arith.constant 1 : i32
    %scan3A_76:2 = scf.for %scan3A_254 = %scan3A_72 to %scan3A_74 step %scan3A_75 iter_args(%scan3A_255 = %scan3A_66#0, %scan3A_256 = %scan3A_66#1) -> (i32, i32)  : i32 {
      %get3A_257 = arith.index_cast %scan3A_254 : i32 to index
      %get3A_258 = tpu.vector_load %arg8[%get3A_257] {strides = array<i32>} : memref<648xi32, #tpu.memory_space<vmem>>, vector<16xi32>,
      %get3A_259 = vector.shape_cast %get3A_258 : vector<16xi32> to vector<16xi32>
      %slice3A_260 = vector.extract_strided_slice %get3A_259 {offsets = [0], sizes = [1], strides = [1]} : vector<16xi32> to vector<1xi32>
      %squeeze3A_261 = vector.extract %slice3A_260[0] : i32 from vector<1xi32>
      %mul3A_262 = arith.constant 128 : i32
      %mul3A_263 = arith.muli %scan3A_255, %mul3A_262 : i32
      %lt3A_264 = arith.cmpi slt, %squeeze3A_261, %mul3A_263 : i32
      %add3A_265 = arith.constant 1 : i32
      %add3A_266 = arith.addi %scan3A_255, %add3A_265 : i32
      %mul3A_267 = arith.constant 128 : i32
      %mul3A_268 = arith.muli %add3A_266, %mul3A_267 : i32
      %ge3A = arith.cmpi sge, %squeeze3A_261, %mul3A_268 : i32
      %or3A = arith.ori %lt3A_264, %ge3A : i1
      %convert_element_type3A_269 = arith.extui %or3A : i1 to i32
      %cond3A_270 = arith.constant 0 : i32
      %cond3A_271 = arith.cmpi ne, %convert_element_type3A_269, %cond3A_270 : i32
      %cond3A_272:2 = scf.if %cond3A_271 -> (i32, i32) {
        %mul3A_339 = arith.constant 32 : i32
        %mul3A_340 = arith.muli %add3A, %mul3A_339 : i32
        %add3A_341 = arith.addi %mul3A_340, %scan3A_256 : i32
        "tpu.region"() ({
          %run_scoped3A = tpu.sem_alloc : memref<!tpu.dma_semaphore, #tpu.memory_space<semaphore_mem>>
          %dma_start3A = arith.constant 0 : i32
          %dma_start3A_397 = arith.constant 0 : i32
          %dma_start3A_398 = tpu.memref_slice %arg5[%add3A_341, %dma_start3A, %dma_start3A_397] : memref<1024x128x112xf32, #tpu.memory_space<hbm>> -> memref<1x128x112xf32, #tpu.memory_space<hbm>>
          %dma_start3A_399 = tpu.memref_squeeze %dma_start3A_398 : memref<1x128x112xf32, #tpu.memory_space<hbm>> -> memref<128x112xf32, #tpu.memory_space<hbm>>
          %dma_start3A_400 = arith.constant 0 : i32
          %dma_start3A_401 = arith.constant 0 : i32
          %dma_start3A_402 = tpu.memref_slice %arg5[%add3A_341, %dma_start3A_400, %dma_start3A_401] : memref<1024x128x112xf32, #tpu.memory_space<hbm>> -> memref<1x128x112xf32, #tpu.memory_space<hbm>>
          %dma_start3A_403 = tpu.memref_squeeze %dma_start3A_402 : memref<1x128x112xf32, #tpu.memory_space<hbm>> -> memref<128x112xf32, #tpu.memory_space<hbm>>
          tpu.enqueue_dma source(%arg9 : memref<128x112xf32, #tpu.memory_space<vmem>>) target(%dma_start3A_403 : memref<128x112xf32, #tpu.memory_space<hbm>>) target_semaphore(%run_scoped3A : memref<!tpu.dma_semaphore, #tpu.memory_space<semaphore_mem>>)
          %dma_wait3A = arith.constant 0 : i32
          %dma_wait3A_404 = arith.constant 0 : i32
          %dma_wait3A_405 = tpu.memref_slice %arg5[%add3A_341, %dma_wait3A, %dma_wait3A_404] : memref<1024x128x112xf32, #tpu.memory_space<hbm>> -> memref<1x128x112xf32, #tpu.memory_space<hbm>>
          %dma_wait3A_406 = tpu.memref_squeeze %dma_wait3A_405 : memref<1x128x112xf32, #tpu.memory_space<hbm>> -> memref<128x112xf32, #tpu.memory_space<hbm>>
          %dma_wait3A_407 = arith.constant 0 : i32
          %dma_wait3A_408 = arith.constant 0 : i32
          %dma_wait3A_409 = tpu.memref_slice %arg5[%add3A_341, %dma_wait3A_407, %dma_wait3A_408] : memref<1024x128x112xf32, #tpu.memory_space<hbm>> -> memref<1x128x112xf32, #tpu.memory_space<hbm>>
          %dma_wait3A_410 = tpu.memref_squeeze %dma_wait3A_409 : memref<1x128x112xf32, #tpu.memory_space<hbm>> -> memref<128x112xf32, #tpu.memory_space<hbm>>
          tpu.wait_dma2 semaphore(%run_scoped3A : memref<!tpu.dma_semaphore, #tpu.memory_space<semaphore_mem>>) src(%arg9 : memref<128x112xf32, #tpu.memory_space<vmem>>) dst(%dma_wait3A_410 : memref<128x112xf32, #tpu.memory_space<hbm>>)
          tpu.yield
        }) : () -> ()
        "tpu.region"() ({
          %run_scoped3A = tpu.sem_alloc : memref<!tpu.dma_semaphore, #tpu.memory_space<semaphore_mem>>
          %dma_start3A = arith.constant 0 : i32
          %dma_start3A_397 = tpu.memref_slice %arg6[%add3A, %scan3A_256, %dma_start3A] : memref<32x32x16xi32, #tpu.memory_space<hbm>> -> memref<1x1x16xi32, #tpu.memory_space<hbm>>
          %dma_start3A_398 = tpu.memref_squeeze %dma_start3A_397 : memref<1x1x16xi32, #tpu.memory_space<hbm>> -> memref<16xi32, #tpu.memory_space<hbm>>
          %dma_start3A_399 = arith.constant 0 : i32
          %dma_start3A_400 = tpu.memref_slice %arg6[%add3A, %scan3A_256, %dma_start3A_399] : memref<32x32x16xi32, #tpu.memory_space<hbm>> -> memref<1x1x16xi32, #tpu.memory_space<hbm>>
          %dma_start3A_401 = tpu.memref_squeeze %dma_start3A_400 : memref<1x1x16xi32, #tpu.memory_space<hbm>> -> memref<16xi32, #tpu.memory_space<hbm>>
          tpu.enqueue_dma source(%arg10 : memref<16xi32, #tpu.memory_space<vmem>>) target(%dma_start3A_401 : memref<16xi32, #tpu.memory_space<hbm>>) target_semaphore(%run_scoped3A : memref<!tpu.dma_semaphore, #tpu.memory_space<semaphore_mem>>)
          %dma_wait3A = arith.constant 0 : i32
          %dma_wait3A_402 = tpu.memref_slice %arg6[%add3A, %scan3A_256, %dma_wait3A] : memref<32x32x16xi32, #tpu.memory_space<hbm>> -> memref<1x1x16xi32, #tpu.memory_space<hbm>>
          %dma_wait3A_403 = tpu.memref_squeeze %dma_wait3A_402 : memref<1x1x16xi32, #tpu.memory_space<hbm>> -> memref<16xi32, #tpu.memory_space<hbm>>
          %dma_wait3A_404 = arith.constant 0 : i32
          %dma_wait3A_405 = tpu.memref_slice %arg6[%add3A, %scan3A_256, %dma_wait3A_404] : memref<32x32x16xi32, #tpu.memory_space<hbm>> -> memref<1x1x16xi32, #tpu.memory_space<hbm>>
          %dma_wait3A_406 = tpu.memref_squeeze %dma_wait3A_405 : memref<1x1x16xi32, #tpu.memory_space<hbm>> -> memref<16xi32, #tpu.memory_space<hbm>>
          tpu.wait_dma2 semaphore(%run_scoped3A : memref<!tpu.dma_semaphore, #tpu.memory_space<semaphore_mem>>) src(%arg10 : memref<16xi32, #tpu.memory_space<vmem>>) dst(%dma_wait3A_406 : memref<16xi32, #tpu.memory_space<hbm>>)
          tpu.yield
        }) : () -> ()
        "tpu.region"() ({
          %run_scoped3A = tpu.sem_alloc : memref<!tpu.dma_semaphore, #tpu.memory_space<semaphore_mem>>
          tpu.enqueue_dma source(%arg4 : memref<128x112xf32, #tpu.memory_space<hbm>>) target(%arg9 : memref<128x112xf32, #tpu.memory_space<vmem>>) target_semaphore(%run_scoped3A : memref<!tpu.dma_semaphore, #tpu.memory_space<semaphore_mem>>)
          tpu.wait_dma2 semaphore(%run_scoped3A : memref<!tpu.dma_semaphore, #tpu.memory_space<semaphore_mem>>) src(%arg4 : memref<128x112xf32, #tpu.memory_space<hbm>>) dst(%arg9 : memref<128x112xf32, #tpu.memory_space<vmem>>)
          tpu.yield
        }) : () -> ()
        %jit3A_342 = arith.constant 128 : i32
        %div3A_343 = arith.divsi %squeeze3A_261, %jit3A_342 : i32
        %sign3A_344 = arith.constant 0 : i32
        %sign3A_345 = arith.cmpi sgt, %squeeze3A_261, %sign3A_344 : i32
        %sign3A_346 = arith.extui %sign3A_345 : i1 to i32
        %sign3A_347 = arith.constant 0 : i32
        %sign3A_348 = arith.cmpi slt, %squeeze3A_261, %sign3A_347 : i32
        %sign3A_349 = arith.extui %sign3A_348 : i1 to i32
        %sign3A_350 = arith.subi %sign3A_346, %sign3A_349 : i32
        %sign3A_351 = arith.constant 0 : i32
        %sign3A_352 = arith.cmpi sgt, %jit3A_342, %sign3A_351 : i32
        %sign3A_353 = arith.extui %sign3A_352 : i1 to i32
        %sign3A_354 = arith.constant 0 : i32
        %sign3A_355 = arith.cmpi slt, %jit3A_342, %sign3A_354 : i32
        %sign3A_356 = arith.extui %sign3A_355 : i1 to i32
        %sign3A_357 = arith.subi %sign3A_353, %sign3A_356 : i32
        %ne3A_358 = arith.cmpi ne, %sign3A_350, %sign3A_357 : i32
        %rem3A_359 = arith.remsi %squeeze3A_261, %jit3A_342 : i32
        %ne3A_360 = arith.constant 0 : i32
        %ne3A_361 = arith.cmpi ne, %rem3A_359, %ne3A_360 : i32
        %and3A_362 = arith.andi %ne3A_358, %ne3A_361 : i1
        %sub3A_363 = arith.constant 1 : i32
        %sub3A_364 = arith.subi %div3A_343, %sub3A_363 : i32
        %select_n3A_365 = arith.select %and3A_362, %sub3A_364, %div3A_343 : i32
        %broadcast_in_dim3A_366 = vector.broadcast %select_n3A_365 : i32 to vector<16xi32>
        %swap3A_367 = arith.constant 0 : index
        %swap3A_368 = tpu.vector_load %arg10[%swap3A_367] {strides = array<i32>} : memref<16xi32, #tpu.memory_space<vmem>>, vector<16xi32>,
        %swap3A_369 = vector.shape_cast %swap3A_368 : vector<16xi32> to vector<16xi32>
        %swap3A_370 = vector.shape_cast %broadcast_in_dim3A_366 : vector<16xi32> to vector<16xi32>
        tpu.vector_store %arg10[%swap3A_367], %swap3A_370 {strides = array<i32>} : memref<16xi32, #tpu.memory_space<vmem>>, vector<16xi32>,
        %jit3A_371 = arith.constant 128 : i32
        %div3A_372 = arith.divsi %squeeze3A_261, %jit3A_371 : i32
        %sign3A_373 = arith.constant 0 : i32
        %sign3A_374 = arith.cmpi sgt, %squeeze3A_261, %sign3A_373 : i32
        %sign3A_375 = arith.extui %sign3A_374 : i1 to i32
        %sign3A_376 = arith.constant 0 : i32
        %sign3A_377 = arith.cmpi slt, %squeeze3A_261, %sign3A_376 : i32
        %sign3A_378 = arith.extui %sign3A_377 : i1 to i32
        %sign3A_379 = arith.subi %sign3A_375, %sign3A_378 : i32
        %sign3A_380 = arith.constant 0 : i32
        %sign3A_381 = arith.cmpi sgt, %jit3A_371, %sign3A_380 : i32
        %sign3A_382 = arith.extui %sign3A_381 : i1 to i32
        %sign3A_383 = arith.constant 0 : i32
        %sign3A_384 = arith.cmpi slt, %jit3A_371, %sign3A_383 : i32
        %sign3A_385 = arith.extui %sign3A_384 : i1 to i32
        %sign3A_386 = arith.subi %sign3A_382, %sign3A_385 : i32
        %ne3A_387 = arith.cmpi ne, %sign3A_379, %sign3A_386 : i32
        %rem3A_388 = arith.remsi %squeeze3A_261, %jit3A_371 : i32
        %ne3A_389 = arith.constant 0 : i32
        %ne3A_390 = arith.cmpi ne, %rem3A_388, %ne3A_389 : i32
        %and3A_391 = arith.andi %ne3A_387, %ne3A_390 : i1
        %sub3A_392 = arith.constant 1 : i32
        %sub3A_393 = arith.subi %div3A_372, %sub3A_392 : i32
        %select_n3A_394 = arith.select %and3A_391, %sub3A_393, %div3A_372 : i32
        %add3A_395 = arith.constant 1 : i32
        %add3A_396 = arith.addi %scan3A_256, %add3A_395 : i32
        scf.yield %select_n3A_394, %add3A_396 : i32, i32
      } else {
        scf.yield %scan3A_255, %scan3A_256 : i32, i32
      }
      %mul3A_273 = arith.constant 128 : i32
      %mul3A_274 = arith.muli %cond3A_272#0, %mul3A_273 : i32
      %sub3A_275 = arith.subi %squeeze3A_261, %mul3A_274 : i32
      %get3A_276 = arith.index_cast %scan3A_254 : i32 to index
      %get3A_277 = arith.constant 0 : index
      %get3A_278 = tpu.vector_load %arg7[%get3A_276, %get3A_277] {strides = array<i32>} : memref<632x112xf32, #tpu.memory_space<vmem>>, vector<1x16xf32>,
      %get3A_279 = vector.shape_cast %get3A_278 : vector<1x16xf32> to vector<16xf32>
      %swap3A_280 = arith.index_cast %sub3A_275 : i32 to index
      %swap3A_281 = arith.constant 0 : index
      %swap3A_282 = tpu.vector_load %arg9[%swap3A_280, %swap3A_281] {strides = array<i32>} : memref<128x112xf32, #tpu.memory_space<vmem>>, vector<1x16xf32>,
      %swap3A_283 = vector.shape_cast %swap3A_282 : vector<1x16xf32> to vector<16xf32>
      %swap3A_284 = vector.shape_cast %get3A_279 : vector<16xf32> to vector<1x16xf32>
      tpu.vector_store %arg9[%swap3A_280, %swap3A_281], %swap3A_284 {add = true, strides = array<i32>} : memref<128x112xf32, #tpu.memory_space<vmem>>, vector<1x16xf32>,
      %get3A_285 = arith.index_cast %scan3A_254 : i32 to index
      %get3A_286 = arith.constant 16 : index
      %get3A_287 = tpu.vector_load %arg7[%get3A_285, %get3A_286] {strides = array<i32>} : memref<632x112xf32, #tpu.memory_space<vmem>>, vector<1x16xf32>,
      %get3A_288 = vector.shape_cast %get3A_287 : vector<1x16xf32> to vector<16xf32>
      %swap3A_289 = arith.index_cast %sub3A_275 : i32 to index
      %swap3A_290 = arith.constant 16 : index
      %swap3A_291 = tpu.vector_load %arg9[%swap3A_289, %swap3A_290] {strides = array<i32>} : memref<128x112xf32, #tpu.memory_space<vmem>>, vector<1x16xf32>,
      %swap3A_292 = vector.shape_cast %swap3A_291 : vector<1x16xf32> to vector<16xf32>
      %swap3A_293 = vector.shape_cast %get3A_288 : vector<16xf32> to vector<1x16xf32>
      tpu.vector_store %arg9[%swap3A_289, %swap3A_290], %swap3A_293 {add = true, strides = array<i32>} : memref<128x112xf32, #tpu.memory_space<vmem>>, vector<1x16xf32>,
      %get3A_294 = arith.index_cast %scan3A_254 : i32 to index
      %get3A_295 = arith.constant 32 : index
      %get3A_296 = tpu.vector_load %arg7[%get3A_294, %get3A_295] {strides = array<i32>} : memref<632x112xf32, #tpu.memory_space<vmem>>, vector<1x16xf32>,
      %get3A_297 = vector.shape_cast %get3A_296 : vector<1x16xf32> to vector<16xf32>
      %swap3A_298 = arith.index_cast %sub3A_275 : i32 to index
      %swap3A_299 = arith.constant 32 : index
      %swap3A_300 = tpu.vector_load %arg9[%swap3A_298, %swap3A_299] {strides = array<i32>} : memref<128x112xf32, #tpu.memory_space<vmem>>, vector<1x16xf32>,
      %swap3A_301 = vector.shape_cast %swap3A_300 : vector<1x16xf32> to vector<16xf32>
      %swap3A_302 = vector.shape_cast %get3A_297 : vector<16xf32> to vector<1x16xf32>
      tpu.vector_store %arg9[%swap3A_298, %swap3A_299], %swap3A_302 {add = true, strides = array<i32>} : memref<128x112xf32, #tpu.memory_space<vmem>>, vector<1x16xf32>,
      %get3A_303 = arith.index_cast %scan3A_254 : i32 to index
      %get3A_304 = arith.constant 48 : index
      %get3A_305 = tpu.vector_load %arg7[%get3A_303, %get3A_304] {strides = array<i32>} : memref<632x112xf32, #tpu.memory_space<vmem>>, vector<1x16xf32>,
      %get3A_306 = vector.shape_cast %get3A_305 : vector<1x16xf32> to vector<16xf32>
      %swap3A_307 = arith.index_cast %sub3A_275 : i32 to index
      %swap3A_308 = arith.constant 48 : index
      %swap3A_309 = tpu.vector_load %arg9[%swap3A_307, %swap3A_308] {strides = array<i32>} : memref<128x112xf32, #tpu.memory_space<vmem>>, vector<1x16xf32>,
      %swap3A_310 = vector.shape_cast %swap3A_309 : vector<1x16xf32> to vector<16xf32>
      %swap3A_311 = vector.shape_cast %get3A_306 : vector<16xf32> to vector<1x16xf32>
      tpu.vector_store %arg9[%swap3A_307, %swap3A_308], %swap3A_311 {add = true, strides = array<i32>} : memref<128x112xf32, #tpu.memory_space<vmem>>, vector<1x16xf32>,
      %get3A_312 = arith.index_cast %scan3A_254 : i32 to index
      %get3A_313 = arith.constant 64 : index
      %get3A_314 = tpu.vector_load %arg7[%get3A_312, %get3A_313] {strides = array<i32>} : memref<632x112xf32, #tpu.memory_space<vmem>>, vector<1x16xf32>,
      %get3A_315 = vector.shape_cast %get3A_314 : vector<1x16xf32> to vector<16xf32>
      %swap3A_316 = arith.index_cast %sub3A_275 : i32 to index
      %swap3A_317 = arith.constant 64 : index
      %swap3A_318 = tpu.vector_load %arg9[%swap3A_316, %swap3A_317] {strides = array<i32>} : memref<128x112xf32, #tpu.memory_space<vmem>>, vector<1x16xf32>,
      %swap3A_319 = vector.shape_cast %swap3A_318 : vector<1x16xf32> to vector<16xf32>
      %swap3A_320 = vector.shape_cast %get3A_315 : vector<16xf32> to vector<1x16xf32>
      tpu.vector_store %arg9[%swap3A_316, %swap3A_317], %swap3A_320 {add = true, strides = array<i32>} : memref<128x112xf32, #tpu.memory_space<vmem>>, vector<1x16xf32>,
      %get3A_321 = arith.index_cast %scan3A_254 : i32 to index
      %get3A_322 = arith.constant 80 : index
      %get3A_323 = tpu.vector_load %arg7[%get3A_321, %get3A_322] {strides = array<i32>} : memref<632x112xf32, #tpu.memory_space<vmem>>, vector<1x16xf32>,
      %get3A_324 = vector.shape_cast %get3A_323 : vector<1x16xf32> to vector<16xf32>
      %swap3A_325 = arith.index_cast %sub3A_275 : i32 to index
      %swap3A_326 = arith.constant 80 : index
      %swap3A_327 = tpu.vector_load %arg9[%swap3A_325, %swap3A_326] {strides = array<i32>} : memref<128x112xf32, #tpu.memory_space<vmem>>, vector<1x16xf32>,
      %swap3A_328 = vector.shape_cast %swap3A_327 : vector<1x16xf32> to vector<16xf32>
      %swap3A_329 = vector.shape_cast %get3A_324 : vector<16xf32> to vector<1x16xf32>
      tpu.vector_store %arg9[%swap3A_325, %swap3A_326], %swap3A_329 {add = true, strides = array<i32>} : memref<128x112xf32, #tpu.memory_space<vmem>>, vector<1x16xf32>,
      %get3A_330 = arith.index_cast %scan3A_254 : i32 to index
      %get3A_331 = arith.constant 96 : index
      %get3A_332 = tpu.vector_load %arg7[%get3A_330, %get3A_331] {strides = array<i32>} : memref<632x112xf32, #tpu.memory_space<vmem>>, vector<1x16xf32>,
      %get3A_333 = vector.shape_cast %get3A_332 : vector<1x16xf32> to vector<16xf32>
      %swap3A_334 = arith.index_cast %sub3A_275 : i32 to index
      %swap3A_335 = arith.constant 96 : index
      %swap3A_336 = tpu.vector_load %arg9[%swap3A_334, %swap3A_335] {strides = array<i32>} : memref<128x112xf32, #tpu.memory_space<vmem>>, vector<1x16xf32>,
      %swap3A_337 = vector.shape_cast %swap3A_336 : vector<1x16xf32> to vector<16xf32>
      %swap3A_338 = vector.shape_cast %get3A_333 : vector<16xf32> to vector<1x16xf32>
      tpu.vector_store %arg9[%swap3A_334, %swap3A_335], %swap3A_338 {add = true, strides = array<i32>} : memref<128x112xf32, #tpu.memory_space<vmem>>, vector<1x16xf32>,
      scf.yield %cond3A_272#0, %cond3A_272#1 : i32, i32
    }
    %scan3A_77 = arith.constant 632 : i32
    %add3A_78 = arith.constant 1896 : i32
    %add3A_79 = arith.addi %mul3A_2, %add3A_78 : i32
    "tpu.region"() ({
      %run_scoped3A = tpu.sem_alloc : memref<!tpu.dma_semaphore, #tpu.memory_space<semaphore_mem>>
      %dma_start3A = arith.constant 0 : i32
      %dma_start3A_254 = tpu.memref_slice %arg2[%add3A_79, %dma_start3A] : memref<80896x112xf32, #tpu.memory_space<hbm>> -> memref<632x112xf32, #tpu.memory_space<hbm>>
      %dma_start3A_255 = arith.constant 0 : i32
      %dma_start3A_256 = tpu.memref_slice %arg2[%add3A_79, %dma_start3A_255] : memref<80896x112xf32, #tpu.memory_space<hbm>> -> memref<632x112xf32, #tpu.memory_space<hbm>>
      tpu.enqueue_dma source(%dma_start3A_256 : memref<632x112xf32, #tpu.memory_space<hbm>>) target(%arg7 : memref<632x112xf32, #tpu.memory_space<vmem>>) target_semaphore(%run_scoped3A : memref<!tpu.dma_semaphore, #tpu.memory_space<semaphore_mem>>)
      %dma_wait3A = arith.constant 0 : i32
      %dma_wait3A_257 = tpu.memref_slice %arg2[%add3A_79, %dma_wait3A] : memref<80896x112xf32, #tpu.memory_space<hbm>> -> memref<632x112xf32, #tpu.memory_space<hbm>>
      %dma_wait3A_258 = arith.constant 0 : i32
      %dma_wait3A_259 = tpu.memref_slice %arg2[%add3A_79, %dma_wait3A_258] : memref<80896x112xf32, #tpu.memory_space<hbm>> -> memref<632x112xf32, #tpu.memory_space<hbm>>
      tpu.wait_dma2 semaphore(%run_scoped3A : memref<!tpu.dma_semaphore, #tpu.memory_space<semaphore_mem>>) src(%dma_wait3A_259 : memref<632x112xf32, #tpu.memory_space<hbm>>) dst(%arg7 : memref<632x112xf32, #tpu.memory_space<vmem>>)
      tpu.yield
    }) : () -> ()
    %add3A_80 = arith.constant 1896 : i32
    %add3A_81 = arith.addi %mul3A_2, %add3A_80 : i32
    "tpu.region"() ({
      %run_scoped3A = tpu.sem_alloc : memref<!tpu.dma_semaphore, #tpu.memory_space<semaphore_mem>>
      %dma_start3A = arith.constant 0 : i32
      %dma_start3A_254 = tpu.memref_slice %arg8[%dma_start3A] : memref<648xi32, #tpu.memory_space<vmem>> -> memref<632xi32, #tpu.memory_space<vmem>>
      %dma_start3A_255 = tpu.memref_slice %arg3[%add3A_81] : memref<80896xi32, #tpu.memory_space<hbm>> -> memref<632xi32, #tpu.memory_space<hbm>>
      %dma_start3A_256 = arith.constant 0 : i32
      %dma_start3A_257 = tpu.memref_slice %arg8[%dma_start3A_256] : memref<648xi32, #tpu.memory_space<vmem>> -> memref<632xi32, #tpu.memory_space<vmem>>
      %dma_start3A_258 = tpu.memref_slice %arg3[%add3A_81] : memref<80896xi32, #tpu.memory_space<hbm>> -> memref<632xi32, #tpu.memory_space<hbm>>
      tpu.enqueue_dma source(%dma_start3A_258 : memref<632xi32, #tpu.memory_space<hbm>>) target(%dma_start3A_257 : memref<632xi32, #tpu.memory_space<vmem>>) target_semaphore(%run_scoped3A : memref<!tpu.dma_semaphore, #tpu.memory_space<semaphore_mem>>)
      %dma_wait3A = arith.constant 0 : i32
      %dma_wait3A_259 = tpu.memref_slice %arg8[%dma_wait3A] : memref<648xi32, #tpu.memory_space<vmem>> -> memref<632xi32, #tpu.memory_space<vmem>>
      %dma_wait3A_260 = tpu.memref_slice %arg3[%add3A_81] : memref<80896xi32, #tpu.memory_space<hbm>> -> memref<632xi32, #tpu.memory_space<hbm>>
      %dma_wait3A_261 = arith.constant 0 : i32
      %dma_wait3A_262 = tpu.memref_slice %arg8[%dma_wait3A_261] : memref<648xi32, #tpu.memory_space<vmem>> -> memref<632xi32, #tpu.memory_space<vmem>>
      %dma_wait3A_263 = tpu.memref_slice %arg3[%add3A_81] : memref<80896xi32, #tpu.memory_space<hbm>> -> memref<632xi32, #tpu.memory_space<hbm>>
      tpu.wait_dma2 semaphore(%run_scoped3A : memref<!tpu.dma_semaphore, #tpu.memory_space<semaphore_mem>>) src(%dma_wait3A_263 : memref<632xi32, #tpu.memory_space<hbm>>) dst(%dma_wait3A_262 : memref<632xi32, #tpu.memory_space<vmem>>)
      tpu.yield
    }) : () -> ()
    %scan3A_82 = arith.constant 0 : i32
    %scan3A_83 = arith.constant 632 : i32
    %scan3A_84 = arith.addi %scan3A_82, %scan3A_83 : i32
    %scan3A_85 = arith.constant 1 : i32
    %scan3A_86:2 = scf.for %scan3A_254 = %scan3A_82 to %scan3A_84 step %scan3A_85 iter_args(%scan3A_255 = %scan3A_76#0, %scan3A_256 = %scan3A_76#1) -> (i32, i32)  : i32 {
      %get3A_257 = arith.index_cast %scan3A_254 : i32 to index
      %get3A_258 = tpu.vector_load %arg8[%get3A_257] {strides = array<i32>} : memref<648xi32, #tpu.memory_space<vmem>>, vector<16xi32>,
      %get3A_259 = vector.shape_cast %get3A_258 : vector<16xi32> to vector<16xi32>
      %slice3A_260 = vector.extract_strided_slice %get3A_259 {offsets = [0], sizes = [1], strides = [1]} : vector<16xi32> to vector<1xi32>
      %squeeze3A_261 = vector.extract %slice3A_260[0] : i32 from vector<1xi32>
      %mul3A_262 = arith.constant 128 : i32
      %mul3A_263 = arith.muli %scan3A_255, %mul3A_262 : i32
      %lt3A_264 = arith.cmpi slt, %squeeze3A_261, %mul3A_263 : i32
      %add3A_265 = arith.constant 1 : i32
      %add3A_266 = arith.addi %scan3A_255, %add3A_265 : i32
      %mul3A_267 = arith.constant 128 : i32
      %mul3A_268 = arith.muli %add3A_266, %mul3A_267 : i32
      %ge3A = arith.cmpi sge, %squeeze3A_261, %mul3A_268 : i32
      %or3A = arith.ori %lt3A_264, %ge3A : i1
      %convert_element_type3A_269 = arith.extui %or3A : i1 to i32
      %cond3A_270 = arith.constant 0 : i32
      %cond3A_271 = arith.cmpi ne, %convert_element_type3A_269, %cond3A_270 : i32
      %cond3A_272:2 = scf.if %cond3A_271 -> (i32, i32) {
        %mul3A_339 = arith.constant 32 : i32
        %mul3A_340 = arith.muli %add3A, %mul3A_339 : i32
        %add3A_341 = arith.addi %mul3A_340, %scan3A_256 : i32
        "tpu.region"() ({
          %run_scoped3A = tpu.sem_alloc : memref<!tpu.dma_semaphore, #tpu.memory_space<semaphore_mem>>
          %dma_start3A = arith.constant 0 : i32
          %dma_start3A_397 = arith.constant 0 : i32
          %dma_start3A_398 = tpu.memref_slice %arg5[%add3A_341, %dma_start3A, %dma_start3A_397] : memref<1024x128x112xf32, #tpu.memory_space<hbm>> -> memref<1x128x112xf32, #tpu.memory_space<hbm>>
          %dma_start3A_399 = tpu.memref_squeeze %dma_start3A_398 : memref<1x128x112xf32, #tpu.memory_space<hbm>> -> memref<128x112xf32, #tpu.memory_space<hbm>>
          %dma_start3A_400 = arith.constant 0 : i32
          %dma_start3A_401 = arith.constant 0 : i32
          %dma_start3A_402 = tpu.memref_slice %arg5[%add3A_341, %dma_start3A_400, %dma_start3A_401] : memref<1024x128x112xf32, #tpu.memory_space<hbm>> -> memref<1x128x112xf32, #tpu.memory_space<hbm>>
          %dma_start3A_403 = tpu.memref_squeeze %dma_start3A_402 : memref<1x128x112xf32, #tpu.memory_space<hbm>> -> memref<128x112xf32, #tpu.memory_space<hbm>>
          tpu.enqueue_dma source(%arg9 : memref<128x112xf32, #tpu.memory_space<vmem>>) target(%dma_start3A_403 : memref<128x112xf32, #tpu.memory_space<hbm>>) target_semaphore(%run_scoped3A : memref<!tpu.dma_semaphore, #tpu.memory_space<semaphore_mem>>)
          %dma_wait3A = arith.constant 0 : i32
          %dma_wait3A_404 = arith.constant 0 : i32
          %dma_wait3A_405 = tpu.memref_slice %arg5[%add3A_341, %dma_wait3A, %dma_wait3A_404] : memref<1024x128x112xf32, #tpu.memory_space<hbm>> -> memref<1x128x112xf32, #tpu.memory_space<hbm>>
          %dma_wait3A_406 = tpu.memref_squeeze %dma_wait3A_405 : memref<1x128x112xf32, #tpu.memory_space<hbm>> -> memref<128x112xf32, #tpu.memory_space<hbm>>
          %dma_wait3A_407 = arith.constant 0 : i32
          %dma_wait3A_408 = arith.constant 0 : i32
          %dma_wait3A_409 = tpu.memref_slice %arg5[%add3A_341, %dma_wait3A_407, %dma_wait3A_408] : memref<1024x128x112xf32, #tpu.memory_space<hbm>> -> memref<1x128x112xf32, #tpu.memory_space<hbm>>
          %dma_wait3A_410 = tpu.memref_squeeze %dma_wait3A_409 : memref<1x128x112xf32, #tpu.memory_space<hbm>> -> memref<128x112xf32, #tpu.memory_space<hbm>>
          tpu.wait_dma2 semaphore(%run_scoped3A : memref<!tpu.dma_semaphore, #tpu.memory_space<semaphore_mem>>) src(%arg9 : memref<128x112xf32, #tpu.memory_space<vmem>>) dst(%dma_wait3A_410 : memref<128x112xf32, #tpu.memory_space<hbm>>)
          tpu.yield
        }) : () -> ()
        "tpu.region"() ({
          %run_scoped3A = tpu.sem_alloc : memref<!tpu.dma_semaphore, #tpu.memory_space<semaphore_mem>>
          %dma_start3A = arith.constant 0 : i32
          %dma_start3A_397 = tpu.memref_slice %arg6[%add3A, %scan3A_256, %dma_start3A] : memref<32x32x16xi32, #tpu.memory_space<hbm>> -> memref<1x1x16xi32, #tpu.memory_space<hbm>>
          %dma_start3A_398 = tpu.memref_squeeze %dma_start3A_397 : memref<1x1x16xi32, #tpu.memory_space<hbm>> -> memref<16xi32, #tpu.memory_space<hbm>>
          %dma_start3A_399 = arith.constant 0 : i32
          %dma_start3A_400 = tpu.memref_slice %arg6[%add3A, %scan3A_256, %dma_start3A_399] : memref<32x32x16xi32, #tpu.memory_space<hbm>> -> memref<1x1x16xi32, #tpu.memory_space<hbm>>
          %dma_start3A_401 = tpu.memref_squeeze %dma_start3A_400 : memref<1x1x16xi32, #tpu.memory_space<hbm>> -> memref<16xi32, #tpu.memory_space<hbm>>
          tpu.enqueue_dma source(%arg10 : memref<16xi32, #tpu.memory_space<vmem>>) target(%dma_start3A_401 : memref<16xi32, #tpu.memory_space<hbm>>) target_semaphore(%run_scoped3A : memref<!tpu.dma_semaphore, #tpu.memory_space<semaphore_mem>>)
          %dma_wait3A = arith.constant 0 : i32
          %dma_wait3A_402 = tpu.memref_slice %arg6[%add3A, %scan3A_256, %dma_wait3A] : memref<32x32x16xi32, #tpu.memory_space<hbm>> -> memref<1x1x16xi32, #tpu.memory_space<hbm>>
          %dma_wait3A_403 = tpu.memref_squeeze %dma_wait3A_402 : memref<1x1x16xi32, #tpu.memory_space<hbm>> -> memref<16xi32, #tpu.memory_space<hbm>>
          %dma_wait3A_404 = arith.constant 0 : i32
          %dma_wait3A_405 = tpu.memref_slice %arg6[%add3A, %scan3A_256, %dma_wait3A_404] : memref<32x32x16xi32, #tpu.memory_space<hbm>> -> memref<1x1x16xi32, #tpu.memory_space<hbm>>
          %dma_wait3A_406 = tpu.memref_squeeze %dma_wait3A_405 : memref<1x1x16xi32, #tpu.memory_space<hbm>> -> memref<16xi32, #tpu.memory_space<hbm>>
          tpu.wait_dma2 semaphore(%run_scoped3A : memref<!tpu.dma_semaphore, #tpu.memory_space<semaphore_mem>>) src(%arg10 : memref<16xi32, #tpu.memory_space<vmem>>) dst(%dma_wait3A_406 : memref<16xi32, #tpu.memory_space<hbm>>)
          tpu.yield
        }) : () -> ()
        "tpu.region"() ({
          %run_scoped3A = tpu.sem_alloc : memref<!tpu.dma_semaphore, #tpu.memory_space<semaphore_mem>>
          tpu.enqueue_dma source(%arg4 : memref<128x112xf32, #tpu.memory_space<hbm>>) target(%arg9 : memref<128x112xf32, #tpu.memory_space<vmem>>) target_semaphore(%run_scoped3A : memref<!tpu.dma_semaphore, #tpu.memory_space<semaphore_mem>>)
          tpu.wait_dma2 semaphore(%run_scoped3A : memref<!tpu.dma_semaphore, #tpu.memory_space<semaphore_mem>>) src(%arg4 : memref<128x112xf32, #tpu.memory_space<hbm>>) dst(%arg9 : memref<128x112xf32, #tpu.memory_space<vmem>>)
          tpu.yield
        }) : () -> ()
        %jit3A_342 = arith.constant 128 : i32
        %div3A_343 = arith.divsi %squeeze3A_261, %jit3A_342 : i32
        %sign3A_344 = arith.constant 0 : i32
        %sign3A_345 = arith.cmpi sgt, %squeeze3A_261, %sign3A_344 : i32
        %sign3A_346 = arith.extui %sign3A_345 : i1 to i32
        %sign3A_347 = arith.constant 0 : i32
        %sign3A_348 = arith.cmpi slt, %squeeze3A_261, %sign3A_347 : i32
        %sign3A_349 = arith.extui %sign3A_348 : i1 to i32
        %sign3A_350 = arith.subi %sign3A_346, %sign3A_349 : i32
        %sign3A_351 = arith.constant 0 : i32
        %sign3A_352 = arith.cmpi sgt, %jit3A_342, %sign3A_351 : i32
        %sign3A_353 = arith.extui %sign3A_352 : i1 to i32
        %sign3A_354 = arith.constant 0 : i32
        %sign3A_355 = arith.cmpi slt, %jit3A_342, %sign3A_354 : i32
        %sign3A_356 = arith.extui %sign3A_355 : i1 to i32
        %sign3A_357 = arith.subi %sign3A_353, %sign3A_356 : i32
        %ne3A_358 = arith.cmpi ne, %sign3A_350, %sign3A_357 : i32
        %rem3A_359 = arith.remsi %squeeze3A_261, %jit3A_342 : i32
        %ne3A_360 = arith.constant 0 : i32
        %ne3A_361 = arith.cmpi ne, %rem3A_359, %ne3A_360 : i32
        %and3A_362 = arith.andi %ne3A_358, %ne3A_361 : i1
        %sub3A_363 = arith.constant 1 : i32
        %sub3A_364 = arith.subi %div3A_343, %sub3A_363 : i32
        %select_n3A_365 = arith.select %and3A_362, %sub3A_364, %div3A_343 : i32
        %broadcast_in_dim3A_366 = vector.broadcast %select_n3A_365 : i32 to vector<16xi32>
        %swap3A_367 = arith.constant 0 : index
        %swap3A_368 = tpu.vector_load %arg10[%swap3A_367] {strides = array<i32>} : memref<16xi32, #tpu.memory_space<vmem>>, vector<16xi32>,
        %swap3A_369 = vector.shape_cast %swap3A_368 : vector<16xi32> to vector<16xi32>
        %swap3A_370 = vector.shape_cast %broadcast_in_dim3A_366 : vector<16xi32> to vector<16xi32>
        tpu.vector_store %arg10[%swap3A_367], %swap3A_370 {strides = array<i32>} : memref<16xi32, #tpu.memory_space<vmem>>, vector<16xi32>,
        %jit3A_371 = arith.constant 128 : i32
        %div3A_372 = arith.divsi %squeeze3A_261, %jit3A_371 : i32
        %sign3A_373 = arith.constant 0 : i32
        %sign3A_374 = arith.cmpi sgt, %squeeze3A_261, %sign3A_373 : i32
        %sign3A_375 = arith.extui %sign3A_374 : i1 to i32
        %sign3A_376 = arith.constant 0 : i32
        %sign3A_377 = arith.cmpi slt, %squeeze3A_261, %sign3A_376 : i32
        %sign3A_378 = arith.extui %sign3A_377 : i1 to i32
        %sign3A_379 = arith.subi %sign3A_375, %sign3A_378 : i32
        %sign3A_380 = arith.constant 0 : i32
        %sign3A_381 = arith.cmpi sgt, %jit3A_371, %sign3A_380 : i32
        %sign3A_382 = arith.extui %sign3A_381 : i1 to i32
        %sign3A_383 = arith.constant 0 : i32
        %sign3A_384 = arith.cmpi slt, %jit3A_371, %sign3A_383 : i32
        %sign3A_385 = arith.extui %sign3A_384 : i1 to i32
        %sign3A_386 = arith.subi %sign3A_382, %sign3A_385 : i32
        %ne3A_387 = arith.cmpi ne, %sign3A_379, %sign3A_386 : i32
        %rem3A_388 = arith.remsi %squeeze3A_261, %jit3A_371 : i32
        %ne3A_389 = arith.constant 0 : i32
        %ne3A_390 = arith.cmpi ne, %rem3A_388, %ne3A_389 : i32
        %and3A_391 = arith.andi %ne3A_387, %ne3A_390 : i1
        %sub3A_392 = arith.constant 1 : i32
        %sub3A_393 = arith.subi %div3A_372, %sub3A_392 : i32
        %select_n3A_394 = arith.select %and3A_391, %sub3A_393, %div3A_372 : i32
        %add3A_395 = arith.constant 1 : i32
        %add3A_396 = arith.addi %scan3A_256, %add3A_395 : i32
        scf.yield %select_n3A_394, %add3A_396 : i32, i32
      } else {
        scf.yield %scan3A_255, %scan3A_256 : i32, i32
      }
      %mul3A_273 = arith.constant 128 : i32
      %mul3A_274 = arith.muli %cond3A_272#0, %mul3A_273 : i32
      %sub3A_275 = arith.subi %squeeze3A_261, %mul3A_274 : i32
      %get3A_276 = arith.index_cast %scan3A_254 : i32 to index
      %get3A_277 = arith.constant 0 : index
      %get3A_278 = tpu.vector_load %arg7[%get3A_276, %get3A_277] {strides = array<i32>} : memref<632x112xf32, #tpu.memory_space<vmem>>, vector<1x16xf32>,
      %get3A_279 = vector.shape_cast %get3A_278 : vector<1x16xf32> to vector<16xf32>
      %swap3A_280 = arith.index_cast %sub3A_275 : i32 to index
      %swap3A_281 = arith.constant 0 : index
      %swap3A_282 = tpu.vector_load %arg9[%swap3A_280, %swap3A_281] {strides = array<i32>} : memref<128x112xf32, #tpu.memory_space<vmem>>, vector<1x16xf32>,
      %swap3A_283 = vector.shape_cast %swap3A_282 : vector<1x16xf32> to vector<16xf32>
      %swap3A_284 = vector.shape_cast %get3A_279 : vector<16xf32> to vector<1x16xf32>
      tpu.vector_store %arg9[%swap3A_280, %swap3A_281], %swap3A_284 {add = true, strides = array<i32>} : memref<128x112xf32, #tpu.memory_space<vmem>>, vector<1x16xf32>,
      %get3A_285 = arith.index_cast %scan3A_254 : i32 to index
      %get3A_286 = arith.constant 16 : index
      %get3A_287 = tpu.vector_load %arg7[%get3A_285, %get3A_286] {strides = array<i32>} : memref<632x112xf32, #tpu.memory_space<vmem>>, vector<1x16xf32>,
      %get3A_288 = vector.shape_cast %get3A_287 : vector<1x16xf32> to vector<16xf32>
      %swap3A_289 = arith.index_cast %sub3A_275 : i32 to index
      %swap3A_290 = arith.constant 16 : index
      %swap3A_291 = tpu.vector_load %arg9[%swap3A_289, %swap3A_290] {strides = array<i32>} : memref<128x112xf32, #tpu.memory_space<vmem>>, vector<1x16xf32>,
      %swap3A_292 = vector.shape_cast %swap3A_291 : vector<1x16xf32> to vector<16xf32>
      %swap3A_293 = vector.shape_cast %get3A_288 : vector<16xf32> to vector<1x16xf32>
      tpu.vector_store %arg9[%swap3A_289, %swap3A_290], %swap3A_293 {add = true, strides = array<i32>} : memref<128x112xf32, #tpu.memory_space<vmem>>, vector<1x16xf32>,
      %get3A_294 = arith.index_cast %scan3A_254 : i32 to index
      %get3A_295 = arith.constant 32 : index
      %get3A_296 = tpu.vector_load %arg7[%get3A_294, %get3A_295] {strides = array<i32>} : memref<632x112xf32, #tpu.memory_space<vmem>>, vector<1x16xf32>,
      %get3A_297 = vector.shape_cast %get3A_296 : vector<1x16xf32> to vector<16xf32>
      %swap3A_298 = arith.index_cast %sub3A_275 : i32 to index
      %swap3A_299 = arith.constant 32 : index
      %swap3A_300 = tpu.vector_load %arg9[%swap3A_298, %swap3A_299] {strides = array<i32>} : memref<128x112xf32, #tpu.memory_space<vmem>>, vector<1x16xf32>,
      %swap3A_301 = vector.shape_cast %swap3A_300 : vector<1x16xf32> to vector<16xf32>
      %swap3A_302 = vector.shape_cast %get3A_297 : vector<16xf32> to vector<1x16xf32>
      tpu.vector_store %arg9[%swap3A_298, %swap3A_299], %swap3A_302 {add = true, strides = array<i32>} : memref<128x112xf32, #tpu.memory_space<vmem>>, vector<1x16xf32>,
      %get3A_303 = arith.index_cast %scan3A_254 : i32 to index
      %get3A_304 = arith.constant 48 : index
      %get3A_305 = tpu.vector_load %arg7[%get3A_303, %get3A_304] {strides = array<i32>} : memref<632x112xf32, #tpu.memory_space<vmem>>, vector<1x16xf32>,
      %get3A_306 = vector.shape_cast %get3A_305 : vector<1x16xf32> to vector<16xf32>
      %swap3A_307 = arith.index_cast %sub3A_275 : i32 to index
      %swap3A_308 = arith.constant 48 : index
      %swap3A_309 = tpu.vector_load %arg9[%swap3A_307, %swap3A_308] {strides = array<i32>} : memref<128x112xf32, #tpu.memory_space<vmem>>, vector<1x16xf32>,
      %swap3A_310 = vector.shape_cast %swap3A_309 : vector<1x16xf32> to vector<16xf32>
      %swap3A_311 = vector.shape_cast %get3A_306 : vector<16xf32> to vector<1x16xf32>
      tpu.vector_store %arg9[%swap3A_307, %swap3A_308], %swap3A_311 {add = true, strides = array<i32>} : memref<128x112xf32, #tpu.memory_space<vmem>>, vector<1x16xf32>,
      %get3A_312 = arith.index_cast %scan3A_254 : i32 to index
      %get3A_313 = arith.constant 64 : index
      %get3A_314 = tpu.vector_load %arg7[%get3A_312, %get3A_313] {strides = array<i32>} : memref<632x112xf32, #tpu.memory_space<vmem>>, vector<1x16xf32>,
      %get3A_315 = vector.shape_cast %get3A_314 : vector<1x16xf32> to vector<16xf32>
      %swap3A_316 = arith.index_cast %sub3A_275 : i32 to index
      %swap3A_317 = arith.constant 64 : index
      %swap3A_318 = tpu.vector_load %arg9[%swap3A_316, %swap3A_317] {strides = array<i32>} : memref<128x112xf32, #tpu.memory_space<vmem>>, vector<1x16xf32>,
      %swap3A_319 = vector.shape_cast %swap3A_318 : vector<1x16xf32> to vector<16xf32>
      %swap3A_320 = vector.shape_cast %get3A_315 : vector<16xf32> to vector<1x16xf32>
      tpu.vector_store %arg9[%swap3A_316, %swap3A_317], %swap3A_320 {add = true, strides = array<i32>} : memref<128x112xf32, #tpu.memory_space<vmem>>, vector<1x16xf32>,
      %get3A_321 = arith.index_cast %scan3A_254 : i32 to index
      %get3A_322 = arith.constant 80 : index
      %get3A_323 = tpu.vector_load %arg7[%get3A_321, %get3A_322] {strides = array<i32>} : memref<632x112xf32, #tpu.memory_space<vmem>>, vector<1x16xf32>,
      %get3A_324 = vector.shape_cast %get3A_323 : vector<1x16xf32> to vector<16xf32>
      %swap3A_325 = arith.index_cast %sub3A_275 : i32 to index
      %swap3A_326 = arith.constant 80 : index
      %swap3A_327 = tpu.vector_load %arg9[%swap3A_325, %swap3A_326] {strides = array<i32>} : memref<128x112xf32, #tpu.memory_space<vmem>>, vector<1x16xf32>,
      %swap3A_328 = vector.shape_cast %swap3A_327 : vector<1x16xf32> to vector<16xf32>
      %swap3A_329 = vector.shape_cast %get3A_324 : vector<16xf32> to vector<1x16xf32>
      tpu.vector_store %arg9[%swap3A_325, %swap3A_326], %swap3A_329 {add = true, strides = array<i32>} : memref<128x112xf32, #tpu.memory_space<vmem>>, vector<1x16xf32>,
      %get3A_330 = arith.index_cast %scan3A_254 : i32 to index
      %get3A_331 = arith.constant 96 : index
      %get3A_332 = tpu.vector_load %arg7[%get3A_330, %get3A_331] {strides = array<i32>} : memref<632x112xf32, #tpu.memory_space<vmem>>, vector<1x16xf32>,
      %get3A_333 = vector.shape_cast %get3A_332 : vector<1x16xf32> to vector<16xf32>
      %swap3A_334 = arith.index_cast %sub3A_275 : i32 to index
      %swap3A_335 = arith.constant 96 : index
      %swap3A_336 = tpu.vector_load %arg9[%swap3A_334, %swap3A_335] {strides = array<i32>} : memref<128x112xf32, #tpu.memory_space<vmem>>, vector<1x16xf32>,
      %swap3A_337 = vector.shape_cast %swap3A_336 : vector<1x16xf32> to vector<16xf32>
      %swap3A_338 = vector.shape_cast %get3A_333 : vector<16xf32> to vector<1x16xf32>
      tpu.vector_store %arg9[%swap3A_334, %swap3A_335], %swap3A_338 {add = true, strides = array<i32>} : memref<128x112xf32, #tpu.memory_space<vmem>>, vector<1x16xf32>,
      scf.yield %cond3A_272#0, %cond3A_272#1 : i32, i32
    }
    %scan3A_87 = arith.constant 632 : i32
    %mul3A_88 = arith.constant 32 : i32
    %mul3A_89 = arith.muli %add3A, %mul3A_88 : i32
    %add3A_90 = arith.addi %mul3A_89, %scan3A_86#1 : i32
    "tpu.region"() ({
      %run_scoped3A = tpu.sem_alloc : memref<!tpu.dma_semaphore, #tpu.memory_space<semaphore_mem>>
      %dma_start3A = arith.constant 0 : i32
      %dma_start3A_254 = arith.constant 0 : i32
      %dma_start3A_255 = tpu.memref_slice %arg5[%add3A_90, %dma_start3A, %dma_start3A_254] : memref<1024x128x112xf32, #tpu.memory_space<hbm>> -> memref<1x128x112xf32, #tpu.memory_space<hbm>>
      %dma_start3A_256 = tpu.memref_squeeze %dma_start3A_255 : memref<1x128x112xf32, #tpu.memory_space<hbm>> -> memref<128x112xf32, #tpu.memory_space<hbm>>
      %dma_start3A_257 = arith.constant 0 : i32
      %dma_start3A_258 = arith.constant 0 : i32
      %dma_start3A_259 = tpu.memref_slice %arg5[%add3A_90, %dma_start3A_257, %dma_start3A_258] : memref<1024x128x112xf32, #tpu.memory_space<hbm>> -> memref<1x128x112xf32, #tpu.memory_space<hbm>>
      %dma_start3A_260 = tpu.memref_squeeze %dma_start3A_259 : memref<1x128x112xf32, #tpu.memory_space<hbm>> -> memref<128x112xf32, #tpu.memory_space<hbm>>
      tpu.enqueue_dma source(%arg9 : memref<128x112xf32, #tpu.memory_space<vmem>>) target(%dma_start3A_260 : memref<128x112xf32, #tpu.memory_space<hbm>>) target_semaphore(%run_scoped3A : memref<!tpu.dma_semaphore, #tpu.memory_space<semaphore_mem>>)
      %dma_wait3A = arith.constant 0 : i32
      %dma_wait3A_261 = arith.constant 0 : i32
      %dma_wait3A_262 = tpu.memref_slice %arg5[%add3A_90, %dma_wait3A, %dma_wait3A_261] : memref<1024x128x112xf32, #tpu.memory_space<hbm>> -> memref<1x128x112xf32, #tpu.memory_space<hbm>>
      %dma_wait3A_263 = tpu.memref_squeeze %dma_wait3A_262 : memref<1x128x112xf32, #tpu.memory_space<hbm>> -> memref<128x112xf32, #tpu.memory_space<hbm>>
      %dma_wait3A_264 = arith.constant 0 : i32
      %dma_wait3A_265 = arith.constant 0 : i32
      %dma_wait3A_266 = tpu.memref_slice %arg5[%add3A_90, %dma_wait3A_264, %dma_wait3A_265] : memref<1024x128x112xf32, #tpu.memory_space<hbm>> -> memref<1x128x112xf32, #tpu.memory_space<hbm>>
      %dma_wait3A_267 = tpu.memref_squeeze %dma_wait3A_266 : memref<1x128x112xf32, #tpu.memory_space<hbm>> -> memref<128x112xf32, #tpu.memory_space<hbm>>
      tpu.wait_dma2 semaphore(%run_scoped3A : memref<!tpu.dma_semaphore, #tpu.memory_space<semaphore_mem>>) src(%arg9 : memref<128x112xf32, #tpu.memory_space<vmem>>) dst(%dma_wait3A_267 : memref<128x112xf32, #tpu.memory_space<hbm>>)
      tpu.yield
    }) : () -> ()
    "tpu.region"() ({
      %run_scoped3A = tpu.sem_alloc : memref<!tpu.dma_semaphore, #tpu.memory_space<semaphore_mem>>
      %dma_start3A = arith.constant 0 : i32
      %dma_start3A_254 = tpu.memref_slice %arg6[%add3A, %scan3A_86#1, %dma_start3A] : memref<32x32x16xi32, #tpu.memory_space<hbm>> -> memref<1x1x16xi32, #tpu.memory_space<hbm>>
      %dma_start3A_255 = tpu.memref_squeeze %dma_start3A_254 : memref<1x1x16xi32, #tpu.memory_space<hbm>> -> memref<16xi32, #tpu.memory_space<hbm>>
      %dma_start3A_256 = arith.constant 0 : i32
      %dma_start3A_257 = tpu.memref_slice %arg6[%add3A, %scan3A_86#1, %dma_start3A_256] : memref<32x32x16xi32, #tpu.memory_space<hbm>> -> memref<1x1x16xi32, #tpu.memory_space<hbm>>
      %dma_start3A_258 = tpu.memref_squeeze %dma_start3A_257 : memref<1x1x16xi32, #tpu.memory_space<hbm>> -> memref<16xi32, #tpu.memory_space<hbm>>
      tpu.enqueue_dma source(%arg10 : memref<16xi32, #tpu.memory_space<vmem>>) target(%dma_start3A_258 : memref<16xi32, #tpu.memory_space<hbm>>) target_semaphore(%run_scoped3A : memref<!tpu.dma_semaphore, #tpu.memory_space<semaphore_mem>>)
      %dma_wait3A = arith.constant 0 : i32
      %dma_wait3A_259 = tpu.memref_slice %arg6[%add3A, %scan3A_86#1, %dma_wait3A] : memref<32x32x16xi32, #tpu.memory_space<hbm>> -> memref<1x1x16xi32, #tpu.memory_space<hbm>>
      %dma_wait3A_260 = tpu.memref_squeeze %dma_wait3A_259 : memref<1x1x16xi32, #tpu.memory_space<hbm>> -> memref<16xi32, #tpu.memory_space<hbm>>
      %dma_wait3A_261 = arith.constant 0 : i32
      %dma_wait3A_262 = tpu.memref_slice %arg6[%add3A, %scan3A_86#1, %dma_wait3A_261] : memref<32x32x16xi32, #tpu.memory_space<hbm>> -> memref<1x1x16xi32, #tpu.memory_space<hbm>>
      %dma_wait3A_263 = tpu.memref_squeeze %dma_wait3A_262 : memref<1x1x16xi32, #tpu.memory_space<hbm>> -> memref<16xi32, #tpu.memory_space<hbm>>
      tpu.wait_dma2 semaphore(%run_scoped3A : memref<!tpu.dma_semaphore, #tpu.memory_space<semaphore_mem>>) src(%arg10 : memref<16xi32, #tpu.memory_space<vmem>>) dst(%dma_wait3A_263 : memref<16xi32, #tpu.memory_space<hbm>>)
      tpu.yield
    }) : () -> ()
    %broadcast_in_dim3A_91 = arith.constant 8 : i32
    %broadcast_in_dim3A_92 = vector.broadcast %broadcast_in_dim3A_91 : i32 to vector<16xi32>
    %swap3A_93 = arith.constant 0 : index
    %swap3A_94 = tpu.vector_load %arg10[%swap3A_93] {strides = array<i32>} : memref<16xi32, #tpu.memory_space<vmem>>, vector<16xi32>,
    %swap3A_95 = vector.shape_cast %swap3A_94 : vector<16xi32> to vector<16xi32>
    %swap3A_96 = vector.shape_cast %broadcast_in_dim3A_92 : vector<16xi32> to vector<16xi32>
    tpu.vector_store %arg10[%swap3A_93], %swap3A_96 {strides = array<i32>} : memref<16xi32, #tpu.memory_space<vmem>>, vector<16xi32>,
    %lt3A = arith.constant 0 : i32
    %lt3A_97 = arith.cmpi slt, %scan3A_86#1, %lt3A : i32
    %convert_element_type3A = arith.extui %lt3A_97 : i1 to i32
    %cond3A = arith.constant 0 : i32
    %cond3A_98 = arith.cmpi ne, %convert_element_type3A, %cond3A : i32
    scf.if %cond3A_98 {
      %run_scoped3A = arith.constant 0 : i32
      "tpu.region"() ({
        %run_scoped3A_254 = tpu.sem_alloc : memref<!tpu.dma_semaphore, #tpu.memory_space<semaphore_mem>>
        %dma_start3A = arith.constant 0 : i32
        %dma_start3A_255 = tpu.memref_slice %arg6[%add3A, %run_scoped3A, %dma_start3A] : memref<32x32x16xi32, #tpu.memory_space<hbm>> -> memref<1x1x16xi32, #tpu.memory_space<hbm>>
        %dma_start3A_256 = tpu.memref_squeeze %dma_start3A_255 : memref<1x1x16xi32, #tpu.memory_space<hbm>> -> memref<16xi32, #tpu.memory_space<hbm>>
        %dma_start3A_257 = arith.constant 0 : i32
        %dma_start3A_258 = tpu.memref_slice %arg6[%add3A, %run_scoped3A, %dma_start3A_257] : memref<32x32x16xi32, #tpu.memory_space<hbm>> -> memref<1x1x16xi32, #tpu.memory_space<hbm>>
        %dma_start3A_259 = tpu.memref_squeeze %dma_start3A_258 : memref<1x1x16xi32, #tpu.memory_space<hbm>> -> memref<16xi32, #tpu.memory_space<hbm>>
        tpu.enqueue_dma source(%arg10 : memref<16xi32, #tpu.memory_space<vmem>>) target(%dma_start3A_259 : memref<16xi32, #tpu.memory_space<hbm>>) target_semaphore(%run_scoped3A_254 : memref<!tpu.dma_semaphore, #tpu.memory_space<semaphore_mem>>)
        %dma_wait3A = arith.constant 0 : i32
        %dma_wait3A_260 = tpu.memref_slice %arg6[%add3A, %run_scoped3A, %dma_wait3A] : memref<32x32x16xi32, #tpu.memory_space<hbm>> -> memref<1x1x16xi32, #tpu.memory_space<hbm>>
        %dma_wait3A_261 = tpu.memref_squeeze %dma_wait3A_260 : memref<1x1x16xi32, #tpu.memory_space<hbm>> -> memref<16xi32, #tpu.memory_space<hbm>>
        %dma_wait3A_262 = arith.constant 0 : i32
        %dma_wait3A_263 = tpu.memref_slice %arg6[%add3A, %run_scoped3A, %dma_wait3A_262] : memref<32x32x16xi32, #tpu.memory_space<hbm>> -> memref<1x1x16xi32, #tpu.memory_space<hbm>>
        %dma_wait3A_264 = tpu.memref_squeeze %dma_wait3A_263 : memref<1x1x16xi32, #tpu.memory_space<hbm>> -> memref<16xi32, #tpu.memory_space<hbm>>
        tpu.wait_dma2 semaphore(%run_scoped3A_254 : memref<!tpu.dma_semaphore, #tpu.memory_space<semaphore_mem>>) src(%arg10 : memref<16xi32, #tpu.memory_space<vmem>>) dst(%dma_wait3A_264 : memref<16xi32, #tpu.memory_space<hbm>>)
        tpu.yield
      }) : () -> ()
    } else {
    }
    %lt3A_99 = arith.constant 1 : i32
    %lt3A_100 = arith.cmpi slt, %scan3A_86#1, %lt3A_99 : i32
    %convert_element_type3A_101 = arith.extui %lt3A_100 : i1 to i32
    %cond3A_102 = arith.constant 0 : i32
    %cond3A_103 = arith.cmpi ne, %convert_element_type3A_101, %cond3A_102 : i32
    scf.if %cond3A_103 {
      %run_scoped3A = arith.constant 1 : i32
      "tpu.region"() ({
        %run_scoped3A_254 = tpu.sem_alloc : memref<!tpu.dma_semaphore, #tpu.memory_space<semaphore_mem>>
        %dma_start3A = arith.constant 0 : i32
        %dma_start3A_255 = tpu.memref_slice %arg6[%add3A, %run_scoped3A, %dma_start3A] : memref<32x32x16xi32, #tpu.memory_space<hbm>> -> memref<1x1x16xi32, #tpu.memory_space<hbm>>
        %dma_start3A_256 = tpu.memref_squeeze %dma_start3A_255 : memref<1x1x16xi32, #tpu.memory_space<hbm>> -> memref<16xi32, #tpu.memory_space<hbm>>
        %dma_start3A_257 = arith.constant 0 : i32
        %dma_start3A_258 = tpu.memref_slice %arg6[%add3A, %run_scoped3A, %dma_start3A_257] : memref<32x32x16xi32, #tpu.memory_space<hbm>> -> memref<1x1x16xi32, #tpu.memory_space<hbm>>
        %dma_start3A_259 = tpu.memref_squeeze %dma_start3A_258 : memref<1x1x16xi32, #tpu.memory_space<hbm>> -> memref<16xi32, #tpu.memory_space<hbm>>
        tpu.enqueue_dma source(%arg10 : memref<16xi32, #tpu.memory_space<vmem>>) target(%dma_start3A_259 : memref<16xi32, #tpu.memory_space<hbm>>) target_semaphore(%run_scoped3A_254 : memref<!tpu.dma_semaphore, #tpu.memory_space<semaphore_mem>>)
        %dma_wait3A = arith.constant 0 : i32
        %dma_wait3A_260 = tpu.memref_slice %arg6[%add3A, %run_scoped3A, %dma_wait3A] : memref<32x32x16xi32, #tpu.memory_space<hbm>> -> memref<1x1x16xi32, #tpu.memory_space<hbm>>
        %dma_wait3A_261 = tpu.memref_squeeze %dma_wait3A_260 : memref<1x1x16xi32, #tpu.memory_space<hbm>> -> memref<16xi32, #tpu.memory_space<hbm>>
        %dma_wait3A_262 = arith.constant 0 : i32
        %dma_wait3A_263 = tpu.memref_slice %arg6[%add3A, %run_scoped3A, %dma_wait3A_262] : memref<32x32x16xi32, #tpu.memory_space<hbm>> -> memref<1x1x16xi32, #tpu.memory_space<hbm>>
        %dma_wait3A_264 = tpu.memref_squeeze %dma_wait3A_263 : memref<1x1x16xi32, #tpu.memory_space<hbm>> -> memref<16xi32, #tpu.memory_space<hbm>>
        tpu.wait_dma2 semaphore(%run_scoped3A_254 : memref<!tpu.dma_semaphore, #tpu.memory_space<semaphore_mem>>) src(%arg10 : memref<16xi32, #tpu.memory_space<vmem>>) dst(%dma_wait3A_264 : memref<16xi32, #tpu.memory_space<hbm>>)
        tpu.yield
      }) : () -> ()
    } else {
    }
    %lt3A_104 = arith.constant 2 : i32
    %lt3A_105 = arith.cmpi slt, %scan3A_86#1, %lt3A_104 : i32
    %convert_element_type3A_106 = arith.extui %lt3A_105 : i1 to i32
    %cond3A_107 = arith.constant 0 : i32
    %cond3A_108 = arith.cmpi ne, %convert_element_type3A_106, %cond3A_107 : i32
    scf.if %cond3A_108 {
      %run_scoped3A = arith.constant 2 : i32
      "tpu.region"() ({
        %run_scoped3A_254 = tpu.sem_alloc : memref<!tpu.dma_semaphore, #tpu.memory_space<semaphore_mem>>
        %dma_start3A = arith.constant 0 : i32
        %dma_start3A_255 = tpu.memref_slice %arg6[%add3A, %run_scoped3A, %dma_start3A] : memref<32x32x16xi32, #tpu.memory_space<hbm>> -> memref<1x1x16xi32, #tpu.memory_space<hbm>>
        %dma_start3A_256 = tpu.memref_squeeze %dma_start3A_255 : memref<1x1x16xi32, #tpu.memory_space<hbm>> -> memref<16xi32, #tpu.memory_space<hbm>>
        %dma_start3A_257 = arith.constant 0 : i32
        %dma_start3A_258 = tpu.memref_slice %arg6[%add3A, %run_scoped3A, %dma_start3A_257] : memref<32x32x16xi32, #tpu.memory_space<hbm>> -> memref<1x1x16xi32, #tpu.memory_space<hbm>>
        %dma_start3A_259 = tpu.memref_squeeze %dma_start3A_258 : memref<1x1x16xi32, #tpu.memory_space<hbm>> -> memref<16xi32, #tpu.memory_space<hbm>>
        tpu.enqueue_dma source(%arg10 : memref<16xi32, #tpu.memory_space<vmem>>) target(%dma_start3A_259 : memref<16xi32, #tpu.memory_space<hbm>>) target_semaphore(%run_scoped3A_254 : memref<!tpu.dma_semaphore, #tpu.memory_space<semaphore_mem>>)
        %dma_wait3A = arith.constant 0 : i32
        %dma_wait3A_260 = tpu.memref_slice %arg6[%add3A, %run_scoped3A, %dma_wait3A] : memref<32x32x16xi32, #tpu.memory_space<hbm>> -> memref<1x1x16xi32, #tpu.memory_space<hbm>>
        %dma_wait3A_261 = tpu.memref_squeeze %dma_wait3A_260 : memref<1x1x16xi32, #tpu.memory_space<hbm>> -> memref<16xi32, #tpu.memory_space<hbm>>
        %dma_wait3A_262 = arith.constant 0 : i32
        %dma_wait3A_263 = tpu.memref_slice %arg6[%add3A, %run_scoped3A, %dma_wait3A_262] : memref<32x32x16xi32, #tpu.memory_space<hbm>> -> memref<1x1x16xi32, #tpu.memory_space<hbm>>
        %dma_wait3A_264 = tpu.memref_squeeze %dma_wait3A_263 : memref<1x1x16xi32, #tpu.memory_space<hbm>> -> memref<16xi32, #tpu.memory_space<hbm>>
        tpu.wait_dma2 semaphore(%run_scoped3A_254 : memref<!tpu.dma_semaphore, #tpu.memory_space<semaphore_mem>>) src(%arg10 : memref<16xi32, #tpu.memory_space<vmem>>) dst(%dma_wait3A_264 : memref<16xi32, #tpu.memory_space<hbm>>)
        tpu.yield
      }) : () -> ()
    } else {
    }
    %lt3A_109 = arith.constant 3 : i32
    %lt3A_110 = arith.cmpi slt, %scan3A_86#1, %lt3A_109 : i32
    %convert_element_type3A_111 = arith.extui %lt3A_110 : i1 to i32
    %cond3A_112 = arith.constant 0 : i32
    %cond3A_113 = arith.cmpi ne, %convert_element_type3A_111, %cond3A_112 : i32
    scf.if %cond3A_113 {
      %run_scoped3A = arith.constant 3 : i32
      "tpu.region"() ({
        %run_scoped3A_254 = tpu.sem_alloc : memref<!tpu.dma_semaphore, #tpu.memory_space<semaphore_mem>>
        %dma_start3A = arith.constant 0 : i32
        %dma_start3A_255 = tpu.memref_slice %arg6[%add3A, %run_scoped3A, %dma_start3A] : memref<32x32x16xi32, #tpu.memory_space<hbm>> -> memref<1x1x16xi32, #tpu.memory_space<hbm>>
        %dma_start3A_256 = tpu.memref_squeeze %dma_start3A_255 : memref<1x1x16xi32, #tpu.memory_space<hbm>> -> memref<16xi32, #tpu.memory_space<hbm>>
        %dma_start3A_257 = arith.constant 0 : i32
        %dma_start3A_258 = tpu.memref_slice %arg6[%add3A, %run_scoped3A, %dma_start3A_257] : memref<32x32x16xi32, #tpu.memory_space<hbm>> -> memref<1x1x16xi32, #tpu.memory_space<hbm>>
        %dma_start3A_259 = tpu.memref_squeeze %dma_start3A_258 : memref<1x1x16xi32, #tpu.memory_space<hbm>> -> memref<16xi32, #tpu.memory_space<hbm>>
        tpu.enqueue_dma source(%arg10 : memref<16xi32, #tpu.memory_space<vmem>>) target(%dma_start3A_259 : memref<16xi32, #tpu.memory_space<hbm>>) target_semaphore(%run_scoped3A_254 : memref<!tpu.dma_semaphore, #tpu.memory_space<semaphore_mem>>)
        %dma_wait3A = arith.constant 0 : i32
        %dma_wait3A_260 = tpu.memref_slice %arg6[%add3A, %run_scoped3A, %dma_wait3A] : memref<32x32x16xi32, #tpu.memory_space<hbm>> -> memref<1x1x16xi32, #tpu.memory_space<hbm>>
        %dma_wait3A_261 = tpu.memref_squeeze %dma_wait3A_260 : memref<1x1x16xi32, #tpu.memory_space<hbm>> -> memref<16xi32, #tpu.memory_space<hbm>>
        %dma_wait3A_262 = arith.constant 0 : i32
        %dma_wait3A_263 = tpu.memref_slice %arg6[%add3A, %run_scoped3A, %dma_wait3A_262] : memref<32x32x16xi32, #tpu.memory_space<hbm>> -> memref<1x1x16xi32, #tpu.memory_space<hbm>>
        %dma_wait3A_264 = tpu.memref_squeeze %dma_wait3A_263 : memref<1x1x16xi32, #tpu.memory_space<hbm>> -> memref<16xi32, #tpu.memory_space<hbm>>
        tpu.wait_dma2 semaphore(%run_scoped3A_254 : memref<!tpu.dma_semaphore, #tpu.memory_space<semaphore_mem>>) src(%arg10 : memref<16xi32, #tpu.memory_space<vmem>>) dst(%dma_wait3A_264 : memref<16xi32, #tpu.memory_space<hbm>>)
        tpu.yield
      }) : () -> ()
    } else {
    }
    %lt3A_114 = arith.constant 4 : i32
    %lt3A_115 = arith.cmpi slt, %scan3A_86#1, %lt3A_114 : i32
    %convert_element_type3A_116 = arith.extui %lt3A_115 : i1 to i32
    %cond3A_117 = arith.constant 0 : i32
    %cond3A_118 = arith.cmpi ne, %convert_element_type3A_116, %cond3A_117 : i32
    scf.if %cond3A_118 {
      %run_scoped3A = arith.constant 4 : i32
      "tpu.region"() ({
        %run_scoped3A_254 = tpu.sem_alloc : memref<!tpu.dma_semaphore, #tpu.memory_space<semaphore_mem>>
        %dma_start3A = arith.constant 0 : i32
        %dma_start3A_255 = tpu.memref_slice %arg6[%add3A, %run_scoped3A, %dma_start3A] : memref<32x32x16xi32, #tpu.memory_space<hbm>> -> memref<1x1x16xi32, #tpu.memory_space<hbm>>
        %dma_start3A_256 = tpu.memref_squeeze %dma_start3A_255 : memref<1x1x16xi32, #tpu.memory_space<hbm>> -> memref<16xi32, #tpu.memory_space<hbm>>
        %dma_start3A_257 = arith.constant 0 : i32
        %dma_start3A_258 = tpu.memref_slice %arg6[%add3A, %run_scoped3A, %dma_start3A_257] : memref<32x32x16xi32, #tpu.memory_space<hbm>> -> memref<1x1x16xi32, #tpu.memory_space<hbm>>
        %dma_start3A_259 = tpu.memref_squeeze %dma_start3A_258 : memref<1x1x16xi32, #tpu.memory_space<hbm>> -> memref<16xi32, #tpu.memory_space<hbm>>
        tpu.enqueue_dma source(%arg10 : memref<16xi32, #tpu.memory_space<vmem>>) target(%dma_start3A_259 : memref<16xi32, #tpu.memory_space<hbm>>) target_semaphore(%run_scoped3A_254 : memref<!tpu.dma_semaphore, #tpu.memory_space<semaphore_mem>>)
        %dma_wait3A = arith.constant 0 : i32
        %dma_wait3A_260 = tpu.memref_slice %arg6[%add3A, %run_scoped3A, %dma_wait3A] : memref<32x32x16xi32, #tpu.memory_space<hbm>> -> memref<1x1x16xi32, #tpu.memory_space<hbm>>
        %dma_wait3A_261 = tpu.memref_squeeze %dma_wait3A_260 : memref<1x1x16xi32, #tpu.memory_space<hbm>> -> memref<16xi32, #tpu.memory_space<hbm>>
        %dma_wait3A_262 = arith.constant 0 : i32
        %dma_wait3A_263 = tpu.memref_slice %arg6[%add3A, %run_scoped3A, %dma_wait3A_262] : memref<32x32x16xi32, #tpu.memory_space<hbm>> -> memref<1x1x16xi32, #tpu.memory_space<hbm>>
        %dma_wait3A_264 = tpu.memref_squeeze %dma_wait3A_263 : memref<1x1x16xi32, #tpu.memory_space<hbm>> -> memref<16xi32, #tpu.memory_space<hbm>>
        tpu.wait_dma2 semaphore(%run_scoped3A_254 : memref<!tpu.dma_semaphore, #tpu.memory_space<semaphore_mem>>) src(%arg10 : memref<16xi32, #tpu.memory_space<vmem>>) dst(%dma_wait3A_264 : memref<16xi32, #tpu.memory_space<hbm>>)
        tpu.yield
      }) : () -> ()
    } else {
    }
    %lt3A_119 = arith.constant 5 : i32
    %lt3A_120 = arith.cmpi slt, %scan3A_86#1, %lt3A_119 : i32
    %convert_element_type3A_121 = arith.extui %lt3A_120 : i1 to i32
    %cond3A_122 = arith.constant 0 : i32
    %cond3A_123 = arith.cmpi ne, %convert_element_type3A_121, %cond3A_122 : i32
    scf.if %cond3A_123 {
      %run_scoped3A = arith.constant 5 : i32
      "tpu.region"() ({
        %run_scoped3A_254 = tpu.sem_alloc : memref<!tpu.dma_semaphore, #tpu.memory_space<semaphore_mem>>
        %dma_start3A = arith.constant 0 : i32
        %dma_start3A_255 = tpu.memref_slice %arg6[%add3A, %run_scoped3A, %dma_start3A] : memref<32x32x16xi32, #tpu.memory_space<hbm>> -> memref<1x1x16xi32, #tpu.memory_space<hbm>>
        %dma_start3A_256 = tpu.memref_squeeze %dma_start3A_255 : memref<1x1x16xi32, #tpu.memory_space<hbm>> -> memref<16xi32, #tpu.memory_space<hbm>>
        %dma_start3A_257 = arith.constant 0 : i32
        %dma_start3A_258 = tpu.memref_slice %arg6[%add3A, %run_scoped3A, %dma_start3A_257] : memref<32x32x16xi32, #tpu.memory_space<hbm>> -> memref<1x1x16xi32, #tpu.memory_space<hbm>>
        %dma_start3A_259 = tpu.memref_squeeze %dma_start3A_258 : memref<1x1x16xi32, #tpu.memory_space<hbm>> -> memref<16xi32, #tpu.memory_space<hbm>>
        tpu.enqueue_dma source(%arg10 : memref<16xi32, #tpu.memory_space<vmem>>) target(%dma_start3A_259 : memref<16xi32, #tpu.memory_space<hbm>>) target_semaphore(%run_scoped3A_254 : memref<!tpu.dma_semaphore, #tpu.memory_space<semaphore_mem>>)
        %dma_wait3A = arith.constant 0 : i32
        %dma_wait3A_260 = tpu.memref_slice %arg6[%add3A, %run_scoped3A, %dma_wait3A] : memref<32x32x16xi32, #tpu.memory_space<hbm>> -> memref<1x1x16xi32, #tpu.memory_space<hbm>>
        %dma_wait3A_261 = tpu.memref_squeeze %dma_wait3A_260 : memref<1x1x16xi32, #tpu.memory_space<hbm>> -> memref<16xi32, #tpu.memory_space<hbm>>
        %dma_wait3A_262 = arith.constant 0 : i32
        %dma_wait3A_263 = tpu.memref_slice %arg6[%add3A, %run_scoped3A, %dma_wait3A_262] : memref<32x32x16xi32, #tpu.memory_space<hbm>> -> memref<1x1x16xi32, #tpu.memory_space<hbm>>
        %dma_wait3A_264 = tpu.memref_squeeze %dma_wait3A_263 : memref<1x1x16xi32, #tpu.memory_space<hbm>> -> memref<16xi32, #tpu.memory_space<hbm>>
        tpu.wait_dma2 semaphore(%run_scoped3A_254 : memref<!tpu.dma_semaphore, #tpu.memory_space<semaphore_mem>>) src(%arg10 : memref<16xi32, #tpu.memory_space<vmem>>) dst(%dma_wait3A_264 : memref<16xi32, #tpu.memory_space<hbm>>)
        tpu.yield
      }) : () -> ()
    } else {
    }
    %lt3A_124 = arith.constant 6 : i32
    %lt3A_125 = arith.cmpi slt, %scan3A_86#1, %lt3A_124 : i32
    %convert_element_type3A_126 = arith.extui %lt3A_125 : i1 to i32
    %cond3A_127 = arith.constant 0 : i32
    %cond3A_128 = arith.cmpi ne, %convert_element_type3A_126, %cond3A_127 : i32
    scf.if %cond3A_128 {
      %run_scoped3A = arith.constant 6 : i32
      "tpu.region"() ({
        %run_scoped3A_254 = tpu.sem_alloc : memref<!tpu.dma_semaphore, #tpu.memory_space<semaphore_mem>>
        %dma_start3A = arith.constant 0 : i32
        %dma_start3A_255 = tpu.memref_slice %arg6[%add3A, %run_scoped3A, %dma_start3A] : memref<32x32x16xi32, #tpu.memory_space<hbm>> -> memref<1x1x16xi32, #tpu.memory_space<hbm>>
        %dma_start3A_256 = tpu.memref_squeeze %dma_start3A_255 : memref<1x1x16xi32, #tpu.memory_space<hbm>> -> memref<16xi32, #tpu.memory_space<hbm>>
        %dma_start3A_257 = arith.constant 0 : i32
        %dma_start3A_258 = tpu.memref_slice %arg6[%add3A, %run_scoped3A, %dma_start3A_257] : memref<32x32x16xi32, #tpu.memory_space<hbm>> -> memref<1x1x16xi32, #tpu.memory_space<hbm>>
        %dma_start3A_259 = tpu.memref_squeeze %dma_start3A_258 : memref<1x1x16xi32, #tpu.memory_space<hbm>> -> memref<16xi32, #tpu.memory_space<hbm>>
        tpu.enqueue_dma source(%arg10 : memref<16xi32, #tpu.memory_space<vmem>>) target(%dma_start3A_259 : memref<16xi32, #tpu.memory_space<hbm>>) target_semaphore(%run_scoped3A_254 : memref<!tpu.dma_semaphore, #tpu.memory_space<semaphore_mem>>)
        %dma_wait3A = arith.constant 0 : i32
        %dma_wait3A_260 = tpu.memref_slice %arg6[%add3A, %run_scoped3A, %dma_wait3A] : memref<32x32x16xi32, #tpu.memory_space<hbm>> -> memref<1x1x16xi32, #tpu.memory_space<hbm>>
        %dma_wait3A_261 = tpu.memref_squeeze %dma_wait3A_260 : memref<1x1x16xi32, #tpu.memory_space<hbm>> -> memref<16xi32, #tpu.memory_space<hbm>>
        %dma_wait3A_262 = arith.constant 0 : i32
        %dma_wait3A_263 = tpu.memref_slice %arg6[%add3A, %run_scoped3A, %dma_wait3A_262] : memref<32x32x16xi32, #tpu.memory_space<hbm>> -> memref<1x1x16xi32, #tpu.memory_space<hbm>>
        %dma_wait3A_264 = tpu.memref_squeeze %dma_wait3A_263 : memref<1x1x16xi32, #tpu.memory_space<hbm>> -> memref<16xi32, #tpu.memory_space<hbm>>
        tpu.wait_dma2 semaphore(%run_scoped3A_254 : memref<!tpu.dma_semaphore, #tpu.memory_space<semaphore_mem>>) src(%arg10 : memref<16xi32, #tpu.memory_space<vmem>>) dst(%dma_wait3A_264 : memref<16xi32, #tpu.memory_space<hbm>>)
        tpu.yield
      }) : () -> ()
    } else {
    }
    %lt3A_129 = arith.constant 7 : i32
    %lt3A_130 = arith.cmpi slt, %scan3A_86#1, %lt3A_129 : i32
    %convert_element_type3A_131 = arith.extui %lt3A_130 : i1 to i32
    %cond3A_132 = arith.constant 0 : i32
    %cond3A_133 = arith.cmpi ne, %convert_element_type3A_131, %cond3A_132 : i32
    scf.if %cond3A_133 {
      %run_scoped3A = arith.constant 7 : i32
      "tpu.region"() ({
        %run_scoped3A_254 = tpu.sem_alloc : memref<!tpu.dma_semaphore, #tpu.memory_space<semaphore_mem>>
        %dma_start3A = arith.constant 0 : i32
        %dma_start3A_255 = tpu.memref_slice %arg6[%add3A, %run_scoped3A, %dma_start3A] : memref<32x32x16xi32, #tpu.memory_space<hbm>> -> memref<1x1x16xi32, #tpu.memory_space<hbm>>
        %dma_start3A_256 = tpu.memref_squeeze %dma_start3A_255 : memref<1x1x16xi32, #tpu.memory_space<hbm>> -> memref<16xi32, #tpu.memory_space<hbm>>
        %dma_start3A_257 = arith.constant 0 : i32
        %dma_start3A_258 = tpu.memref_slice %arg6[%add3A, %run_scoped3A, %dma_start3A_257] : memref<32x32x16xi32, #tpu.memory_space<hbm>> -> memref<1x1x16xi32, #tpu.memory_space<hbm>>
        %dma_start3A_259 = tpu.memref_squeeze %dma_start3A_258 : memref<1x1x16xi32, #tpu.memory_space<hbm>> -> memref<16xi32, #tpu.memory_space<hbm>>
        tpu.enqueue_dma source(%arg10 : memref<16xi32, #tpu.memory_space<vmem>>) target(%dma_start3A_259 : memref<16xi32, #tpu.memory_space<hbm>>) target_semaphore(%run_scoped3A_254 : memref<!tpu.dma_semaphore, #tpu.memory_space<semaphore_mem>>)
        %dma_wait3A = arith.constant 0 : i32
        %dma_wait3A_260 = tpu.memref_slice %arg6[%add3A, %run_scoped3A, %dma_wait3A] : memref<32x32x16xi32, #tpu.memory_space<hbm>> -> memref<1x1x16xi32, #tpu.memory_space<hbm>>
        %dma_wait3A_261 = tpu.memref_squeeze %dma_wait3A_260 : memref<1x1x16xi32, #tpu.memory_space<hbm>> -> memref<16xi32, #tpu.memory_space<hbm>>
        %dma_wait3A_262 = arith.constant 0 : i32
        %dma_wait3A_263 = tpu.memref_slice %arg6[%add3A, %run_scoped3A, %dma_wait3A_262] : memref<32x32x16xi32, #tpu.memory_space<hbm>> -> memref<1x1x16xi32, #tpu.memory_space<hbm>>
        %dma_wait3A_264 = tpu.memref_squeeze %dma_wait3A_263 : memref<1x1x16xi32, #tpu.memory_space<hbm>> -> memref<16xi32, #tpu.memory_space<hbm>>
        tpu.wait_dma2 semaphore(%run_scoped3A_254 : memref<!tpu.dma_semaphore, #tpu.memory_space<semaphore_mem>>) src(%arg10 : memref<16xi32, #tpu.memory_space<vmem>>) dst(%dma_wait3A_264 : memref<16xi32, #tpu.memory_space<hbm>>)
        tpu.yield
      }) : () -> ()
    } else {
    }
    %lt3A_134 = arith.constant 8 : i32
    %lt3A_135 = arith.cmpi slt, %scan3A_86#1, %lt3A_134 : i32
    %convert_element_type3A_136 = arith.extui %lt3A_135 : i1 to i32
    %cond3A_137 = arith.constant 0 : i32
    %cond3A_138 = arith.cmpi ne, %convert_element_type3A_136, %cond3A_137 : i32
    scf.if %cond3A_138 {
      %run_scoped3A = arith.constant 8 : i32
      "tpu.region"() ({
        %run_scoped3A_254 = tpu.sem_alloc : memref<!tpu.dma_semaphore, #tpu.memory_space<semaphore_mem>>
        %dma_start3A = arith.constant 0 : i32
        %dma_start3A_255 = tpu.memref_slice %arg6[%add3A, %run_scoped3A, %dma_start3A] : memref<32x32x16xi32, #tpu.memory_space<hbm>> -> memref<1x1x16xi32, #tpu.memory_space<hbm>>
        %dma_start3A_256 = tpu.memref_squeeze %dma_start3A_255 : memref<1x1x16xi32, #tpu.memory_space<hbm>> -> memref<16xi32, #tpu.memory_space<hbm>>
        %dma_start3A_257 = arith.constant 0 : i32
        %dma_start3A_258 = tpu.memref_slice %arg6[%add3A, %run_scoped3A, %dma_start3A_257] : memref<32x32x16xi32, #tpu.memory_space<hbm>> -> memref<1x1x16xi32, #tpu.memory_space<hbm>>
        %dma_start3A_259 = tpu.memref_squeeze %dma_start3A_258 : memref<1x1x16xi32, #tpu.memory_space<hbm>> -> memref<16xi32, #tpu.memory_space<hbm>>
        tpu.enqueue_dma source(%arg10 : memref<16xi32, #tpu.memory_space<vmem>>) target(%dma_start3A_259 : memref<16xi32, #tpu.memory_space<hbm>>) target_semaphore(%run_scoped3A_254 : memref<!tpu.dma_semaphore, #tpu.memory_space<semaphore_mem>>)
        %dma_wait3A = arith.constant 0 : i32
        %dma_wait3A_260 = tpu.memref_slice %arg6[%add3A, %run_scoped3A, %dma_wait3A] : memref<32x32x16xi32, #tpu.memory_space<hbm>> -> memref<1x1x16xi32, #tpu.memory_space<hbm>>
        %dma_wait3A_261 = tpu.memref_squeeze %dma_wait3A_260 : memref<1x1x16xi32, #tpu.memory_space<hbm>> -> memref<16xi32, #tpu.memory_space<hbm>>
        %dma_wait3A_262 = arith.constant 0 : i32
        %dma_wait3A_263 = tpu.memref_slice %arg6[%add3A, %run_scoped3A, %dma_wait3A_262] : memref<32x32x16xi32, #tpu.memory_space<hbm>> -> memref<1x1x16xi32, #tpu.memory_space<hbm>>
        %dma_wait3A_264 = tpu.memref_squeeze %dma_wait3A_263 : memref<1x1x16xi32, #tpu.memory_space<hbm>> -> memref<16xi32, #tpu.memory_space<hbm>>
        tpu.wait_dma2 semaphore(%run_scoped3A_254 : memref<!tpu.dma_semaphore, #tpu.memory_space<semaphore_mem>>) src(%arg10 : memref<16xi32, #tpu.memory_space<vmem>>) dst(%dma_wait3A_264 : memref<16xi32, #tpu.memory_space<hbm>>)
        tpu.yield
      }) : () -> ()
    } else {
    }
    %lt3A_139 = arith.constant 9 : i32
    %lt3A_140 = arith.cmpi slt, %scan3A_86#1, %lt3A_139 : i32
    %convert_element_type3A_141 = arith.extui %lt3A_140 : i1 to i32
    %cond3A_142 = arith.constant 0 : i32
    %cond3A_143 = arith.cmpi ne, %convert_element_type3A_141, %cond3A_142 : i32
    scf.if %cond3A_143 {
      %run_scoped3A = arith.constant 9 : i32
      "tpu.region"() ({
        %run_scoped3A_254 = tpu.sem_alloc : memref<!tpu.dma_semaphore, #tpu.memory_space<semaphore_mem>>
        %dma_start3A = arith.constant 0 : i32
        %dma_start3A_255 = tpu.memref_slice %arg6[%add3A, %run_scoped3A, %dma_start3A] : memref<32x32x16xi32, #tpu.memory_space<hbm>> -> memref<1x1x16xi32, #tpu.memory_space<hbm>>
        %dma_start3A_256 = tpu.memref_squeeze %dma_start3A_255 : memref<1x1x16xi32, #tpu.memory_space<hbm>> -> memref<16xi32, #tpu.memory_space<hbm>>
        %dma_start3A_257 = arith.constant 0 : i32
        %dma_start3A_258 = tpu.memref_slice %arg6[%add3A, %run_scoped3A, %dma_start3A_257] : memref<32x32x16xi32, #tpu.memory_space<hbm>> -> memref<1x1x16xi32, #tpu.memory_space<hbm>>
        %dma_start3A_259 = tpu.memref_squeeze %dma_start3A_258 : memref<1x1x16xi32, #tpu.memory_space<hbm>> -> memref<16xi32, #tpu.memory_space<hbm>>
        tpu.enqueue_dma source(%arg10 : memref<16xi32, #tpu.memory_space<vmem>>) target(%dma_start3A_259 : memref<16xi32, #tpu.memory_space<hbm>>) target_semaphore(%run_scoped3A_254 : memref<!tpu.dma_semaphore, #tpu.memory_space<semaphore_mem>>)
        %dma_wait3A = arith.constant 0 : i32
        %dma_wait3A_260 = tpu.memref_slice %arg6[%add3A, %run_scoped3A, %dma_wait3A] : memref<32x32x16xi32, #tpu.memory_space<hbm>> -> memref<1x1x16xi32, #tpu.memory_space<hbm>>
        %dma_wait3A_261 = tpu.memref_squeeze %dma_wait3A_260 : memref<1x1x16xi32, #tpu.memory_space<hbm>> -> memref<16xi32, #tpu.memory_space<hbm>>
        %dma_wait3A_262 = arith.constant 0 : i32
        %dma_wait3A_263 = tpu.memref_slice %arg6[%add3A, %run_scoped3A, %dma_wait3A_262] : memref<32x32x16xi32, #tpu.memory_space<hbm>> -> memref<1x1x16xi32, #tpu.memory_space<hbm>>
        %dma_wait3A_264 = tpu.memref_squeeze %dma_wait3A_263 : memref<1x1x16xi32, #tpu.memory_space<hbm>> -> memref<16xi32, #tpu.memory_space<hbm>>
        tpu.wait_dma2 semaphore(%run_scoped3A_254 : memref<!tpu.dma_semaphore, #tpu.memory_space<semaphore_mem>>) src(%arg10 : memref<16xi32, #tpu.memory_space<vmem>>) dst(%dma_wait3A_264 : memref<16xi32, #tpu.memory_space<hbm>>)
        tpu.yield
      }) : () -> ()
    } else {
    }
    %lt3A_144 = arith.constant 10 : i32
    %lt3A_145 = arith.cmpi slt, %scan3A_86#1, %lt3A_144 : i32
    %convert_element_type3A_146 = arith.extui %lt3A_145 : i1 to i32
    %cond3A_147 = arith.constant 0 : i32
    %cond3A_148 = arith.cmpi ne, %convert_element_type3A_146, %cond3A_147 : i32
    scf.if %cond3A_148 {
      %run_scoped3A = arith.constant 10 : i32
      "tpu.region"() ({
        %run_scoped3A_254 = tpu.sem_alloc : memref<!tpu.dma_semaphore, #tpu.memory_space<semaphore_mem>>
        %dma_start3A = arith.constant 0 : i32
        %dma_start3A_255 = tpu.memref_slice %arg6[%add3A, %run_scoped3A, %dma_start3A] : memref<32x32x16xi32, #tpu.memory_space<hbm>> -> memref<1x1x16xi32, #tpu.memory_space<hbm>>
        %dma_start3A_256 = tpu.memref_squeeze %dma_start3A_255 : memref<1x1x16xi32, #tpu.memory_space<hbm>> -> memref<16xi32, #tpu.memory_space<hbm>>
        %dma_start3A_257 = arith.constant 0 : i32
        %dma_start3A_258 = tpu.memref_slice %arg6[%add3A, %run_scoped3A, %dma_start3A_257] : memref<32x32x16xi32, #tpu.memory_space<hbm>> -> memref<1x1x16xi32, #tpu.memory_space<hbm>>
        %dma_start3A_259 = tpu.memref_squeeze %dma_start3A_258 : memref<1x1x16xi32, #tpu.memory_space<hbm>> -> memref<16xi32, #tpu.memory_space<hbm>>
        tpu.enqueue_dma source(%arg10 : memref<16xi32, #tpu.memory_space<vmem>>) target(%dma_start3A_259 : memref<16xi32, #tpu.memory_space<hbm>>) target_semaphore(%run_scoped3A_254 : memref<!tpu.dma_semaphore, #tpu.memory_space<semaphore_mem>>)
        %dma_wait3A = arith.constant 0 : i32
        %dma_wait3A_260 = tpu.memref_slice %arg6[%add3A, %run_scoped3A, %dma_wait3A] : memref<32x32x16xi32, #tpu.memory_space<hbm>> -> memref<1x1x16xi32, #tpu.memory_space<hbm>>
        %dma_wait3A_261 = tpu.memref_squeeze %dma_wait3A_260 : memref<1x1x16xi32, #tpu.memory_space<hbm>> -> memref<16xi32, #tpu.memory_space<hbm>>
        %dma_wait3A_262 = arith.constant 0 : i32
        %dma_wait3A_263 = tpu.memref_slice %arg6[%add3A, %run_scoped3A, %dma_wait3A_262] : memref<32x32x16xi32, #tpu.memory_space<hbm>> -> memref<1x1x16xi32, #tpu.memory_space<hbm>>
        %dma_wait3A_264 = tpu.memref_squeeze %dma_wait3A_263 : memref<1x1x16xi32, #tpu.memory_space<hbm>> -> memref<16xi32, #tpu.memory_space<hbm>>
        tpu.wait_dma2 semaphore(%run_scoped3A_254 : memref<!tpu.dma_semaphore, #tpu.memory_space<semaphore_mem>>) src(%arg10 : memref<16xi32, #tpu.memory_space<vmem>>) dst(%dma_wait3A_264 : memref<16xi32, #tpu.memory_space<hbm>>)
        tpu.yield
      }) : () -> ()
    } else {
    }
    %lt3A_149 = arith.constant 11 : i32
    %lt3A_150 = arith.cmpi slt, %scan3A_86#1, %lt3A_149 : i32
    %convert_element_type3A_151 = arith.extui %lt3A_150 : i1 to i32
    %cond3A_152 = arith.constant 0 : i32
    %cond3A_153 = arith.cmpi ne, %convert_element_type3A_151, %cond3A_152 : i32
    scf.if %cond3A_153 {
      %run_scoped3A = arith.constant 11 : i32
      "tpu.region"() ({
        %run_scoped3A_254 = tpu.sem_alloc : memref<!tpu.dma_semaphore, #tpu.memory_space<semaphore_mem>>
        %dma_start3A = arith.constant 0 : i32
        %dma_start3A_255 = tpu.memref_slice %arg6[%add3A, %run_scoped3A, %dma_start3A] : memref<32x32x16xi32, #tpu.memory_space<hbm>> -> memref<1x1x16xi32, #tpu.memory_space<hbm>>
        %dma_start3A_256 = tpu.memref_squeeze %dma_start3A_255 : memref<1x1x16xi32, #tpu.memory_space<hbm>> -> memref<16xi32, #tpu.memory_space<hbm>>
        %dma_start3A_257 = arith.constant 0 : i32
        %dma_start3A_258 = tpu.memref_slice %arg6[%add3A, %run_scoped3A, %dma_start3A_257] : memref<32x32x16xi32, #tpu.memory_space<hbm>> -> memref<1x1x16xi32, #tpu.memory_space<hbm>>
        %dma_start3A_259 = tpu.memref_squeeze %dma_start3A_258 : memref<1x1x16xi32, #tpu.memory_space<hbm>> -> memref<16xi32, #tpu.memory_space<hbm>>
        tpu.enqueue_dma source(%arg10 : memref<16xi32, #tpu.memory_space<vmem>>) target(%dma_start3A_259 : memref<16xi32, #tpu.memory_space<hbm>>) target_semaphore(%run_scoped3A_254 : memref<!tpu.dma_semaphore, #tpu.memory_space<semaphore_mem>>)
        %dma_wait3A = arith.constant 0 : i32
        %dma_wait3A_260 = tpu.memref_slice %arg6[%add3A, %run_scoped3A, %dma_wait3A] : memref<32x32x16xi32, #tpu.memory_space<hbm>> -> memref<1x1x16xi32, #tpu.memory_space<hbm>>
        %dma_wait3A_261 = tpu.memref_squeeze %dma_wait3A_260 : memref<1x1x16xi32, #tpu.memory_space<hbm>> -> memref<16xi32, #tpu.memory_space<hbm>>
        %dma_wait3A_262 = arith.constant 0 : i32
        %dma_wait3A_263 = tpu.memref_slice %arg6[%add3A, %run_scoped3A, %dma_wait3A_262] : memref<32x32x16xi32, #tpu.memory_space<hbm>> -> memref<1x1x16xi32, #tpu.memory_space<hbm>>
        %dma_wait3A_264 = tpu.memref_squeeze %dma_wait3A_263 : memref<1x1x16xi32, #tpu.memory_space<hbm>> -> memref<16xi32, #tpu.memory_space<hbm>>
        tpu.wait_dma2 semaphore(%run_scoped3A_254 : memref<!tpu.dma_semaphore, #tpu.memory_space<semaphore_mem>>) src(%arg10 : memref<16xi32, #tpu.memory_space<vmem>>) dst(%dma_wait3A_264 : memref<16xi32, #tpu.memory_space<hbm>>)
        tpu.yield
      }) : () -> ()
    } else {
    }
    %lt3A_154 = arith.constant 12 : i32
    %lt3A_155 = arith.cmpi slt, %scan3A_86#1, %lt3A_154 : i32
    %convert_element_type3A_156 = arith.extui %lt3A_155 : i1 to i32
    %cond3A_157 = arith.constant 0 : i32
    %cond3A_158 = arith.cmpi ne, %convert_element_type3A_156, %cond3A_157 : i32
    scf.if %cond3A_158 {
      %run_scoped3A = arith.constant 12 : i32
      "tpu.region"() ({
        %run_scoped3A_254 = tpu.sem_alloc : memref<!tpu.dma_semaphore, #tpu.memory_space<semaphore_mem>>
        %dma_start3A = arith.constant 0 : i32
        %dma_start3A_255 = tpu.memref_slice %arg6[%add3A, %run_scoped3A, %dma_start3A] : memref<32x32x16xi32, #tpu.memory_space<hbm>> -> memref<1x1x16xi32, #tpu.memory_space<hbm>>
        %dma_start3A_256 = tpu.memref_squeeze %dma_start3A_255 : memref<1x1x16xi32, #tpu.memory_space<hbm>> -> memref<16xi32, #tpu.memory_space<hbm>>
        %dma_start3A_257 = arith.constant 0 : i32
        %dma_start3A_258 = tpu.memref_slice %arg6[%add3A, %run_scoped3A, %dma_start3A_257] : memref<32x32x16xi32, #tpu.memory_space<hbm>> -> memref<1x1x16xi32, #tpu.memory_space<hbm>>
        %dma_start3A_259 = tpu.memref_squeeze %dma_start3A_258 : memref<1x1x16xi32, #tpu.memory_space<hbm>> -> memref<16xi32, #tpu.memory_space<hbm>>
        tpu.enqueue_dma source(%arg10 : memref<16xi32, #tpu.memory_space<vmem>>) target(%dma_start3A_259 : memref<16xi32, #tpu.memory_space<hbm>>) target_semaphore(%run_scoped3A_254 : memref<!tpu.dma_semaphore, #tpu.memory_space<semaphore_mem>>)
        %dma_wait3A = arith.constant 0 : i32
        %dma_wait3A_260 = tpu.memref_slice %arg6[%add3A, %run_scoped3A, %dma_wait3A] : memref<32x32x16xi32, #tpu.memory_space<hbm>> -> memref<1x1x16xi32, #tpu.memory_space<hbm>>
        %dma_wait3A_261 = tpu.memref_squeeze %dma_wait3A_260 : memref<1x1x16xi32, #tpu.memory_space<hbm>> -> memref<16xi32, #tpu.memory_space<hbm>>
        %dma_wait3A_262 = arith.constant 0 : i32
        %dma_wait3A_263 = tpu.memref_slice %arg6[%add3A, %run_scoped3A, %dma_wait3A_262] : memref<32x32x16xi32, #tpu.memory_space<hbm>> -> memref<1x1x16xi32, #tpu.memory_space<hbm>>
        %dma_wait3A_264 = tpu.memref_squeeze %dma_wait3A_263 : memref<1x1x16xi32, #tpu.memory_space<hbm>> -> memref<16xi32, #tpu.memory_space<hbm>>
        tpu.wait_dma2 semaphore(%run_scoped3A_254 : memref<!tpu.dma_semaphore, #tpu.memory_space<semaphore_mem>>) src(%arg10 : memref<16xi32, #tpu.memory_space<vmem>>) dst(%dma_wait3A_264 : memref<16xi32, #tpu.memory_space<hbm>>)
        tpu.yield
      }) : () -> ()
    } else {
    }
    %lt3A_159 = arith.constant 13 : i32
    %lt3A_160 = arith.cmpi slt, %scan3A_86#1, %lt3A_159 : i32
    %convert_element_type3A_161 = arith.extui %lt3A_160 : i1 to i32
    %cond3A_162 = arith.constant 0 : i32
    %cond3A_163 = arith.cmpi ne, %convert_element_type3A_161, %cond3A_162 : i32
    scf.if %cond3A_163 {
      %run_scoped3A = arith.constant 13 : i32
      "tpu.region"() ({
        %run_scoped3A_254 = tpu.sem_alloc : memref<!tpu.dma_semaphore, #tpu.memory_space<semaphore_mem>>
        %dma_start3A = arith.constant 0 : i32
        %dma_start3A_255 = tpu.memref_slice %arg6[%add3A, %run_scoped3A, %dma_start3A] : memref<32x32x16xi32, #tpu.memory_space<hbm>> -> memref<1x1x16xi32, #tpu.memory_space<hbm>>
        %dma_start3A_256 = tpu.memref_squeeze %dma_start3A_255 : memref<1x1x16xi32, #tpu.memory_space<hbm>> -> memref<16xi32, #tpu.memory_space<hbm>>
        %dma_start3A_257 = arith.constant 0 : i32
        %dma_start3A_258 = tpu.memref_slice %arg6[%add3A, %run_scoped3A, %dma_start3A_257] : memref<32x32x16xi32, #tpu.memory_space<hbm>> -> memref<1x1x16xi32, #tpu.memory_space<hbm>>
        %dma_start3A_259 = tpu.memref_squeeze %dma_start3A_258 : memref<1x1x16xi32, #tpu.memory_space<hbm>> -> memref<16xi32, #tpu.memory_space<hbm>>
        tpu.enqueue_dma source(%arg10 : memref<16xi32, #tpu.memory_space<vmem>>) target(%dma_start3A_259 : memref<16xi32, #tpu.memory_space<hbm>>) target_semaphore(%run_scoped3A_254 : memref<!tpu.dma_semaphore, #tpu.memory_space<semaphore_mem>>)
        %dma_wait3A = arith.constant 0 : i32
        %dma_wait3A_260 = tpu.memref_slice %arg6[%add3A, %run_scoped3A, %dma_wait3A] : memref<32x32x16xi32, #tpu.memory_space<hbm>> -> memref<1x1x16xi32, #tpu.memory_space<hbm>>
        %dma_wait3A_261 = tpu.memref_squeeze %dma_wait3A_260 : memref<1x1x16xi32, #tpu.memory_space<hbm>> -> memref<16xi32, #tpu.memory_space<hbm>>
        %dma_wait3A_262 = arith.constant 0 : i32
        %dma_wait3A_263 = tpu.memref_slice %arg6[%add3A, %run_scoped3A, %dma_wait3A_262] : memref<32x32x16xi32, #tpu.memory_space<hbm>> -> memref<1x1x16xi32, #tpu.memory_space<hbm>>
        %dma_wait3A_264 = tpu.memref_squeeze %dma_wait3A_263 : memref<1x1x16xi32, #tpu.memory_space<hbm>> -> memref<16xi32, #tpu.memory_space<hbm>>
        tpu.wait_dma2 semaphore(%run_scoped3A_254 : memref<!tpu.dma_semaphore, #tpu.memory_space<semaphore_mem>>) src(%arg10 : memref<16xi32, #tpu.memory_space<vmem>>) dst(%dma_wait3A_264 : memref<16xi32, #tpu.memory_space<hbm>>)
        tpu.yield
      }) : () -> ()
    } else {
    }
    %lt3A_164 = arith.constant 14 : i32
    %lt3A_165 = arith.cmpi slt, %scan3A_86#1, %lt3A_164 : i32
    %convert_element_type3A_166 = arith.extui %lt3A_165 : i1 to i32
    %cond3A_167 = arith.constant 0 : i32
    %cond3A_168 = arith.cmpi ne, %convert_element_type3A_166, %cond3A_167 : i32
    scf.if %cond3A_168 {
      %run_scoped3A = arith.constant 14 : i32
      "tpu.region"() ({
        %run_scoped3A_254 = tpu.sem_alloc : memref<!tpu.dma_semaphore, #tpu.memory_space<semaphore_mem>>
        %dma_start3A = arith.constant 0 : i32
        %dma_start3A_255 = tpu.memref_slice %arg6[%add3A, %run_scoped3A, %dma_start3A] : memref<32x32x16xi32, #tpu.memory_space<hbm>> -> memref<1x1x16xi32, #tpu.memory_space<hbm>>
        %dma_start3A_256 = tpu.memref_squeeze %dma_start3A_255 : memref<1x1x16xi32, #tpu.memory_space<hbm>> -> memref<16xi32, #tpu.memory_space<hbm>>
        %dma_start3A_257 = arith.constant 0 : i32
        %dma_start3A_258 = tpu.memref_slice %arg6[%add3A, %run_scoped3A, %dma_start3A_257] : memref<32x32x16xi32, #tpu.memory_space<hbm>> -> memref<1x1x16xi32, #tpu.memory_space<hbm>>
        %dma_start3A_259 = tpu.memref_squeeze %dma_start3A_258 : memref<1x1x16xi32, #tpu.memory_space<hbm>> -> memref<16xi32, #tpu.memory_space<hbm>>
        tpu.enqueue_dma source(%arg10 : memref<16xi32, #tpu.memory_space<vmem>>) target(%dma_start3A_259 : memref<16xi32, #tpu.memory_space<hbm>>) target_semaphore(%run_scoped3A_254 : memref<!tpu.dma_semaphore, #tpu.memory_space<semaphore_mem>>)
        %dma_wait3A = arith.constant 0 : i32
        %dma_wait3A_260 = tpu.memref_slice %arg6[%add3A, %run_scoped3A, %dma_wait3A] : memref<32x32x16xi32, #tpu.memory_space<hbm>> -> memref<1x1x16xi32, #tpu.memory_space<hbm>>
        %dma_wait3A_261 = tpu.memref_squeeze %dma_wait3A_260 : memref<1x1x16xi32, #tpu.memory_space<hbm>> -> memref<16xi32, #tpu.memory_space<hbm>>
        %dma_wait3A_262 = arith.constant 0 : i32
        %dma_wait3A_263 = tpu.memref_slice %arg6[%add3A, %run_scoped3A, %dma_wait3A_262] : memref<32x32x16xi32, #tpu.memory_space<hbm>> -> memref<1x1x16xi32, #tpu.memory_space<hbm>>
        %dma_wait3A_264 = tpu.memref_squeeze %dma_wait3A_263 : memref<1x1x16xi32, #tpu.memory_space<hbm>> -> memref<16xi32, #tpu.memory_space<hbm>>
        tpu.wait_dma2 semaphore(%run_scoped3A_254 : memref<!tpu.dma_semaphore, #tpu.memory_space<semaphore_mem>>) src(%arg10 : memref<16xi32, #tpu.memory_space<vmem>>) dst(%dma_wait3A_264 : memref<16xi32, #tpu.memory_space<hbm>>)
        tpu.yield
      }) : () -> ()
    } else {
    }
    %lt3A_169 = arith.constant 15 : i32
    %lt3A_170 = arith.cmpi slt, %scan3A_86#1, %lt3A_169 : i32
    %convert_element_type3A_171 = arith.extui %lt3A_170 : i1 to i32
    %cond3A_172 = arith.constant 0 : i32
    %cond3A_173 = arith.cmpi ne, %convert_element_type3A_171, %cond3A_172 : i32
    scf.if %cond3A_173 {
      %run_scoped3A = arith.constant 15 : i32
      "tpu.region"() ({
        %run_scoped3A_254 = tpu.sem_alloc : memref<!tpu.dma_semaphore, #tpu.memory_space<semaphore_mem>>
        %dma_start3A = arith.constant 0 : i32
        %dma_start3A_255 = tpu.memref_slice %arg6[%add3A, %run_scoped3A, %dma_start3A] : memref<32x32x16xi32, #tpu.memory_space<hbm>> -> memref<1x1x16xi32, #tpu.memory_space<hbm>>
        %dma_start3A_256 = tpu.memref_squeeze %dma_start3A_255 : memref<1x1x16xi32, #tpu.memory_space<hbm>> -> memref<16xi32, #tpu.memory_space<hbm>>
        %dma_start3A_257 = arith.constant 0 : i32
        %dma_start3A_258 = tpu.memref_slice %arg6[%add3A, %run_scoped3A, %dma_start3A_257] : memref<32x32x16xi32, #tpu.memory_space<hbm>> -> memref<1x1x16xi32, #tpu.memory_space<hbm>>
        %dma_start3A_259 = tpu.memref_squeeze %dma_start3A_258 : memref<1x1x16xi32, #tpu.memory_space<hbm>> -> memref<16xi32, #tpu.memory_space<hbm>>
        tpu.enqueue_dma source(%arg10 : memref<16xi32, #tpu.memory_space<vmem>>) target(%dma_start3A_259 : memref<16xi32, #tpu.memory_space<hbm>>) target_semaphore(%run_scoped3A_254 : memref<!tpu.dma_semaphore, #tpu.memory_space<semaphore_mem>>)
        %dma_wait3A = arith.constant 0 : i32
        %dma_wait3A_260 = tpu.memref_slice %arg6[%add3A, %run_scoped3A, %dma_wait3A] : memref<32x32x16xi32, #tpu.memory_space<hbm>> -> memref<1x1x16xi32, #tpu.memory_space<hbm>>
        %dma_wait3A_261 = tpu.memref_squeeze %dma_wait3A_260 : memref<1x1x16xi32, #tpu.memory_space<hbm>> -> memref<16xi32, #tpu.memory_space<hbm>>
        %dma_wait3A_262 = arith.constant 0 : i32
        %dma_wait3A_263 = tpu.memref_slice %arg6[%add3A, %run_scoped3A, %dma_wait3A_262] : memref<32x32x16xi32, #tpu.memory_space<hbm>> -> memref<1x1x16xi32, #tpu.memory_space<hbm>>
        %dma_wait3A_264 = tpu.memref_squeeze %dma_wait3A_263 : memref<1x1x16xi32, #tpu.memory_space<hbm>> -> memref<16xi32, #tpu.memory_space<hbm>>
        tpu.wait_dma2 semaphore(%run_scoped3A_254 : memref<!tpu.dma_semaphore, #tpu.memory_space<semaphore_mem>>) src(%arg10 : memref<16xi32, #tpu.memory_space<vmem>>) dst(%dma_wait3A_264 : memref<16xi32, #tpu.memory_space<hbm>>)
        tpu.yield
      }) : () -> ()
    } else {
    }
    %lt3A_174 = arith.constant 16 : i32
    %lt3A_175 = arith.cmpi slt, %scan3A_86#1, %lt3A_174 : i32
    %convert_element_type3A_176 = arith.extui %lt3A_175 : i1 to i32
    %cond3A_177 = arith.constant 0 : i32
    %cond3A_178 = arith.cmpi ne, %convert_element_type3A_176, %cond3A_177 : i32
    scf.if %cond3A_178 {
      %run_scoped3A = arith.constant 16 : i32
      "tpu.region"() ({
        %run_scoped3A_254 = tpu.sem_alloc : memref<!tpu.dma_semaphore, #tpu.memory_space<semaphore_mem>>
        %dma_start3A = arith.constant 0 : i32
        %dma_start3A_255 = tpu.memref_slice %arg6[%add3A, %run_scoped3A, %dma_start3A] : memref<32x32x16xi32, #tpu.memory_space<hbm>> -> memref<1x1x16xi32, #tpu.memory_space<hbm>>
        %dma_start3A_256 = tpu.memref_squeeze %dma_start3A_255 : memref<1x1x16xi32, #tpu.memory_space<hbm>> -> memref<16xi32, #tpu.memory_space<hbm>>
        %dma_start3A_257 = arith.constant 0 : i32
        %dma_start3A_258 = tpu.memref_slice %arg6[%add3A, %run_scoped3A, %dma_start3A_257] : memref<32x32x16xi32, #tpu.memory_space<hbm>> -> memref<1x1x16xi32, #tpu.memory_space<hbm>>
        %dma_start3A_259 = tpu.memref_squeeze %dma_start3A_258 : memref<1x1x16xi32, #tpu.memory_space<hbm>> -> memref<16xi32, #tpu.memory_space<hbm>>
        tpu.enqueue_dma source(%arg10 : memref<16xi32, #tpu.memory_space<vmem>>) target(%dma_start3A_259 : memref<16xi32, #tpu.memory_space<hbm>>) target_semaphore(%run_scoped3A_254 : memref<!tpu.dma_semaphore, #tpu.memory_space<semaphore_mem>>)
        %dma_wait3A = arith.constant 0 : i32
        %dma_wait3A_260 = tpu.memref_slice %arg6[%add3A, %run_scoped3A, %dma_wait3A] : memref<32x32x16xi32, #tpu.memory_space<hbm>> -> memref<1x1x16xi32, #tpu.memory_space<hbm>>
        %dma_wait3A_261 = tpu.memref_squeeze %dma_wait3A_260 : memref<1x1x16xi32, #tpu.memory_space<hbm>> -> memref<16xi32, #tpu.memory_space<hbm>>
        %dma_wait3A_262 = arith.constant 0 : i32
        %dma_wait3A_263 = tpu.memref_slice %arg6[%add3A, %run_scoped3A, %dma_wait3A_262] : memref<32x32x16xi32, #tpu.memory_space<hbm>> -> memref<1x1x16xi32, #tpu.memory_space<hbm>>
        %dma_wait3A_264 = tpu.memref_squeeze %dma_wait3A_263 : memref<1x1x16xi32, #tpu.memory_space<hbm>> -> memref<16xi32, #tpu.memory_space<hbm>>
        tpu.wait_dma2 semaphore(%run_scoped3A_254 : memref<!tpu.dma_semaphore, #tpu.memory_space<semaphore_mem>>) src(%arg10 : memref<16xi32, #tpu.memory_space<vmem>>) dst(%dma_wait3A_264 : memref<16xi32, #tpu.memory_space<hbm>>)
        tpu.yield
      }) : () -> ()
    } else {
    }
    %lt3A_179 = arith.constant 17 : i32
    %lt3A_180 = arith.cmpi slt, %scan3A_86#1, %lt3A_179 : i32
    %convert_element_type3A_181 = arith.extui %lt3A_180 : i1 to i32
    %cond3A_182 = arith.constant 0 : i32
    %cond3A_183 = arith.cmpi ne, %convert_element_type3A_181, %cond3A_182 : i32
    scf.if %cond3A_183 {
      %run_scoped3A = arith.constant 17 : i32
      "tpu.region"() ({
        %run_scoped3A_254 = tpu.sem_alloc : memref<!tpu.dma_semaphore, #tpu.memory_space<semaphore_mem>>
        %dma_start3A = arith.constant 0 : i32
        %dma_start3A_255 = tpu.memref_slice %arg6[%add3A, %run_scoped3A, %dma_start3A] : memref<32x32x16xi32, #tpu.memory_space<hbm>> -> memref<1x1x16xi32, #tpu.memory_space<hbm>>
        %dma_start3A_256 = tpu.memref_squeeze %dma_start3A_255 : memref<1x1x16xi32, #tpu.memory_space<hbm>> -> memref<16xi32, #tpu.memory_space<hbm>>
        %dma_start3A_257 = arith.constant 0 : i32
        %dma_start3A_258 = tpu.memref_slice %arg6[%add3A, %run_scoped3A, %dma_start3A_257] : memref<32x32x16xi32, #tpu.memory_space<hbm>> -> memref<1x1x16xi32, #tpu.memory_space<hbm>>
        %dma_start3A_259 = tpu.memref_squeeze %dma_start3A_258 : memref<1x1x16xi32, #tpu.memory_space<hbm>> -> memref<16xi32, #tpu.memory_space<hbm>>
        tpu.enqueue_dma source(%arg10 : memref<16xi32, #tpu.memory_space<vmem>>) target(%dma_start3A_259 : memref<16xi32, #tpu.memory_space<hbm>>) target_semaphore(%run_scoped3A_254 : memref<!tpu.dma_semaphore, #tpu.memory_space<semaphore_mem>>)
        %dma_wait3A = arith.constant 0 : i32
        %dma_wait3A_260 = tpu.memref_slice %arg6[%add3A, %run_scoped3A, %dma_wait3A] : memref<32x32x16xi32, #tpu.memory_space<hbm>> -> memref<1x1x16xi32, #tpu.memory_space<hbm>>
        %dma_wait3A_261 = tpu.memref_squeeze %dma_wait3A_260 : memref<1x1x16xi32, #tpu.memory_space<hbm>> -> memref<16xi32, #tpu.memory_space<hbm>>
        %dma_wait3A_262 = arith.constant 0 : i32
        %dma_wait3A_263 = tpu.memref_slice %arg6[%add3A, %run_scoped3A, %dma_wait3A_262] : memref<32x32x16xi32, #tpu.memory_space<hbm>> -> memref<1x1x16xi32, #tpu.memory_space<hbm>>
        %dma_wait3A_264 = tpu.memref_squeeze %dma_wait3A_263 : memref<1x1x16xi32, #tpu.memory_space<hbm>> -> memref<16xi32, #tpu.memory_space<hbm>>
        tpu.wait_dma2 semaphore(%run_scoped3A_254 : memref<!tpu.dma_semaphore, #tpu.memory_space<semaphore_mem>>) src(%arg10 : memref<16xi32, #tpu.memory_space<vmem>>) dst(%dma_wait3A_264 : memref<16xi32, #tpu.memory_space<hbm>>)
        tpu.yield
      }) : () -> ()
    } else {
    }
    %lt3A_184 = arith.constant 18 : i32
    %lt3A_185 = arith.cmpi slt, %scan3A_86#1, %lt3A_184 : i32
    %convert_element_type3A_186 = arith.extui %lt3A_185 : i1 to i32
    %cond3A_187 = arith.constant 0 : i32
    %cond3A_188 = arith.cmpi ne, %convert_element_type3A_186, %cond3A_187 : i32
    scf.if %cond3A_188 {
      %run_scoped3A = arith.constant 18 : i32
      "tpu.region"() ({
        %run_scoped3A_254 = tpu.sem_alloc : memref<!tpu.dma_semaphore, #tpu.memory_space<semaphore_mem>>
        %dma_start3A = arith.constant 0 : i32
        %dma_start3A_255 = tpu.memref_slice %arg6[%add3A, %run_scoped3A, %dma_start3A] : memref<32x32x16xi32, #tpu.memory_space<hbm>> -> memref<1x1x16xi32, #tpu.memory_space<hbm>>
        %dma_start3A_256 = tpu.memref_squeeze %dma_start3A_255 : memref<1x1x16xi32, #tpu.memory_space<hbm>> -> memref<16xi32, #tpu.memory_space<hbm>>
        %dma_start3A_257 = arith.constant 0 : i32
        %dma_start3A_258 = tpu.memref_slice %arg6[%add3A, %run_scoped3A, %dma_start3A_257] : memref<32x32x16xi32, #tpu.memory_space<hbm>> -> memref<1x1x16xi32, #tpu.memory_space<hbm>>
        %dma_start3A_259 = tpu.memref_squeeze %dma_start3A_258 : memref<1x1x16xi32, #tpu.memory_space<hbm>> -> memref<16xi32, #tpu.memory_space<hbm>>
        tpu.enqueue_dma source(%arg10 : memref<16xi32, #tpu.memory_space<vmem>>) target(%dma_start3A_259 : memref<16xi32, #tpu.memory_space<hbm>>) target_semaphore(%run_scoped3A_254 : memref<!tpu.dma_semaphore, #tpu.memory_space<semaphore_mem>>)
        %dma_wait3A = arith.constant 0 : i32
        %dma_wait3A_260 = tpu.memref_slice %arg6[%add3A, %run_scoped3A, %dma_wait3A] : memref<32x32x16xi32, #tpu.memory_space<hbm>> -> memref<1x1x16xi32, #tpu.memory_space<hbm>>
        %dma_wait3A_261 = tpu.memref_squeeze %dma_wait3A_260 : memref<1x1x16xi32, #tpu.memory_space<hbm>> -> memref<16xi32, #tpu.memory_space<hbm>>
        %dma_wait3A_262 = arith.constant 0 : i32
        %dma_wait3A_263 = tpu.memref_slice %arg6[%add3A, %run_scoped3A, %dma_wait3A_262] : memref<32x32x16xi32, #tpu.memory_space<hbm>> -> memref<1x1x16xi32, #tpu.memory_space<hbm>>
        %dma_wait3A_264 = tpu.memref_squeeze %dma_wait3A_263 : memref<1x1x16xi32, #tpu.memory_space<hbm>> -> memref<16xi32, #tpu.memory_space<hbm>>
        tpu.wait_dma2 semaphore(%run_scoped3A_254 : memref<!tpu.dma_semaphore, #tpu.memory_space<semaphore_mem>>) src(%arg10 : memref<16xi32, #tpu.memory_space<vmem>>) dst(%dma_wait3A_264 : memref<16xi32, #tpu.memory_space<hbm>>)
        tpu.yield
      }) : () -> ()
    } else {
    }
    %lt3A_189 = arith.constant 19 : i32
    %lt3A_190 = arith.cmpi slt, %scan3A_86#1, %lt3A_189 : i32
    %convert_element_type3A_191 = arith.extui %lt3A_190 : i1 to i32
    %cond3A_192 = arith.constant 0 : i32
    %cond3A_193 = arith.cmpi ne, %convert_element_type3A_191, %cond3A_192 : i32
    scf.if %cond3A_193 {
      %run_scoped3A = arith.constant 19 : i32
      "tpu.region"() ({
        %run_scoped3A_254 = tpu.sem_alloc : memref<!tpu.dma_semaphore, #tpu.memory_space<semaphore_mem>>
        %dma_start3A = arith.constant 0 : i32
        %dma_start3A_255 = tpu.memref_slice %arg6[%add3A, %run_scoped3A, %dma_start3A] : memref<32x32x16xi32, #tpu.memory_space<hbm>> -> memref<1x1x16xi32, #tpu.memory_space<hbm>>
        %dma_start3A_256 = tpu.memref_squeeze %dma_start3A_255 : memref<1x1x16xi32, #tpu.memory_space<hbm>> -> memref<16xi32, #tpu.memory_space<hbm>>
        %dma_start3A_257 = arith.constant 0 : i32
        %dma_start3A_258 = tpu.memref_slice %arg6[%add3A, %run_scoped3A, %dma_start3A_257] : memref<32x32x16xi32, #tpu.memory_space<hbm>> -> memref<1x1x16xi32, #tpu.memory_space<hbm>>
        %dma_start3A_259 = tpu.memref_squeeze %dma_start3A_258 : memref<1x1x16xi32, #tpu.memory_space<hbm>> -> memref<16xi32, #tpu.memory_space<hbm>>
        tpu.enqueue_dma source(%arg10 : memref<16xi32, #tpu.memory_space<vmem>>) target(%dma_start3A_259 : memref<16xi32, #tpu.memory_space<hbm>>) target_semaphore(%run_scoped3A_254 : memref<!tpu.dma_semaphore, #tpu.memory_space<semaphore_mem>>)
        %dma_wait3A = arith.constant 0 : i32
        %dma_wait3A_260 = tpu.memref_slice %arg6[%add3A, %run_scoped3A, %dma_wait3A] : memref<32x32x16xi32, #tpu.memory_space<hbm>> -> memref<1x1x16xi32, #tpu.memory_space<hbm>>
        %dma_wait3A_261 = tpu.memref_squeeze %dma_wait3A_260 : memref<1x1x16xi32, #tpu.memory_space<hbm>> -> memref<16xi32, #tpu.memory_space<hbm>>
        %dma_wait3A_262 = arith.constant 0 : i32
        %dma_wait3A_263 = tpu.memref_slice %arg6[%add3A, %run_scoped3A, %dma_wait3A_262] : memref<32x32x16xi32, #tpu.memory_space<hbm>> -> memref<1x1x16xi32, #tpu.memory_space<hbm>>
        %dma_wait3A_264 = tpu.memref_squeeze %dma_wait3A_263 : memref<1x1x16xi32, #tpu.memory_space<hbm>> -> memref<16xi32, #tpu.memory_space<hbm>>
        tpu.wait_dma2 semaphore(%run_scoped3A_254 : memref<!tpu.dma_semaphore, #tpu.memory_space<semaphore_mem>>) src(%arg10 : memref<16xi32, #tpu.memory_space<vmem>>) dst(%dma_wait3A_264 : memref<16xi32, #tpu.memory_space<hbm>>)
        tpu.yield
      }) : () -> ()
    } else {
    }
    %lt3A_194 = arith.constant 20 : i32
    %lt3A_195 = arith.cmpi slt, %scan3A_86#1, %lt3A_194 : i32
    %convert_element_type3A_196 = arith.extui %lt3A_195 : i1 to i32
    %cond3A_197 = arith.constant 0 : i32
    %cond3A_198 = arith.cmpi ne, %convert_element_type3A_196, %cond3A_197 : i32
    scf.if %cond3A_198 {
      %run_scoped3A = arith.constant 20 : i32
      "tpu.region"() ({
        %run_scoped3A_254 = tpu.sem_alloc : memref<!tpu.dma_semaphore, #tpu.memory_space<semaphore_mem>>
        %dma_start3A = arith.constant 0 : i32
        %dma_start3A_255 = tpu.memref_slice %arg6[%add3A, %run_scoped3A, %dma_start3A] : memref<32x32x16xi32, #tpu.memory_space<hbm>> -> memref<1x1x16xi32, #tpu.memory_space<hbm>>
        %dma_start3A_256 = tpu.memref_squeeze %dma_start3A_255 : memref<1x1x16xi32, #tpu.memory_space<hbm>> -> memref<16xi32, #tpu.memory_space<hbm>>
        %dma_start3A_257 = arith.constant 0 : i32
        %dma_start3A_258 = tpu.memref_slice %arg6[%add3A, %run_scoped3A, %dma_start3A_257] : memref<32x32x16xi32, #tpu.memory_space<hbm>> -> memref<1x1x16xi32, #tpu.memory_space<hbm>>
        %dma_start3A_259 = tpu.memref_squeeze %dma_start3A_258 : memref<1x1x16xi32, #tpu.memory_space<hbm>> -> memref<16xi32, #tpu.memory_space<hbm>>
        tpu.enqueue_dma source(%arg10 : memref<16xi32, #tpu.memory_space<vmem>>) target(%dma_start3A_259 : memref<16xi32, #tpu.memory_space<hbm>>) target_semaphore(%run_scoped3A_254 : memref<!tpu.dma_semaphore, #tpu.memory_space<semaphore_mem>>)
        %dma_wait3A = arith.constant 0 : i32
        %dma_wait3A_260 = tpu.memref_slice %arg6[%add3A, %run_scoped3A, %dma_wait3A] : memref<32x32x16xi32, #tpu.memory_space<hbm>> -> memref<1x1x16xi32, #tpu.memory_space<hbm>>
        %dma_wait3A_261 = tpu.memref_squeeze %dma_wait3A_260 : memref<1x1x16xi32, #tpu.memory_space<hbm>> -> memref<16xi32, #tpu.memory_space<hbm>>
        %dma_wait3A_262 = arith.constant 0 : i32
        %dma_wait3A_263 = tpu.memref_slice %arg6[%add3A, %run_scoped3A, %dma_wait3A_262] : memref<32x32x16xi32, #tpu.memory_space<hbm>> -> memref<1x1x16xi32, #tpu.memory_space<hbm>>
        %dma_wait3A_264 = tpu.memref_squeeze %dma_wait3A_263 : memref<1x1x16xi32, #tpu.memory_space<hbm>> -> memref<16xi32, #tpu.memory_space<hbm>>
        tpu.wait_dma2 semaphore(%run_scoped3A_254 : memref<!tpu.dma_semaphore, #tpu.memory_space<semaphore_mem>>) src(%arg10 : memref<16xi32, #tpu.memory_space<vmem>>) dst(%dma_wait3A_264 : memref<16xi32, #tpu.memory_space<hbm>>)
        tpu.yield
      }) : () -> ()
    } else {
    }
    %lt3A_199 = arith.constant 21 : i32
    %lt3A_200 = arith.cmpi slt, %scan3A_86#1, %lt3A_199 : i32
    %convert_element_type3A_201 = arith.extui %lt3A_200 : i1 to i32
    %cond3A_202 = arith.constant 0 : i32
    %cond3A_203 = arith.cmpi ne, %convert_element_type3A_201, %cond3A_202 : i32
    scf.if %cond3A_203 {
      %run_scoped3A = arith.constant 21 : i32
      "tpu.region"() ({
        %run_scoped3A_254 = tpu.sem_alloc : memref<!tpu.dma_semaphore, #tpu.memory_space<semaphore_mem>>
        %dma_start3A = arith.constant 0 : i32
        %dma_start3A_255 = tpu.memref_slice %arg6[%add3A, %run_scoped3A, %dma_start3A] : memref<32x32x16xi32, #tpu.memory_space<hbm>> -> memref<1x1x16xi32, #tpu.memory_space<hbm>>
        %dma_start3A_256 = tpu.memref_squeeze %dma_start3A_255 : memref<1x1x16xi32, #tpu.memory_space<hbm>> -> memref<16xi32, #tpu.memory_space<hbm>>
        %dma_start3A_257 = arith.constant 0 : i32
        %dma_start3A_258 = tpu.memref_slice %arg6[%add3A, %run_scoped3A, %dma_start3A_257] : memref<32x32x16xi32, #tpu.memory_space<hbm>> -> memref<1x1x16xi32, #tpu.memory_space<hbm>>
        %dma_start3A_259 = tpu.memref_squeeze %dma_start3A_258 : memref<1x1x16xi32, #tpu.memory_space<hbm>> -> memref<16xi32, #tpu.memory_space<hbm>>
        tpu.enqueue_dma source(%arg10 : memref<16xi32, #tpu.memory_space<vmem>>) target(%dma_start3A_259 : memref<16xi32, #tpu.memory_space<hbm>>) target_semaphore(%run_scoped3A_254 : memref<!tpu.dma_semaphore, #tpu.memory_space<semaphore_mem>>)
        %dma_wait3A = arith.constant 0 : i32
        %dma_wait3A_260 = tpu.memref_slice %arg6[%add3A, %run_scoped3A, %dma_wait3A] : memref<32x32x16xi32, #tpu.memory_space<hbm>> -> memref<1x1x16xi32, #tpu.memory_space<hbm>>
        %dma_wait3A_261 = tpu.memref_squeeze %dma_wait3A_260 : memref<1x1x16xi32, #tpu.memory_space<hbm>> -> memref<16xi32, #tpu.memory_space<hbm>>
        %dma_wait3A_262 = arith.constant 0 : i32
        %dma_wait3A_263 = tpu.memref_slice %arg6[%add3A, %run_scoped3A, %dma_wait3A_262] : memref<32x32x16xi32, #tpu.memory_space<hbm>> -> memref<1x1x16xi32, #tpu.memory_space<hbm>>
        %dma_wait3A_264 = tpu.memref_squeeze %dma_wait3A_263 : memref<1x1x16xi32, #tpu.memory_space<hbm>> -> memref<16xi32, #tpu.memory_space<hbm>>
        tpu.wait_dma2 semaphore(%run_scoped3A_254 : memref<!tpu.dma_semaphore, #tpu.memory_space<semaphore_mem>>) src(%arg10 : memref<16xi32, #tpu.memory_space<vmem>>) dst(%dma_wait3A_264 : memref<16xi32, #tpu.memory_space<hbm>>)
        tpu.yield
      }) : () -> ()
    } else {
    }
    %lt3A_204 = arith.constant 22 : i32
    %lt3A_205 = arith.cmpi slt, %scan3A_86#1, %lt3A_204 : i32
    %convert_element_type3A_206 = arith.extui %lt3A_205 : i1 to i32
    %cond3A_207 = arith.constant 0 : i32
    %cond3A_208 = arith.cmpi ne, %convert_element_type3A_206, %cond3A_207 : i32
    scf.if %cond3A_208 {
      %run_scoped3A = arith.constant 22 : i32
      "tpu.region"() ({
        %run_scoped3A_254 = tpu.sem_alloc : memref<!tpu.dma_semaphore, #tpu.memory_space<semaphore_mem>>
        %dma_start3A = arith.constant 0 : i32
        %dma_start3A_255 = tpu.memref_slice %arg6[%add3A, %run_scoped3A, %dma_start3A] : memref<32x32x16xi32, #tpu.memory_space<hbm>> -> memref<1x1x16xi32, #tpu.memory_space<hbm>>
        %dma_start3A_256 = tpu.memref_squeeze %dma_start3A_255 : memref<1x1x16xi32, #tpu.memory_space<hbm>> -> memref<16xi32, #tpu.memory_space<hbm>>
        %dma_start3A_257 = arith.constant 0 : i32
        %dma_start3A_258 = tpu.memref_slice %arg6[%add3A, %run_scoped3A, %dma_start3A_257] : memref<32x32x16xi32, #tpu.memory_space<hbm>> -> memref<1x1x16xi32, #tpu.memory_space<hbm>>
        %dma_start3A_259 = tpu.memref_squeeze %dma_start3A_258 : memref<1x1x16xi32, #tpu.memory_space<hbm>> -> memref<16xi32, #tpu.memory_space<hbm>>
        tpu.enqueue_dma source(%arg10 : memref<16xi32, #tpu.memory_space<vmem>>) target(%dma_start3A_259 : memref<16xi32, #tpu.memory_space<hbm>>) target_semaphore(%run_scoped3A_254 : memref<!tpu.dma_semaphore, #tpu.memory_space<semaphore_mem>>)
        %dma_wait3A = arith.constant 0 : i32
        %dma_wait3A_260 = tpu.memref_slice %arg6[%add3A, %run_scoped3A, %dma_wait3A] : memref<32x32x16xi32, #tpu.memory_space<hbm>> -> memref<1x1x16xi32, #tpu.memory_space<hbm>>
        %dma_wait3A_261 = tpu.memref_squeeze %dma_wait3A_260 : memref<1x1x16xi32, #tpu.memory_space<hbm>> -> memref<16xi32, #tpu.memory_space<hbm>>
        %dma_wait3A_262 = arith.constant 0 : i32
        %dma_wait3A_263 = tpu.memref_slice %arg6[%add3A, %run_scoped3A, %dma_wait3A_262] : memref<32x32x16xi32, #tpu.memory_space<hbm>> -> memref<1x1x16xi32, #tpu.memory_space<hbm>>
        %dma_wait3A_264 = tpu.memref_squeeze %dma_wait3A_263 : memref<1x1x16xi32, #tpu.memory_space<hbm>> -> memref<16xi32, #tpu.memory_space<hbm>>
        tpu.wait_dma2 semaphore(%run_scoped3A_254 : memref<!tpu.dma_semaphore, #tpu.memory_space<semaphore_mem>>) src(%arg10 : memref<16xi32, #tpu.memory_space<vmem>>) dst(%dma_wait3A_264 : memref<16xi32, #tpu.memory_space<hbm>>)
        tpu.yield
      }) : () -> ()
    } else {
    }
    %lt3A_209 = arith.constant 23 : i32
    %lt3A_210 = arith.cmpi slt, %scan3A_86#1, %lt3A_209 : i32
    %convert_element_type3A_211 = arith.extui %lt3A_210 : i1 to i32
    %cond3A_212 = arith.constant 0 : i32
    %cond3A_213 = arith.cmpi ne, %convert_element_type3A_211, %cond3A_212 : i32
    scf.if %cond3A_213 {
      %run_scoped3A = arith.constant 23 : i32
      "tpu.region"() ({
        %run_scoped3A_254 = tpu.sem_alloc : memref<!tpu.dma_semaphore, #tpu.memory_space<semaphore_mem>>
        %dma_start3A = arith.constant 0 : i32
        %dma_start3A_255 = tpu.memref_slice %arg6[%add3A, %run_scoped3A, %dma_start3A] : memref<32x32x16xi32, #tpu.memory_space<hbm>> -> memref<1x1x16xi32, #tpu.memory_space<hbm>>
        %dma_start3A_256 = tpu.memref_squeeze %dma_start3A_255 : memref<1x1x16xi32, #tpu.memory_space<hbm>> -> memref<16xi32, #tpu.memory_space<hbm>>
        %dma_start3A_257 = arith.constant 0 : i32
        %dma_start3A_258 = tpu.memref_slice %arg6[%add3A, %run_scoped3A, %dma_start3A_257] : memref<32x32x16xi32, #tpu.memory_space<hbm>> -> memref<1x1x16xi32, #tpu.memory_space<hbm>>
        %dma_start3A_259 = tpu.memref_squeeze %dma_start3A_258 : memref<1x1x16xi32, #tpu.memory_space<hbm>> -> memref<16xi32, #tpu.memory_space<hbm>>
        tpu.enqueue_dma source(%arg10 : memref<16xi32, #tpu.memory_space<vmem>>) target(%dma_start3A_259 : memref<16xi32, #tpu.memory_space<hbm>>) target_semaphore(%run_scoped3A_254 : memref<!tpu.dma_semaphore, #tpu.memory_space<semaphore_mem>>)
        %dma_wait3A = arith.constant 0 : i32
        %dma_wait3A_260 = tpu.memref_slice %arg6[%add3A, %run_scoped3A, %dma_wait3A] : memref<32x32x16xi32, #tpu.memory_space<hbm>> -> memref<1x1x16xi32, #tpu.memory_space<hbm>>
        %dma_wait3A_261 = tpu.memref_squeeze %dma_wait3A_260 : memref<1x1x16xi32, #tpu.memory_space<hbm>> -> memref<16xi32, #tpu.memory_space<hbm>>
        %dma_wait3A_262 = arith.constant 0 : i32
        %dma_wait3A_263 = tpu.memref_slice %arg6[%add3A, %run_scoped3A, %dma_wait3A_262] : memref<32x32x16xi32, #tpu.memory_space<hbm>> -> memref<1x1x16xi32, #tpu.memory_space<hbm>>
        %dma_wait3A_264 = tpu.memref_squeeze %dma_wait3A_263 : memref<1x1x16xi32, #tpu.memory_space<hbm>> -> memref<16xi32, #tpu.memory_space<hbm>>
        tpu.wait_dma2 semaphore(%run_scoped3A_254 : memref<!tpu.dma_semaphore, #tpu.memory_space<semaphore_mem>>) src(%arg10 : memref<16xi32, #tpu.memory_space<vmem>>) dst(%dma_wait3A_264 : memref<16xi32, #tpu.memory_space<hbm>>)
        tpu.yield
      }) : () -> ()
    } else {
    }
    %lt3A_214 = arith.constant 24 : i32
    %lt3A_215 = arith.cmpi slt, %scan3A_86#1, %lt3A_214 : i32
    %convert_element_type3A_216 = arith.extui %lt3A_215 : i1 to i32
    %cond3A_217 = arith.constant 0 : i32
    %cond3A_218 = arith.cmpi ne, %convert_element_type3A_216, %cond3A_217 : i32
    scf.if %cond3A_218 {
      %run_scoped3A = arith.constant 24 : i32
      "tpu.region"() ({
        %run_scoped3A_254 = tpu.sem_alloc : memref<!tpu.dma_semaphore, #tpu.memory_space<semaphore_mem>>
        %dma_start3A = arith.constant 0 : i32
        %dma_start3A_255 = tpu.memref_slice %arg6[%add3A, %run_scoped3A, %dma_start3A] : memref<32x32x16xi32, #tpu.memory_space<hbm>> -> memref<1x1x16xi32, #tpu.memory_space<hbm>>
        %dma_start3A_256 = tpu.memref_squeeze %dma_start3A_255 : memref<1x1x16xi32, #tpu.memory_space<hbm>> -> memref<16xi32, #tpu.memory_space<hbm>>
        %dma_start3A_257 = arith.constant 0 : i32
        %dma_start3A_258 = tpu.memref_slice %arg6[%add3A, %run_scoped3A, %dma_start3A_257] : memref<32x32x16xi32, #tpu.memory_space<hbm>> -> memref<1x1x16xi32, #tpu.memory_space<hbm>>
        %dma_start3A_259 = tpu.memref_squeeze %dma_start3A_258 : memref<1x1x16xi32, #tpu.memory_space<hbm>> -> memref<16xi32, #tpu.memory_space<hbm>>
        tpu.enqueue_dma source(%arg10 : memref<16xi32, #tpu.memory_space<vmem>>) target(%dma_start3A_259 : memref<16xi32, #tpu.memory_space<hbm>>) target_semaphore(%run_scoped3A_254 : memref<!tpu.dma_semaphore, #tpu.memory_space<semaphore_mem>>)
        %dma_wait3A = arith.constant 0 : i32
        %dma_wait3A_260 = tpu.memref_slice %arg6[%add3A, %run_scoped3A, %dma_wait3A] : memref<32x32x16xi32, #tpu.memory_space<hbm>> -> memref<1x1x16xi32, #tpu.memory_space<hbm>>
        %dma_wait3A_261 = tpu.memref_squeeze %dma_wait3A_260 : memref<1x1x16xi32, #tpu.memory_space<hbm>> -> memref<16xi32, #tpu.memory_space<hbm>>
        %dma_wait3A_262 = arith.constant 0 : i32
        %dma_wait3A_263 = tpu.memref_slice %arg6[%add3A, %run_scoped3A, %dma_wait3A_262] : memref<32x32x16xi32, #tpu.memory_space<hbm>> -> memref<1x1x16xi32, #tpu.memory_space<hbm>>
        %dma_wait3A_264 = tpu.memref_squeeze %dma_wait3A_263 : memref<1x1x16xi32, #tpu.memory_space<hbm>> -> memref<16xi32, #tpu.memory_space<hbm>>
        tpu.wait_dma2 semaphore(%run_scoped3A_254 : memref<!tpu.dma_semaphore, #tpu.memory_space<semaphore_mem>>) src(%arg10 : memref<16xi32, #tpu.memory_space<vmem>>) dst(%dma_wait3A_264 : memref<16xi32, #tpu.memory_space<hbm>>)
        tpu.yield
      }) : () -> ()
    } else {
    }
    %lt3A_219 = arith.constant 25 : i32
    %lt3A_220 = arith.cmpi slt, %scan3A_86#1, %lt3A_219 : i32
    %convert_element_type3A_221 = arith.extui %lt3A_220 : i1 to i32
    %cond3A_222 = arith.constant 0 : i32
    %cond3A_223 = arith.cmpi ne, %convert_element_type3A_221, %cond3A_222 : i32
    scf.if %cond3A_223 {
      %run_scoped3A = arith.constant 25 : i32
      "tpu.region"() ({
        %run_scoped3A_254 = tpu.sem_alloc : memref<!tpu.dma_semaphore, #tpu.memory_space<semaphore_mem>>
        %dma_start3A = arith.constant 0 : i32
        %dma_start3A_255 = tpu.memref_slice %arg6[%add3A, %run_scoped3A, %dma_start3A] : memref<32x32x16xi32, #tpu.memory_space<hbm>> -> memref<1x1x16xi32, #tpu.memory_space<hbm>>
        %dma_start3A_256 = tpu.memref_squeeze %dma_start3A_255 : memref<1x1x16xi32, #tpu.memory_space<hbm>> -> memref<16xi32, #tpu.memory_space<hbm>>
        %dma_start3A_257 = arith.constant 0 : i32
        %dma_start3A_258 = tpu.memref_slice %arg6[%add3A, %run_scoped3A, %dma_start3A_257] : memref<32x32x16xi32, #tpu.memory_space<hbm>> -> memref<1x1x16xi32, #tpu.memory_space<hbm>>
        %dma_start3A_259 = tpu.memref_squeeze %dma_start3A_258 : memref<1x1x16xi32, #tpu.memory_space<hbm>> -> memref<16xi32, #tpu.memory_space<hbm>>
        tpu.enqueue_dma source(%arg10 : memref<16xi32, #tpu.memory_space<vmem>>) target(%dma_start3A_259 : memref<16xi32, #tpu.memory_space<hbm>>) target_semaphore(%run_scoped3A_254 : memref<!tpu.dma_semaphore, #tpu.memory_space<semaphore_mem>>)
        %dma_wait3A = arith.constant 0 : i32
        %dma_wait3A_260 = tpu.memref_slice %arg6[%add3A, %run_scoped3A, %dma_wait3A] : memref<32x32x16xi32, #tpu.memory_space<hbm>> -> memref<1x1x16xi32, #tpu.memory_space<hbm>>
        %dma_wait3A_261 = tpu.memref_squeeze %dma_wait3A_260 : memref<1x1x16xi32, #tpu.memory_space<hbm>> -> memref<16xi32, #tpu.memory_space<hbm>>
        %dma_wait3A_262 = arith.constant 0 : i32
        %dma_wait3A_263 = tpu.memref_slice %arg6[%add3A, %run_scoped3A, %dma_wait3A_262] : memref<32x32x16xi32, #tpu.memory_space<hbm>> -> memref<1x1x16xi32, #tpu.memory_space<hbm>>
        %dma_wait3A_264 = tpu.memref_squeeze %dma_wait3A_263 : memref<1x1x16xi32, #tpu.memory_space<hbm>> -> memref<16xi32, #tpu.memory_space<hbm>>
        tpu.wait_dma2 semaphore(%run_scoped3A_254 : memref<!tpu.dma_semaphore, #tpu.memory_space<semaphore_mem>>) src(%arg10 : memref<16xi32, #tpu.memory_space<vmem>>) dst(%dma_wait3A_264 : memref<16xi32, #tpu.memory_space<hbm>>)
        tpu.yield
      }) : () -> ()
    } else {
    }
    %lt3A_224 = arith.constant 26 : i32
    %lt3A_225 = arith.cmpi slt, %scan3A_86#1, %lt3A_224 : i32
    %convert_element_type3A_226 = arith.extui %lt3A_225 : i1 to i32
    %cond3A_227 = arith.constant 0 : i32
    %cond3A_228 = arith.cmpi ne, %convert_element_type3A_226, %cond3A_227 : i32
    scf.if %cond3A_228 {
      %run_scoped3A = arith.constant 26 : i32
      "tpu.region"() ({
        %run_scoped3A_254 = tpu.sem_alloc : memref<!tpu.dma_semaphore, #tpu.memory_space<semaphore_mem>>
        %dma_start3A = arith.constant 0 : i32
        %dma_start3A_255 = tpu.memref_slice %arg6[%add3A, %run_scoped3A, %dma_start3A] : memref<32x32x16xi32, #tpu.memory_space<hbm>> -> memref<1x1x16xi32, #tpu.memory_space<hbm>>
        %dma_start3A_256 = tpu.memref_squeeze %dma_start3A_255 : memref<1x1x16xi32, #tpu.memory_space<hbm>> -> memref<16xi32, #tpu.memory_space<hbm>>
        %dma_start3A_257 = arith.constant 0 : i32
        %dma_start3A_258 = tpu.memref_slice %arg6[%add3A, %run_scoped3A, %dma_start3A_257] : memref<32x32x16xi32, #tpu.memory_space<hbm>> -> memref<1x1x16xi32, #tpu.memory_space<hbm>>
        %dma_start3A_259 = tpu.memref_squeeze %dma_start3A_258 : memref<1x1x16xi32, #tpu.memory_space<hbm>> -> memref<16xi32, #tpu.memory_space<hbm>>
        tpu.enqueue_dma source(%arg10 : memref<16xi32, #tpu.memory_space<vmem>>) target(%dma_start3A_259 : memref<16xi32, #tpu.memory_space<hbm>>) target_semaphore(%run_scoped3A_254 : memref<!tpu.dma_semaphore, #tpu.memory_space<semaphore_mem>>)
        %dma_wait3A = arith.constant 0 : i32
        %dma_wait3A_260 = tpu.memref_slice %arg6[%add3A, %run_scoped3A, %dma_wait3A] : memref<32x32x16xi32, #tpu.memory_space<hbm>> -> memref<1x1x16xi32, #tpu.memory_space<hbm>>
        %dma_wait3A_261 = tpu.memref_squeeze %dma_wait3A_260 : memref<1x1x16xi32, #tpu.memory_space<hbm>> -> memref<16xi32, #tpu.memory_space<hbm>>
        %dma_wait3A_262 = arith.constant 0 : i32
        %dma_wait3A_263 = tpu.memref_slice %arg6[%add3A, %run_scoped3A, %dma_wait3A_262] : memref<32x32x16xi32, #tpu.memory_space<hbm>> -> memref<1x1x16xi32, #tpu.memory_space<hbm>>
        %dma_wait3A_264 = tpu.memref_squeeze %dma_wait3A_263 : memref<1x1x16xi32, #tpu.memory_space<hbm>> -> memref<16xi32, #tpu.memory_space<hbm>>
        tpu.wait_dma2 semaphore(%run_scoped3A_254 : memref<!tpu.dma_semaphore, #tpu.memory_space<semaphore_mem>>) src(%arg10 : memref<16xi32, #tpu.memory_space<vmem>>) dst(%dma_wait3A_264 : memref<16xi32, #tpu.memory_space<hbm>>)
        tpu.yield
      }) : () -> ()
    } else {
    }
    %lt3A_229 = arith.constant 27 : i32
    %lt3A_230 = arith.cmpi slt, %scan3A_86#1, %lt3A_229 : i32
    %convert_element_type3A_231 = arith.extui %lt3A_230 : i1 to i32
    %cond3A_232 = arith.constant 0 : i32
    %cond3A_233 = arith.cmpi ne, %convert_element_type3A_231, %cond3A_232 : i32
    scf.if %cond3A_233 {
      %run_scoped3A = arith.constant 27 : i32
      "tpu.region"() ({
        %run_scoped3A_254 = tpu.sem_alloc : memref<!tpu.dma_semaphore, #tpu.memory_space<semaphore_mem>>
        %dma_start3A = arith.constant 0 : i32
        %dma_start3A_255 = tpu.memref_slice %arg6[%add3A, %run_scoped3A, %dma_start3A] : memref<32x32x16xi32, #tpu.memory_space<hbm>> -> memref<1x1x16xi32, #tpu.memory_space<hbm>>
        %dma_start3A_256 = tpu.memref_squeeze %dma_start3A_255 : memref<1x1x16xi32, #tpu.memory_space<hbm>> -> memref<16xi32, #tpu.memory_space<hbm>>
        %dma_start3A_257 = arith.constant 0 : i32
        %dma_start3A_258 = tpu.memref_slice %arg6[%add3A, %run_scoped3A, %dma_start3A_257] : memref<32x32x16xi32, #tpu.memory_space<hbm>> -> memref<1x1x16xi32, #tpu.memory_space<hbm>>
        %dma_start3A_259 = tpu.memref_squeeze %dma_start3A_258 : memref<1x1x16xi32, #tpu.memory_space<hbm>> -> memref<16xi32, #tpu.memory_space<hbm>>
        tpu.enqueue_dma source(%arg10 : memref<16xi32, #tpu.memory_space<vmem>>) target(%dma_start3A_259 : memref<16xi32, #tpu.memory_space<hbm>>) target_semaphore(%run_scoped3A_254 : memref<!tpu.dma_semaphore, #tpu.memory_space<semaphore_mem>>)
        %dma_wait3A = arith.constant 0 : i32
        %dma_wait3A_260 = tpu.memref_slice %arg6[%add3A, %run_scoped3A, %dma_wait3A] : memref<32x32x16xi32, #tpu.memory_space<hbm>> -> memref<1x1x16xi32, #tpu.memory_space<hbm>>
        %dma_wait3A_261 = tpu.memref_squeeze %dma_wait3A_260 : memref<1x1x16xi32, #tpu.memory_space<hbm>> -> memref<16xi32, #tpu.memory_space<hbm>>
        %dma_wait3A_262 = arith.constant 0 : i32
        %dma_wait3A_263 = tpu.memref_slice %arg6[%add3A, %run_scoped3A, %dma_wait3A_262] : memref<32x32x16xi32, #tpu.memory_space<hbm>> -> memref<1x1x16xi32, #tpu.memory_space<hbm>>
        %dma_wait3A_264 = tpu.memref_squeeze %dma_wait3A_263 : memref<1x1x16xi32, #tpu.memory_space<hbm>> -> memref<16xi32, #tpu.memory_space<hbm>>
        tpu.wait_dma2 semaphore(%run_scoped3A_254 : memref<!tpu.dma_semaphore, #tpu.memory_space<semaphore_mem>>) src(%arg10 : memref<16xi32, #tpu.memory_space<vmem>>) dst(%dma_wait3A_264 : memref<16xi32, #tpu.memory_space<hbm>>)
        tpu.yield
      }) : () -> ()
    } else {
    }
    %lt3A_234 = arith.constant 28 : i32
    %lt3A_235 = arith.cmpi slt, %scan3A_86#1, %lt3A_234 : i32
    %convert_element_type3A_236 = arith.extui %lt3A_235 : i1 to i32
    %cond3A_237 = arith.constant 0 : i32
    %cond3A_238 = arith.cmpi ne, %convert_element_type3A_236, %cond3A_237 : i32
    scf.if %cond3A_238 {
      %run_scoped3A = arith.constant 28 : i32
      "tpu.region"() ({
        %run_scoped3A_254 = tpu.sem_alloc : memref<!tpu.dma_semaphore, #tpu.memory_space<semaphore_mem>>
        %dma_start3A = arith.constant 0 : i32
        %dma_start3A_255 = tpu.memref_slice %arg6[%add3A, %run_scoped3A, %dma_start3A] : memref<32x32x16xi32, #tpu.memory_space<hbm>> -> memref<1x1x16xi32, #tpu.memory_space<hbm>>
        %dma_start3A_256 = tpu.memref_squeeze %dma_start3A_255 : memref<1x1x16xi32, #tpu.memory_space<hbm>> -> memref<16xi32, #tpu.memory_space<hbm>>
        %dma_start3A_257 = arith.constant 0 : i32
        %dma_start3A_258 = tpu.memref_slice %arg6[%add3A, %run_scoped3A, %dma_start3A_257] : memref<32x32x16xi32, #tpu.memory_space<hbm>> -> memref<1x1x16xi32, #tpu.memory_space<hbm>>
        %dma_start3A_259 = tpu.memref_squeeze %dma_start3A_258 : memref<1x1x16xi32, #tpu.memory_space<hbm>> -> memref<16xi32, #tpu.memory_space<hbm>>
        tpu.enqueue_dma source(%arg10 : memref<16xi32, #tpu.memory_space<vmem>>) target(%dma_start3A_259 : memref<16xi32, #tpu.memory_space<hbm>>) target_semaphore(%run_scoped3A_254 : memref<!tpu.dma_semaphore, #tpu.memory_space<semaphore_mem>>)
        %dma_wait3A = arith.constant 0 : i32
        %dma_wait3A_260 = tpu.memref_slice %arg6[%add3A, %run_scoped3A, %dma_wait3A] : memref<32x32x16xi32, #tpu.memory_space<hbm>> -> memref<1x1x16xi32, #tpu.memory_space<hbm>>
        %dma_wait3A_261 = tpu.memref_squeeze %dma_wait3A_260 : memref<1x1x16xi32, #tpu.memory_space<hbm>> -> memref<16xi32, #tpu.memory_space<hbm>>
        %dma_wait3A_262 = arith.constant 0 : i32
        %dma_wait3A_263 = tpu.memref_slice %arg6[%add3A, %run_scoped3A, %dma_wait3A_262] : memref<32x32x16xi32, #tpu.memory_space<hbm>> -> memref<1x1x16xi32, #tpu.memory_space<hbm>>
        %dma_wait3A_264 = tpu.memref_squeeze %dma_wait3A_263 : memref<1x1x16xi32, #tpu.memory_space<hbm>> -> memref<16xi32, #tpu.memory_space<hbm>>
        tpu.wait_dma2 semaphore(%run_scoped3A_254 : memref<!tpu.dma_semaphore, #tpu.memory_space<semaphore_mem>>) src(%arg10 : memref<16xi32, #tpu.memory_space<vmem>>) dst(%dma_wait3A_264 : memref<16xi32, #tpu.memory_space<hbm>>)
        tpu.yield
      }) : () -> ()
    } else {
    }
    %lt3A_239 = arith.constant 29 : i32
    %lt3A_240 = arith.cmpi slt, %scan3A_86#1, %lt3A_239 : i32
    %convert_element_type3A_241 = arith.extui %lt3A_240 : i1 to i32
    %cond3A_242 = arith.constant 0 : i32
    %cond3A_243 = arith.cmpi ne, %convert_element_type3A_241, %cond3A_242 : i32
    scf.if %cond3A_243 {
      %run_scoped3A = arith.constant 29 : i32
      "tpu.region"() ({
        %run_scoped3A_254 = tpu.sem_alloc : memref<!tpu.dma_semaphore, #tpu.memory_space<semaphore_mem>>
        %dma_start3A = arith.constant 0 : i32
        %dma_start3A_255 = tpu.memref_slice %arg6[%add3A, %run_scoped3A, %dma_start3A] : memref<32x32x16xi32, #tpu.memory_space<hbm>> -> memref<1x1x16xi32, #tpu.memory_space<hbm>>
        %dma_start3A_256 = tpu.memref_squeeze %dma_start3A_255 : memref<1x1x16xi32, #tpu.memory_space<hbm>> -> memref<16xi32, #tpu.memory_space<hbm>>
        %dma_start3A_257 = arith.constant 0 : i32
        %dma_start3A_258 = tpu.memref_slice %arg6[%add3A, %run_scoped3A, %dma_start3A_257] : memref<32x32x16xi32, #tpu.memory_space<hbm>> -> memref<1x1x16xi32, #tpu.memory_space<hbm>>
        %dma_start3A_259 = tpu.memref_squeeze %dma_start3A_258 : memref<1x1x16xi32, #tpu.memory_space<hbm>> -> memref<16xi32, #tpu.memory_space<hbm>>
        tpu.enqueue_dma source(%arg10 : memref<16xi32, #tpu.memory_space<vmem>>) target(%dma_start3A_259 : memref<16xi32, #tpu.memory_space<hbm>>) target_semaphore(%run_scoped3A_254 : memref<!tpu.dma_semaphore, #tpu.memory_space<semaphore_mem>>)
        %dma_wait3A = arith.constant 0 : i32
        %dma_wait3A_260 = tpu.memref_slice %arg6[%add3A, %run_scoped3A, %dma_wait3A] : memref<32x32x16xi32, #tpu.memory_space<hbm>> -> memref<1x1x16xi32, #tpu.memory_space<hbm>>
        %dma_wait3A_261 = tpu.memref_squeeze %dma_wait3A_260 : memref<1x1x16xi32, #tpu.memory_space<hbm>> -> memref<16xi32, #tpu.memory_space<hbm>>
        %dma_wait3A_262 = arith.constant 0 : i32
        %dma_wait3A_263 = tpu.memref_slice %arg6[%add3A, %run_scoped3A, %dma_wait3A_262] : memref<32x32x16xi32, #tpu.memory_space<hbm>> -> memref<1x1x16xi32, #tpu.memory_space<hbm>>
        %dma_wait3A_264 = tpu.memref_squeeze %dma_wait3A_263 : memref<1x1x16xi32, #tpu.memory_space<hbm>> -> memref<16xi32, #tpu.memory_space<hbm>>
        tpu.wait_dma2 semaphore(%run_scoped3A_254 : memref<!tpu.dma_semaphore, #tpu.memory_space<semaphore_mem>>) src(%arg10 : memref<16xi32, #tpu.memory_space<vmem>>) dst(%dma_wait3A_264 : memref<16xi32, #tpu.memory_space<hbm>>)
        tpu.yield
      }) : () -> ()
    } else {
    }
    %lt3A_244 = arith.constant 30 : i32
    %lt3A_245 = arith.cmpi slt, %scan3A_86#1, %lt3A_244 : i32
    %convert_element_type3A_246 = arith.extui %lt3A_245 : i1 to i32
    %cond3A_247 = arith.constant 0 : i32
    %cond3A_248 = arith.cmpi ne, %convert_element_type3A_246, %cond3A_247 : i32
    scf.if %cond3A_248 {
      %run_scoped3A = arith.constant 30 : i32
      "tpu.region"() ({
        %run_scoped3A_254 = tpu.sem_alloc : memref<!tpu.dma_semaphore, #tpu.memory_space<semaphore_mem>>
        %dma_start3A = arith.constant 0 : i32
        %dma_start3A_255 = tpu.memref_slice %arg6[%add3A, %run_scoped3A, %dma_start3A] : memref<32x32x16xi32, #tpu.memory_space<hbm>> -> memref<1x1x16xi32, #tpu.memory_space<hbm>>
        %dma_start3A_256 = tpu.memref_squeeze %dma_start3A_255 : memref<1x1x16xi32, #tpu.memory_space<hbm>> -> memref<16xi32, #tpu.memory_space<hbm>>
        %dma_start3A_257 = arith.constant 0 : i32
        %dma_start3A_258 = tpu.memref_slice %arg6[%add3A, %run_scoped3A, %dma_start3A_257] : memref<32x32x16xi32, #tpu.memory_space<hbm>> -> memref<1x1x16xi32, #tpu.memory_space<hbm>>
        %dma_start3A_259 = tpu.memref_squeeze %dma_start3A_258 : memref<1x1x16xi32, #tpu.memory_space<hbm>> -> memref<16xi32, #tpu.memory_space<hbm>>
        tpu.enqueue_dma source(%arg10 : memref<16xi32, #tpu.memory_space<vmem>>) target(%dma_start3A_259 : memref<16xi32, #tpu.memory_space<hbm>>) target_semaphore(%run_scoped3A_254 : memref<!tpu.dma_semaphore, #tpu.memory_space<semaphore_mem>>)
        %dma_wait3A = arith.constant 0 : i32
        %dma_wait3A_260 = tpu.memref_slice %arg6[%add3A, %run_scoped3A, %dma_wait3A] : memref<32x32x16xi32, #tpu.memory_space<hbm>> -> memref<1x1x16xi32, #tpu.memory_space<hbm>>
        %dma_wait3A_261 = tpu.memref_squeeze %dma_wait3A_260 : memref<1x1x16xi32, #tpu.memory_space<hbm>> -> memref<16xi32, #tpu.memory_space<hbm>>
        %dma_wait3A_262 = arith.constant 0 : i32
        %dma_wait3A_263 = tpu.memref_slice %arg6[%add3A, %run_scoped3A, %dma_wait3A_262] : memref<32x32x16xi32, #tpu.memory_space<hbm>> -> memref<1x1x16xi32, #tpu.memory_space<hbm>>
        %dma_wait3A_264 = tpu.memref_squeeze %dma_wait3A_263 : memref<1x1x16xi32, #tpu.memory_space<hbm>> -> memref<16xi32, #tpu.memory_space<hbm>>
        tpu.wait_dma2 semaphore(%run_scoped3A_254 : memref<!tpu.dma_semaphore, #tpu.memory_space<semaphore_mem>>) src(%arg10 : memref<16xi32, #tpu.memory_space<vmem>>) dst(%dma_wait3A_264 : memref<16xi32, #tpu.memory_space<hbm>>)
        tpu.yield
      }) : () -> ()
    } else {
    }
    %lt3A_249 = arith.constant 31 : i32
    %lt3A_250 = arith.cmpi slt, %scan3A_86#1, %lt3A_249 : i32
    %convert_element_type3A_251 = arith.extui %lt3A_250 : i1 to i32
    %cond3A_252 = arith.constant 0 : i32
    %cond3A_253 = arith.cmpi ne, %convert_element_type3A_251, %cond3A_252 : i32
    scf.if %cond3A_253 {
      %run_scoped3A = arith.constant 31 : i32
      "tpu.region"() ({
        %run_scoped3A_254 = tpu.sem_alloc : memref<!tpu.dma_semaphore, #tpu.memory_space<semaphore_mem>>
        %dma_start3A = arith.constant 0 : i32
        %dma_start3A_255 = tpu.memref_slice %arg6[%add3A, %run_scoped3A, %dma_start3A] : memref<32x32x16xi32, #tpu.memory_space<hbm>> -> memref<1x1x16xi32, #tpu.memory_space<hbm>>
        %dma_start3A_256 = tpu.memref_squeeze %dma_start3A_255 : memref<1x1x16xi32, #tpu.memory_space<hbm>> -> memref<16xi32, #tpu.memory_space<hbm>>
        %dma_start3A_257 = arith.constant 0 : i32
        %dma_start3A_258 = tpu.memref_slice %arg6[%add3A, %run_scoped3A, %dma_start3A_257] : memref<32x32x16xi32, #tpu.memory_space<hbm>> -> memref<1x1x16xi32, #tpu.memory_space<hbm>>
        %dma_start3A_259 = tpu.memref_squeeze %dma_start3A_258 : memref<1x1x16xi32, #tpu.memory_space<hbm>> -> memref<16xi32, #tpu.memory_space<hbm>>
        tpu.enqueue_dma source(%arg10 : memref<16xi32, #tpu.memory_space<vmem>>) target(%dma_start3A_259 : memref<16xi32, #tpu.memory_space<hbm>>) target_semaphore(%run_scoped3A_254 : memref<!tpu.dma_semaphore, #tpu.memory_space<semaphore_mem>>)
        %dma_wait3A = arith.constant 0 : i32
        %dma_wait3A_260 = tpu.memref_slice %arg6[%add3A, %run_scoped3A, %dma_wait3A] : memref<32x32x16xi32, #tpu.memory_space<hbm>> -> memref<1x1x16xi32, #tpu.memory_space<hbm>>
        %dma_wait3A_261 = tpu.memref_squeeze %dma_wait3A_260 : memref<1x1x16xi32, #tpu.memory_space<hbm>> -> memref<16xi32, #tpu.memory_space<hbm>>
        %dma_wait3A_262 = arith.constant 0 : i32
        %dma_wait3A_263 = tpu.memref_slice %arg6[%add3A, %run_scoped3A, %dma_wait3A_262] : memref<32x32x16xi32, #tpu.memory_space<hbm>> -> memref<1x1x16xi32, #tpu.memory_space<hbm>>
        %dma_wait3A_264 = tpu.memref_squeeze %dma_wait3A_263 : memref<1x1x16xi32, #tpu.memory_space<hbm>> -> memref<16xi32, #tpu.memory_space<hbm>>
        tpu.wait_dma2 semaphore(%run_scoped3A_254 : memref<!tpu.dma_semaphore, #tpu.memory_space<semaphore_mem>>) src(%arg10 : memref<16xi32, #tpu.memory_space<vmem>>) dst(%dma_wait3A_264 : memref<16xi32, #tpu.memory_space<hbm>>)
        tpu.yield
      }) : () -> ()
    } else {
    }
    return
  }
}

#map = affine_map<(d0, d1) -> (0, 0)>
#map1 = affine_map<(d0, d1) -> (0)>
#map2 = affine_map<(d0, d1) -> (0, 0, 0)>
module attributes {stable_mosaic.version = 14 : i64} {
  func.func @k(%arg0: i32, %arg1: i32, %arg2: memref<100352x112xf32, #tpu.memory_space<hbm>>, %arg3: memref<100352xi32, #tpu.memory_space<hbm>>, %arg4: memref<128x112xf32, #tpu.memory_space<hbm>>, %arg5: memref<1024x128x112xf32, #tpu.memory_space<hbm>>, %arg6: memref<32x32x16xi32, #tpu.memory_space<hbm>>, %arg7: memref<784x112xf32, #tpu.memory_space<vmem>>, %arg8: memref<800xi32, #tpu.memory_space<vmem>>, %arg9: memref<128x112xf32, #tpu.memory_space<vmem>>, %arg10: memref<16xi32, #tpu.memory_space<vmem>>) attributes {dimension_semantics = [#tpu.dimension_semantics<core_parallel>, #tpu.dimension_semantics<subcore_parallel>], iteration_bounds = array<i64: 2, 16>, scalar_prefetch = 0 : i64, scratch_operands = 4 : i64, tpu.core_type = #tpu.core_type<sc_vector_subcore>, window_params = [{transform_indices = #map}, {transform_indices = #map1}, {transform_indices = #map}, {transform_indices = #map2}, {transform_indices = #map2}]} {
    %mul3A = arith.constant 2 : i32
    %mul3A_0 = arith.muli %arg1, %mul3A : i32
    %add3A = arith.addi %mul3A_0, %arg0 : i32
    %mul3A_1 = arith.constant 3136 : i32
    %mul3A_2 = arith.muli %add3A, %mul3A_1 : i32
    "tpu.region"() ({
      %run_scoped3A = tpu.sem_alloc : memref<!tpu.dma_semaphore, #tpu.memory_space<semaphore_mem>>
      tpu.enqueue_dma source(%arg4 : memref<128x112xf32, #tpu.memory_space<hbm>>) target(%arg9 : memref<128x112xf32, #tpu.memory_space<vmem>>) target_semaphore(%run_scoped3A : memref<!tpu.dma_semaphore, #tpu.memory_space<semaphore_mem>>)
      tpu.wait_dma2 semaphore(%run_scoped3A : memref<!tpu.dma_semaphore, #tpu.memory_space<semaphore_mem>>) src(%arg4 : memref<128x112xf32, #tpu.memory_space<hbm>>) dst(%arg9 : memref<128x112xf32, #tpu.memory_space<vmem>>)
      tpu.yield
    }) : () -> ()
    %add3A_3 = arith.constant 0 : i32
    %add3A_4 = arith.addi %mul3A_2, %add3A_3 : i32
    "tpu.region"() ({
      %run_scoped3A = tpu.sem_alloc : memref<!tpu.dma_semaphore, #tpu.memory_space<semaphore_mem>>
      %dma_start3A = arith.constant 0 : i32
      %dma_start3A_254 = tpu.memref_slice %arg2[%add3A_4, %dma_start3A] : memref<100352x112xf32, #tpu.memory_space<hbm>> -> memref<784x112xf32, #tpu.memory_space<hbm>>
      %dma_start3A_255 = arith.constant 0 : i32
      %dma_start3A_256 = tpu.memref_slice %arg2[%add3A_4, %dma_start3A_255] : memref<100352x112xf32, #tpu.memory_space<hbm>> -> memref<784x112xf32, #tpu.memory_space<hbm>>
      tpu.enqueue_dma source(%dma_start3A_256 : memref<784x112xf32, #tpu.memory_space<hbm>>) target(%arg7 : memref<784x112xf32, #tpu.memory_space<vmem>>) target_semaphore(%run_scoped3A : memref<!tpu.dma_semaphore, #tpu.memory_space<semaphore_mem>>)
      %dma_wait3A = arith.constant 0 : i32
      %dma_wait3A_257 = tpu.memref_slice %arg2[%add3A_4, %dma_wait3A] : memref<100352x112xf32, #tpu.memory_space<hbm>> -> memref<784x112xf32, #tpu.memory_space<hbm>>
      %dma_wait3A_258 = arith.constant 0 : i32
      %dma_wait3A_259 = tpu.memref_slice %arg2[%add3A_4, %dma_wait3A_258] : memref<100352x112xf32, #tpu.memory_space<hbm>> -> memref<784x112xf32, #tpu.memory_space<hbm>>
      tpu.wait_dma2 semaphore(%run_scoped3A : memref<!tpu.dma_semaphore, #tpu.memory_space<semaphore_mem>>) src(%dma_wait3A_259 : memref<784x112xf32, #tpu.memory_space<hbm>>) dst(%arg7 : memref<784x112xf32, #tpu.memory_space<vmem>>)
      tpu.yield
    }) : () -> ()
    %add3A_5 = arith.constant 0 : i32
    %add3A_6 = arith.addi %mul3A_2, %add3A_5 : i32
    "tpu.region"() ({
      %run_scoped3A = tpu.sem_alloc : memref<!tpu.dma_semaphore, #tpu.memory_space<semaphore_mem>>
      %dma_start3A = arith.constant 0 : i32
      %dma_start3A_254 = tpu.memref_slice %arg8[%dma_start3A] : memref<800xi32, #tpu.memory_space<vmem>> -> memref<784xi32, #tpu.memory_space<vmem>>
      %dma_start3A_255 = tpu.memref_slice %arg3[%add3A_6] : memref<100352xi32, #tpu.memory_space<hbm>> -> memref<784xi32, #tpu.memory_space<hbm>>
      %dma_start3A_256 = arith.constant 0 : i32
      %dma_start3A_257 = tpu.memref_slice %arg8[%dma_start3A_256] : memref<800xi32, #tpu.memory_space<vmem>> -> memref<784xi32, #tpu.memory_space<vmem>>
      %dma_start3A_258 = tpu.memref_slice %arg3[%add3A_6] : memref<100352xi32, #tpu.memory_space<hbm>> -> memref<784xi32, #tpu.memory_space<hbm>>
      tpu.enqueue_dma source(%dma_start3A_258 : memref<784xi32, #tpu.memory_space<hbm>>) target(%dma_start3A_257 : memref<784xi32, #tpu.memory_space<vmem>>) target_semaphore(%run_scoped3A : memref<!tpu.dma_semaphore, #tpu.memory_space<semaphore_mem>>)
      %dma_wait3A = arith.constant 0 : i32
      %dma_wait3A_259 = tpu.memref_slice %arg8[%dma_wait3A] : memref<800xi32, #tpu.memory_space<vmem>> -> memref<784xi32, #tpu.memory_space<vmem>>
      %dma_wait3A_260 = tpu.memref_slice %arg3[%add3A_6] : memref<100352xi32, #tpu.memory_space<hbm>> -> memref<784xi32, #tpu.memory_space<hbm>>
      %dma_wait3A_261 = arith.constant 0 : i32
      %dma_wait3A_262 = tpu.memref_slice %arg8[%dma_wait3A_261] : memref<800xi32, #tpu.memory_space<vmem>> -> memref<784xi32, #tpu.memory_space<vmem>>
      %dma_wait3A_263 = tpu.memref_slice %arg3[%add3A_6] : memref<100352xi32, #tpu.memory_space<hbm>> -> memref<784xi32, #tpu.memory_space<hbm>>
      tpu.wait_dma2 semaphore(%run_scoped3A : memref<!tpu.dma_semaphore, #tpu.memory_space<semaphore_mem>>) src(%dma_wait3A_263 : memref<784xi32, #tpu.memory_space<hbm>>) dst(%dma_wait3A_262 : memref<784xi32, #tpu.memory_space<vmem>>)
      tpu.yield
    }) : () -> ()
    %get3A = arith.constant 0 : index
    %get3A_7 = tpu.vector_load %arg8[%get3A] {strides = array<i32>} : memref<800xi32, #tpu.memory_space<vmem>>, vector<16xi32>,
    %get3A_8 = vector.shape_cast %get3A_7 : vector<16xi32> to vector<16xi32>
    %slice3A = vector.extract_strided_slice %get3A_8 {offsets = [0], sizes = [1], strides = [1]} : vector<16xi32> to vector<1xi32>
    %squeeze3A = vector.extract %slice3A[0] : i32 from vector<1xi32>
    %jit3A = arith.constant 128 : i32
    %div3A = arith.divsi %squeeze3A, %jit3A : i32
    %sign3A = arith.constant 0 : i32
    %sign3A_9 = arith.cmpi sgt, %squeeze3A, %sign3A : i32
    %sign3A_10 = arith.extui %sign3A_9 : i1 to i32
    %sign3A_11 = arith.constant 0 : i32
    %sign3A_12 = arith.cmpi slt, %squeeze3A, %sign3A_11 : i32
    %sign3A_13 = arith.extui %sign3A_12 : i1 to i32
    %sign3A_14 = arith.subi %sign3A_10, %sign3A_13 : i32
    %sign3A_15 = arith.constant 0 : i32
    %sign3A_16 = arith.cmpi sgt, %jit3A, %sign3A_15 : i32
    %sign3A_17 = arith.extui %sign3A_16 : i1 to i32
    %sign3A_18 = arith.constant 0 : i32
    %sign3A_19 = arith.cmpi slt, %jit3A, %sign3A_18 : i32
    %sign3A_20 = arith.extui %sign3A_19 : i1 to i32
    %sign3A_21 = arith.subi %sign3A_17, %sign3A_20 : i32
    %ne3A = arith.cmpi ne, %sign3A_14, %sign3A_21 : i32
    %rem3A = arith.remsi %squeeze3A, %jit3A : i32
    %ne3A_22 = arith.constant 0 : i32
    %ne3A_23 = arith.cmpi ne, %rem3A, %ne3A_22 : i32
    %and3A = arith.andi %ne3A, %ne3A_23 : i1
    %sub3A = arith.constant 1 : i32
    %sub3A_24 = arith.subi %div3A, %sub3A : i32
    %select_n3A = arith.select %and3A, %sub3A_24, %div3A : i32
    %broadcast_in_dim3A = vector.broadcast %select_n3A : i32 to vector<16xi32>
    %swap3A = arith.constant 0 : index
    %swap3A_25 = tpu.vector_load %arg10[%swap3A] {strides = array<i32>} : memref<16xi32, #tpu.memory_space<vmem>>, vector<16xi32>,
    %swap3A_26 = vector.shape_cast %swap3A_25 : vector<16xi32> to vector<16xi32>
    %swap3A_27 = vector.shape_cast %broadcast_in_dim3A : vector<16xi32> to vector<16xi32>
    tpu.vector_store %arg10[%swap3A], %swap3A_27 {strides = array<i32>} : memref<16xi32, #tpu.memory_space<vmem>>, vector<16xi32>,
    %jit3A_28 = arith.constant 128 : i32
    %div3A_29 = arith.divsi %squeeze3A, %jit3A_28 : i32
    %sign3A_30 = arith.constant 0 : i32
    %sign3A_31 = arith.cmpi sgt, %squeeze3A, %sign3A_30 : i32
    %sign3A_32 = arith.extui %sign3A_31 : i1 to i32
    %sign3A_33 = arith.constant 0 : i32
    %sign3A_34 = arith.cmpi slt, %squeeze3A, %sign3A_33 : i32
    %sign3A_35 = arith.extui %sign3A_34 : i1 to i32
    %sign3A_36 = arith.subi %sign3A_32, %sign3A_35 : i32
    %sign3A_37 = arith.constant 0 : i32
    %sign3A_38 = arith.cmpi sgt, %jit3A_28, %sign3A_37 : i32
    %sign3A_39 = arith.extui %sign3A_38 : i1 to i32
    %sign3A_40 = arith.constant 0 : i32
    %sign3A_41 = arith.cmpi slt, %jit3A_28, %sign3A_40 : i32
    %sign3A_42 = arith.extui %sign3A_41 : i1 to i32
    %sign3A_43 = arith.subi %sign3A_39, %sign3A_42 : i32
    %ne3A_44 = arith.cmpi ne, %sign3A_36, %sign3A_43 : i32
    %rem3A_45 = arith.remsi %squeeze3A, %jit3A_28 : i32
    %ne3A_46 = arith.constant 0 : i32
    %ne3A_47 = arith.cmpi ne, %rem3A_45, %ne3A_46 : i32
    %and3A_48 = arith.andi %ne3A_44, %ne3A_47 : i1
    %sub3A_49 = arith.constant 1 : i32
    %sub3A_50 = arith.subi %div3A_29, %sub3A_49 : i32
    %select_n3A_51 = arith.select %and3A_48, %sub3A_50, %div3A_29 : i32
    %scan3A = arith.constant 0 : i32
    %scan3A_52 = arith.constant 0 : i32
    %scan3A_53 = arith.constant 784 : i32
    %scan3A_54 = arith.addi %scan3A_52, %scan3A_53 : i32
    %scan3A_55 = arith.constant 1 : i32
    %scan3A_56:2 = scf.for %scan3A_254 = %scan3A_52 to %scan3A_54 step %scan3A_55 iter_args(%scan3A_255 = %select_n3A_51, %scan3A_256 = %scan3A) -> (i32, i32)  : i32 {
      %get3A_257 = arith.index_cast %scan3A_254 : i32 to index
      %get3A_258 = tpu.vector_load %arg8[%get3A_257] {strides = array<i32>} : memref<800xi32, #tpu.memory_space<vmem>>, vector<16xi32>,
      %get3A_259 = vector.shape_cast %get3A_258 : vector<16xi32> to vector<16xi32>
      %slice3A_260 = vector.extract_strided_slice %get3A_259 {offsets = [0], sizes = [1], strides = [1]} : vector<16xi32> to vector<1xi32>
      %squeeze3A_261 = vector.extract %slice3A_260[0] : i32 from vector<1xi32>
      %mul3A_262 = arith.constant 128 : i32
      %mul3A_263 = arith.muli %scan3A_255, %mul3A_262 : i32
      %lt3A_264 = arith.cmpi slt, %squeeze3A_261, %mul3A_263 : i32
      %add3A_265 = arith.constant 1 : i32
      %add3A_266 = arith.addi %scan3A_255, %add3A_265 : i32
      %mul3A_267 = arith.constant 128 : i32
      %mul3A_268 = arith.muli %add3A_266, %mul3A_267 : i32
      %ge3A = arith.cmpi sge, %squeeze3A_261, %mul3A_268 : i32
      %or3A = arith.ori %lt3A_264, %ge3A : i1
      %convert_element_type3A_269 = arith.extui %or3A : i1 to i32
      %cond3A_270 = arith.constant 0 : i32
      %cond3A_271 = arith.cmpi ne, %convert_element_type3A_269, %cond3A_270 : i32
      %cond3A_272:2 = scf.if %cond3A_271 -> (i32, i32) {
        %mul3A_339 = arith.constant 32 : i32
        %mul3A_340 = arith.muli %add3A, %mul3A_339 : i32
        %add3A_341 = arith.addi %mul3A_340, %scan3A_256 : i32
        "tpu.region"() ({
          %run_scoped3A = tpu.sem_alloc : memref<!tpu.dma_semaphore, #tpu.memory_space<semaphore_mem>>
          %dma_start3A = arith.constant 0 : i32
          %dma_start3A_397 = arith.constant 0 : i32
          %dma_start3A_398 = tpu.memref_slice %arg5[%add3A_341, %dma_start3A, %dma_start3A_397] : memref<1024x128x112xf32, #tpu.memory_space<hbm>> -> memref<1x128x112xf32, #tpu.memory_space<hbm>>
          %dma_start3A_399 = tpu.memref_squeeze %dma_start3A_398 : memref<1x128x112xf32, #tpu.memory_space<hbm>> -> memref<128x112xf32, #tpu.memory_space<hbm>>
          %dma_start3A_400 = arith.constant 0 : i32
          %dma_start3A_401 = arith.constant 0 : i32
          %dma_start3A_402 = tpu.memref_slice %arg5[%add3A_341, %dma_start3A_400, %dma_start3A_401] : memref<1024x128x112xf32, #tpu.memory_space<hbm>> -> memref<1x128x112xf32, #tpu.memory_space<hbm>>
          %dma_start3A_403 = tpu.memref_squeeze %dma_start3A_402 : memref<1x128x112xf32, #tpu.memory_space<hbm>> -> memref<128x112xf32, #tpu.memory_space<hbm>>
          tpu.enqueue_dma source(%arg9 : memref<128x112xf32, #tpu.memory_space<vmem>>) target(%dma_start3A_403 : memref<128x112xf32, #tpu.memory_space<hbm>>) target_semaphore(%run_scoped3A : memref<!tpu.dma_semaphore, #tpu.memory_space<semaphore_mem>>)
          %dma_wait3A = arith.constant 0 : i32
          %dma_wait3A_404 = arith.constant 0 : i32
          %dma_wait3A_405 = tpu.memref_slice %arg5[%add3A_341, %dma_wait3A, %dma_wait3A_404] : memref<1024x128x112xf32, #tpu.memory_space<hbm>> -> memref<1x128x112xf32, #tpu.memory_space<hbm>>
          %dma_wait3A_406 = tpu.memref_squeeze %dma_wait3A_405 : memref<1x128x112xf32, #tpu.memory_space<hbm>> -> memref<128x112xf32, #tpu.memory_space<hbm>>
          %dma_wait3A_407 = arith.constant 0 : i32
          %dma_wait3A_408 = arith.constant 0 : i32
          %dma_wait3A_409 = tpu.memref_slice %arg5[%add3A_341, %dma_wait3A_407, %dma_wait3A_408] : memref<1024x128x112xf32, #tpu.memory_space<hbm>> -> memref<1x128x112xf32, #tpu.memory_space<hbm>>
          %dma_wait3A_410 = tpu.memref_squeeze %dma_wait3A_409 : memref<1x128x112xf32, #tpu.memory_space<hbm>> -> memref<128x112xf32, #tpu.memory_space<hbm>>
          tpu.wait_dma2 semaphore(%run_scoped3A : memref<!tpu.dma_semaphore, #tpu.memory_space<semaphore_mem>>) src(%arg9 : memref<128x112xf32, #tpu.memory_space<vmem>>) dst(%dma_wait3A_410 : memref<128x112xf32, #tpu.memory_space<hbm>>)
          tpu.yield
        }) : () -> ()
        "tpu.region"() ({
          %run_scoped3A = tpu.sem_alloc : memref<!tpu.dma_semaphore, #tpu.memory_space<semaphore_mem>>
          %dma_start3A = arith.constant 0 : i32
          %dma_start3A_397 = tpu.memref_slice %arg6[%add3A, %scan3A_256, %dma_start3A] : memref<32x32x16xi32, #tpu.memory_space<hbm>> -> memref<1x1x16xi32, #tpu.memory_space<hbm>>
          %dma_start3A_398 = tpu.memref_squeeze %dma_start3A_397 : memref<1x1x16xi32, #tpu.memory_space<hbm>> -> memref<16xi32, #tpu.memory_space<hbm>>
          %dma_start3A_399 = arith.constant 0 : i32
          %dma_start3A_400 = tpu.memref_slice %arg6[%add3A, %scan3A_256, %dma_start3A_399] : memref<32x32x16xi32, #tpu.memory_space<hbm>> -> memref<1x1x16xi32, #tpu.memory_space<hbm>>
          %dma_start3A_401 = tpu.memref_squeeze %dma_start3A_400 : memref<1x1x16xi32, #tpu.memory_space<hbm>> -> memref<16xi32, #tpu.memory_space<hbm>>
          tpu.enqueue_dma source(%arg10 : memref<16xi32, #tpu.memory_space<vmem>>) target(%dma_start3A_401 : memref<16xi32, #tpu.memory_space<hbm>>) target_semaphore(%run_scoped3A : memref<!tpu.dma_semaphore, #tpu.memory_space<semaphore_mem>>)
          %dma_wait3A = arith.constant 0 : i32
          %dma_wait3A_402 = tpu.memref_slice %arg6[%add3A, %scan3A_256, %dma_wait3A] : memref<32x32x16xi32, #tpu.memory_space<hbm>> -> memref<1x1x16xi32, #tpu.memory_space<hbm>>
          %dma_wait3A_403 = tpu.memref_squeeze %dma_wait3A_402 : memref<1x1x16xi32, #tpu.memory_space<hbm>> -> memref<16xi32, #tpu.memory_space<hbm>>
          %dma_wait3A_404 = arith.constant 0 : i32
          %dma_wait3A_405 = tpu.memref_slice %arg6[%add3A, %scan3A_256, %dma_wait3A_404] : memref<32x32x16xi32, #tpu.memory_space<hbm>> -> memref<1x1x16xi32, #tpu.memory_space<hbm>>
          %dma_wait3A_406 = tpu.memref_squeeze %dma_wait3A_405 : memref<1x1x16xi32, #tpu.memory_space<hbm>> -> memref<16xi32, #tpu.memory_space<hbm>>
          tpu.wait_dma2 semaphore(%run_scoped3A : memref<!tpu.dma_semaphore, #tpu.memory_space<semaphore_mem>>) src(%arg10 : memref<16xi32, #tpu.memory_space<vmem>>) dst(%dma_wait3A_406 : memref<16xi32, #tpu.memory_space<hbm>>)
          tpu.yield
        }) : () -> ()
        "tpu.region"() ({
          %run_scoped3A = tpu.sem_alloc : memref<!tpu.dma_semaphore, #tpu.memory_space<semaphore_mem>>
          tpu.enqueue_dma source(%arg4 : memref<128x112xf32, #tpu.memory_space<hbm>>) target(%arg9 : memref<128x112xf32, #tpu.memory_space<vmem>>) target_semaphore(%run_scoped3A : memref<!tpu.dma_semaphore, #tpu.memory_space<semaphore_mem>>)
          tpu.wait_dma2 semaphore(%run_scoped3A : memref<!tpu.dma_semaphore, #tpu.memory_space<semaphore_mem>>) src(%arg4 : memref<128x112xf32, #tpu.memory_space<hbm>>) dst(%arg9 : memref<128x112xf32, #tpu.memory_space<vmem>>)
          tpu.yield
        }) : () -> ()
        %jit3A_342 = arith.constant 128 : i32
        %div3A_343 = arith.divsi %squeeze3A_261, %jit3A_342 : i32
        %sign3A_344 = arith.constant 0 : i32
        %sign3A_345 = arith.cmpi sgt, %squeeze3A_261, %sign3A_344 : i32
        %sign3A_346 = arith.extui %sign3A_345 : i1 to i32
        %sign3A_347 = arith.constant 0 : i32
        %sign3A_348 = arith.cmpi slt, %squeeze3A_261, %sign3A_347 : i32
        %sign3A_349 = arith.extui %sign3A_348 : i1 to i32
        %sign3A_350 = arith.subi %sign3A_346, %sign3A_349 : i32
        %sign3A_351 = arith.constant 0 : i32
        %sign3A_352 = arith.cmpi sgt, %jit3A_342, %sign3A_351 : i32
        %sign3A_353 = arith.extui %sign3A_352 : i1 to i32
        %sign3A_354 = arith.constant 0 : i32
        %sign3A_355 = arith.cmpi slt, %jit3A_342, %sign3A_354 : i32
        %sign3A_356 = arith.extui %sign3A_355 : i1 to i32
        %sign3A_357 = arith.subi %sign3A_353, %sign3A_356 : i32
        %ne3A_358 = arith.cmpi ne, %sign3A_350, %sign3A_357 : i32
        %rem3A_359 = arith.remsi %squeeze3A_261, %jit3A_342 : i32
        %ne3A_360 = arith.constant 0 : i32
        %ne3A_361 = arith.cmpi ne, %rem3A_359, %ne3A_360 : i32
        %and3A_362 = arith.andi %ne3A_358, %ne3A_361 : i1
        %sub3A_363 = arith.constant 1 : i32
        %sub3A_364 = arith.subi %div3A_343, %sub3A_363 : i32
        %select_n3A_365 = arith.select %and3A_362, %sub3A_364, %div3A_343 : i32
        %broadcast_in_dim3A_366 = vector.broadcast %select_n3A_365 : i32 to vector<16xi32>
        %swap3A_367 = arith.constant 0 : index
        %swap3A_368 = tpu.vector_load %arg10[%swap3A_367] {strides = array<i32>} : memref<16xi32, #tpu.memory_space<vmem>>, vector<16xi32>,
        %swap3A_369 = vector.shape_cast %swap3A_368 : vector<16xi32> to vector<16xi32>
        %swap3A_370 = vector.shape_cast %broadcast_in_dim3A_366 : vector<16xi32> to vector<16xi32>
        tpu.vector_store %arg10[%swap3A_367], %swap3A_370 {strides = array<i32>} : memref<16xi32, #tpu.memory_space<vmem>>, vector<16xi32>,
        %jit3A_371 = arith.constant 128 : i32
        %div3A_372 = arith.divsi %squeeze3A_261, %jit3A_371 : i32
        %sign3A_373 = arith.constant 0 : i32
        %sign3A_374 = arith.cmpi sgt, %squeeze3A_261, %sign3A_373 : i32
        %sign3A_375 = arith.extui %sign3A_374 : i1 to i32
        %sign3A_376 = arith.constant 0 : i32
        %sign3A_377 = arith.cmpi slt, %squeeze3A_261, %sign3A_376 : i32
        %sign3A_378 = arith.extui %sign3A_377 : i1 to i32
        %sign3A_379 = arith.subi %sign3A_375, %sign3A_378 : i32
        %sign3A_380 = arith.constant 0 : i32
        %sign3A_381 = arith.cmpi sgt, %jit3A_371, %sign3A_380 : i32
        %sign3A_382 = arith.extui %sign3A_381 : i1 to i32
        %sign3A_383 = arith.constant 0 : i32
        %sign3A_384 = arith.cmpi slt, %jit3A_371, %sign3A_383 : i32
        %sign3A_385 = arith.extui %sign3A_384 : i1 to i32
        %sign3A_386 = arith.subi %sign3A_382, %sign3A_385 : i32
        %ne3A_387 = arith.cmpi ne, %sign3A_379, %sign3A_386 : i32
        %rem3A_388 = arith.remsi %squeeze3A_261, %jit3A_371 : i32
        %ne3A_389 = arith.constant 0 : i32
        %ne3A_390 = arith.cmpi ne, %rem3A_388, %ne3A_389 : i32
        %and3A_391 = arith.andi %ne3A_387, %ne3A_390 : i1
        %sub3A_392 = arith.constant 1 : i32
        %sub3A_393 = arith.subi %div3A_372, %sub3A_392 : i32
        %select_n3A_394 = arith.select %and3A_391, %sub3A_393, %div3A_372 : i32
        %add3A_395 = arith.constant 1 : i32
        %add3A_396 = arith.addi %scan3A_256, %add3A_395 : i32
        scf.yield %select_n3A_394, %add3A_396 : i32, i32
      } else {
        scf.yield %scan3A_255, %scan3A_256 : i32, i32
      }
      %mul3A_273 = arith.constant 128 : i32
      %mul3A_274 = arith.muli %cond3A_272#0, %mul3A_273 : i32
      %sub3A_275 = arith.subi %squeeze3A_261, %mul3A_274 : i32
      %get3A_276 = arith.index_cast %scan3A_254 : i32 to index
      %get3A_277 = arith.constant 0 : index
      %get3A_278 = tpu.vector_load %arg7[%get3A_276, %get3A_277] {strides = array<i32>} : memref<784x112xf32, #tpu.memory_space<vmem>>, vector<1x16xf32>,
      %get3A_279 = vector.shape_cast %get3A_278 : vector<1x16xf32> to vector<16xf32>
      %swap3A_280 = arith.index_cast %sub3A_275 : i32 to index
      %swap3A_281 = arith.constant 0 : index
      %swap3A_282 = tpu.vector_load %arg9[%swap3A_280, %swap3A_281] {strides = array<i32>} : memref<128x112xf32, #tpu.memory_space<vmem>>, vector<1x16xf32>,
      %swap3A_283 = vector.shape_cast %swap3A_282 : vector<1x16xf32> to vector<16xf32>
      %swap3A_284 = vector.shape_cast %get3A_279 : vector<16xf32> to vector<1x16xf32>
      tpu.vector_store %arg9[%swap3A_280, %swap3A_281], %swap3A_284 {add = true, strides = array<i32>} : memref<128x112xf32, #tpu.memory_space<vmem>>, vector<1x16xf32>,
      %get3A_285 = arith.index_cast %scan3A_254 : i32 to index
      %get3A_286 = arith.constant 16 : index
      %get3A_287 = tpu.vector_load %arg7[%get3A_285, %get3A_286] {strides = array<i32>} : memref<784x112xf32, #tpu.memory_space<vmem>>, vector<1x16xf32>,
      %get3A_288 = vector.shape_cast %get3A_287 : vector<1x16xf32> to vector<16xf32>
      %swap3A_289 = arith.index_cast %sub3A_275 : i32 to index
      %swap3A_290 = arith.constant 16 : index
      %swap3A_291 = tpu.vector_load %arg9[%swap3A_289, %swap3A_290] {strides = array<i32>} : memref<128x112xf32, #tpu.memory_space<vmem>>, vector<1x16xf32>,
      %swap3A_292 = vector.shape_cast %swap3A_291 : vector<1x16xf32> to vector<16xf32>
      %swap3A_293 = vector.shape_cast %get3A_288 : vector<16xf32> to vector<1x16xf32>
      tpu.vector_store %arg9[%swap3A_289, %swap3A_290], %swap3A_293 {add = true, strides = array<i32>} : memref<128x112xf32, #tpu.memory_space<vmem>>, vector<1x16xf32>,
      %get3A_294 = arith.index_cast %scan3A_254 : i32 to index
      %get3A_295 = arith.constant 32 : index
      %get3A_296 = tpu.vector_load %arg7[%get3A_294, %get3A_295] {strides = array<i32>} : memref<784x112xf32, #tpu.memory_space<vmem>>, vector<1x16xf32>,
      %get3A_297 = vector.shape_cast %get3A_296 : vector<1x16xf32> to vector<16xf32>
      %swap3A_298 = arith.index_cast %sub3A_275 : i32 to index
      %swap3A_299 = arith.constant 32 : index
      %swap3A_300 = tpu.vector_load %arg9[%swap3A_298, %swap3A_299] {strides = array<i32>} : memref<128x112xf32, #tpu.memory_space<vmem>>, vector<1x16xf32>,
      %swap3A_301 = vector.shape_cast %swap3A_300 : vector<1x16xf32> to vector<16xf32>
      %swap3A_302 = vector.shape_cast %get3A_297 : vector<16xf32> to vector<1x16xf32>
      tpu.vector_store %arg9[%swap3A_298, %swap3A_299], %swap3A_302 {add = true, strides = array<i32>} : memref<128x112xf32, #tpu.memory_space<vmem>>, vector<1x16xf32>,
      %get3A_303 = arith.index_cast %scan3A_254 : i32 to index
      %get3A_304 = arith.constant 48 : index
      %get3A_305 = tpu.vector_load %arg7[%get3A_303, %get3A_304] {strides = array<i32>} : memref<784x112xf32, #tpu.memory_space<vmem>>, vector<1x16xf32>,
      %get3A_306 = vector.shape_cast %get3A_305 : vector<1x16xf32> to vector<16xf32>
      %swap3A_307 = arith.index_cast %sub3A_275 : i32 to index
      %swap3A_308 = arith.constant 48 : index
      %swap3A_309 = tpu.vector_load %arg9[%swap3A_307, %swap3A_308] {strides = array<i32>} : memref<128x112xf32, #tpu.memory_space<vmem>>, vector<1x16xf32>,
      %swap3A_310 = vector.shape_cast %swap3A_309 : vector<1x16xf32> to vector<16xf32>
      %swap3A_311 = vector.shape_cast %get3A_306 : vector<16xf32> to vector<1x16xf32>
      tpu.vector_store %arg9[%swap3A_307, %swap3A_308], %swap3A_311 {add = true, strides = array<i32>} : memref<128x112xf32, #tpu.memory_space<vmem>>, vector<1x16xf32>,
      %get3A_312 = arith.index_cast %scan3A_254 : i32 to index
      %get3A_313 = arith.constant 64 : index
      %get3A_314 = tpu.vector_load %arg7[%get3A_312, %get3A_313] {strides = array<i32>} : memref<784x112xf32, #tpu.memory_space<vmem>>, vector<1x16xf32>,
      %get3A_315 = vector.shape_cast %get3A_314 : vector<1x16xf32> to vector<16xf32>
      %swap3A_316 = arith.index_cast %sub3A_275 : i32 to index
      %swap3A_317 = arith.constant 64 : index
      %swap3A_318 = tpu.vector_load %arg9[%swap3A_316, %swap3A_317] {strides = array<i32>} : memref<128x112xf32, #tpu.memory_space<vmem>>, vector<1x16xf32>,
      %swap3A_319 = vector.shape_cast %swap3A_318 : vector<1x16xf32> to vector<16xf32>
      %swap3A_320 = vector.shape_cast %get3A_315 : vector<16xf32> to vector<1x16xf32>
      tpu.vector_store %arg9[%swap3A_316, %swap3A_317], %swap3A_320 {add = true, strides = array<i32>} : memref<128x112xf32, #tpu.memory_space<vmem>>, vector<1x16xf32>,
      %get3A_321 = arith.index_cast %scan3A_254 : i32 to index
      %get3A_322 = arith.constant 80 : index
      %get3A_323 = tpu.vector_load %arg7[%get3A_321, %get3A_322] {strides = array<i32>} : memref<784x112xf32, #tpu.memory_space<vmem>>, vector<1x16xf32>,
      %get3A_324 = vector.shape_cast %get3A_323 : vector<1x16xf32> to vector<16xf32>
      %swap3A_325 = arith.index_cast %sub3A_275 : i32 to index
      %swap3A_326 = arith.constant 80 : index
      %swap3A_327 = tpu.vector_load %arg9[%swap3A_325, %swap3A_326] {strides = array<i32>} : memref<128x112xf32, #tpu.memory_space<vmem>>, vector<1x16xf32>,
      %swap3A_328 = vector.shape_cast %swap3A_327 : vector<1x16xf32> to vector<16xf32>
      %swap3A_329 = vector.shape_cast %get3A_324 : vector<16xf32> to vector<1x16xf32>
      tpu.vector_store %arg9[%swap3A_325, %swap3A_326], %swap3A_329 {add = true, strides = array<i32>} : memref<128x112xf32, #tpu.memory_space<vmem>>, vector<1x16xf32>,
      %get3A_330 = arith.index_cast %scan3A_254 : i32 to index
      %get3A_331 = arith.constant 96 : index
      %get3A_332 = tpu.vector_load %arg7[%get3A_330, %get3A_331] {strides = array<i32>} : memref<784x112xf32, #tpu.memory_space<vmem>>, vector<1x16xf32>,
      %get3A_333 = vector.shape_cast %get3A_332 : vector<1x16xf32> to vector<16xf32>
      %swap3A_334 = arith.index_cast %sub3A_275 : i32 to index
      %swap3A_335 = arith.constant 96 : index
      %swap3A_336 = tpu.vector_load %arg9[%swap3A_334, %swap3A_335] {strides = array<i32>} : memref<128x112xf32, #tpu.memory_space<vmem>>, vector<1x16xf32>,
      %swap3A_337 = vector.shape_cast %swap3A_336 : vector<1x16xf32> to vector<16xf32>
      %swap3A_338 = vector.shape_cast %get3A_333 : vector<16xf32> to vector<1x16xf32>
      tpu.vector_store %arg9[%swap3A_334, %swap3A_335], %swap3A_338 {add = true, strides = array<i32>} : memref<128x112xf32, #tpu.memory_space<vmem>>, vector<1x16xf32>,
      scf.yield %cond3A_272#0, %cond3A_272#1 : i32, i32
    }
    %scan3A_57 = arith.constant 784 : i32
    %add3A_58 = arith.constant 784 : i32
    %add3A_59 = arith.addi %mul3A_2, %add3A_58 : i32
    "tpu.region"() ({
      %run_scoped3A = tpu.sem_alloc : memref<!tpu.dma_semaphore, #tpu.memory_space<semaphore_mem>>
      %dma_start3A = arith.constant 0 : i32
      %dma_start3A_254 = tpu.memref_slice %arg2[%add3A_59, %dma_start3A] : memref<100352x112xf32, #tpu.memory_space<hbm>> -> memref<784x112xf32, #tpu.memory_space<hbm>>
      %dma_start3A_255 = arith.constant 0 : i32
      %dma_start3A_256 = tpu.memref_slice %arg2[%add3A_59, %dma_start3A_255] : memref<100352x112xf32, #tpu.memory_space<hbm>> -> memref<784x112xf32, #tpu.memory_space<hbm>>
      tpu.enqueue_dma source(%dma_start3A_256 : memref<784x112xf32, #tpu.memory_space<hbm>>) target(%arg7 : memref<784x112xf32, #tpu.memory_space<vmem>>) target_semaphore(%run_scoped3A : memref<!tpu.dma_semaphore, #tpu.memory_space<semaphore_mem>>)
      %dma_wait3A = arith.constant 0 : i32
      %dma_wait3A_257 = tpu.memref_slice %arg2[%add3A_59, %dma_wait3A] : memref<100352x112xf32, #tpu.memory_space<hbm>> -> memref<784x112xf32, #tpu.memory_space<hbm>>
      %dma_wait3A_258 = arith.constant 0 : i32
      %dma_wait3A_259 = tpu.memref_slice %arg2[%add3A_59, %dma_wait3A_258] : memref<100352x112xf32, #tpu.memory_space<hbm>> -> memref<784x112xf32, #tpu.memory_space<hbm>>
      tpu.wait_dma2 semaphore(%run_scoped3A : memref<!tpu.dma_semaphore, #tpu.memory_space<semaphore_mem>>) src(%dma_wait3A_259 : memref<784x112xf32, #tpu.memory_space<hbm>>) dst(%arg7 : memref<784x112xf32, #tpu.memory_space<vmem>>)
      tpu.yield
    }) : () -> ()
    %add3A_60 = arith.constant 784 : i32
    %add3A_61 = arith.addi %mul3A_2, %add3A_60 : i32
    "tpu.region"() ({
      %run_scoped3A = tpu.sem_alloc : memref<!tpu.dma_semaphore, #tpu.memory_space<semaphore_mem>>
      %dma_start3A = arith.constant 0 : i32
      %dma_start3A_254 = tpu.memref_slice %arg8[%dma_start3A] : memref<800xi32, #tpu.memory_space<vmem>> -> memref<784xi32, #tpu.memory_space<vmem>>
      %dma_start3A_255 = tpu.memref_slice %arg3[%add3A_61] : memref<100352xi32, #tpu.memory_space<hbm>> -> memref<784xi32, #tpu.memory_space<hbm>>
      %dma_start3A_256 = arith.constant 0 : i32
      %dma_start3A_257 = tpu.memref_slice %arg8[%dma_start3A_256] : memref<800xi32, #tpu.memory_space<vmem>> -> memref<784xi32, #tpu.memory_space<vmem>>
      %dma_start3A_258 = tpu.memref_slice %arg3[%add3A_61] : memref<100352xi32, #tpu.memory_space<hbm>> -> memref<784xi32, #tpu.memory_space<hbm>>
      tpu.enqueue_dma source(%dma_start3A_258 : memref<784xi32, #tpu.memory_space<hbm>>) target(%dma_start3A_257 : memref<784xi32, #tpu.memory_space<vmem>>) target_semaphore(%run_scoped3A : memref<!tpu.dma_semaphore, #tpu.memory_space<semaphore_mem>>)
      %dma_wait3A = arith.constant 0 : i32
      %dma_wait3A_259 = tpu.memref_slice %arg8[%dma_wait3A] : memref<800xi32, #tpu.memory_space<vmem>> -> memref<784xi32, #tpu.memory_space<vmem>>
      %dma_wait3A_260 = tpu.memref_slice %arg3[%add3A_61] : memref<100352xi32, #tpu.memory_space<hbm>> -> memref<784xi32, #tpu.memory_space<hbm>>
      %dma_wait3A_261 = arith.constant 0 : i32
      %dma_wait3A_262 = tpu.memref_slice %arg8[%dma_wait3A_261] : memref<800xi32, #tpu.memory_space<vmem>> -> memref<784xi32, #tpu.memory_space<vmem>>
      %dma_wait3A_263 = tpu.memref_slice %arg3[%add3A_61] : memref<100352xi32, #tpu.memory_space<hbm>> -> memref<784xi32, #tpu.memory_space<hbm>>
      tpu.wait_dma2 semaphore(%run_scoped3A : memref<!tpu.dma_semaphore, #tpu.memory_space<semaphore_mem>>) src(%dma_wait3A_263 : memref<784xi32, #tpu.memory_space<hbm>>) dst(%dma_wait3A_262 : memref<784xi32, #tpu.memory_space<vmem>>)
      tpu.yield
    }) : () -> ()
    %scan3A_62 = arith.constant 0 : i32
    %scan3A_63 = arith.constant 784 : i32
    %scan3A_64 = arith.addi %scan3A_62, %scan3A_63 : i32
    %scan3A_65 = arith.constant 1 : i32
    %scan3A_66:2 = scf.for %scan3A_254 = %scan3A_62 to %scan3A_64 step %scan3A_65 iter_args(%scan3A_255 = %scan3A_56#0, %scan3A_256 = %scan3A_56#1) -> (i32, i32)  : i32 {
      %get3A_257 = arith.index_cast %scan3A_254 : i32 to index
      %get3A_258 = tpu.vector_load %arg8[%get3A_257] {strides = array<i32>} : memref<800xi32, #tpu.memory_space<vmem>>, vector<16xi32>,
      %get3A_259 = vector.shape_cast %get3A_258 : vector<16xi32> to vector<16xi32>
      %slice3A_260 = vector.extract_strided_slice %get3A_259 {offsets = [0], sizes = [1], strides = [1]} : vector<16xi32> to vector<1xi32>
      %squeeze3A_261 = vector.extract %slice3A_260[0] : i32 from vector<1xi32>
      %mul3A_262 = arith.constant 128 : i32
      %mul3A_263 = arith.muli %scan3A_255, %mul3A_262 : i32
      %lt3A_264 = arith.cmpi slt, %squeeze3A_261, %mul3A_263 : i32
      %add3A_265 = arith.constant 1 : i32
      %add3A_266 = arith.addi %scan3A_255, %add3A_265 : i32
      %mul3A_267 = arith.constant 128 : i32
      %mul3A_268 = arith.muli %add3A_266, %mul3A_267 : i32
      %ge3A = arith.cmpi sge, %squeeze3A_261, %mul3A_268 : i32
      %or3A = arith.ori %lt3A_264, %ge3A : i1
      %convert_element_type3A_269 = arith.extui %or3A : i1 to i32
      %cond3A_270 = arith.constant 0 : i32
      %cond3A_271 = arith.cmpi ne, %convert_element_type3A_269, %cond3A_270 : i32
      %cond3A_272:2 = scf.if %cond3A_271 -> (i32, i32) {
        %mul3A_339 = arith.constant 32 : i32
        %mul3A_340 = arith.muli %add3A, %mul3A_339 : i32
        %add3A_341 = arith.addi %mul3A_340, %scan3A_256 : i32
        "tpu.region"() ({
          %run_scoped3A = tpu.sem_alloc : memref<!tpu.dma_semaphore, #tpu.memory_space<semaphore_mem>>
          %dma_start3A = arith.constant 0 : i32
          %dma_start3A_397 = arith.constant 0 : i32
          %dma_start3A_398 = tpu.memref_slice %arg5[%add3A_341, %dma_start3A, %dma_start3A_397] : memref<1024x128x112xf32, #tpu.memory_space<hbm>> -> memref<1x128x112xf32, #tpu.memory_space<hbm>>
          %dma_start3A_399 = tpu.memref_squeeze %dma_start3A_398 : memref<1x128x112xf32, #tpu.memory_space<hbm>> -> memref<128x112xf32, #tpu.memory_space<hbm>>
          %dma_start3A_400 = arith.constant 0 : i32
          %dma_start3A_401 = arith.constant 0 : i32
          %dma_start3A_402 = tpu.memref_slice %arg5[%add3A_341, %dma_start3A_400, %dma_start3A_401] : memref<1024x128x112xf32, #tpu.memory_space<hbm>> -> memref<1x128x112xf32, #tpu.memory_space<hbm>>
          %dma_start3A_403 = tpu.memref_squeeze %dma_start3A_402 : memref<1x128x112xf32, #tpu.memory_space<hbm>> -> memref<128x112xf32, #tpu.memory_space<hbm>>
          tpu.enqueue_dma source(%arg9 : memref<128x112xf32, #tpu.memory_space<vmem>>) target(%dma_start3A_403 : memref<128x112xf32, #tpu.memory_space<hbm>>) target_semaphore(%run_scoped3A : memref<!tpu.dma_semaphore, #tpu.memory_space<semaphore_mem>>)
          %dma_wait3A = arith.constant 0 : i32
          %dma_wait3A_404 = arith.constant 0 : i32
          %dma_wait3A_405 = tpu.memref_slice %arg5[%add3A_341, %dma_wait3A, %dma_wait3A_404] : memref<1024x128x112xf32, #tpu.memory_space<hbm>> -> memref<1x128x112xf32, #tpu.memory_space<hbm>>
          %dma_wait3A_406 = tpu.memref_squeeze %dma_wait3A_405 : memref<1x128x112xf32, #tpu.memory_space<hbm>> -> memref<128x112xf32, #tpu.memory_space<hbm>>
          %dma_wait3A_407 = arith.constant 0 : i32
          %dma_wait3A_408 = arith.constant 0 : i32
          %dma_wait3A_409 = tpu.memref_slice %arg5[%add3A_341, %dma_wait3A_407, %dma_wait3A_408] : memref<1024x128x112xf32, #tpu.memory_space<hbm>> -> memref<1x128x112xf32, #tpu.memory_space<hbm>>
          %dma_wait3A_410 = tpu.memref_squeeze %dma_wait3A_409 : memref<1x128x112xf32, #tpu.memory_space<hbm>> -> memref<128x112xf32, #tpu.memory_space<hbm>>
          tpu.wait_dma2 semaphore(%run_scoped3A : memref<!tpu.dma_semaphore, #tpu.memory_space<semaphore_mem>>) src(%arg9 : memref<128x112xf32, #tpu.memory_space<vmem>>) dst(%dma_wait3A_410 : memref<128x112xf32, #tpu.memory_space<hbm>>)
          tpu.yield
        }) : () -> ()
        "tpu.region"() ({
          %run_scoped3A = tpu.sem_alloc : memref<!tpu.dma_semaphore, #tpu.memory_space<semaphore_mem>>
          %dma_start3A = arith.constant 0 : i32
          %dma_start3A_397 = tpu.memref_slice %arg6[%add3A, %scan3A_256, %dma_start3A] : memref<32x32x16xi32, #tpu.memory_space<hbm>> -> memref<1x1x16xi32, #tpu.memory_space<hbm>>
          %dma_start3A_398 = tpu.memref_squeeze %dma_start3A_397 : memref<1x1x16xi32, #tpu.memory_space<hbm>> -> memref<16xi32, #tpu.memory_space<hbm>>
          %dma_start3A_399 = arith.constant 0 : i32
          %dma_start3A_400 = tpu.memref_slice %arg6[%add3A, %scan3A_256, %dma_start3A_399] : memref<32x32x16xi32, #tpu.memory_space<hbm>> -> memref<1x1x16xi32, #tpu.memory_space<hbm>>
          %dma_start3A_401 = tpu.memref_squeeze %dma_start3A_400 : memref<1x1x16xi32, #tpu.memory_space<hbm>> -> memref<16xi32, #tpu.memory_space<hbm>>
          tpu.enqueue_dma source(%arg10 : memref<16xi32, #tpu.memory_space<vmem>>) target(%dma_start3A_401 : memref<16xi32, #tpu.memory_space<hbm>>) target_semaphore(%run_scoped3A : memref<!tpu.dma_semaphore, #tpu.memory_space<semaphore_mem>>)
          %dma_wait3A = arith.constant 0 : i32
          %dma_wait3A_402 = tpu.memref_slice %arg6[%add3A, %scan3A_256, %dma_wait3A] : memref<32x32x16xi32, #tpu.memory_space<hbm>> -> memref<1x1x16xi32, #tpu.memory_space<hbm>>
          %dma_wait3A_403 = tpu.memref_squeeze %dma_wait3A_402 : memref<1x1x16xi32, #tpu.memory_space<hbm>> -> memref<16xi32, #tpu.memory_space<hbm>>
          %dma_wait3A_404 = arith.constant 0 : i32
          %dma_wait3A_405 = tpu.memref_slice %arg6[%add3A, %scan3A_256, %dma_wait3A_404] : memref<32x32x16xi32, #tpu.memory_space<hbm>> -> memref<1x1x16xi32, #tpu.memory_space<hbm>>
          %dma_wait3A_406 = tpu.memref_squeeze %dma_wait3A_405 : memref<1x1x16xi32, #tpu.memory_space<hbm>> -> memref<16xi32, #tpu.memory_space<hbm>>
          tpu.wait_dma2 semaphore(%run_scoped3A : memref<!tpu.dma_semaphore, #tpu.memory_space<semaphore_mem>>) src(%arg10 : memref<16xi32, #tpu.memory_space<vmem>>) dst(%dma_wait3A_406 : memref<16xi32, #tpu.memory_space<hbm>>)
          tpu.yield
        }) : () -> ()
        "tpu.region"() ({
          %run_scoped3A = tpu.sem_alloc : memref<!tpu.dma_semaphore, #tpu.memory_space<semaphore_mem>>
          tpu.enqueue_dma source(%arg4 : memref<128x112xf32, #tpu.memory_space<hbm>>) target(%arg9 : memref<128x112xf32, #tpu.memory_space<vmem>>) target_semaphore(%run_scoped3A : memref<!tpu.dma_semaphore, #tpu.memory_space<semaphore_mem>>)
          tpu.wait_dma2 semaphore(%run_scoped3A : memref<!tpu.dma_semaphore, #tpu.memory_space<semaphore_mem>>) src(%arg4 : memref<128x112xf32, #tpu.memory_space<hbm>>) dst(%arg9 : memref<128x112xf32, #tpu.memory_space<vmem>>)
          tpu.yield
        }) : () -> ()
        %jit3A_342 = arith.constant 128 : i32
        %div3A_343 = arith.divsi %squeeze3A_261, %jit3A_342 : i32
        %sign3A_344 = arith.constant 0 : i32
        %sign3A_345 = arith.cmpi sgt, %squeeze3A_261, %sign3A_344 : i32
        %sign3A_346 = arith.extui %sign3A_345 : i1 to i32
        %sign3A_347 = arith.constant 0 : i32
        %sign3A_348 = arith.cmpi slt, %squeeze3A_261, %sign3A_347 : i32
        %sign3A_349 = arith.extui %sign3A_348 : i1 to i32
        %sign3A_350 = arith.subi %sign3A_346, %sign3A_349 : i32
        %sign3A_351 = arith.constant 0 : i32
        %sign3A_352 = arith.cmpi sgt, %jit3A_342, %sign3A_351 : i32
        %sign3A_353 = arith.extui %sign3A_352 : i1 to i32
        %sign3A_354 = arith.constant 0 : i32
        %sign3A_355 = arith.cmpi slt, %jit3A_342, %sign3A_354 : i32
        %sign3A_356 = arith.extui %sign3A_355 : i1 to i32
        %sign3A_357 = arith.subi %sign3A_353, %sign3A_356 : i32
        %ne3A_358 = arith.cmpi ne, %sign3A_350, %sign3A_357 : i32
        %rem3A_359 = arith.remsi %squeeze3A_261, %jit3A_342 : i32
        %ne3A_360 = arith.constant 0 : i32
        %ne3A_361 = arith.cmpi ne, %rem3A_359, %ne3A_360 : i32
        %and3A_362 = arith.andi %ne3A_358, %ne3A_361 : i1
        %sub3A_363 = arith.constant 1 : i32
        %sub3A_364 = arith.subi %div3A_343, %sub3A_363 : i32
        %select_n3A_365 = arith.select %and3A_362, %sub3A_364, %div3A_343 : i32
        %broadcast_in_dim3A_366 = vector.broadcast %select_n3A_365 : i32 to vector<16xi32>
        %swap3A_367 = arith.constant 0 : index
        %swap3A_368 = tpu.vector_load %arg10[%swap3A_367] {strides = array<i32>} : memref<16xi32, #tpu.memory_space<vmem>>, vector<16xi32>,
        %swap3A_369 = vector.shape_cast %swap3A_368 : vector<16xi32> to vector<16xi32>
        %swap3A_370 = vector.shape_cast %broadcast_in_dim3A_366 : vector<16xi32> to vector<16xi32>
        tpu.vector_store %arg10[%swap3A_367], %swap3A_370 {strides = array<i32>} : memref<16xi32, #tpu.memory_space<vmem>>, vector<16xi32>,
        %jit3A_371 = arith.constant 128 : i32
        %div3A_372 = arith.divsi %squeeze3A_261, %jit3A_371 : i32
        %sign3A_373 = arith.constant 0 : i32
        %sign3A_374 = arith.cmpi sgt, %squeeze3A_261, %sign3A_373 : i32
        %sign3A_375 = arith.extui %sign3A_374 : i1 to i32
        %sign3A_376 = arith.constant 0 : i32
        %sign3A_377 = arith.cmpi slt, %squeeze3A_261, %sign3A_376 : i32
        %sign3A_378 = arith.extui %sign3A_377 : i1 to i32
        %sign3A_379 = arith.subi %sign3A_375, %sign3A_378 : i32
        %sign3A_380 = arith.constant 0 : i32
        %sign3A_381 = arith.cmpi sgt, %jit3A_371, %sign3A_380 : i32
        %sign3A_382 = arith.extui %sign3A_381 : i1 to i32
        %sign3A_383 = arith.constant 0 : i32
        %sign3A_384 = arith.cmpi slt, %jit3A_371, %sign3A_383 : i32
        %sign3A_385 = arith.extui %sign3A_384 : i1 to i32
        %sign3A_386 = arith.subi %sign3A_382, %sign3A_385 : i32
        %ne3A_387 = arith.cmpi ne, %sign3A_379, %sign3A_386 : i32
        %rem3A_388 = arith.remsi %squeeze3A_261, %jit3A_371 : i32
        %ne3A_389 = arith.constant 0 : i32
        %ne3A_390 = arith.cmpi ne, %rem3A_388, %ne3A_389 : i32
        %and3A_391 = arith.andi %ne3A_387, %ne3A_390 : i1
        %sub3A_392 = arith.constant 1 : i32
        %sub3A_393 = arith.subi %div3A_372, %sub3A_392 : i32
        %select_n3A_394 = arith.select %and3A_391, %sub3A_393, %div3A_372 : i32
        %add3A_395 = arith.constant 1 : i32
        %add3A_396 = arith.addi %scan3A_256, %add3A_395 : i32
        scf.yield %select_n3A_394, %add3A_396 : i32, i32
      } else {
        scf.yield %scan3A_255, %scan3A_256 : i32, i32
      }
      %mul3A_273 = arith.constant 128 : i32
      %mul3A_274 = arith.muli %cond3A_272#0, %mul3A_273 : i32
      %sub3A_275 = arith.subi %squeeze3A_261, %mul3A_274 : i32
      %get3A_276 = arith.index_cast %scan3A_254 : i32 to index
      %get3A_277 = arith.constant 0 : index
      %get3A_278 = tpu.vector_load %arg7[%get3A_276, %get3A_277] {strides = array<i32>} : memref<784x112xf32, #tpu.memory_space<vmem>>, vector<1x16xf32>,
      %get3A_279 = vector.shape_cast %get3A_278 : vector<1x16xf32> to vector<16xf32>
      %swap3A_280 = arith.index_cast %sub3A_275 : i32 to index
      %swap3A_281 = arith.constant 0 : index
      %swap3A_282 = tpu.vector_load %arg9[%swap3A_280, %swap3A_281] {strides = array<i32>} : memref<128x112xf32, #tpu.memory_space<vmem>>, vector<1x16xf32>,
      %swap3A_283 = vector.shape_cast %swap3A_282 : vector<1x16xf32> to vector<16xf32>
      %swap3A_284 = vector.shape_cast %get3A_279 : vector<16xf32> to vector<1x16xf32>
      tpu.vector_store %arg9[%swap3A_280, %swap3A_281], %swap3A_284 {add = true, strides = array<i32>} : memref<128x112xf32, #tpu.memory_space<vmem>>, vector<1x16xf32>,
      %get3A_285 = arith.index_cast %scan3A_254 : i32 to index
      %get3A_286 = arith.constant 16 : index
      %get3A_287 = tpu.vector_load %arg7[%get3A_285, %get3A_286] {strides = array<i32>} : memref<784x112xf32, #tpu.memory_space<vmem>>, vector<1x16xf32>,
      %get3A_288 = vector.shape_cast %get3A_287 : vector<1x16xf32> to vector<16xf32>
      %swap3A_289 = arith.index_cast %sub3A_275 : i32 to index
      %swap3A_290 = arith.constant 16 : index
      %swap3A_291 = tpu.vector_load %arg9[%swap3A_289, %swap3A_290] {strides = array<i32>} : memref<128x112xf32, #tpu.memory_space<vmem>>, vector<1x16xf32>,
      %swap3A_292 = vector.shape_cast %swap3A_291 : vector<1x16xf32> to vector<16xf32>
      %swap3A_293 = vector.shape_cast %get3A_288 : vector<16xf32> to vector<1x16xf32>
      tpu.vector_store %arg9[%swap3A_289, %swap3A_290], %swap3A_293 {add = true, strides = array<i32>} : memref<128x112xf32, #tpu.memory_space<vmem>>, vector<1x16xf32>,
      %get3A_294 = arith.index_cast %scan3A_254 : i32 to index
      %get3A_295 = arith.constant 32 : index
      %get3A_296 = tpu.vector_load %arg7[%get3A_294, %get3A_295] {strides = array<i32>} : memref<784x112xf32, #tpu.memory_space<vmem>>, vector<1x16xf32>,
      %get3A_297 = vector.shape_cast %get3A_296 : vector<1x16xf32> to vector<16xf32>
      %swap3A_298 = arith.index_cast %sub3A_275 : i32 to index
      %swap3A_299 = arith.constant 32 : index
      %swap3A_300 = tpu.vector_load %arg9[%swap3A_298, %swap3A_299] {strides = array<i32>} : memref<128x112xf32, #tpu.memory_space<vmem>>, vector<1x16xf32>,
      %swap3A_301 = vector.shape_cast %swap3A_300 : vector<1x16xf32> to vector<16xf32>
      %swap3A_302 = vector.shape_cast %get3A_297 : vector<16xf32> to vector<1x16xf32>
      tpu.vector_store %arg9[%swap3A_298, %swap3A_299], %swap3A_302 {add = true, strides = array<i32>} : memref<128x112xf32, #tpu.memory_space<vmem>>, vector<1x16xf32>,
      %get3A_303 = arith.index_cast %scan3A_254 : i32 to index
      %get3A_304 = arith.constant 48 : index
      %get3A_305 = tpu.vector_load %arg7[%get3A_303, %get3A_304] {strides = array<i32>} : memref<784x112xf32, #tpu.memory_space<vmem>>, vector<1x16xf32>,
      %get3A_306 = vector.shape_cast %get3A_305 : vector<1x16xf32> to vector<16xf32>
      %swap3A_307 = arith.index_cast %sub3A_275 : i32 to index
      %swap3A_308 = arith.constant 48 : index
      %swap3A_309 = tpu.vector_load %arg9[%swap3A_307, %swap3A_308] {strides = array<i32>} : memref<128x112xf32, #tpu.memory_space<vmem>>, vector<1x16xf32>,
      %swap3A_310 = vector.shape_cast %swap3A_309 : vector<1x16xf32> to vector<16xf32>
      %swap3A_311 = vector.shape_cast %get3A_306 : vector<16xf32> to vector<1x16xf32>
      tpu.vector_store %arg9[%swap3A_307, %swap3A_308], %swap3A_311 {add = true, strides = array<i32>} : memref<128x112xf32, #tpu.memory_space<vmem>>, vector<1x16xf32>,
      %get3A_312 = arith.index_cast %scan3A_254 : i32 to index
      %get3A_313 = arith.constant 64 : index
      %get3A_314 = tpu.vector_load %arg7[%get3A_312, %get3A_313] {strides = array<i32>} : memref<784x112xf32, #tpu.memory_space<vmem>>, vector<1x16xf32>,
      %get3A_315 = vector.shape_cast %get3A_314 : vector<1x16xf32> to vector<16xf32>
      %swap3A_316 = arith.index_cast %sub3A_275 : i32 to index
      %swap3A_317 = arith.constant 64 : index
      %swap3A_318 = tpu.vector_load %arg9[%swap3A_316, %swap3A_317] {strides = array<i32>} : memref<128x112xf32, #tpu.memory_space<vmem>>, vector<1x16xf32>,
      %swap3A_319 = vector.shape_cast %swap3A_318 : vector<1x16xf32> to vector<16xf32>
      %swap3A_320 = vector.shape_cast %get3A_315 : vector<16xf32> to vector<1x16xf32>
      tpu.vector_store %arg9[%swap3A_316, %swap3A_317], %swap3A_320 {add = true, strides = array<i32>} : memref<128x112xf32, #tpu.memory_space<vmem>>, vector<1x16xf32>,
      %get3A_321 = arith.index_cast %scan3A_254 : i32 to index
      %get3A_322 = arith.constant 80 : index
      %get3A_323 = tpu.vector_load %arg7[%get3A_321, %get3A_322] {strides = array<i32>} : memref<784x112xf32, #tpu.memory_space<vmem>>, vector<1x16xf32>,
      %get3A_324 = vector.shape_cast %get3A_323 : vector<1x16xf32> to vector<16xf32>
      %swap3A_325 = arith.index_cast %sub3A_275 : i32 to index
      %swap3A_326 = arith.constant 80 : index
      %swap3A_327 = tpu.vector_load %arg9[%swap3A_325, %swap3A_326] {strides = array<i32>} : memref<128x112xf32, #tpu.memory_space<vmem>>, vector<1x16xf32>,
      %swap3A_328 = vector.shape_cast %swap3A_327 : vector<1x16xf32> to vector<16xf32>
      %swap3A_329 = vector.shape_cast %get3A_324 : vector<16xf32> to vector<1x16xf32>
      tpu.vector_store %arg9[%swap3A_325, %swap3A_326], %swap3A_329 {add = true, strides = array<i32>} : memref<128x112xf32, #tpu.memory_space<vmem>>, vector<1x16xf32>,
      %get3A_330 = arith.index_cast %scan3A_254 : i32 to index
      %get3A_331 = arith.constant 96 : index
      %get3A_332 = tpu.vector_load %arg7[%get3A_330, %get3A_331] {strides = array<i32>} : memref<784x112xf32, #tpu.memory_space<vmem>>, vector<1x16xf32>,
      %get3A_333 = vector.shape_cast %get3A_332 : vector<1x16xf32> to vector<16xf32>
      %swap3A_334 = arith.index_cast %sub3A_275 : i32 to index
      %swap3A_335 = arith.constant 96 : index
      %swap3A_336 = tpu.vector_load %arg9[%swap3A_334, %swap3A_335] {strides = array<i32>} : memref<128x112xf32, #tpu.memory_space<vmem>>, vector<1x16xf32>,
      %swap3A_337 = vector.shape_cast %swap3A_336 : vector<1x16xf32> to vector<16xf32>
      %swap3A_338 = vector.shape_cast %get3A_333 : vector<16xf32> to vector<1x16xf32>
      tpu.vector_store %arg9[%swap3A_334, %swap3A_335], %swap3A_338 {add = true, strides = array<i32>} : memref<128x112xf32, #tpu.memory_space<vmem>>, vector<1x16xf32>,
      scf.yield %cond3A_272#0, %cond3A_272#1 : i32, i32
    }
    %scan3A_67 = arith.constant 784 : i32
    %add3A_68 = arith.constant 1568 : i32
    %add3A_69 = arith.addi %mul3A_2, %add3A_68 : i32
    "tpu.region"() ({
      %run_scoped3A = tpu.sem_alloc : memref<!tpu.dma_semaphore, #tpu.memory_space<semaphore_mem>>
      %dma_start3A = arith.constant 0 : i32
      %dma_start3A_254 = tpu.memref_slice %arg2[%add3A_69, %dma_start3A] : memref<100352x112xf32, #tpu.memory_space<hbm>> -> memref<784x112xf32, #tpu.memory_space<hbm>>
      %dma_start3A_255 = arith.constant 0 : i32
      %dma_start3A_256 = tpu.memref_slice %arg2[%add3A_69, %dma_start3A_255] : memref<100352x112xf32, #tpu.memory_space<hbm>> -> memref<784x112xf32, #tpu.memory_space<hbm>>
      tpu.enqueue_dma source(%dma_start3A_256 : memref<784x112xf32, #tpu.memory_space<hbm>>) target(%arg7 : memref<784x112xf32, #tpu.memory_space<vmem>>) target_semaphore(%run_scoped3A : memref<!tpu.dma_semaphore, #tpu.memory_space<semaphore_mem>>)
      %dma_wait3A = arith.constant 0 : i32
      %dma_wait3A_257 = tpu.memref_slice %arg2[%add3A_69, %dma_wait3A] : memref<100352x112xf32, #tpu.memory_space<hbm>> -> memref<784x112xf32, #tpu.memory_space<hbm>>
      %dma_wait3A_258 = arith.constant 0 : i32
      %dma_wait3A_259 = tpu.memref_slice %arg2[%add3A_69, %dma_wait3A_258] : memref<100352x112xf32, #tpu.memory_space<hbm>> -> memref<784x112xf32, #tpu.memory_space<hbm>>
      tpu.wait_dma2 semaphore(%run_scoped3A : memref<!tpu.dma_semaphore, #tpu.memory_space<semaphore_mem>>) src(%dma_wait3A_259 : memref<784x112xf32, #tpu.memory_space<hbm>>) dst(%arg7 : memref<784x112xf32, #tpu.memory_space<vmem>>)
      tpu.yield
    }) : () -> ()
    %add3A_70 = arith.constant 1568 : i32
    %add3A_71 = arith.addi %mul3A_2, %add3A_70 : i32
    "tpu.region"() ({
      %run_scoped3A = tpu.sem_alloc : memref<!tpu.dma_semaphore, #tpu.memory_space<semaphore_mem>>
      %dma_start3A = arith.constant 0 : i32
      %dma_start3A_254 = tpu.memref_slice %arg8[%dma_start3A] : memref<800xi32, #tpu.memory_space<vmem>> -> memref<784xi32, #tpu.memory_space<vmem>>
      %dma_start3A_255 = tpu.memref_slice %arg3[%add3A_71] : memref<100352xi32, #tpu.memory_space<hbm>> -> memref<784xi32, #tpu.memory_space<hbm>>
      %dma_start3A_256 = arith.constant 0 : i32
      %dma_start3A_257 = tpu.memref_slice %arg8[%dma_start3A_256] : memref<800xi32, #tpu.memory_space<vmem>> -> memref<784xi32, #tpu.memory_space<vmem>>
      %dma_start3A_258 = tpu.memref_slice %arg3[%add3A_71] : memref<100352xi32, #tpu.memory_space<hbm>> -> memref<784xi32, #tpu.memory_space<hbm>>
      tpu.enqueue_dma source(%dma_start3A_258 : memref<784xi32, #tpu.memory_space<hbm>>) target(%dma_start3A_257 : memref<784xi32, #tpu.memory_space<vmem>>) target_semaphore(%run_scoped3A : memref<!tpu.dma_semaphore, #tpu.memory_space<semaphore_mem>>)
      %dma_wait3A = arith.constant 0 : i32
      %dma_wait3A_259 = tpu.memref_slice %arg8[%dma_wait3A] : memref<800xi32, #tpu.memory_space<vmem>> -> memref<784xi32, #tpu.memory_space<vmem>>
      %dma_wait3A_260 = tpu.memref_slice %arg3[%add3A_71] : memref<100352xi32, #tpu.memory_space<hbm>> -> memref<784xi32, #tpu.memory_space<hbm>>
      %dma_wait3A_261 = arith.constant 0 : i32
      %dma_wait3A_262 = tpu.memref_slice %arg8[%dma_wait3A_261] : memref<800xi32, #tpu.memory_space<vmem>> -> memref<784xi32, #tpu.memory_space<vmem>>
      %dma_wait3A_263 = tpu.memref_slice %arg3[%add3A_71] : memref<100352xi32, #tpu.memory_space<hbm>> -> memref<784xi32, #tpu.memory_space<hbm>>
      tpu.wait_dma2 semaphore(%run_scoped3A : memref<!tpu.dma_semaphore, #tpu.memory_space<semaphore_mem>>) src(%dma_wait3A_263 : memref<784xi32, #tpu.memory_space<hbm>>) dst(%dma_wait3A_262 : memref<784xi32, #tpu.memory_space<vmem>>)
      tpu.yield
    }) : () -> ()
    %scan3A_72 = arith.constant 0 : i32
    %scan3A_73 = arith.constant 784 : i32
    %scan3A_74 = arith.addi %scan3A_72, %scan3A_73 : i32
    %scan3A_75 = arith.constant 1 : i32
    %scan3A_76:2 = scf.for %scan3A_254 = %scan3A_72 to %scan3A_74 step %scan3A_75 iter_args(%scan3A_255 = %scan3A_66#0, %scan3A_256 = %scan3A_66#1) -> (i32, i32)  : i32 {
      %get3A_257 = arith.index_cast %scan3A_254 : i32 to index
      %get3A_258 = tpu.vector_load %arg8[%get3A_257] {strides = array<i32>} : memref<800xi32, #tpu.memory_space<vmem>>, vector<16xi32>,
      %get3A_259 = vector.shape_cast %get3A_258 : vector<16xi32> to vector<16xi32>
      %slice3A_260 = vector.extract_strided_slice %get3A_259 {offsets = [0], sizes = [1], strides = [1]} : vector<16xi32> to vector<1xi32>
      %squeeze3A_261 = vector.extract %slice3A_260[0] : i32 from vector<1xi32>
      %mul3A_262 = arith.constant 128 : i32
      %mul3A_263 = arith.muli %scan3A_255, %mul3A_262 : i32
      %lt3A_264 = arith.cmpi slt, %squeeze3A_261, %mul3A_263 : i32
      %add3A_265 = arith.constant 1 : i32
      %add3A_266 = arith.addi %scan3A_255, %add3A_265 : i32
      %mul3A_267 = arith.constant 128 : i32
      %mul3A_268 = arith.muli %add3A_266, %mul3A_267 : i32
      %ge3A = arith.cmpi sge, %squeeze3A_261, %mul3A_268 : i32
      %or3A = arith.ori %lt3A_264, %ge3A : i1
      %convert_element_type3A_269 = arith.extui %or3A : i1 to i32
      %cond3A_270 = arith.constant 0 : i32
      %cond3A_271 = arith.cmpi ne, %convert_element_type3A_269, %cond3A_270 : i32
      %cond3A_272:2 = scf.if %cond3A_271 -> (i32, i32) {
        %mul3A_339 = arith.constant 32 : i32
        %mul3A_340 = arith.muli %add3A, %mul3A_339 : i32
        %add3A_341 = arith.addi %mul3A_340, %scan3A_256 : i32
        "tpu.region"() ({
          %run_scoped3A = tpu.sem_alloc : memref<!tpu.dma_semaphore, #tpu.memory_space<semaphore_mem>>
          %dma_start3A = arith.constant 0 : i32
          %dma_start3A_397 = arith.constant 0 : i32
          %dma_start3A_398 = tpu.memref_slice %arg5[%add3A_341, %dma_start3A, %dma_start3A_397] : memref<1024x128x112xf32, #tpu.memory_space<hbm>> -> memref<1x128x112xf32, #tpu.memory_space<hbm>>
          %dma_start3A_399 = tpu.memref_squeeze %dma_start3A_398 : memref<1x128x112xf32, #tpu.memory_space<hbm>> -> memref<128x112xf32, #tpu.memory_space<hbm>>
          %dma_start3A_400 = arith.constant 0 : i32
          %dma_start3A_401 = arith.constant 0 : i32
          %dma_start3A_402 = tpu.memref_slice %arg5[%add3A_341, %dma_start3A_400, %dma_start3A_401] : memref<1024x128x112xf32, #tpu.memory_space<hbm>> -> memref<1x128x112xf32, #tpu.memory_space<hbm>>
          %dma_start3A_403 = tpu.memref_squeeze %dma_start3A_402 : memref<1x128x112xf32, #tpu.memory_space<hbm>> -> memref<128x112xf32, #tpu.memory_space<hbm>>
          tpu.enqueue_dma source(%arg9 : memref<128x112xf32, #tpu.memory_space<vmem>>) target(%dma_start3A_403 : memref<128x112xf32, #tpu.memory_space<hbm>>) target_semaphore(%run_scoped3A : memref<!tpu.dma_semaphore, #tpu.memory_space<semaphore_mem>>)
          %dma_wait3A = arith.constant 0 : i32
          %dma_wait3A_404 = arith.constant 0 : i32
          %dma_wait3A_405 = tpu.memref_slice %arg5[%add3A_341, %dma_wait3A, %dma_wait3A_404] : memref<1024x128x112xf32, #tpu.memory_space<hbm>> -> memref<1x128x112xf32, #tpu.memory_space<hbm>>
          %dma_wait3A_406 = tpu.memref_squeeze %dma_wait3A_405 : memref<1x128x112xf32, #tpu.memory_space<hbm>> -> memref<128x112xf32, #tpu.memory_space<hbm>>
          %dma_wait3A_407 = arith.constant 0 : i32
          %dma_wait3A_408 = arith.constant 0 : i32
          %dma_wait3A_409 = tpu.memref_slice %arg5[%add3A_341, %dma_wait3A_407, %dma_wait3A_408] : memref<1024x128x112xf32, #tpu.memory_space<hbm>> -> memref<1x128x112xf32, #tpu.memory_space<hbm>>
          %dma_wait3A_410 = tpu.memref_squeeze %dma_wait3A_409 : memref<1x128x112xf32, #tpu.memory_space<hbm>> -> memref<128x112xf32, #tpu.memory_space<hbm>>
          tpu.wait_dma2 semaphore(%run_scoped3A : memref<!tpu.dma_semaphore, #tpu.memory_space<semaphore_mem>>) src(%arg9 : memref<128x112xf32, #tpu.memory_space<vmem>>) dst(%dma_wait3A_410 : memref<128x112xf32, #tpu.memory_space<hbm>>)
          tpu.yield
        }) : () -> ()
        "tpu.region"() ({
          %run_scoped3A = tpu.sem_alloc : memref<!tpu.dma_semaphore, #tpu.memory_space<semaphore_mem>>
          %dma_start3A = arith.constant 0 : i32
          %dma_start3A_397 = tpu.memref_slice %arg6[%add3A, %scan3A_256, %dma_start3A] : memref<32x32x16xi32, #tpu.memory_space<hbm>> -> memref<1x1x16xi32, #tpu.memory_space<hbm>>
          %dma_start3A_398 = tpu.memref_squeeze %dma_start3A_397 : memref<1x1x16xi32, #tpu.memory_space<hbm>> -> memref<16xi32, #tpu.memory_space<hbm>>
          %dma_start3A_399 = arith.constant 0 : i32
          %dma_start3A_400 = tpu.memref_slice %arg6[%add3A, %scan3A_256, %dma_start3A_399] : memref<32x32x16xi32, #tpu.memory_space<hbm>> -> memref<1x1x16xi32, #tpu.memory_space<hbm>>
          %dma_start3A_401 = tpu.memref_squeeze %dma_start3A_400 : memref<1x1x16xi32, #tpu.memory_space<hbm>> -> memref<16xi32, #tpu.memory_space<hbm>>
          tpu.enqueue_dma source(%arg10 : memref<16xi32, #tpu.memory_space<vmem>>) target(%dma_start3A_401 : memref<16xi32, #tpu.memory_space<hbm>>) target_semaphore(%run_scoped3A : memref<!tpu.dma_semaphore, #tpu.memory_space<semaphore_mem>>)
          %dma_wait3A = arith.constant 0 : i32
          %dma_wait3A_402 = tpu.memref_slice %arg6[%add3A, %scan3A_256, %dma_wait3A] : memref<32x32x16xi32, #tpu.memory_space<hbm>> -> memref<1x1x16xi32, #tpu.memory_space<hbm>>
          %dma_wait3A_403 = tpu.memref_squeeze %dma_wait3A_402 : memref<1x1x16xi32, #tpu.memory_space<hbm>> -> memref<16xi32, #tpu.memory_space<hbm>>
          %dma_wait3A_404 = arith.constant 0 : i32
          %dma_wait3A_405 = tpu.memref_slice %arg6[%add3A, %scan3A_256, %dma_wait3A_404] : memref<32x32x16xi32, #tpu.memory_space<hbm>> -> memref<1x1x16xi32, #tpu.memory_space<hbm>>
          %dma_wait3A_406 = tpu.memref_squeeze %dma_wait3A_405 : memref<1x1x16xi32, #tpu.memory_space<hbm>> -> memref<16xi32, #tpu.memory_space<hbm>>
          tpu.wait_dma2 semaphore(%run_scoped3A : memref<!tpu.dma_semaphore, #tpu.memory_space<semaphore_mem>>) src(%arg10 : memref<16xi32, #tpu.memory_space<vmem>>) dst(%dma_wait3A_406 : memref<16xi32, #tpu.memory_space<hbm>>)
          tpu.yield
        }) : () -> ()
        "tpu.region"() ({
          %run_scoped3A = tpu.sem_alloc : memref<!tpu.dma_semaphore, #tpu.memory_space<semaphore_mem>>
          tpu.enqueue_dma source(%arg4 : memref<128x112xf32, #tpu.memory_space<hbm>>) target(%arg9 : memref<128x112xf32, #tpu.memory_space<vmem>>) target_semaphore(%run_scoped3A : memref<!tpu.dma_semaphore, #tpu.memory_space<semaphore_mem>>)
          tpu.wait_dma2 semaphore(%run_scoped3A : memref<!tpu.dma_semaphore, #tpu.memory_space<semaphore_mem>>) src(%arg4 : memref<128x112xf32, #tpu.memory_space<hbm>>) dst(%arg9 : memref<128x112xf32, #tpu.memory_space<vmem>>)
          tpu.yield
        }) : () -> ()
        %jit3A_342 = arith.constant 128 : i32
        %div3A_343 = arith.divsi %squeeze3A_261, %jit3A_342 : i32
        %sign3A_344 = arith.constant 0 : i32
        %sign3A_345 = arith.cmpi sgt, %squeeze3A_261, %sign3A_344 : i32
        %sign3A_346 = arith.extui %sign3A_345 : i1 to i32
        %sign3A_347 = arith.constant 0 : i32
        %sign3A_348 = arith.cmpi slt, %squeeze3A_261, %sign3A_347 : i32
        %sign3A_349 = arith.extui %sign3A_348 : i1 to i32
        %sign3A_350 = arith.subi %sign3A_346, %sign3A_349 : i32
        %sign3A_351 = arith.constant 0 : i32
        %sign3A_352 = arith.cmpi sgt, %jit3A_342, %sign3A_351 : i32
        %sign3A_353 = arith.extui %sign3A_352 : i1 to i32
        %sign3A_354 = arith.constant 0 : i32
        %sign3A_355 = arith.cmpi slt, %jit3A_342, %sign3A_354 : i32
        %sign3A_356 = arith.extui %sign3A_355 : i1 to i32
        %sign3A_357 = arith.subi %sign3A_353, %sign3A_356 : i32
        %ne3A_358 = arith.cmpi ne, %sign3A_350, %sign3A_357 : i32
        %rem3A_359 = arith.remsi %squeeze3A_261, %jit3A_342 : i32
        %ne3A_360 = arith.constant 0 : i32
        %ne3A_361 = arith.cmpi ne, %rem3A_359, %ne3A_360 : i32
        %and3A_362 = arith.andi %ne3A_358, %ne3A_361 : i1
        %sub3A_363 = arith.constant 1 : i32
        %sub3A_364 = arith.subi %div3A_343, %sub3A_363 : i32
        %select_n3A_365 = arith.select %and3A_362, %sub3A_364, %div3A_343 : i32
        %broadcast_in_dim3A_366 = vector.broadcast %select_n3A_365 : i32 to vector<16xi32>
        %swap3A_367 = arith.constant 0 : index
        %swap3A_368 = tpu.vector_load %arg10[%swap3A_367] {strides = array<i32>} : memref<16xi32, #tpu.memory_space<vmem>>, vector<16xi32>,
        %swap3A_369 = vector.shape_cast %swap3A_368 : vector<16xi32> to vector<16xi32>
        %swap3A_370 = vector.shape_cast %broadcast_in_dim3A_366 : vector<16xi32> to vector<16xi32>
        tpu.vector_store %arg10[%swap3A_367], %swap3A_370 {strides = array<i32>} : memref<16xi32, #tpu.memory_space<vmem>>, vector<16xi32>,
        %jit3A_371 = arith.constant 128 : i32
        %div3A_372 = arith.divsi %squeeze3A_261, %jit3A_371 : i32
        %sign3A_373 = arith.constant 0 : i32
        %sign3A_374 = arith.cmpi sgt, %squeeze3A_261, %sign3A_373 : i32
        %sign3A_375 = arith.extui %sign3A_374 : i1 to i32
        %sign3A_376 = arith.constant 0 : i32
        %sign3A_377 = arith.cmpi slt, %squeeze3A_261, %sign3A_376 : i32
        %sign3A_378 = arith.extui %sign3A_377 : i1 to i32
        %sign3A_379 = arith.subi %sign3A_375, %sign3A_378 : i32
        %sign3A_380 = arith.constant 0 : i32
        %sign3A_381 = arith.cmpi sgt, %jit3A_371, %sign3A_380 : i32
        %sign3A_382 = arith.extui %sign3A_381 : i1 to i32
        %sign3A_383 = arith.constant 0 : i32
        %sign3A_384 = arith.cmpi slt, %jit3A_371, %sign3A_383 : i32
        %sign3A_385 = arith.extui %sign3A_384 : i1 to i32
        %sign3A_386 = arith.subi %sign3A_382, %sign3A_385 : i32
        %ne3A_387 = arith.cmpi ne, %sign3A_379, %sign3A_386 : i32
        %rem3A_388 = arith.remsi %squeeze3A_261, %jit3A_371 : i32
        %ne3A_389 = arith.constant 0 : i32
        %ne3A_390 = arith.cmpi ne, %rem3A_388, %ne3A_389 : i32
        %and3A_391 = arith.andi %ne3A_387, %ne3A_390 : i1
        %sub3A_392 = arith.constant 1 : i32
        %sub3A_393 = arith.subi %div3A_372, %sub3A_392 : i32
        %select_n3A_394 = arith.select %and3A_391, %sub3A_393, %div3A_372 : i32
        %add3A_395 = arith.constant 1 : i32
        %add3A_396 = arith.addi %scan3A_256, %add3A_395 : i32
        scf.yield %select_n3A_394, %add3A_396 : i32, i32
      } else {
        scf.yield %scan3A_255, %scan3A_256 : i32, i32
      }
      %mul3A_273 = arith.constant 128 : i32
      %mul3A_274 = arith.muli %cond3A_272#0, %mul3A_273 : i32
      %sub3A_275 = arith.subi %squeeze3A_261, %mul3A_274 : i32
      %get3A_276 = arith.index_cast %scan3A_254 : i32 to index
      %get3A_277 = arith.constant 0 : index
      %get3A_278 = tpu.vector_load %arg7[%get3A_276, %get3A_277] {strides = array<i32>} : memref<784x112xf32, #tpu.memory_space<vmem>>, vector<1x16xf32>,
      %get3A_279 = vector.shape_cast %get3A_278 : vector<1x16xf32> to vector<16xf32>
      %swap3A_280 = arith.index_cast %sub3A_275 : i32 to index
      %swap3A_281 = arith.constant 0 : index
      %swap3A_282 = tpu.vector_load %arg9[%swap3A_280, %swap3A_281] {strides = array<i32>} : memref<128x112xf32, #tpu.memory_space<vmem>>, vector<1x16xf32>,
      %swap3A_283 = vector.shape_cast %swap3A_282 : vector<1x16xf32> to vector<16xf32>
      %swap3A_284 = vector.shape_cast %get3A_279 : vector<16xf32> to vector<1x16xf32>
      tpu.vector_store %arg9[%swap3A_280, %swap3A_281], %swap3A_284 {add = true, strides = array<i32>} : memref<128x112xf32, #tpu.memory_space<vmem>>, vector<1x16xf32>,
      %get3A_285 = arith.index_cast %scan3A_254 : i32 to index
      %get3A_286 = arith.constant 16 : index
      %get3A_287 = tpu.vector_load %arg7[%get3A_285, %get3A_286] {strides = array<i32>} : memref<784x112xf32, #tpu.memory_space<vmem>>, vector<1x16xf32>,
      %get3A_288 = vector.shape_cast %get3A_287 : vector<1x16xf32> to vector<16xf32>
      %swap3A_289 = arith.index_cast %sub3A_275 : i32 to index
      %swap3A_290 = arith.constant 16 : index
      %swap3A_291 = tpu.vector_load %arg9[%swap3A_289, %swap3A_290] {strides = array<i32>} : memref<128x112xf32, #tpu.memory_space<vmem>>, vector<1x16xf32>,
      %swap3A_292 = vector.shape_cast %swap3A_291 : vector<1x16xf32> to vector<16xf32>
      %swap3A_293 = vector.shape_cast %get3A_288 : vector<16xf32> to vector<1x16xf32>
      tpu.vector_store %arg9[%swap3A_289, %swap3A_290], %swap3A_293 {add = true, strides = array<i32>} : memref<128x112xf32, #tpu.memory_space<vmem>>, vector<1x16xf32>,
      %get3A_294 = arith.index_cast %scan3A_254 : i32 to index
      %get3A_295 = arith.constant 32 : index
      %get3A_296 = tpu.vector_load %arg7[%get3A_294, %get3A_295] {strides = array<i32>} : memref<784x112xf32, #tpu.memory_space<vmem>>, vector<1x16xf32>,
      %get3A_297 = vector.shape_cast %get3A_296 : vector<1x16xf32> to vector<16xf32>
      %swap3A_298 = arith.index_cast %sub3A_275 : i32 to index
      %swap3A_299 = arith.constant 32 : index
      %swap3A_300 = tpu.vector_load %arg9[%swap3A_298, %swap3A_299] {strides = array<i32>} : memref<128x112xf32, #tpu.memory_space<vmem>>, vector<1x16xf32>,
      %swap3A_301 = vector.shape_cast %swap3A_300 : vector<1x16xf32> to vector<16xf32>
      %swap3A_302 = vector.shape_cast %get3A_297 : vector<16xf32> to vector<1x16xf32>
      tpu.vector_store %arg9[%swap3A_298, %swap3A_299], %swap3A_302 {add = true, strides = array<i32>} : memref<128x112xf32, #tpu.memory_space<vmem>>, vector<1x16xf32>,
      %get3A_303 = arith.index_cast %scan3A_254 : i32 to index
      %get3A_304 = arith.constant 48 : index
      %get3A_305 = tpu.vector_load %arg7[%get3A_303, %get3A_304] {strides = array<i32>} : memref<784x112xf32, #tpu.memory_space<vmem>>, vector<1x16xf32>,
      %get3A_306 = vector.shape_cast %get3A_305 : vector<1x16xf32> to vector<16xf32>
      %swap3A_307 = arith.index_cast %sub3A_275 : i32 to index
      %swap3A_308 = arith.constant 48 : index
      %swap3A_309 = tpu.vector_load %arg9[%swap3A_307, %swap3A_308] {strides = array<i32>} : memref<128x112xf32, #tpu.memory_space<vmem>>, vector<1x16xf32>,
      %swap3A_310 = vector.shape_cast %swap3A_309 : vector<1x16xf32> to vector<16xf32>
      %swap3A_311 = vector.shape_cast %get3A_306 : vector<16xf32> to vector<1x16xf32>
      tpu.vector_store %arg9[%swap3A_307, %swap3A_308], %swap3A_311 {add = true, strides = array<i32>} : memref<128x112xf32, #tpu.memory_space<vmem>>, vector<1x16xf32>,
      %get3A_312 = arith.index_cast %scan3A_254 : i32 to index
      %get3A_313 = arith.constant 64 : index
      %get3A_314 = tpu.vector_load %arg7[%get3A_312, %get3A_313] {strides = array<i32>} : memref<784x112xf32, #tpu.memory_space<vmem>>, vector<1x16xf32>,
      %get3A_315 = vector.shape_cast %get3A_314 : vector<1x16xf32> to vector<16xf32>
      %swap3A_316 = arith.index_cast %sub3A_275 : i32 to index
      %swap3A_317 = arith.constant 64 : index
      %swap3A_318 = tpu.vector_load %arg9[%swap3A_316, %swap3A_317] {strides = array<i32>} : memref<128x112xf32, #tpu.memory_space<vmem>>, vector<1x16xf32>,
      %swap3A_319 = vector.shape_cast %swap3A_318 : vector<1x16xf32> to vector<16xf32>
      %swap3A_320 = vector.shape_cast %get3A_315 : vector<16xf32> to vector<1x16xf32>
      tpu.vector_store %arg9[%swap3A_316, %swap3A_317], %swap3A_320 {add = true, strides = array<i32>} : memref<128x112xf32, #tpu.memory_space<vmem>>, vector<1x16xf32>,
      %get3A_321 = arith.index_cast %scan3A_254 : i32 to index
      %get3A_322 = arith.constant 80 : index
      %get3A_323 = tpu.vector_load %arg7[%get3A_321, %get3A_322] {strides = array<i32>} : memref<784x112xf32, #tpu.memory_space<vmem>>, vector<1x16xf32>,
      %get3A_324 = vector.shape_cast %get3A_323 : vector<1x16xf32> to vector<16xf32>
      %swap3A_325 = arith.index_cast %sub3A_275 : i32 to index
      %swap3A_326 = arith.constant 80 : index
      %swap3A_327 = tpu.vector_load %arg9[%swap3A_325, %swap3A_326] {strides = array<i32>} : memref<128x112xf32, #tpu.memory_space<vmem>>, vector<1x16xf32>,
      %swap3A_328 = vector.shape_cast %swap3A_327 : vector<1x16xf32> to vector<16xf32>
      %swap3A_329 = vector.shape_cast %get3A_324 : vector<16xf32> to vector<1x16xf32>
      tpu.vector_store %arg9[%swap3A_325, %swap3A_326], %swap3A_329 {add = true, strides = array<i32>} : memref<128x112xf32, #tpu.memory_space<vmem>>, vector<1x16xf32>,
      %get3A_330 = arith.index_cast %scan3A_254 : i32 to index
      %get3A_331 = arith.constant 96 : index
      %get3A_332 = tpu.vector_load %arg7[%get3A_330, %get3A_331] {strides = array<i32>} : memref<784x112xf32, #tpu.memory_space<vmem>>, vector<1x16xf32>,
      %get3A_333 = vector.shape_cast %get3A_332 : vector<1x16xf32> to vector<16xf32>
      %swap3A_334 = arith.index_cast %sub3A_275 : i32 to index
      %swap3A_335 = arith.constant 96 : index
      %swap3A_336 = tpu.vector_load %arg9[%swap3A_334, %swap3A_335] {strides = array<i32>} : memref<128x112xf32, #tpu.memory_space<vmem>>, vector<1x16xf32>,
      %swap3A_337 = vector.shape_cast %swap3A_336 : vector<1x16xf32> to vector<16xf32>
      %swap3A_338 = vector.shape_cast %get3A_333 : vector<16xf32> to vector<1x16xf32>
      tpu.vector_store %arg9[%swap3A_334, %swap3A_335], %swap3A_338 {add = true, strides = array<i32>} : memref<128x112xf32, #tpu.memory_space<vmem>>, vector<1x16xf32>,
      scf.yield %cond3A_272#0, %cond3A_272#1 : i32, i32
    }
    %scan3A_77 = arith.constant 784 : i32
    %add3A_78 = arith.constant 2352 : i32
    %add3A_79 = arith.addi %mul3A_2, %add3A_78 : i32
    "tpu.region"() ({
      %run_scoped3A = tpu.sem_alloc : memref<!tpu.dma_semaphore, #tpu.memory_space<semaphore_mem>>
      %dma_start3A = arith.constant 0 : i32
      %dma_start3A_254 = tpu.memref_slice %arg2[%add3A_79, %dma_start3A] : memref<100352x112xf32, #tpu.memory_space<hbm>> -> memref<784x112xf32, #tpu.memory_space<hbm>>
      %dma_start3A_255 = arith.constant 0 : i32
      %dma_start3A_256 = tpu.memref_slice %arg2[%add3A_79, %dma_start3A_255] : memref<100352x112xf32, #tpu.memory_space<hbm>> -> memref<784x112xf32, #tpu.memory_space<hbm>>
      tpu.enqueue_dma source(%dma_start3A_256 : memref<784x112xf32, #tpu.memory_space<hbm>>) target(%arg7 : memref<784x112xf32, #tpu.memory_space<vmem>>) target_semaphore(%run_scoped3A : memref<!tpu.dma_semaphore, #tpu.memory_space<semaphore_mem>>)
      %dma_wait3A = arith.constant 0 : i32
      %dma_wait3A_257 = tpu.memref_slice %arg2[%add3A_79, %dma_wait3A] : memref<100352x112xf32, #tpu.memory_space<hbm>> -> memref<784x112xf32, #tpu.memory_space<hbm>>
      %dma_wait3A_258 = arith.constant 0 : i32
      %dma_wait3A_259 = tpu.memref_slice %arg2[%add3A_79, %dma_wait3A_258] : memref<100352x112xf32, #tpu.memory_space<hbm>> -> memref<784x112xf32, #tpu.memory_space<hbm>>
      tpu.wait_dma2 semaphore(%run_scoped3A : memref<!tpu.dma_semaphore, #tpu.memory_space<semaphore_mem>>) src(%dma_wait3A_259 : memref<784x112xf32, #tpu.memory_space<hbm>>) dst(%arg7 : memref<784x112xf32, #tpu.memory_space<vmem>>)
      tpu.yield
    }) : () -> ()
    %add3A_80 = arith.constant 2352 : i32
    %add3A_81 = arith.addi %mul3A_2, %add3A_80 : i32
    "tpu.region"() ({
      %run_scoped3A = tpu.sem_alloc : memref<!tpu.dma_semaphore, #tpu.memory_space<semaphore_mem>>
      %dma_start3A = arith.constant 0 : i32
      %dma_start3A_254 = tpu.memref_slice %arg8[%dma_start3A] : memref<800xi32, #tpu.memory_space<vmem>> -> memref<784xi32, #tpu.memory_space<vmem>>
      %dma_start3A_255 = tpu.memref_slice %arg3[%add3A_81] : memref<100352xi32, #tpu.memory_space<hbm>> -> memref<784xi32, #tpu.memory_space<hbm>>
      %dma_start3A_256 = arith.constant 0 : i32
      %dma_start3A_257 = tpu.memref_slice %arg8[%dma_start3A_256] : memref<800xi32, #tpu.memory_space<vmem>> -> memref<784xi32, #tpu.memory_space<vmem>>
      %dma_start3A_258 = tpu.memref_slice %arg3[%add3A_81] : memref<100352xi32, #tpu.memory_space<hbm>> -> memref<784xi32, #tpu.memory_space<hbm>>
      tpu.enqueue_dma source(%dma_start3A_258 : memref<784xi32, #tpu.memory_space<hbm>>) target(%dma_start3A_257 : memref<784xi32, #tpu.memory_space<vmem>>) target_semaphore(%run_scoped3A : memref<!tpu.dma_semaphore, #tpu.memory_space<semaphore_mem>>)
      %dma_wait3A = arith.constant 0 : i32
      %dma_wait3A_259 = tpu.memref_slice %arg8[%dma_wait3A] : memref<800xi32, #tpu.memory_space<vmem>> -> memref<784xi32, #tpu.memory_space<vmem>>
      %dma_wait3A_260 = tpu.memref_slice %arg3[%add3A_81] : memref<100352xi32, #tpu.memory_space<hbm>> -> memref<784xi32, #tpu.memory_space<hbm>>
      %dma_wait3A_261 = arith.constant 0 : i32
      %dma_wait3A_262 = tpu.memref_slice %arg8[%dma_wait3A_261] : memref<800xi32, #tpu.memory_space<vmem>> -> memref<784xi32, #tpu.memory_space<vmem>>
      %dma_wait3A_263 = tpu.memref_slice %arg3[%add3A_81] : memref<100352xi32, #tpu.memory_space<hbm>> -> memref<784xi32, #tpu.memory_space<hbm>>
      tpu.wait_dma2 semaphore(%run_scoped3A : memref<!tpu.dma_semaphore, #tpu.memory_space<semaphore_mem>>) src(%dma_wait3A_263 : memref<784xi32, #tpu.memory_space<hbm>>) dst(%dma_wait3A_262 : memref<784xi32, #tpu.memory_space<vmem>>)
      tpu.yield
    }) : () -> ()
    %scan3A_82 = arith.constant 0 : i32
    %scan3A_83 = arith.constant 784 : i32
    %scan3A_84 = arith.addi %scan3A_82, %scan3A_83 : i32
    %scan3A_85 = arith.constant 1 : i32
    %scan3A_86:2 = scf.for %scan3A_254 = %scan3A_82 to %scan3A_84 step %scan3A_85 iter_args(%scan3A_255 = %scan3A_76#0, %scan3A_256 = %scan3A_76#1) -> (i32, i32)  : i32 {
      %get3A_257 = arith.index_cast %scan3A_254 : i32 to index
      %get3A_258 = tpu.vector_load %arg8[%get3A_257] {strides = array<i32>} : memref<800xi32, #tpu.memory_space<vmem>>, vector<16xi32>,
      %get3A_259 = vector.shape_cast %get3A_258 : vector<16xi32> to vector<16xi32>
      %slice3A_260 = vector.extract_strided_slice %get3A_259 {offsets = [0], sizes = [1], strides = [1]} : vector<16xi32> to vector<1xi32>
      %squeeze3A_261 = vector.extract %slice3A_260[0] : i32 from vector<1xi32>
      %mul3A_262 = arith.constant 128 : i32
      %mul3A_263 = arith.muli %scan3A_255, %mul3A_262 : i32
      %lt3A_264 = arith.cmpi slt, %squeeze3A_261, %mul3A_263 : i32
      %add3A_265 = arith.constant 1 : i32
      %add3A_266 = arith.addi %scan3A_255, %add3A_265 : i32
      %mul3A_267 = arith.constant 128 : i32
      %mul3A_268 = arith.muli %add3A_266, %mul3A_267 : i32
      %ge3A = arith.cmpi sge, %squeeze3A_261, %mul3A_268 : i32
      %or3A = arith.ori %lt3A_264, %ge3A : i1
      %convert_element_type3A_269 = arith.extui %or3A : i1 to i32
      %cond3A_270 = arith.constant 0 : i32
      %cond3A_271 = arith.cmpi ne, %convert_element_type3A_269, %cond3A_270 : i32
      %cond3A_272:2 = scf.if %cond3A_271 -> (i32, i32) {
        %mul3A_339 = arith.constant 32 : i32
        %mul3A_340 = arith.muli %add3A, %mul3A_339 : i32
        %add3A_341 = arith.addi %mul3A_340, %scan3A_256 : i32
        "tpu.region"() ({
          %run_scoped3A = tpu.sem_alloc : memref<!tpu.dma_semaphore, #tpu.memory_space<semaphore_mem>>
          %dma_start3A = arith.constant 0 : i32
          %dma_start3A_397 = arith.constant 0 : i32
          %dma_start3A_398 = tpu.memref_slice %arg5[%add3A_341, %dma_start3A, %dma_start3A_397] : memref<1024x128x112xf32, #tpu.memory_space<hbm>> -> memref<1x128x112xf32, #tpu.memory_space<hbm>>
          %dma_start3A_399 = tpu.memref_squeeze %dma_start3A_398 : memref<1x128x112xf32, #tpu.memory_space<hbm>> -> memref<128x112xf32, #tpu.memory_space<hbm>>
          %dma_start3A_400 = arith.constant 0 : i32
          %dma_start3A_401 = arith.constant 0 : i32
          %dma_start3A_402 = tpu.memref_slice %arg5[%add3A_341, %dma_start3A_400, %dma_start3A_401] : memref<1024x128x112xf32, #tpu.memory_space<hbm>> -> memref<1x128x112xf32, #tpu.memory_space<hbm>>
          %dma_start3A_403 = tpu.memref_squeeze %dma_start3A_402 : memref<1x128x112xf32, #tpu.memory_space<hbm>> -> memref<128x112xf32, #tpu.memory_space<hbm>>
          tpu.enqueue_dma source(%arg9 : memref<128x112xf32, #tpu.memory_space<vmem>>) target(%dma_start3A_403 : memref<128x112xf32, #tpu.memory_space<hbm>>) target_semaphore(%run_scoped3A : memref<!tpu.dma_semaphore, #tpu.memory_space<semaphore_mem>>)
          %dma_wait3A = arith.constant 0 : i32
          %dma_wait3A_404 = arith.constant 0 : i32
          %dma_wait3A_405 = tpu.memref_slice %arg5[%add3A_341, %dma_wait3A, %dma_wait3A_404] : memref<1024x128x112xf32, #tpu.memory_space<hbm>> -> memref<1x128x112xf32, #tpu.memory_space<hbm>>
          %dma_wait3A_406 = tpu.memref_squeeze %dma_wait3A_405 : memref<1x128x112xf32, #tpu.memory_space<hbm>> -> memref<128x112xf32, #tpu.memory_space<hbm>>
          %dma_wait3A_407 = arith.constant 0 : i32
          %dma_wait3A_408 = arith.constant 0 : i32
          %dma_wait3A_409 = tpu.memref_slice %arg5[%add3A_341, %dma_wait3A_407, %dma_wait3A_408] : memref<1024x128x112xf32, #tpu.memory_space<hbm>> -> memref<1x128x112xf32, #tpu.memory_space<hbm>>
          %dma_wait3A_410 = tpu.memref_squeeze %dma_wait3A_409 : memref<1x128x112xf32, #tpu.memory_space<hbm>> -> memref<128x112xf32, #tpu.memory_space<hbm>>
          tpu.wait_dma2 semaphore(%run_scoped3A : memref<!tpu.dma_semaphore, #tpu.memory_space<semaphore_mem>>) src(%arg9 : memref<128x112xf32, #tpu.memory_space<vmem>>) dst(%dma_wait3A_410 : memref<128x112xf32, #tpu.memory_space<hbm>>)
          tpu.yield
        }) : () -> ()
        "tpu.region"() ({
          %run_scoped3A = tpu.sem_alloc : memref<!tpu.dma_semaphore, #tpu.memory_space<semaphore_mem>>
          %dma_start3A = arith.constant 0 : i32
          %dma_start3A_397 = tpu.memref_slice %arg6[%add3A, %scan3A_256, %dma_start3A] : memref<32x32x16xi32, #tpu.memory_space<hbm>> -> memref<1x1x16xi32, #tpu.memory_space<hbm>>
          %dma_start3A_398 = tpu.memref_squeeze %dma_start3A_397 : memref<1x1x16xi32, #tpu.memory_space<hbm>> -> memref<16xi32, #tpu.memory_space<hbm>>
          %dma_start3A_399 = arith.constant 0 : i32
          %dma_start3A_400 = tpu.memref_slice %arg6[%add3A, %scan3A_256, %dma_start3A_399] : memref<32x32x16xi32, #tpu.memory_space<hbm>> -> memref<1x1x16xi32, #tpu.memory_space<hbm>>
          %dma_start3A_401 = tpu.memref_squeeze %dma_start3A_400 : memref<1x1x16xi32, #tpu.memory_space<hbm>> -> memref<16xi32, #tpu.memory_space<hbm>>
          tpu.enqueue_dma source(%arg10 : memref<16xi32, #tpu.memory_space<vmem>>) target(%dma_start3A_401 : memref<16xi32, #tpu.memory_space<hbm>>) target_semaphore(%run_scoped3A : memref<!tpu.dma_semaphore, #tpu.memory_space<semaphore_mem>>)
          %dma_wait3A = arith.constant 0 : i32
          %dma_wait3A_402 = tpu.memref_slice %arg6[%add3A, %scan3A_256, %dma_wait3A] : memref<32x32x16xi32, #tpu.memory_space<hbm>> -> memref<1x1x16xi32, #tpu.memory_space<hbm>>
          %dma_wait3A_403 = tpu.memref_squeeze %dma_wait3A_402 : memref<1x1x16xi32, #tpu.memory_space<hbm>> -> memref<16xi32, #tpu.memory_space<hbm>>
          %dma_wait3A_404 = arith.constant 0 : i32
          %dma_wait3A_405 = tpu.memref_slice %arg6[%add3A, %scan3A_256, %dma_wait3A_404] : memref<32x32x16xi32, #tpu.memory_space<hbm>> -> memref<1x1x16xi32, #tpu.memory_space<hbm>>
          %dma_wait3A_406 = tpu.memref_squeeze %dma_wait3A_405 : memref<1x1x16xi32, #tpu.memory_space<hbm>> -> memref<16xi32, #tpu.memory_space<hbm>>
          tpu.wait_dma2 semaphore(%run_scoped3A : memref<!tpu.dma_semaphore, #tpu.memory_space<semaphore_mem>>) src(%arg10 : memref<16xi32, #tpu.memory_space<vmem>>) dst(%dma_wait3A_406 : memref<16xi32, #tpu.memory_space<hbm>>)
          tpu.yield
        }) : () -> ()
        "tpu.region"() ({
          %run_scoped3A = tpu.sem_alloc : memref<!tpu.dma_semaphore, #tpu.memory_space<semaphore_mem>>
          tpu.enqueue_dma source(%arg4 : memref<128x112xf32, #tpu.memory_space<hbm>>) target(%arg9 : memref<128x112xf32, #tpu.memory_space<vmem>>) target_semaphore(%run_scoped3A : memref<!tpu.dma_semaphore, #tpu.memory_space<semaphore_mem>>)
          tpu.wait_dma2 semaphore(%run_scoped3A : memref<!tpu.dma_semaphore, #tpu.memory_space<semaphore_mem>>) src(%arg4 : memref<128x112xf32, #tpu.memory_space<hbm>>) dst(%arg9 : memref<128x112xf32, #tpu.memory_space<vmem>>)
          tpu.yield
        }) : () -> ()
        %jit3A_342 = arith.constant 128 : i32
        %div3A_343 = arith.divsi %squeeze3A_261, %jit3A_342 : i32
        %sign3A_344 = arith.constant 0 : i32
        %sign3A_345 = arith.cmpi sgt, %squeeze3A_261, %sign3A_344 : i32
        %sign3A_346 = arith.extui %sign3A_345 : i1 to i32
        %sign3A_347 = arith.constant 0 : i32
        %sign3A_348 = arith.cmpi slt, %squeeze3A_261, %sign3A_347 : i32
        %sign3A_349 = arith.extui %sign3A_348 : i1 to i32
        %sign3A_350 = arith.subi %sign3A_346, %sign3A_349 : i32
        %sign3A_351 = arith.constant 0 : i32
        %sign3A_352 = arith.cmpi sgt, %jit3A_342, %sign3A_351 : i32
        %sign3A_353 = arith.extui %sign3A_352 : i1 to i32
        %sign3A_354 = arith.constant 0 : i32
        %sign3A_355 = arith.cmpi slt, %jit3A_342, %sign3A_354 : i32
        %sign3A_356 = arith.extui %sign3A_355 : i1 to i32
        %sign3A_357 = arith.subi %sign3A_353, %sign3A_356 : i32
        %ne3A_358 = arith.cmpi ne, %sign3A_350, %sign3A_357 : i32
        %rem3A_359 = arith.remsi %squeeze3A_261, %jit3A_342 : i32
        %ne3A_360 = arith.constant 0 : i32
        %ne3A_361 = arith.cmpi ne, %rem3A_359, %ne3A_360 : i32
        %and3A_362 = arith.andi %ne3A_358, %ne3A_361 : i1
        %sub3A_363 = arith.constant 1 : i32
        %sub3A_364 = arith.subi %div3A_343, %sub3A_363 : i32
        %select_n3A_365 = arith.select %and3A_362, %sub3A_364, %div3A_343 : i32
        %broadcast_in_dim3A_366 = vector.broadcast %select_n3A_365 : i32 to vector<16xi32>
        %swap3A_367 = arith.constant 0 : index
        %swap3A_368 = tpu.vector_load %arg10[%swap3A_367] {strides = array<i32>} : memref<16xi32, #tpu.memory_space<vmem>>, vector<16xi32>,
        %swap3A_369 = vector.shape_cast %swap3A_368 : vector<16xi32> to vector<16xi32>
        %swap3A_370 = vector.shape_cast %broadcast_in_dim3A_366 : vector<16xi32> to vector<16xi32>
        tpu.vector_store %arg10[%swap3A_367], %swap3A_370 {strides = array<i32>} : memref<16xi32, #tpu.memory_space<vmem>>, vector<16xi32>,
        %jit3A_371 = arith.constant 128 : i32
        %div3A_372 = arith.divsi %squeeze3A_261, %jit3A_371 : i32
        %sign3A_373 = arith.constant 0 : i32
        %sign3A_374 = arith.cmpi sgt, %squeeze3A_261, %sign3A_373 : i32
        %sign3A_375 = arith.extui %sign3A_374 : i1 to i32
        %sign3A_376 = arith.constant 0 : i32
        %sign3A_377 = arith.cmpi slt, %squeeze3A_261, %sign3A_376 : i32
        %sign3A_378 = arith.extui %sign3A_377 : i1 to i32
        %sign3A_379 = arith.subi %sign3A_375, %sign3A_378 : i32
        %sign3A_380 = arith.constant 0 : i32
        %sign3A_381 = arith.cmpi sgt, %jit3A_371, %sign3A_380 : i32
        %sign3A_382 = arith.extui %sign3A_381 : i1 to i32
        %sign3A_383 = arith.constant 0 : i32
        %sign3A_384 = arith.cmpi slt, %jit3A_371, %sign3A_383 : i32
        %sign3A_385 = arith.extui %sign3A_384 : i1 to i32
        %sign3A_386 = arith.subi %sign3A_382, %sign3A_385 : i32
        %ne3A_387 = arith.cmpi ne, %sign3A_379, %sign3A_386 : i32
        %rem3A_388 = arith.remsi %squeeze3A_261, %jit3A_371 : i32
        %ne3A_389 = arith.constant 0 : i32
        %ne3A_390 = arith.cmpi ne, %rem3A_388, %ne3A_389 : i32
        %and3A_391 = arith.andi %ne3A_387, %ne3A_390 : i1
        %sub3A_392 = arith.constant 1 : i32
        %sub3A_393 = arith.subi %div3A_372, %sub3A_392 : i32
        %select_n3A_394 = arith.select %and3A_391, %sub3A_393, %div3A_372 : i32
        %add3A_395 = arith.constant 1 : i32
        %add3A_396 = arith.addi %scan3A_256, %add3A_395 : i32
        scf.yield %select_n3A_394, %add3A_396 : i32, i32
      } else {
        scf.yield %scan3A_255, %scan3A_256 : i32, i32
      }
      %mul3A_273 = arith.constant 128 : i32
      %mul3A_274 = arith.muli %cond3A_272#0, %mul3A_273 : i32
      %sub3A_275 = arith.subi %squeeze3A_261, %mul3A_274 : i32
      %get3A_276 = arith.index_cast %scan3A_254 : i32 to index
      %get3A_277 = arith.constant 0 : index
      %get3A_278 = tpu.vector_load %arg7[%get3A_276, %get3A_277] {strides = array<i32>} : memref<784x112xf32, #tpu.memory_space<vmem>>, vector<1x16xf32>,
      %get3A_279 = vector.shape_cast %get3A_278 : vector<1x16xf32> to vector<16xf32>
      %swap3A_280 = arith.index_cast %sub3A_275 : i32 to index
      %swap3A_281 = arith.constant 0 : index
      %swap3A_282 = tpu.vector_load %arg9[%swap3A_280, %swap3A_281] {strides = array<i32>} : memref<128x112xf32, #tpu.memory_space<vmem>>, vector<1x16xf32>,
      %swap3A_283 = vector.shape_cast %swap3A_282 : vector<1x16xf32> to vector<16xf32>
      %swap3A_284 = vector.shape_cast %get3A_279 : vector<16xf32> to vector<1x16xf32>
      tpu.vector_store %arg9[%swap3A_280, %swap3A_281], %swap3A_284 {add = true, strides = array<i32>} : memref<128x112xf32, #tpu.memory_space<vmem>>, vector<1x16xf32>,
      %get3A_285 = arith.index_cast %scan3A_254 : i32 to index
      %get3A_286 = arith.constant 16 : index
      %get3A_287 = tpu.vector_load %arg7[%get3A_285, %get3A_286] {strides = array<i32>} : memref<784x112xf32, #tpu.memory_space<vmem>>, vector<1x16xf32>,
      %get3A_288 = vector.shape_cast %get3A_287 : vector<1x16xf32> to vector<16xf32>
      %swap3A_289 = arith.index_cast %sub3A_275 : i32 to index
      %swap3A_290 = arith.constant 16 : index
      %swap3A_291 = tpu.vector_load %arg9[%swap3A_289, %swap3A_290] {strides = array<i32>} : memref<128x112xf32, #tpu.memory_space<vmem>>, vector<1x16xf32>,
      %swap3A_292 = vector.shape_cast %swap3A_291 : vector<1x16xf32> to vector<16xf32>
      %swap3A_293 = vector.shape_cast %get3A_288 : vector<16xf32> to vector<1x16xf32>
      tpu.vector_store %arg9[%swap3A_289, %swap3A_290], %swap3A_293 {add = true, strides = array<i32>} : memref<128x112xf32, #tpu.memory_space<vmem>>, vector<1x16xf32>,
      %get3A_294 = arith.index_cast %scan3A_254 : i32 to index
      %get3A_295 = arith.constant 32 : index
      %get3A_296 = tpu.vector_load %arg7[%get3A_294, %get3A_295] {strides = array<i32>} : memref<784x112xf32, #tpu.memory_space<vmem>>, vector<1x16xf32>,
      %get3A_297 = vector.shape_cast %get3A_296 : vector<1x16xf32> to vector<16xf32>
      %swap3A_298 = arith.index_cast %sub3A_275 : i32 to index
      %swap3A_299 = arith.constant 32 : index
      %swap3A_300 = tpu.vector_load %arg9[%swap3A_298, %swap3A_299] {strides = array<i32>} : memref<128x112xf32, #tpu.memory_space<vmem>>, vector<1x16xf32>,
      %swap3A_301 = vector.shape_cast %swap3A_300 : vector<1x16xf32> to vector<16xf32>
      %swap3A_302 = vector.shape_cast %get3A_297 : vector<16xf32> to vector<1x16xf32>
      tpu.vector_store %arg9[%swap3A_298, %swap3A_299], %swap3A_302 {add = true, strides = array<i32>} : memref<128x112xf32, #tpu.memory_space<vmem>>, vector<1x16xf32>,
      %get3A_303 = arith.index_cast %scan3A_254 : i32 to index
      %get3A_304 = arith.constant 48 : index
      %get3A_305 = tpu.vector_load %arg7[%get3A_303, %get3A_304] {strides = array<i32>} : memref<784x112xf32, #tpu.memory_space<vmem>>, vector<1x16xf32>,
      %get3A_306 = vector.shape_cast %get3A_305 : vector<1x16xf32> to vector<16xf32>
      %swap3A_307 = arith.index_cast %sub3A_275 : i32 to index
      %swap3A_308 = arith.constant 48 : index
      %swap3A_309 = tpu.vector_load %arg9[%swap3A_307, %swap3A_308] {strides = array<i32>} : memref<128x112xf32, #tpu.memory_space<vmem>>, vector<1x16xf32>,
      %swap3A_310 = vector.shape_cast %swap3A_309 : vector<1x16xf32> to vector<16xf32>
      %swap3A_311 = vector.shape_cast %get3A_306 : vector<16xf32> to vector<1x16xf32>
      tpu.vector_store %arg9[%swap3A_307, %swap3A_308], %swap3A_311 {add = true, strides = array<i32>} : memref<128x112xf32, #tpu.memory_space<vmem>>, vector<1x16xf32>,
      %get3A_312 = arith.index_cast %scan3A_254 : i32 to index
      %get3A_313 = arith.constant 64 : index
      %get3A_314 = tpu.vector_load %arg7[%get3A_312, %get3A_313] {strides = array<i32>} : memref<784x112xf32, #tpu.memory_space<vmem>>, vector<1x16xf32>,
      %get3A_315 = vector.shape_cast %get3A_314 : vector<1x16xf32> to vector<16xf32>
      %swap3A_316 = arith.index_cast %sub3A_275 : i32 to index
      %swap3A_317 = arith.constant 64 : index
      %swap3A_318 = tpu.vector_load %arg9[%swap3A_316, %swap3A_317] {strides = array<i32>} : memref<128x112xf32, #tpu.memory_space<vmem>>, vector<1x16xf32>,
      %swap3A_319 = vector.shape_cast %swap3A_318 : vector<1x16xf32> to vector<16xf32>
      %swap3A_320 = vector.shape_cast %get3A_315 : vector<16xf32> to vector<1x16xf32>
      tpu.vector_store %arg9[%swap3A_316, %swap3A_317], %swap3A_320 {add = true, strides = array<i32>} : memref<128x112xf32, #tpu.memory_space<vmem>>, vector<1x16xf32>,
      %get3A_321 = arith.index_cast %scan3A_254 : i32 to index
      %get3A_322 = arith.constant 80 : index
      %get3A_323 = tpu.vector_load %arg7[%get3A_321, %get3A_322] {strides = array<i32>} : memref<784x112xf32, #tpu.memory_space<vmem>>, vector<1x16xf32>,
      %get3A_324 = vector.shape_cast %get3A_323 : vector<1x16xf32> to vector<16xf32>
      %swap3A_325 = arith.index_cast %sub3A_275 : i32 to index
      %swap3A_326 = arith.constant 80 : index
      %swap3A_327 = tpu.vector_load %arg9[%swap3A_325, %swap3A_326] {strides = array<i32>} : memref<128x112xf32, #tpu.memory_space<vmem>>, vector<1x16xf32>,
      %swap3A_328 = vector.shape_cast %swap3A_327 : vector<1x16xf32> to vector<16xf32>
      %swap3A_329 = vector.shape_cast %get3A_324 : vector<16xf32> to vector<1x16xf32>
      tpu.vector_store %arg9[%swap3A_325, %swap3A_326], %swap3A_329 {add = true, strides = array<i32>} : memref<128x112xf32, #tpu.memory_space<vmem>>, vector<1x16xf32>,
      %get3A_330 = arith.index_cast %scan3A_254 : i32 to index
      %get3A_331 = arith.constant 96 : index
      %get3A_332 = tpu.vector_load %arg7[%get3A_330, %get3A_331] {strides = array<i32>} : memref<784x112xf32, #tpu.memory_space<vmem>>, vector<1x16xf32>,
      %get3A_333 = vector.shape_cast %get3A_332 : vector<1x16xf32> to vector<16xf32>
      %swap3A_334 = arith.index_cast %sub3A_275 : i32 to index
      %swap3A_335 = arith.constant 96 : index
      %swap3A_336 = tpu.vector_load %arg9[%swap3A_334, %swap3A_335] {strides = array<i32>} : memref<128x112xf32, #tpu.memory_space<vmem>>, vector<1x16xf32>,
      %swap3A_337 = vector.shape_cast %swap3A_336 : vector<1x16xf32> to vector<16xf32>
      %swap3A_338 = vector.shape_cast %get3A_333 : vector<16xf32> to vector<1x16xf32>
      tpu.vector_store %arg9[%swap3A_334, %swap3A_335], %swap3A_338 {add = true, strides = array<i32>} : memref<128x112xf32, #tpu.memory_space<vmem>>, vector<1x16xf32>,
      scf.yield %cond3A_272#0, %cond3A_272#1 : i32, i32
    }
    %scan3A_87 = arith.constant 784 : i32
    %mul3A_88 = arith.constant 32 : i32
    %mul3A_89 = arith.muli %add3A, %mul3A_88 : i32
    %add3A_90 = arith.addi %mul3A_89, %scan3A_86#1 : i32
    "tpu.region"() ({
      %run_scoped3A = tpu.sem_alloc : memref<!tpu.dma_semaphore, #tpu.memory_space<semaphore_mem>>
      %dma_start3A = arith.constant 0 : i32
      %dma_start3A_254 = arith.constant 0 : i32
      %dma_start3A_255 = tpu.memref_slice %arg5[%add3A_90, %dma_start3A, %dma_start3A_254] : memref<1024x128x112xf32, #tpu.memory_space<hbm>> -> memref<1x128x112xf32, #tpu.memory_space<hbm>>
      %dma_start3A_256 = tpu.memref_squeeze %dma_start3A_255 : memref<1x128x112xf32, #tpu.memory_space<hbm>> -> memref<128x112xf32, #tpu.memory_space<hbm>>
      %dma_start3A_257 = arith.constant 0 : i32
      %dma_start3A_258 = arith.constant 0 : i32
      %dma_start3A_259 = tpu.memref_slice %arg5[%add3A_90, %dma_start3A_257, %dma_start3A_258] : memref<1024x128x112xf32, #tpu.memory_space<hbm>> -> memref<1x128x112xf32, #tpu.memory_space<hbm>>
      %dma_start3A_260 = tpu.memref_squeeze %dma_start3A_259 : memref<1x128x112xf32, #tpu.memory_space<hbm>> -> memref<128x112xf32, #tpu.memory_space<hbm>>
      tpu.enqueue_dma source(%arg9 : memref<128x112xf32, #tpu.memory_space<vmem>>) target(%dma_start3A_260 : memref<128x112xf32, #tpu.memory_space<hbm>>) target_semaphore(%run_scoped3A : memref<!tpu.dma_semaphore, #tpu.memory_space<semaphore_mem>>)
      %dma_wait3A = arith.constant 0 : i32
      %dma_wait3A_261 = arith.constant 0 : i32
      %dma_wait3A_262 = tpu.memref_slice %arg5[%add3A_90, %dma_wait3A, %dma_wait3A_261] : memref<1024x128x112xf32, #tpu.memory_space<hbm>> -> memref<1x128x112xf32, #tpu.memory_space<hbm>>
      %dma_wait3A_263 = tpu.memref_squeeze %dma_wait3A_262 : memref<1x128x112xf32, #tpu.memory_space<hbm>> -> memref<128x112xf32, #tpu.memory_space<hbm>>
      %dma_wait3A_264 = arith.constant 0 : i32
      %dma_wait3A_265 = arith.constant 0 : i32
      %dma_wait3A_266 = tpu.memref_slice %arg5[%add3A_90, %dma_wait3A_264, %dma_wait3A_265] : memref<1024x128x112xf32, #tpu.memory_space<hbm>> -> memref<1x128x112xf32, #tpu.memory_space<hbm>>
      %dma_wait3A_267 = tpu.memref_squeeze %dma_wait3A_266 : memref<1x128x112xf32, #tpu.memory_space<hbm>> -> memref<128x112xf32, #tpu.memory_space<hbm>>
      tpu.wait_dma2 semaphore(%run_scoped3A : memref<!tpu.dma_semaphore, #tpu.memory_space<semaphore_mem>>) src(%arg9 : memref<128x112xf32, #tpu.memory_space<vmem>>) dst(%dma_wait3A_267 : memref<128x112xf32, #tpu.memory_space<hbm>>)
      tpu.yield
    }) : () -> ()
    "tpu.region"() ({
      %run_scoped3A = tpu.sem_alloc : memref<!tpu.dma_semaphore, #tpu.memory_space<semaphore_mem>>
      %dma_start3A = arith.constant 0 : i32
      %dma_start3A_254 = tpu.memref_slice %arg6[%add3A, %scan3A_86#1, %dma_start3A] : memref<32x32x16xi32, #tpu.memory_space<hbm>> -> memref<1x1x16xi32, #tpu.memory_space<hbm>>
      %dma_start3A_255 = tpu.memref_squeeze %dma_start3A_254 : memref<1x1x16xi32, #tpu.memory_space<hbm>> -> memref<16xi32, #tpu.memory_space<hbm>>
      %dma_start3A_256 = arith.constant 0 : i32
      %dma_start3A_257 = tpu.memref_slice %arg6[%add3A, %scan3A_86#1, %dma_start3A_256] : memref<32x32x16xi32, #tpu.memory_space<hbm>> -> memref<1x1x16xi32, #tpu.memory_space<hbm>>
      %dma_start3A_258 = tpu.memref_squeeze %dma_start3A_257 : memref<1x1x16xi32, #tpu.memory_space<hbm>> -> memref<16xi32, #tpu.memory_space<hbm>>
      tpu.enqueue_dma source(%arg10 : memref<16xi32, #tpu.memory_space<vmem>>) target(%dma_start3A_258 : memref<16xi32, #tpu.memory_space<hbm>>) target_semaphore(%run_scoped3A : memref<!tpu.dma_semaphore, #tpu.memory_space<semaphore_mem>>)
      %dma_wait3A = arith.constant 0 : i32
      %dma_wait3A_259 = tpu.memref_slice %arg6[%add3A, %scan3A_86#1, %dma_wait3A] : memref<32x32x16xi32, #tpu.memory_space<hbm>> -> memref<1x1x16xi32, #tpu.memory_space<hbm>>
      %dma_wait3A_260 = tpu.memref_squeeze %dma_wait3A_259 : memref<1x1x16xi32, #tpu.memory_space<hbm>> -> memref<16xi32, #tpu.memory_space<hbm>>
      %dma_wait3A_261 = arith.constant 0 : i32
      %dma_wait3A_262 = tpu.memref_slice %arg6[%add3A, %scan3A_86#1, %dma_wait3A_261] : memref<32x32x16xi32, #tpu.memory_space<hbm>> -> memref<1x1x16xi32, #tpu.memory_space<hbm>>
      %dma_wait3A_263 = tpu.memref_squeeze %dma_wait3A_262 : memref<1x1x16xi32, #tpu.memory_space<hbm>> -> memref<16xi32, #tpu.memory_space<hbm>>
      tpu.wait_dma2 semaphore(%run_scoped3A : memref<!tpu.dma_semaphore, #tpu.memory_space<semaphore_mem>>) src(%arg10 : memref<16xi32, #tpu.memory_space<vmem>>) dst(%dma_wait3A_263 : memref<16xi32, #tpu.memory_space<hbm>>)
      tpu.yield
    }) : () -> ()
    %broadcast_in_dim3A_91 = arith.constant 8 : i32
    %broadcast_in_dim3A_92 = vector.broadcast %broadcast_in_dim3A_91 : i32 to vector<16xi32>
    %swap3A_93 = arith.constant 0 : index
    %swap3A_94 = tpu.vector_load %arg10[%swap3A_93] {strides = array<i32>} : memref<16xi32, #tpu.memory_space<vmem>>, vector<16xi32>,
    %swap3A_95 = vector.shape_cast %swap3A_94 : vector<16xi32> to vector<16xi32>
    %swap3A_96 = vector.shape_cast %broadcast_in_dim3A_92 : vector<16xi32> to vector<16xi32>
    tpu.vector_store %arg10[%swap3A_93], %swap3A_96 {strides = array<i32>} : memref<16xi32, #tpu.memory_space<vmem>>, vector<16xi32>,
    %lt3A = arith.constant 0 : i32
    %lt3A_97 = arith.cmpi slt, %scan3A_86#1, %lt3A : i32
    %convert_element_type3A = arith.extui %lt3A_97 : i1 to i32
    %cond3A = arith.constant 0 : i32
    %cond3A_98 = arith.cmpi ne, %convert_element_type3A, %cond3A : i32
    scf.if %cond3A_98 {
      %run_scoped3A = arith.constant 0 : i32
      "tpu.region"() ({
        %run_scoped3A_254 = tpu.sem_alloc : memref<!tpu.dma_semaphore, #tpu.memory_space<semaphore_mem>>
        %dma_start3A = arith.constant 0 : i32
        %dma_start3A_255 = tpu.memref_slice %arg6[%add3A, %run_scoped3A, %dma_start3A] : memref<32x32x16xi32, #tpu.memory_space<hbm>> -> memref<1x1x16xi32, #tpu.memory_space<hbm>>
        %dma_start3A_256 = tpu.memref_squeeze %dma_start3A_255 : memref<1x1x16xi32, #tpu.memory_space<hbm>> -> memref<16xi32, #tpu.memory_space<hbm>>
        %dma_start3A_257 = arith.constant 0 : i32
        %dma_start3A_258 = tpu.memref_slice %arg6[%add3A, %run_scoped3A, %dma_start3A_257] : memref<32x32x16xi32, #tpu.memory_space<hbm>> -> memref<1x1x16xi32, #tpu.memory_space<hbm>>
        %dma_start3A_259 = tpu.memref_squeeze %dma_start3A_258 : memref<1x1x16xi32, #tpu.memory_space<hbm>> -> memref<16xi32, #tpu.memory_space<hbm>>
        tpu.enqueue_dma source(%arg10 : memref<16xi32, #tpu.memory_space<vmem>>) target(%dma_start3A_259 : memref<16xi32, #tpu.memory_space<hbm>>) target_semaphore(%run_scoped3A_254 : memref<!tpu.dma_semaphore, #tpu.memory_space<semaphore_mem>>)
        %dma_wait3A = arith.constant 0 : i32
        %dma_wait3A_260 = tpu.memref_slice %arg6[%add3A, %run_scoped3A, %dma_wait3A] : memref<32x32x16xi32, #tpu.memory_space<hbm>> -> memref<1x1x16xi32, #tpu.memory_space<hbm>>
        %dma_wait3A_261 = tpu.memref_squeeze %dma_wait3A_260 : memref<1x1x16xi32, #tpu.memory_space<hbm>> -> memref<16xi32, #tpu.memory_space<hbm>>
        %dma_wait3A_262 = arith.constant 0 : i32
        %dma_wait3A_263 = tpu.memref_slice %arg6[%add3A, %run_scoped3A, %dma_wait3A_262] : memref<32x32x16xi32, #tpu.memory_space<hbm>> -> memref<1x1x16xi32, #tpu.memory_space<hbm>>
        %dma_wait3A_264 = tpu.memref_squeeze %dma_wait3A_263 : memref<1x1x16xi32, #tpu.memory_space<hbm>> -> memref<16xi32, #tpu.memory_space<hbm>>
        tpu.wait_dma2 semaphore(%run_scoped3A_254 : memref<!tpu.dma_semaphore, #tpu.memory_space<semaphore_mem>>) src(%arg10 : memref<16xi32, #tpu.memory_space<vmem>>) dst(%dma_wait3A_264 : memref<16xi32, #tpu.memory_space<hbm>>)
        tpu.yield
      }) : () -> ()
    } else {
    }
    %lt3A_99 = arith.constant 1 : i32
    %lt3A_100 = arith.cmpi slt, %scan3A_86#1, %lt3A_99 : i32
    %convert_element_type3A_101 = arith.extui %lt3A_100 : i1 to i32
    %cond3A_102 = arith.constant 0 : i32
    %cond3A_103 = arith.cmpi ne, %convert_element_type3A_101, %cond3A_102 : i32
    scf.if %cond3A_103 {
      %run_scoped3A = arith.constant 1 : i32
      "tpu.region"() ({
        %run_scoped3A_254 = tpu.sem_alloc : memref<!tpu.dma_semaphore, #tpu.memory_space<semaphore_mem>>
        %dma_start3A = arith.constant 0 : i32
        %dma_start3A_255 = tpu.memref_slice %arg6[%add3A, %run_scoped3A, %dma_start3A] : memref<32x32x16xi32, #tpu.memory_space<hbm>> -> memref<1x1x16xi32, #tpu.memory_space<hbm>>
        %dma_start3A_256 = tpu.memref_squeeze %dma_start3A_255 : memref<1x1x16xi32, #tpu.memory_space<hbm>> -> memref<16xi32, #tpu.memory_space<hbm>>
        %dma_start3A_257 = arith.constant 0 : i32
        %dma_start3A_258 = tpu.memref_slice %arg6[%add3A, %run_scoped3A, %dma_start3A_257] : memref<32x32x16xi32, #tpu.memory_space<hbm>> -> memref<1x1x16xi32, #tpu.memory_space<hbm>>
        %dma_start3A_259 = tpu.memref_squeeze %dma_start3A_258 : memref<1x1x16xi32, #tpu.memory_space<hbm>> -> memref<16xi32, #tpu.memory_space<hbm>>
        tpu.enqueue_dma source(%arg10 : memref<16xi32, #tpu.memory_space<vmem>>) target(%dma_start3A_259 : memref<16xi32, #tpu.memory_space<hbm>>) target_semaphore(%run_scoped3A_254 : memref<!tpu.dma_semaphore, #tpu.memory_space<semaphore_mem>>)
        %dma_wait3A = arith.constant 0 : i32
        %dma_wait3A_260 = tpu.memref_slice %arg6[%add3A, %run_scoped3A, %dma_wait3A] : memref<32x32x16xi32, #tpu.memory_space<hbm>> -> memref<1x1x16xi32, #tpu.memory_space<hbm>>
        %dma_wait3A_261 = tpu.memref_squeeze %dma_wait3A_260 : memref<1x1x16xi32, #tpu.memory_space<hbm>> -> memref<16xi32, #tpu.memory_space<hbm>>
        %dma_wait3A_262 = arith.constant 0 : i32
        %dma_wait3A_263 = tpu.memref_slice %arg6[%add3A, %run_scoped3A, %dma_wait3A_262] : memref<32x32x16xi32, #tpu.memory_space<hbm>> -> memref<1x1x16xi32, #tpu.memory_space<hbm>>
        %dma_wait3A_264 = tpu.memref_squeeze %dma_wait3A_263 : memref<1x1x16xi32, #tpu.memory_space<hbm>> -> memref<16xi32, #tpu.memory_space<hbm>>
        tpu.wait_dma2 semaphore(%run_scoped3A_254 : memref<!tpu.dma_semaphore, #tpu.memory_space<semaphore_mem>>) src(%arg10 : memref<16xi32, #tpu.memory_space<vmem>>) dst(%dma_wait3A_264 : memref<16xi32, #tpu.memory_space<hbm>>)
        tpu.yield
      }) : () -> ()
    } else {
    }
    %lt3A_104 = arith.constant 2 : i32
    %lt3A_105 = arith.cmpi slt, %scan3A_86#1, %lt3A_104 : i32
    %convert_element_type3A_106 = arith.extui %lt3A_105 : i1 to i32
    %cond3A_107 = arith.constant 0 : i32
    %cond3A_108 = arith.cmpi ne, %convert_element_type3A_106, %cond3A_107 : i32
    scf.if %cond3A_108 {
      %run_scoped3A = arith.constant 2 : i32
      "tpu.region"() ({
        %run_scoped3A_254 = tpu.sem_alloc : memref<!tpu.dma_semaphore, #tpu.memory_space<semaphore_mem>>
        %dma_start3A = arith.constant 0 : i32
        %dma_start3A_255 = tpu.memref_slice %arg6[%add3A, %run_scoped3A, %dma_start3A] : memref<32x32x16xi32, #tpu.memory_space<hbm>> -> memref<1x1x16xi32, #tpu.memory_space<hbm>>
        %dma_start3A_256 = tpu.memref_squeeze %dma_start3A_255 : memref<1x1x16xi32, #tpu.memory_space<hbm>> -> memref<16xi32, #tpu.memory_space<hbm>>
        %dma_start3A_257 = arith.constant 0 : i32
        %dma_start3A_258 = tpu.memref_slice %arg6[%add3A, %run_scoped3A, %dma_start3A_257] : memref<32x32x16xi32, #tpu.memory_space<hbm>> -> memref<1x1x16xi32, #tpu.memory_space<hbm>>
        %dma_start3A_259 = tpu.memref_squeeze %dma_start3A_258 : memref<1x1x16xi32, #tpu.memory_space<hbm>> -> memref<16xi32, #tpu.memory_space<hbm>>
        tpu.enqueue_dma source(%arg10 : memref<16xi32, #tpu.memory_space<vmem>>) target(%dma_start3A_259 : memref<16xi32, #tpu.memory_space<hbm>>) target_semaphore(%run_scoped3A_254 : memref<!tpu.dma_semaphore, #tpu.memory_space<semaphore_mem>>)
        %dma_wait3A = arith.constant 0 : i32
        %dma_wait3A_260 = tpu.memref_slice %arg6[%add3A, %run_scoped3A, %dma_wait3A] : memref<32x32x16xi32, #tpu.memory_space<hbm>> -> memref<1x1x16xi32, #tpu.memory_space<hbm>>
        %dma_wait3A_261 = tpu.memref_squeeze %dma_wait3A_260 : memref<1x1x16xi32, #tpu.memory_space<hbm>> -> memref<16xi32, #tpu.memory_space<hbm>>
        %dma_wait3A_262 = arith.constant 0 : i32
        %dma_wait3A_263 = tpu.memref_slice %arg6[%add3A, %run_scoped3A, %dma_wait3A_262] : memref<32x32x16xi32, #tpu.memory_space<hbm>> -> memref<1x1x16xi32, #tpu.memory_space<hbm>>
        %dma_wait3A_264 = tpu.memref_squeeze %dma_wait3A_263 : memref<1x1x16xi32, #tpu.memory_space<hbm>> -> memref<16xi32, #tpu.memory_space<hbm>>
        tpu.wait_dma2 semaphore(%run_scoped3A_254 : memref<!tpu.dma_semaphore, #tpu.memory_space<semaphore_mem>>) src(%arg10 : memref<16xi32, #tpu.memory_space<vmem>>) dst(%dma_wait3A_264 : memref<16xi32, #tpu.memory_space<hbm>>)
        tpu.yield
      }) : () -> ()
    } else {
    }
    %lt3A_109 = arith.constant 3 : i32
    %lt3A_110 = arith.cmpi slt, %scan3A_86#1, %lt3A_109 : i32
    %convert_element_type3A_111 = arith.extui %lt3A_110 : i1 to i32
    %cond3A_112 = arith.constant 0 : i32
    %cond3A_113 = arith.cmpi ne, %convert_element_type3A_111, %cond3A_112 : i32
    scf.if %cond3A_113 {
      %run_scoped3A = arith.constant 3 : i32
      "tpu.region"() ({
        %run_scoped3A_254 = tpu.sem_alloc : memref<!tpu.dma_semaphore, #tpu.memory_space<semaphore_mem>>
        %dma_start3A = arith.constant 0 : i32
        %dma_start3A_255 = tpu.memref_slice %arg6[%add3A, %run_scoped3A, %dma_start3A] : memref<32x32x16xi32, #tpu.memory_space<hbm>> -> memref<1x1x16xi32, #tpu.memory_space<hbm>>
        %dma_start3A_256 = tpu.memref_squeeze %dma_start3A_255 : memref<1x1x16xi32, #tpu.memory_space<hbm>> -> memref<16xi32, #tpu.memory_space<hbm>>
        %dma_start3A_257 = arith.constant 0 : i32
        %dma_start3A_258 = tpu.memref_slice %arg6[%add3A, %run_scoped3A, %dma_start3A_257] : memref<32x32x16xi32, #tpu.memory_space<hbm>> -> memref<1x1x16xi32, #tpu.memory_space<hbm>>
        %dma_start3A_259 = tpu.memref_squeeze %dma_start3A_258 : memref<1x1x16xi32, #tpu.memory_space<hbm>> -> memref<16xi32, #tpu.memory_space<hbm>>
        tpu.enqueue_dma source(%arg10 : memref<16xi32, #tpu.memory_space<vmem>>) target(%dma_start3A_259 : memref<16xi32, #tpu.memory_space<hbm>>) target_semaphore(%run_scoped3A_254 : memref<!tpu.dma_semaphore, #tpu.memory_space<semaphore_mem>>)
        %dma_wait3A = arith.constant 0 : i32
        %dma_wait3A_260 = tpu.memref_slice %arg6[%add3A, %run_scoped3A, %dma_wait3A] : memref<32x32x16xi32, #tpu.memory_space<hbm>> -> memref<1x1x16xi32, #tpu.memory_space<hbm>>
        %dma_wait3A_261 = tpu.memref_squeeze %dma_wait3A_260 : memref<1x1x16xi32, #tpu.memory_space<hbm>> -> memref<16xi32, #tpu.memory_space<hbm>>
        %dma_wait3A_262 = arith.constant 0 : i32
        %dma_wait3A_263 = tpu.memref_slice %arg6[%add3A, %run_scoped3A, %dma_wait3A_262] : memref<32x32x16xi32, #tpu.memory_space<hbm>> -> memref<1x1x16xi32, #tpu.memory_space<hbm>>
        %dma_wait3A_264 = tpu.memref_squeeze %dma_wait3A_263 : memref<1x1x16xi32, #tpu.memory_space<hbm>> -> memref<16xi32, #tpu.memory_space<hbm>>
        tpu.wait_dma2 semaphore(%run_scoped3A_254 : memref<!tpu.dma_semaphore, #tpu.memory_space<semaphore_mem>>) src(%arg10 : memref<16xi32, #tpu.memory_space<vmem>>) dst(%dma_wait3A_264 : memref<16xi32, #tpu.memory_space<hbm>>)
        tpu.yield
      }) : () -> ()
    } else {
    }
    %lt3A_114 = arith.constant 4 : i32
    %lt3A_115 = arith.cmpi slt, %scan3A_86#1, %lt3A_114 : i32
    %convert_element_type3A_116 = arith.extui %lt3A_115 : i1 to i32
    %cond3A_117 = arith.constant 0 : i32
    %cond3A_118 = arith.cmpi ne, %convert_element_type3A_116, %cond3A_117 : i32
    scf.if %cond3A_118 {
      %run_scoped3A = arith.constant 4 : i32
      "tpu.region"() ({
        %run_scoped3A_254 = tpu.sem_alloc : memref<!tpu.dma_semaphore, #tpu.memory_space<semaphore_mem>>
        %dma_start3A = arith.constant 0 : i32
        %dma_start3A_255 = tpu.memref_slice %arg6[%add3A, %run_scoped3A, %dma_start3A] : memref<32x32x16xi32, #tpu.memory_space<hbm>> -> memref<1x1x16xi32, #tpu.memory_space<hbm>>
        %dma_start3A_256 = tpu.memref_squeeze %dma_start3A_255 : memref<1x1x16xi32, #tpu.memory_space<hbm>> -> memref<16xi32, #tpu.memory_space<hbm>>
        %dma_start3A_257 = arith.constant 0 : i32
        %dma_start3A_258 = tpu.memref_slice %arg6[%add3A, %run_scoped3A, %dma_start3A_257] : memref<32x32x16xi32, #tpu.memory_space<hbm>> -> memref<1x1x16xi32, #tpu.memory_space<hbm>>
        %dma_start3A_259 = tpu.memref_squeeze %dma_start3A_258 : memref<1x1x16xi32, #tpu.memory_space<hbm>> -> memref<16xi32, #tpu.memory_space<hbm>>
        tpu.enqueue_dma source(%arg10 : memref<16xi32, #tpu.memory_space<vmem>>) target(%dma_start3A_259 : memref<16xi32, #tpu.memory_space<hbm>>) target_semaphore(%run_scoped3A_254 : memref<!tpu.dma_semaphore, #tpu.memory_space<semaphore_mem>>)
        %dma_wait3A = arith.constant 0 : i32
        %dma_wait3A_260 = tpu.memref_slice %arg6[%add3A, %run_scoped3A, %dma_wait3A] : memref<32x32x16xi32, #tpu.memory_space<hbm>> -> memref<1x1x16xi32, #tpu.memory_space<hbm>>
        %dma_wait3A_261 = tpu.memref_squeeze %dma_wait3A_260 : memref<1x1x16xi32, #tpu.memory_space<hbm>> -> memref<16xi32, #tpu.memory_space<hbm>>
        %dma_wait3A_262 = arith.constant 0 : i32
        %dma_wait3A_263 = tpu.memref_slice %arg6[%add3A, %run_scoped3A, %dma_wait3A_262] : memref<32x32x16xi32, #tpu.memory_space<hbm>> -> memref<1x1x16xi32, #tpu.memory_space<hbm>>
        %dma_wait3A_264 = tpu.memref_squeeze %dma_wait3A_263 : memref<1x1x16xi32, #tpu.memory_space<hbm>> -> memref<16xi32, #tpu.memory_space<hbm>>
        tpu.wait_dma2 semaphore(%run_scoped3A_254 : memref<!tpu.dma_semaphore, #tpu.memory_space<semaphore_mem>>) src(%arg10 : memref<16xi32, #tpu.memory_space<vmem>>) dst(%dma_wait3A_264 : memref<16xi32, #tpu.memory_space<hbm>>)
        tpu.yield
      }) : () -> ()
    } else {
    }
    %lt3A_119 = arith.constant 5 : i32
    %lt3A_120 = arith.cmpi slt, %scan3A_86#1, %lt3A_119 : i32
    %convert_element_type3A_121 = arith.extui %lt3A_120 : i1 to i32
    %cond3A_122 = arith.constant 0 : i32
    %cond3A_123 = arith.cmpi ne, %convert_element_type3A_121, %cond3A_122 : i32
    scf.if %cond3A_123 {
      %run_scoped3A = arith.constant 5 : i32
      "tpu.region"() ({
        %run_scoped3A_254 = tpu.sem_alloc : memref<!tpu.dma_semaphore, #tpu.memory_space<semaphore_mem>>
        %dma_start3A = arith.constant 0 : i32
        %dma_start3A_255 = tpu.memref_slice %arg6[%add3A, %run_scoped3A, %dma_start3A] : memref<32x32x16xi32, #tpu.memory_space<hbm>> -> memref<1x1x16xi32, #tpu.memory_space<hbm>>
        %dma_start3A_256 = tpu.memref_squeeze %dma_start3A_255 : memref<1x1x16xi32, #tpu.memory_space<hbm>> -> memref<16xi32, #tpu.memory_space<hbm>>
        %dma_start3A_257 = arith.constant 0 : i32
        %dma_start3A_258 = tpu.memref_slice %arg6[%add3A, %run_scoped3A, %dma_start3A_257] : memref<32x32x16xi32, #tpu.memory_space<hbm>> -> memref<1x1x16xi32, #tpu.memory_space<hbm>>
        %dma_start3A_259 = tpu.memref_squeeze %dma_start3A_258 : memref<1x1x16xi32, #tpu.memory_space<hbm>> -> memref<16xi32, #tpu.memory_space<hbm>>
        tpu.enqueue_dma source(%arg10 : memref<16xi32, #tpu.memory_space<vmem>>) target(%dma_start3A_259 : memref<16xi32, #tpu.memory_space<hbm>>) target_semaphore(%run_scoped3A_254 : memref<!tpu.dma_semaphore, #tpu.memory_space<semaphore_mem>>)
        %dma_wait3A = arith.constant 0 : i32
        %dma_wait3A_260 = tpu.memref_slice %arg6[%add3A, %run_scoped3A, %dma_wait3A] : memref<32x32x16xi32, #tpu.memory_space<hbm>> -> memref<1x1x16xi32, #tpu.memory_space<hbm>>
        %dma_wait3A_261 = tpu.memref_squeeze %dma_wait3A_260 : memref<1x1x16xi32, #tpu.memory_space<hbm>> -> memref<16xi32, #tpu.memory_space<hbm>>
        %dma_wait3A_262 = arith.constant 0 : i32
        %dma_wait3A_263 = tpu.memref_slice %arg6[%add3A, %run_scoped3A, %dma_wait3A_262] : memref<32x32x16xi32, #tpu.memory_space<hbm>> -> memref<1x1x16xi32, #tpu.memory_space<hbm>>
        %dma_wait3A_264 = tpu.memref_squeeze %dma_wait3A_263 : memref<1x1x16xi32, #tpu.memory_space<hbm>> -> memref<16xi32, #tpu.memory_space<hbm>>
        tpu.wait_dma2 semaphore(%run_scoped3A_254 : memref<!tpu.dma_semaphore, #tpu.memory_space<semaphore_mem>>) src(%arg10 : memref<16xi32, #tpu.memory_space<vmem>>) dst(%dma_wait3A_264 : memref<16xi32, #tpu.memory_space<hbm>>)
        tpu.yield
      }) : () -> ()
    } else {
    }
    %lt3A_124 = arith.constant 6 : i32
    %lt3A_125 = arith.cmpi slt, %scan3A_86#1, %lt3A_124 : i32
    %convert_element_type3A_126 = arith.extui %lt3A_125 : i1 to i32
    %cond3A_127 = arith.constant 0 : i32
    %cond3A_128 = arith.cmpi ne, %convert_element_type3A_126, %cond3A_127 : i32
    scf.if %cond3A_128 {
      %run_scoped3A = arith.constant 6 : i32
      "tpu.region"() ({
        %run_scoped3A_254 = tpu.sem_alloc : memref<!tpu.dma_semaphore, #tpu.memory_space<semaphore_mem>>
        %dma_start3A = arith.constant 0 : i32
        %dma_start3A_255 = tpu.memref_slice %arg6[%add3A, %run_scoped3A, %dma_start3A] : memref<32x32x16xi32, #tpu.memory_space<hbm>> -> memref<1x1x16xi32, #tpu.memory_space<hbm>>
        %dma_start3A_256 = tpu.memref_squeeze %dma_start3A_255 : memref<1x1x16xi32, #tpu.memory_space<hbm>> -> memref<16xi32, #tpu.memory_space<hbm>>
        %dma_start3A_257 = arith.constant 0 : i32
        %dma_start3A_258 = tpu.memref_slice %arg6[%add3A, %run_scoped3A, %dma_start3A_257] : memref<32x32x16xi32, #tpu.memory_space<hbm>> -> memref<1x1x16xi32, #tpu.memory_space<hbm>>
        %dma_start3A_259 = tpu.memref_squeeze %dma_start3A_258 : memref<1x1x16xi32, #tpu.memory_space<hbm>> -> memref<16xi32, #tpu.memory_space<hbm>>
        tpu.enqueue_dma source(%arg10 : memref<16xi32, #tpu.memory_space<vmem>>) target(%dma_start3A_259 : memref<16xi32, #tpu.memory_space<hbm>>) target_semaphore(%run_scoped3A_254 : memref<!tpu.dma_semaphore, #tpu.memory_space<semaphore_mem>>)
        %dma_wait3A = arith.constant 0 : i32
        %dma_wait3A_260 = tpu.memref_slice %arg6[%add3A, %run_scoped3A, %dma_wait3A] : memref<32x32x16xi32, #tpu.memory_space<hbm>> -> memref<1x1x16xi32, #tpu.memory_space<hbm>>
        %dma_wait3A_261 = tpu.memref_squeeze %dma_wait3A_260 : memref<1x1x16xi32, #tpu.memory_space<hbm>> -> memref<16xi32, #tpu.memory_space<hbm>>
        %dma_wait3A_262 = arith.constant 0 : i32
        %dma_wait3A_263 = tpu.memref_slice %arg6[%add3A, %run_scoped3A, %dma_wait3A_262] : memref<32x32x16xi32, #tpu.memory_space<hbm>> -> memref<1x1x16xi32, #tpu.memory_space<hbm>>
        %dma_wait3A_264 = tpu.memref_squeeze %dma_wait3A_263 : memref<1x1x16xi32, #tpu.memory_space<hbm>> -> memref<16xi32, #tpu.memory_space<hbm>>
        tpu.wait_dma2 semaphore(%run_scoped3A_254 : memref<!tpu.dma_semaphore, #tpu.memory_space<semaphore_mem>>) src(%arg10 : memref<16xi32, #tpu.memory_space<vmem>>) dst(%dma_wait3A_264 : memref<16xi32, #tpu.memory_space<hbm>>)
        tpu.yield
      }) : () -> ()
    } else {
    }
    %lt3A_129 = arith.constant 7 : i32
    %lt3A_130 = arith.cmpi slt, %scan3A_86#1, %lt3A_129 : i32
    %convert_element_type3A_131 = arith.extui %lt3A_130 : i1 to i32
    %cond3A_132 = arith.constant 0 : i32
    %cond3A_133 = arith.cmpi ne, %convert_element_type3A_131, %cond3A_132 : i32
    scf.if %cond3A_133 {
      %run_scoped3A = arith.constant 7 : i32
      "tpu.region"() ({
        %run_scoped3A_254 = tpu.sem_alloc : memref<!tpu.dma_semaphore, #tpu.memory_space<semaphore_mem>>
        %dma_start3A = arith.constant 0 : i32
        %dma_start3A_255 = tpu.memref_slice %arg6[%add3A, %run_scoped3A, %dma_start3A] : memref<32x32x16xi32, #tpu.memory_space<hbm>> -> memref<1x1x16xi32, #tpu.memory_space<hbm>>
        %dma_start3A_256 = tpu.memref_squeeze %dma_start3A_255 : memref<1x1x16xi32, #tpu.memory_space<hbm>> -> memref<16xi32, #tpu.memory_space<hbm>>
        %dma_start3A_257 = arith.constant 0 : i32
        %dma_start3A_258 = tpu.memref_slice %arg6[%add3A, %run_scoped3A, %dma_start3A_257] : memref<32x32x16xi32, #tpu.memory_space<hbm>> -> memref<1x1x16xi32, #tpu.memory_space<hbm>>
        %dma_start3A_259 = tpu.memref_squeeze %dma_start3A_258 : memref<1x1x16xi32, #tpu.memory_space<hbm>> -> memref<16xi32, #tpu.memory_space<hbm>>
        tpu.enqueue_dma source(%arg10 : memref<16xi32, #tpu.memory_space<vmem>>) target(%dma_start3A_259 : memref<16xi32, #tpu.memory_space<hbm>>) target_semaphore(%run_scoped3A_254 : memref<!tpu.dma_semaphore, #tpu.memory_space<semaphore_mem>>)
        %dma_wait3A = arith.constant 0 : i32
        %dma_wait3A_260 = tpu.memref_slice %arg6[%add3A, %run_scoped3A, %dma_wait3A] : memref<32x32x16xi32, #tpu.memory_space<hbm>> -> memref<1x1x16xi32, #tpu.memory_space<hbm>>
        %dma_wait3A_261 = tpu.memref_squeeze %dma_wait3A_260 : memref<1x1x16xi32, #tpu.memory_space<hbm>> -> memref<16xi32, #tpu.memory_space<hbm>>
        %dma_wait3A_262 = arith.constant 0 : i32
        %dma_wait3A_263 = tpu.memref_slice %arg6[%add3A, %run_scoped3A, %dma_wait3A_262] : memref<32x32x16xi32, #tpu.memory_space<hbm>> -> memref<1x1x16xi32, #tpu.memory_space<hbm>>
        %dma_wait3A_264 = tpu.memref_squeeze %dma_wait3A_263 : memref<1x1x16xi32, #tpu.memory_space<hbm>> -> memref<16xi32, #tpu.memory_space<hbm>>
        tpu.wait_dma2 semaphore(%run_scoped3A_254 : memref<!tpu.dma_semaphore, #tpu.memory_space<semaphore_mem>>) src(%arg10 : memref<16xi32, #tpu.memory_space<vmem>>) dst(%dma_wait3A_264 : memref<16xi32, #tpu.memory_space<hbm>>)
        tpu.yield
      }) : () -> ()
    } else {
    }
    %lt3A_134 = arith.constant 8 : i32
    %lt3A_135 = arith.cmpi slt, %scan3A_86#1, %lt3A_134 : i32
    %convert_element_type3A_136 = arith.extui %lt3A_135 : i1 to i32
    %cond3A_137 = arith.constant 0 : i32
    %cond3A_138 = arith.cmpi ne, %convert_element_type3A_136, %cond3A_137 : i32
    scf.if %cond3A_138 {
      %run_scoped3A = arith.constant 8 : i32
      "tpu.region"() ({
        %run_scoped3A_254 = tpu.sem_alloc : memref<!tpu.dma_semaphore, #tpu.memory_space<semaphore_mem>>
        %dma_start3A = arith.constant 0 : i32
        %dma_start3A_255 = tpu.memref_slice %arg6[%add3A, %run_scoped3A, %dma_start3A] : memref<32x32x16xi32, #tpu.memory_space<hbm>> -> memref<1x1x16xi32, #tpu.memory_space<hbm>>
        %dma_start3A_256 = tpu.memref_squeeze %dma_start3A_255 : memref<1x1x16xi32, #tpu.memory_space<hbm>> -> memref<16xi32, #tpu.memory_space<hbm>>
        %dma_start3A_257 = arith.constant 0 : i32
        %dma_start3A_258 = tpu.memref_slice %arg6[%add3A, %run_scoped3A, %dma_start3A_257] : memref<32x32x16xi32, #tpu.memory_space<hbm>> -> memref<1x1x16xi32, #tpu.memory_space<hbm>>
        %dma_start3A_259 = tpu.memref_squeeze %dma_start3A_258 : memref<1x1x16xi32, #tpu.memory_space<hbm>> -> memref<16xi32, #tpu.memory_space<hbm>>
        tpu.enqueue_dma source(%arg10 : memref<16xi32, #tpu.memory_space<vmem>>) target(%dma_start3A_259 : memref<16xi32, #tpu.memory_space<hbm>>) target_semaphore(%run_scoped3A_254 : memref<!tpu.dma_semaphore, #tpu.memory_space<semaphore_mem>>)
        %dma_wait3A = arith.constant 0 : i32
        %dma_wait3A_260 = tpu.memref_slice %arg6[%add3A, %run_scoped3A, %dma_wait3A] : memref<32x32x16xi32, #tpu.memory_space<hbm>> -> memref<1x1x16xi32, #tpu.memory_space<hbm>>
        %dma_wait3A_261 = tpu.memref_squeeze %dma_wait3A_260 : memref<1x1x16xi32, #tpu.memory_space<hbm>> -> memref<16xi32, #tpu.memory_space<hbm>>
        %dma_wait3A_262 = arith.constant 0 : i32
        %dma_wait3A_263 = tpu.memref_slice %arg6[%add3A, %run_scoped3A, %dma_wait3A_262] : memref<32x32x16xi32, #tpu.memory_space<hbm>> -> memref<1x1x16xi32, #tpu.memory_space<hbm>>
        %dma_wait3A_264 = tpu.memref_squeeze %dma_wait3A_263 : memref<1x1x16xi32, #tpu.memory_space<hbm>> -> memref<16xi32, #tpu.memory_space<hbm>>
        tpu.wait_dma2 semaphore(%run_scoped3A_254 : memref<!tpu.dma_semaphore, #tpu.memory_space<semaphore_mem>>) src(%arg10 : memref<16xi32, #tpu.memory_space<vmem>>) dst(%dma_wait3A_264 : memref<16xi32, #tpu.memory_space<hbm>>)
        tpu.yield
      }) : () -> ()
    } else {
    }
    %lt3A_139 = arith.constant 9 : i32
    %lt3A_140 = arith.cmpi slt, %scan3A_86#1, %lt3A_139 : i32
    %convert_element_type3A_141 = arith.extui %lt3A_140 : i1 to i32
    %cond3A_142 = arith.constant 0 : i32
    %cond3A_143 = arith.cmpi ne, %convert_element_type3A_141, %cond3A_142 : i32
    scf.if %cond3A_143 {
      %run_scoped3A = arith.constant 9 : i32
      "tpu.region"() ({
        %run_scoped3A_254 = tpu.sem_alloc : memref<!tpu.dma_semaphore, #tpu.memory_space<semaphore_mem>>
        %dma_start3A = arith.constant 0 : i32
        %dma_start3A_255 = tpu.memref_slice %arg6[%add3A, %run_scoped3A, %dma_start3A] : memref<32x32x16xi32, #tpu.memory_space<hbm>> -> memref<1x1x16xi32, #tpu.memory_space<hbm>>
        %dma_start3A_256 = tpu.memref_squeeze %dma_start3A_255 : memref<1x1x16xi32, #tpu.memory_space<hbm>> -> memref<16xi32, #tpu.memory_space<hbm>>
        %dma_start3A_257 = arith.constant 0 : i32
        %dma_start3A_258 = tpu.memref_slice %arg6[%add3A, %run_scoped3A, %dma_start3A_257] : memref<32x32x16xi32, #tpu.memory_space<hbm>> -> memref<1x1x16xi32, #tpu.memory_space<hbm>>
        %dma_start3A_259 = tpu.memref_squeeze %dma_start3A_258 : memref<1x1x16xi32, #tpu.memory_space<hbm>> -> memref<16xi32, #tpu.memory_space<hbm>>
        tpu.enqueue_dma source(%arg10 : memref<16xi32, #tpu.memory_space<vmem>>) target(%dma_start3A_259 : memref<16xi32, #tpu.memory_space<hbm>>) target_semaphore(%run_scoped3A_254 : memref<!tpu.dma_semaphore, #tpu.memory_space<semaphore_mem>>)
        %dma_wait3A = arith.constant 0 : i32
        %dma_wait3A_260 = tpu.memref_slice %arg6[%add3A, %run_scoped3A, %dma_wait3A] : memref<32x32x16xi32, #tpu.memory_space<hbm>> -> memref<1x1x16xi32, #tpu.memory_space<hbm>>
        %dma_wait3A_261 = tpu.memref_squeeze %dma_wait3A_260 : memref<1x1x16xi32, #tpu.memory_space<hbm>> -> memref<16xi32, #tpu.memory_space<hbm>>
        %dma_wait3A_262 = arith.constant 0 : i32
        %dma_wait3A_263 = tpu.memref_slice %arg6[%add3A, %run_scoped3A, %dma_wait3A_262] : memref<32x32x16xi32, #tpu.memory_space<hbm>> -> memref<1x1x16xi32, #tpu.memory_space<hbm>>
        %dma_wait3A_264 = tpu.memref_squeeze %dma_wait3A_263 : memref<1x1x16xi32, #tpu.memory_space<hbm>> -> memref<16xi32, #tpu.memory_space<hbm>>
        tpu.wait_dma2 semaphore(%run_scoped3A_254 : memref<!tpu.dma_semaphore, #tpu.memory_space<semaphore_mem>>) src(%arg10 : memref<16xi32, #tpu.memory_space<vmem>>) dst(%dma_wait3A_264 : memref<16xi32, #tpu.memory_space<hbm>>)
        tpu.yield
      }) : () -> ()
    } else {
    }
    %lt3A_144 = arith.constant 10 : i32
    %lt3A_145 = arith.cmpi slt, %scan3A_86#1, %lt3A_144 : i32
    %convert_element_type3A_146 = arith.extui %lt3A_145 : i1 to i32
    %cond3A_147 = arith.constant 0 : i32
    %cond3A_148 = arith.cmpi ne, %convert_element_type3A_146, %cond3A_147 : i32
    scf.if %cond3A_148 {
      %run_scoped3A = arith.constant 10 : i32
      "tpu.region"() ({
        %run_scoped3A_254 = tpu.sem_alloc : memref<!tpu.dma_semaphore, #tpu.memory_space<semaphore_mem>>
        %dma_start3A = arith.constant 0 : i32
        %dma_start3A_255 = tpu.memref_slice %arg6[%add3A, %run_scoped3A, %dma_start3A] : memref<32x32x16xi32, #tpu.memory_space<hbm>> -> memref<1x1x16xi32, #tpu.memory_space<hbm>>
        %dma_start3A_256 = tpu.memref_squeeze %dma_start3A_255 : memref<1x1x16xi32, #tpu.memory_space<hbm>> -> memref<16xi32, #tpu.memory_space<hbm>>
        %dma_start3A_257 = arith.constant 0 : i32
        %dma_start3A_258 = tpu.memref_slice %arg6[%add3A, %run_scoped3A, %dma_start3A_257] : memref<32x32x16xi32, #tpu.memory_space<hbm>> -> memref<1x1x16xi32, #tpu.memory_space<hbm>>
        %dma_start3A_259 = tpu.memref_squeeze %dma_start3A_258 : memref<1x1x16xi32, #tpu.memory_space<hbm>> -> memref<16xi32, #tpu.memory_space<hbm>>
        tpu.enqueue_dma source(%arg10 : memref<16xi32, #tpu.memory_space<vmem>>) target(%dma_start3A_259 : memref<16xi32, #tpu.memory_space<hbm>>) target_semaphore(%run_scoped3A_254 : memref<!tpu.dma_semaphore, #tpu.memory_space<semaphore_mem>>)
        %dma_wait3A = arith.constant 0 : i32
        %dma_wait3A_260 = tpu.memref_slice %arg6[%add3A, %run_scoped3A, %dma_wait3A] : memref<32x32x16xi32, #tpu.memory_space<hbm>> -> memref<1x1x16xi32, #tpu.memory_space<hbm>>
        %dma_wait3A_261 = tpu.memref_squeeze %dma_wait3A_260 : memref<1x1x16xi32, #tpu.memory_space<hbm>> -> memref<16xi32, #tpu.memory_space<hbm>>
        %dma_wait3A_262 = arith.constant 0 : i32
        %dma_wait3A_263 = tpu.memref_slice %arg6[%add3A, %run_scoped3A, %dma_wait3A_262] : memref<32x32x16xi32, #tpu.memory_space<hbm>> -> memref<1x1x16xi32, #tpu.memory_space<hbm>>
        %dma_wait3A_264 = tpu.memref_squeeze %dma_wait3A_263 : memref<1x1x16xi32, #tpu.memory_space<hbm>> -> memref<16xi32, #tpu.memory_space<hbm>>
        tpu.wait_dma2 semaphore(%run_scoped3A_254 : memref<!tpu.dma_semaphore, #tpu.memory_space<semaphore_mem>>) src(%arg10 : memref<16xi32, #tpu.memory_space<vmem>>) dst(%dma_wait3A_264 : memref<16xi32, #tpu.memory_space<hbm>>)
        tpu.yield
      }) : () -> ()
    } else {
    }
    %lt3A_149 = arith.constant 11 : i32
    %lt3A_150 = arith.cmpi slt, %scan3A_86#1, %lt3A_149 : i32
    %convert_element_type3A_151 = arith.extui %lt3A_150 : i1 to i32
    %cond3A_152 = arith.constant 0 : i32
    %cond3A_153 = arith.cmpi ne, %convert_element_type3A_151, %cond3A_152 : i32
    scf.if %cond3A_153 {
      %run_scoped3A = arith.constant 11 : i32
      "tpu.region"() ({
        %run_scoped3A_254 = tpu.sem_alloc : memref<!tpu.dma_semaphore, #tpu.memory_space<semaphore_mem>>
        %dma_start3A = arith.constant 0 : i32
        %dma_start3A_255 = tpu.memref_slice %arg6[%add3A, %run_scoped3A, %dma_start3A] : memref<32x32x16xi32, #tpu.memory_space<hbm>> -> memref<1x1x16xi32, #tpu.memory_space<hbm>>
        %dma_start3A_256 = tpu.memref_squeeze %dma_start3A_255 : memref<1x1x16xi32, #tpu.memory_space<hbm>> -> memref<16xi32, #tpu.memory_space<hbm>>
        %dma_start3A_257 = arith.constant 0 : i32
        %dma_start3A_258 = tpu.memref_slice %arg6[%add3A, %run_scoped3A, %dma_start3A_257] : memref<32x32x16xi32, #tpu.memory_space<hbm>> -> memref<1x1x16xi32, #tpu.memory_space<hbm>>
        %dma_start3A_259 = tpu.memref_squeeze %dma_start3A_258 : memref<1x1x16xi32, #tpu.memory_space<hbm>> -> memref<16xi32, #tpu.memory_space<hbm>>
        tpu.enqueue_dma source(%arg10 : memref<16xi32, #tpu.memory_space<vmem>>) target(%dma_start3A_259 : memref<16xi32, #tpu.memory_space<hbm>>) target_semaphore(%run_scoped3A_254 : memref<!tpu.dma_semaphore, #tpu.memory_space<semaphore_mem>>)
        %dma_wait3A = arith.constant 0 : i32
        %dma_wait3A_260 = tpu.memref_slice %arg6[%add3A, %run_scoped3A, %dma_wait3A] : memref<32x32x16xi32, #tpu.memory_space<hbm>> -> memref<1x1x16xi32, #tpu.memory_space<hbm>>
        %dma_wait3A_261 = tpu.memref_squeeze %dma_wait3A_260 : memref<1x1x16xi32, #tpu.memory_space<hbm>> -> memref<16xi32, #tpu.memory_space<hbm>>
        %dma_wait3A_262 = arith.constant 0 : i32
        %dma_wait3A_263 = tpu.memref_slice %arg6[%add3A, %run_scoped3A, %dma_wait3A_262] : memref<32x32x16xi32, #tpu.memory_space<hbm>> -> memref<1x1x16xi32, #tpu.memory_space<hbm>>
        %dma_wait3A_264 = tpu.memref_squeeze %dma_wait3A_263 : memref<1x1x16xi32, #tpu.memory_space<hbm>> -> memref<16xi32, #tpu.memory_space<hbm>>
        tpu.wait_dma2 semaphore(%run_scoped3A_254 : memref<!tpu.dma_semaphore, #tpu.memory_space<semaphore_mem>>) src(%arg10 : memref<16xi32, #tpu.memory_space<vmem>>) dst(%dma_wait3A_264 : memref<16xi32, #tpu.memory_space<hbm>>)
        tpu.yield
      }) : () -> ()
    } else {
    }
    %lt3A_154 = arith.constant 12 : i32
    %lt3A_155 = arith.cmpi slt, %scan3A_86#1, %lt3A_154 : i32
    %convert_element_type3A_156 = arith.extui %lt3A_155 : i1 to i32
    %cond3A_157 = arith.constant 0 : i32
    %cond3A_158 = arith.cmpi ne, %convert_element_type3A_156, %cond3A_157 : i32
    scf.if %cond3A_158 {
      %run_scoped3A = arith.constant 12 : i32
      "tpu.region"() ({
        %run_scoped3A_254 = tpu.sem_alloc : memref<!tpu.dma_semaphore, #tpu.memory_space<semaphore_mem>>
        %dma_start3A = arith.constant 0 : i32
        %dma_start3A_255 = tpu.memref_slice %arg6[%add3A, %run_scoped3A, %dma_start3A] : memref<32x32x16xi32, #tpu.memory_space<hbm>> -> memref<1x1x16xi32, #tpu.memory_space<hbm>>
        %dma_start3A_256 = tpu.memref_squeeze %dma_start3A_255 : memref<1x1x16xi32, #tpu.memory_space<hbm>> -> memref<16xi32, #tpu.memory_space<hbm>>
        %dma_start3A_257 = arith.constant 0 : i32
        %dma_start3A_258 = tpu.memref_slice %arg6[%add3A, %run_scoped3A, %dma_start3A_257] : memref<32x32x16xi32, #tpu.memory_space<hbm>> -> memref<1x1x16xi32, #tpu.memory_space<hbm>>
        %dma_start3A_259 = tpu.memref_squeeze %dma_start3A_258 : memref<1x1x16xi32, #tpu.memory_space<hbm>> -> memref<16xi32, #tpu.memory_space<hbm>>
        tpu.enqueue_dma source(%arg10 : memref<16xi32, #tpu.memory_space<vmem>>) target(%dma_start3A_259 : memref<16xi32, #tpu.memory_space<hbm>>) target_semaphore(%run_scoped3A_254 : memref<!tpu.dma_semaphore, #tpu.memory_space<semaphore_mem>>)
        %dma_wait3A = arith.constant 0 : i32
        %dma_wait3A_260 = tpu.memref_slice %arg6[%add3A, %run_scoped3A, %dma_wait3A] : memref<32x32x16xi32, #tpu.memory_space<hbm>> -> memref<1x1x16xi32, #tpu.memory_space<hbm>>
        %dma_wait3A_261 = tpu.memref_squeeze %dma_wait3A_260 : memref<1x1x16xi32, #tpu.memory_space<hbm>> -> memref<16xi32, #tpu.memory_space<hbm>>
        %dma_wait3A_262 = arith.constant 0 : i32
        %dma_wait3A_263 = tpu.memref_slice %arg6[%add3A, %run_scoped3A, %dma_wait3A_262] : memref<32x32x16xi32, #tpu.memory_space<hbm>> -> memref<1x1x16xi32, #tpu.memory_space<hbm>>
        %dma_wait3A_264 = tpu.memref_squeeze %dma_wait3A_263 : memref<1x1x16xi32, #tpu.memory_space<hbm>> -> memref<16xi32, #tpu.memory_space<hbm>>
        tpu.wait_dma2 semaphore(%run_scoped3A_254 : memref<!tpu.dma_semaphore, #tpu.memory_space<semaphore_mem>>) src(%arg10 : memref<16xi32, #tpu.memory_space<vmem>>) dst(%dma_wait3A_264 : memref<16xi32, #tpu.memory_space<hbm>>)
        tpu.yield
      }) : () -> ()
    } else {
    }
    %lt3A_159 = arith.constant 13 : i32
    %lt3A_160 = arith.cmpi slt, %scan3A_86#1, %lt3A_159 : i32
    %convert_element_type3A_161 = arith.extui %lt3A_160 : i1 to i32
    %cond3A_162 = arith.constant 0 : i32
    %cond3A_163 = arith.cmpi ne, %convert_element_type3A_161, %cond3A_162 : i32
    scf.if %cond3A_163 {
      %run_scoped3A = arith.constant 13 : i32
      "tpu.region"() ({
        %run_scoped3A_254 = tpu.sem_alloc : memref<!tpu.dma_semaphore, #tpu.memory_space<semaphore_mem>>
        %dma_start3A = arith.constant 0 : i32
        %dma_start3A_255 = tpu.memref_slice %arg6[%add3A, %run_scoped3A, %dma_start3A] : memref<32x32x16xi32, #tpu.memory_space<hbm>> -> memref<1x1x16xi32, #tpu.memory_space<hbm>>
        %dma_start3A_256 = tpu.memref_squeeze %dma_start3A_255 : memref<1x1x16xi32, #tpu.memory_space<hbm>> -> memref<16xi32, #tpu.memory_space<hbm>>
        %dma_start3A_257 = arith.constant 0 : i32
        %dma_start3A_258 = tpu.memref_slice %arg6[%add3A, %run_scoped3A, %dma_start3A_257] : memref<32x32x16xi32, #tpu.memory_space<hbm>> -> memref<1x1x16xi32, #tpu.memory_space<hbm>>
        %dma_start3A_259 = tpu.memref_squeeze %dma_start3A_258 : memref<1x1x16xi32, #tpu.memory_space<hbm>> -> memref<16xi32, #tpu.memory_space<hbm>>
        tpu.enqueue_dma source(%arg10 : memref<16xi32, #tpu.memory_space<vmem>>) target(%dma_start3A_259 : memref<16xi32, #tpu.memory_space<hbm>>) target_semaphore(%run_scoped3A_254 : memref<!tpu.dma_semaphore, #tpu.memory_space<semaphore_mem>>)
        %dma_wait3A = arith.constant 0 : i32
        %dma_wait3A_260 = tpu.memref_slice %arg6[%add3A, %run_scoped3A, %dma_wait3A] : memref<32x32x16xi32, #tpu.memory_space<hbm>> -> memref<1x1x16xi32, #tpu.memory_space<hbm>>
        %dma_wait3A_261 = tpu.memref_squeeze %dma_wait3A_260 : memref<1x1x16xi32, #tpu.memory_space<hbm>> -> memref<16xi32, #tpu.memory_space<hbm>>
        %dma_wait3A_262 = arith.constant 0 : i32
        %dma_wait3A_263 = tpu.memref_slice %arg6[%add3A, %run_scoped3A, %dma_wait3A_262] : memref<32x32x16xi32, #tpu.memory_space<hbm>> -> memref<1x1x16xi32, #tpu.memory_space<hbm>>
        %dma_wait3A_264 = tpu.memref_squeeze %dma_wait3A_263 : memref<1x1x16xi32, #tpu.memory_space<hbm>> -> memref<16xi32, #tpu.memory_space<hbm>>
        tpu.wait_dma2 semaphore(%run_scoped3A_254 : memref<!tpu.dma_semaphore, #tpu.memory_space<semaphore_mem>>) src(%arg10 : memref<16xi32, #tpu.memory_space<vmem>>) dst(%dma_wait3A_264 : memref<16xi32, #tpu.memory_space<hbm>>)
        tpu.yield
      }) : () -> ()
    } else {
    }
    %lt3A_164 = arith.constant 14 : i32
    %lt3A_165 = arith.cmpi slt, %scan3A_86#1, %lt3A_164 : i32
    %convert_element_type3A_166 = arith.extui %lt3A_165 : i1 to i32
    %cond3A_167 = arith.constant 0 : i32
    %cond3A_168 = arith.cmpi ne, %convert_element_type3A_166, %cond3A_167 : i32
    scf.if %cond3A_168 {
      %run_scoped3A = arith.constant 14 : i32
      "tpu.region"() ({
        %run_scoped3A_254 = tpu.sem_alloc : memref<!tpu.dma_semaphore, #tpu.memory_space<semaphore_mem>>
        %dma_start3A = arith.constant 0 : i32
        %dma_start3A_255 = tpu.memref_slice %arg6[%add3A, %run_scoped3A, %dma_start3A] : memref<32x32x16xi32, #tpu.memory_space<hbm>> -> memref<1x1x16xi32, #tpu.memory_space<hbm>>
        %dma_start3A_256 = tpu.memref_squeeze %dma_start3A_255 : memref<1x1x16xi32, #tpu.memory_space<hbm>> -> memref<16xi32, #tpu.memory_space<hbm>>
        %dma_start3A_257 = arith.constant 0 : i32
        %dma_start3A_258 = tpu.memref_slice %arg6[%add3A, %run_scoped3A, %dma_start3A_257] : memref<32x32x16xi32, #tpu.memory_space<hbm>> -> memref<1x1x16xi32, #tpu.memory_space<hbm>>
        %dma_start3A_259 = tpu.memref_squeeze %dma_start3A_258 : memref<1x1x16xi32, #tpu.memory_space<hbm>> -> memref<16xi32, #tpu.memory_space<hbm>>
        tpu.enqueue_dma source(%arg10 : memref<16xi32, #tpu.memory_space<vmem>>) target(%dma_start3A_259 : memref<16xi32, #tpu.memory_space<hbm>>) target_semaphore(%run_scoped3A_254 : memref<!tpu.dma_semaphore, #tpu.memory_space<semaphore_mem>>)
        %dma_wait3A = arith.constant 0 : i32
        %dma_wait3A_260 = tpu.memref_slice %arg6[%add3A, %run_scoped3A, %dma_wait3A] : memref<32x32x16xi32, #tpu.memory_space<hbm>> -> memref<1x1x16xi32, #tpu.memory_space<hbm>>
        %dma_wait3A_261 = tpu.memref_squeeze %dma_wait3A_260 : memref<1x1x16xi32, #tpu.memory_space<hbm>> -> memref<16xi32, #tpu.memory_space<hbm>>
        %dma_wait3A_262 = arith.constant 0 : i32
        %dma_wait3A_263 = tpu.memref_slice %arg6[%add3A, %run_scoped3A, %dma_wait3A_262] : memref<32x32x16xi32, #tpu.memory_space<hbm>> -> memref<1x1x16xi32, #tpu.memory_space<hbm>>
        %dma_wait3A_264 = tpu.memref_squeeze %dma_wait3A_263 : memref<1x1x16xi32, #tpu.memory_space<hbm>> -> memref<16xi32, #tpu.memory_space<hbm>>
        tpu.wait_dma2 semaphore(%run_scoped3A_254 : memref<!tpu.dma_semaphore, #tpu.memory_space<semaphore_mem>>) src(%arg10 : memref<16xi32, #tpu.memory_space<vmem>>) dst(%dma_wait3A_264 : memref<16xi32, #tpu.memory_space<hbm>>)
        tpu.yield
      }) : () -> ()
    } else {
    }
    %lt3A_169 = arith.constant 15 : i32
    %lt3A_170 = arith.cmpi slt, %scan3A_86#1, %lt3A_169 : i32
    %convert_element_type3A_171 = arith.extui %lt3A_170 : i1 to i32
    %cond3A_172 = arith.constant 0 : i32
    %cond3A_173 = arith.cmpi ne, %convert_element_type3A_171, %cond3A_172 : i32
    scf.if %cond3A_173 {
      %run_scoped3A = arith.constant 15 : i32
      "tpu.region"() ({
        %run_scoped3A_254 = tpu.sem_alloc : memref<!tpu.dma_semaphore, #tpu.memory_space<semaphore_mem>>
        %dma_start3A = arith.constant 0 : i32
        %dma_start3A_255 = tpu.memref_slice %arg6[%add3A, %run_scoped3A, %dma_start3A] : memref<32x32x16xi32, #tpu.memory_space<hbm>> -> memref<1x1x16xi32, #tpu.memory_space<hbm>>
        %dma_start3A_256 = tpu.memref_squeeze %dma_start3A_255 : memref<1x1x16xi32, #tpu.memory_space<hbm>> -> memref<16xi32, #tpu.memory_space<hbm>>
        %dma_start3A_257 = arith.constant 0 : i32
        %dma_start3A_258 = tpu.memref_slice %arg6[%add3A, %run_scoped3A, %dma_start3A_257] : memref<32x32x16xi32, #tpu.memory_space<hbm>> -> memref<1x1x16xi32, #tpu.memory_space<hbm>>
        %dma_start3A_259 = tpu.memref_squeeze %dma_start3A_258 : memref<1x1x16xi32, #tpu.memory_space<hbm>> -> memref<16xi32, #tpu.memory_space<hbm>>
        tpu.enqueue_dma source(%arg10 : memref<16xi32, #tpu.memory_space<vmem>>) target(%dma_start3A_259 : memref<16xi32, #tpu.memory_space<hbm>>) target_semaphore(%run_scoped3A_254 : memref<!tpu.dma_semaphore, #tpu.memory_space<semaphore_mem>>)
        %dma_wait3A = arith.constant 0 : i32
        %dma_wait3A_260 = tpu.memref_slice %arg6[%add3A, %run_scoped3A, %dma_wait3A] : memref<32x32x16xi32, #tpu.memory_space<hbm>> -> memref<1x1x16xi32, #tpu.memory_space<hbm>>
        %dma_wait3A_261 = tpu.memref_squeeze %dma_wait3A_260 : memref<1x1x16xi32, #tpu.memory_space<hbm>> -> memref<16xi32, #tpu.memory_space<hbm>>
        %dma_wait3A_262 = arith.constant 0 : i32
        %dma_wait3A_263 = tpu.memref_slice %arg6[%add3A, %run_scoped3A, %dma_wait3A_262] : memref<32x32x16xi32, #tpu.memory_space<hbm>> -> memref<1x1x16xi32, #tpu.memory_space<hbm>>
        %dma_wait3A_264 = tpu.memref_squeeze %dma_wait3A_263 : memref<1x1x16xi32, #tpu.memory_space<hbm>> -> memref<16xi32, #tpu.memory_space<hbm>>
        tpu.wait_dma2 semaphore(%run_scoped3A_254 : memref<!tpu.dma_semaphore, #tpu.memory_space<semaphore_mem>>) src(%arg10 : memref<16xi32, #tpu.memory_space<vmem>>) dst(%dma_wait3A_264 : memref<16xi32, #tpu.memory_space<hbm>>)
        tpu.yield
      }) : () -> ()
    } else {
    }
    %lt3A_174 = arith.constant 16 : i32
    %lt3A_175 = arith.cmpi slt, %scan3A_86#1, %lt3A_174 : i32
    %convert_element_type3A_176 = arith.extui %lt3A_175 : i1 to i32
    %cond3A_177 = arith.constant 0 : i32
    %cond3A_178 = arith.cmpi ne, %convert_element_type3A_176, %cond3A_177 : i32
    scf.if %cond3A_178 {
      %run_scoped3A = arith.constant 16 : i32
      "tpu.region"() ({
        %run_scoped3A_254 = tpu.sem_alloc : memref<!tpu.dma_semaphore, #tpu.memory_space<semaphore_mem>>
        %dma_start3A = arith.constant 0 : i32
        %dma_start3A_255 = tpu.memref_slice %arg6[%add3A, %run_scoped3A, %dma_start3A] : memref<32x32x16xi32, #tpu.memory_space<hbm>> -> memref<1x1x16xi32, #tpu.memory_space<hbm>>
        %dma_start3A_256 = tpu.memref_squeeze %dma_start3A_255 : memref<1x1x16xi32, #tpu.memory_space<hbm>> -> memref<16xi32, #tpu.memory_space<hbm>>
        %dma_start3A_257 = arith.constant 0 : i32
        %dma_start3A_258 = tpu.memref_slice %arg6[%add3A, %run_scoped3A, %dma_start3A_257] : memref<32x32x16xi32, #tpu.memory_space<hbm>> -> memref<1x1x16xi32, #tpu.memory_space<hbm>>
        %dma_start3A_259 = tpu.memref_squeeze %dma_start3A_258 : memref<1x1x16xi32, #tpu.memory_space<hbm>> -> memref<16xi32, #tpu.memory_space<hbm>>
        tpu.enqueue_dma source(%arg10 : memref<16xi32, #tpu.memory_space<vmem>>) target(%dma_start3A_259 : memref<16xi32, #tpu.memory_space<hbm>>) target_semaphore(%run_scoped3A_254 : memref<!tpu.dma_semaphore, #tpu.memory_space<semaphore_mem>>)
        %dma_wait3A = arith.constant 0 : i32
        %dma_wait3A_260 = tpu.memref_slice %arg6[%add3A, %run_scoped3A, %dma_wait3A] : memref<32x32x16xi32, #tpu.memory_space<hbm>> -> memref<1x1x16xi32, #tpu.memory_space<hbm>>
        %dma_wait3A_261 = tpu.memref_squeeze %dma_wait3A_260 : memref<1x1x16xi32, #tpu.memory_space<hbm>> -> memref<16xi32, #tpu.memory_space<hbm>>
        %dma_wait3A_262 = arith.constant 0 : i32
        %dma_wait3A_263 = tpu.memref_slice %arg6[%add3A, %run_scoped3A, %dma_wait3A_262] : memref<32x32x16xi32, #tpu.memory_space<hbm>> -> memref<1x1x16xi32, #tpu.memory_space<hbm>>
        %dma_wait3A_264 = tpu.memref_squeeze %dma_wait3A_263 : memref<1x1x16xi32, #tpu.memory_space<hbm>> -> memref<16xi32, #tpu.memory_space<hbm>>
        tpu.wait_dma2 semaphore(%run_scoped3A_254 : memref<!tpu.dma_semaphore, #tpu.memory_space<semaphore_mem>>) src(%arg10 : memref<16xi32, #tpu.memory_space<vmem>>) dst(%dma_wait3A_264 : memref<16xi32, #tpu.memory_space<hbm>>)
        tpu.yield
      }) : () -> ()
    } else {
    }
    %lt3A_179 = arith.constant 17 : i32
    %lt3A_180 = arith.cmpi slt, %scan3A_86#1, %lt3A_179 : i32
    %convert_element_type3A_181 = arith.extui %lt3A_180 : i1 to i32
    %cond3A_182 = arith.constant 0 : i32
    %cond3A_183 = arith.cmpi ne, %convert_element_type3A_181, %cond3A_182 : i32
    scf.if %cond3A_183 {
      %run_scoped3A = arith.constant 17 : i32
      "tpu.region"() ({
        %run_scoped3A_254 = tpu.sem_alloc : memref<!tpu.dma_semaphore, #tpu.memory_space<semaphore_mem>>
        %dma_start3A = arith.constant 0 : i32
        %dma_start3A_255 = tpu.memref_slice %arg6[%add3A, %run_scoped3A, %dma_start3A] : memref<32x32x16xi32, #tpu.memory_space<hbm>> -> memref<1x1x16xi32, #tpu.memory_space<hbm>>
        %dma_start3A_256 = tpu.memref_squeeze %dma_start3A_255 : memref<1x1x16xi32, #tpu.memory_space<hbm>> -> memref<16xi32, #tpu.memory_space<hbm>>
        %dma_start3A_257 = arith.constant 0 : i32
        %dma_start3A_258 = tpu.memref_slice %arg6[%add3A, %run_scoped3A, %dma_start3A_257] : memref<32x32x16xi32, #tpu.memory_space<hbm>> -> memref<1x1x16xi32, #tpu.memory_space<hbm>>
        %dma_start3A_259 = tpu.memref_squeeze %dma_start3A_258 : memref<1x1x16xi32, #tpu.memory_space<hbm>> -> memref<16xi32, #tpu.memory_space<hbm>>
        tpu.enqueue_dma source(%arg10 : memref<16xi32, #tpu.memory_space<vmem>>) target(%dma_start3A_259 : memref<16xi32, #tpu.memory_space<hbm>>) target_semaphore(%run_scoped3A_254 : memref<!tpu.dma_semaphore, #tpu.memory_space<semaphore_mem>>)
        %dma_wait3A = arith.constant 0 : i32
        %dma_wait3A_260 = tpu.memref_slice %arg6[%add3A, %run_scoped3A, %dma_wait3A] : memref<32x32x16xi32, #tpu.memory_space<hbm>> -> memref<1x1x16xi32, #tpu.memory_space<hbm>>
        %dma_wait3A_261 = tpu.memref_squeeze %dma_wait3A_260 : memref<1x1x16xi32, #tpu.memory_space<hbm>> -> memref<16xi32, #tpu.memory_space<hbm>>
        %dma_wait3A_262 = arith.constant 0 : i32
        %dma_wait3A_263 = tpu.memref_slice %arg6[%add3A, %run_scoped3A, %dma_wait3A_262] : memref<32x32x16xi32, #tpu.memory_space<hbm>> -> memref<1x1x16xi32, #tpu.memory_space<hbm>>
        %dma_wait3A_264 = tpu.memref_squeeze %dma_wait3A_263 : memref<1x1x16xi32, #tpu.memory_space<hbm>> -> memref<16xi32, #tpu.memory_space<hbm>>
        tpu.wait_dma2 semaphore(%run_scoped3A_254 : memref<!tpu.dma_semaphore, #tpu.memory_space<semaphore_mem>>) src(%arg10 : memref<16xi32, #tpu.memory_space<vmem>>) dst(%dma_wait3A_264 : memref<16xi32, #tpu.memory_space<hbm>>)
        tpu.yield
      }) : () -> ()
    } else {
    }
    %lt3A_184 = arith.constant 18 : i32
    %lt3A_185 = arith.cmpi slt, %scan3A_86#1, %lt3A_184 : i32
    %convert_element_type3A_186 = arith.extui %lt3A_185 : i1 to i32
    %cond3A_187 = arith.constant 0 : i32
    %cond3A_188 = arith.cmpi ne, %convert_element_type3A_186, %cond3A_187 : i32
    scf.if %cond3A_188 {
      %run_scoped3A = arith.constant 18 : i32
      "tpu.region"() ({
        %run_scoped3A_254 = tpu.sem_alloc : memref<!tpu.dma_semaphore, #tpu.memory_space<semaphore_mem>>
        %dma_start3A = arith.constant 0 : i32
        %dma_start3A_255 = tpu.memref_slice %arg6[%add3A, %run_scoped3A, %dma_start3A] : memref<32x32x16xi32, #tpu.memory_space<hbm>> -> memref<1x1x16xi32, #tpu.memory_space<hbm>>
        %dma_start3A_256 = tpu.memref_squeeze %dma_start3A_255 : memref<1x1x16xi32, #tpu.memory_space<hbm>> -> memref<16xi32, #tpu.memory_space<hbm>>
        %dma_start3A_257 = arith.constant 0 : i32
        %dma_start3A_258 = tpu.memref_slice %arg6[%add3A, %run_scoped3A, %dma_start3A_257] : memref<32x32x16xi32, #tpu.memory_space<hbm>> -> memref<1x1x16xi32, #tpu.memory_space<hbm>>
        %dma_start3A_259 = tpu.memref_squeeze %dma_start3A_258 : memref<1x1x16xi32, #tpu.memory_space<hbm>> -> memref<16xi32, #tpu.memory_space<hbm>>
        tpu.enqueue_dma source(%arg10 : memref<16xi32, #tpu.memory_space<vmem>>) target(%dma_start3A_259 : memref<16xi32, #tpu.memory_space<hbm>>) target_semaphore(%run_scoped3A_254 : memref<!tpu.dma_semaphore, #tpu.memory_space<semaphore_mem>>)
        %dma_wait3A = arith.constant 0 : i32
        %dma_wait3A_260 = tpu.memref_slice %arg6[%add3A, %run_scoped3A, %dma_wait3A] : memref<32x32x16xi32, #tpu.memory_space<hbm>> -> memref<1x1x16xi32, #tpu.memory_space<hbm>>
        %dma_wait3A_261 = tpu.memref_squeeze %dma_wait3A_260 : memref<1x1x16xi32, #tpu.memory_space<hbm>> -> memref<16xi32, #tpu.memory_space<hbm>>
        %dma_wait3A_262 = arith.constant 0 : i32
        %dma_wait3A_263 = tpu.memref_slice %arg6[%add3A, %run_scoped3A, %dma_wait3A_262] : memref<32x32x16xi32, #tpu.memory_space<hbm>> -> memref<1x1x16xi32, #tpu.memory_space<hbm>>
        %dma_wait3A_264 = tpu.memref_squeeze %dma_wait3A_263 : memref<1x1x16xi32, #tpu.memory_space<hbm>> -> memref<16xi32, #tpu.memory_space<hbm>>
        tpu.wait_dma2 semaphore(%run_scoped3A_254 : memref<!tpu.dma_semaphore, #tpu.memory_space<semaphore_mem>>) src(%arg10 : memref<16xi32, #tpu.memory_space<vmem>>) dst(%dma_wait3A_264 : memref<16xi32, #tpu.memory_space<hbm>>)
        tpu.yield
      }) : () -> ()
    } else {
    }
    %lt3A_189 = arith.constant 19 : i32
    %lt3A_190 = arith.cmpi slt, %scan3A_86#1, %lt3A_189 : i32
    %convert_element_type3A_191 = arith.extui %lt3A_190 : i1 to i32
    %cond3A_192 = arith.constant 0 : i32
    %cond3A_193 = arith.cmpi ne, %convert_element_type3A_191, %cond3A_192 : i32
    scf.if %cond3A_193 {
      %run_scoped3A = arith.constant 19 : i32
      "tpu.region"() ({
        %run_scoped3A_254 = tpu.sem_alloc : memref<!tpu.dma_semaphore, #tpu.memory_space<semaphore_mem>>
        %dma_start3A = arith.constant 0 : i32
        %dma_start3A_255 = tpu.memref_slice %arg6[%add3A, %run_scoped3A, %dma_start3A] : memref<32x32x16xi32, #tpu.memory_space<hbm>> -> memref<1x1x16xi32, #tpu.memory_space<hbm>>
        %dma_start3A_256 = tpu.memref_squeeze %dma_start3A_255 : memref<1x1x16xi32, #tpu.memory_space<hbm>> -> memref<16xi32, #tpu.memory_space<hbm>>
        %dma_start3A_257 = arith.constant 0 : i32
        %dma_start3A_258 = tpu.memref_slice %arg6[%add3A, %run_scoped3A, %dma_start3A_257] : memref<32x32x16xi32, #tpu.memory_space<hbm>> -> memref<1x1x16xi32, #tpu.memory_space<hbm>>
        %dma_start3A_259 = tpu.memref_squeeze %dma_start3A_258 : memref<1x1x16xi32, #tpu.memory_space<hbm>> -> memref<16xi32, #tpu.memory_space<hbm>>
        tpu.enqueue_dma source(%arg10 : memref<16xi32, #tpu.memory_space<vmem>>) target(%dma_start3A_259 : memref<16xi32, #tpu.memory_space<hbm>>) target_semaphore(%run_scoped3A_254 : memref<!tpu.dma_semaphore, #tpu.memory_space<semaphore_mem>>)
        %dma_wait3A = arith.constant 0 : i32
        %dma_wait3A_260 = tpu.memref_slice %arg6[%add3A, %run_scoped3A, %dma_wait3A] : memref<32x32x16xi32, #tpu.memory_space<hbm>> -> memref<1x1x16xi32, #tpu.memory_space<hbm>>
        %dma_wait3A_261 = tpu.memref_squeeze %dma_wait3A_260 : memref<1x1x16xi32, #tpu.memory_space<hbm>> -> memref<16xi32, #tpu.memory_space<hbm>>
        %dma_wait3A_262 = arith.constant 0 : i32
        %dma_wait3A_263 = tpu.memref_slice %arg6[%add3A, %run_scoped3A, %dma_wait3A_262] : memref<32x32x16xi32, #tpu.memory_space<hbm>> -> memref<1x1x16xi32, #tpu.memory_space<hbm>>
        %dma_wait3A_264 = tpu.memref_squeeze %dma_wait3A_263 : memref<1x1x16xi32, #tpu.memory_space<hbm>> -> memref<16xi32, #tpu.memory_space<hbm>>
        tpu.wait_dma2 semaphore(%run_scoped3A_254 : memref<!tpu.dma_semaphore, #tpu.memory_space<semaphore_mem>>) src(%arg10 : memref<16xi32, #tpu.memory_space<vmem>>) dst(%dma_wait3A_264 : memref<16xi32, #tpu.memory_space<hbm>>)
        tpu.yield
      }) : () -> ()
    } else {
    }
    %lt3A_194 = arith.constant 20 : i32
    %lt3A_195 = arith.cmpi slt, %scan3A_86#1, %lt3A_194 : i32
    %convert_element_type3A_196 = arith.extui %lt3A_195 : i1 to i32
    %cond3A_197 = arith.constant 0 : i32
    %cond3A_198 = arith.cmpi ne, %convert_element_type3A_196, %cond3A_197 : i32
    scf.if %cond3A_198 {
      %run_scoped3A = arith.constant 20 : i32
      "tpu.region"() ({
        %run_scoped3A_254 = tpu.sem_alloc : memref<!tpu.dma_semaphore, #tpu.memory_space<semaphore_mem>>
        %dma_start3A = arith.constant 0 : i32
        %dma_start3A_255 = tpu.memref_slice %arg6[%add3A, %run_scoped3A, %dma_start3A] : memref<32x32x16xi32, #tpu.memory_space<hbm>> -> memref<1x1x16xi32, #tpu.memory_space<hbm>>
        %dma_start3A_256 = tpu.memref_squeeze %dma_start3A_255 : memref<1x1x16xi32, #tpu.memory_space<hbm>> -> memref<16xi32, #tpu.memory_space<hbm>>
        %dma_start3A_257 = arith.constant 0 : i32
        %dma_start3A_258 = tpu.memref_slice %arg6[%add3A, %run_scoped3A, %dma_start3A_257] : memref<32x32x16xi32, #tpu.memory_space<hbm>> -> memref<1x1x16xi32, #tpu.memory_space<hbm>>
        %dma_start3A_259 = tpu.memref_squeeze %dma_start3A_258 : memref<1x1x16xi32, #tpu.memory_space<hbm>> -> memref<16xi32, #tpu.memory_space<hbm>>
        tpu.enqueue_dma source(%arg10 : memref<16xi32, #tpu.memory_space<vmem>>) target(%dma_start3A_259 : memref<16xi32, #tpu.memory_space<hbm>>) target_semaphore(%run_scoped3A_254 : memref<!tpu.dma_semaphore, #tpu.memory_space<semaphore_mem>>)
        %dma_wait3A = arith.constant 0 : i32
        %dma_wait3A_260 = tpu.memref_slice %arg6[%add3A, %run_scoped3A, %dma_wait3A] : memref<32x32x16xi32, #tpu.memory_space<hbm>> -> memref<1x1x16xi32, #tpu.memory_space<hbm>>
        %dma_wait3A_261 = tpu.memref_squeeze %dma_wait3A_260 : memref<1x1x16xi32, #tpu.memory_space<hbm>> -> memref<16xi32, #tpu.memory_space<hbm>>
        %dma_wait3A_262 = arith.constant 0 : i32
        %dma_wait3A_263 = tpu.memref_slice %arg6[%add3A, %run_scoped3A, %dma_wait3A_262] : memref<32x32x16xi32, #tpu.memory_space<hbm>> -> memref<1x1x16xi32, #tpu.memory_space<hbm>>
        %dma_wait3A_264 = tpu.memref_squeeze %dma_wait3A_263 : memref<1x1x16xi32, #tpu.memory_space<hbm>> -> memref<16xi32, #tpu.memory_space<hbm>>
        tpu.wait_dma2 semaphore(%run_scoped3A_254 : memref<!tpu.dma_semaphore, #tpu.memory_space<semaphore_mem>>) src(%arg10 : memref<16xi32, #tpu.memory_space<vmem>>) dst(%dma_wait3A_264 : memref<16xi32, #tpu.memory_space<hbm>>)
        tpu.yield
      }) : () -> ()
    } else {
    }
    %lt3A_199 = arith.constant 21 : i32
    %lt3A_200 = arith.cmpi slt, %scan3A_86#1, %lt3A_199 : i32
    %convert_element_type3A_201 = arith.extui %lt3A_200 : i1 to i32
    %cond3A_202 = arith.constant 0 : i32
    %cond3A_203 = arith.cmpi ne, %convert_element_type3A_201, %cond3A_202 : i32
    scf.if %cond3A_203 {
      %run_scoped3A = arith.constant 21 : i32
      "tpu.region"() ({
        %run_scoped3A_254 = tpu.sem_alloc : memref<!tpu.dma_semaphore, #tpu.memory_space<semaphore_mem>>
        %dma_start3A = arith.constant 0 : i32
        %dma_start3A_255 = tpu.memref_slice %arg6[%add3A, %run_scoped3A, %dma_start3A] : memref<32x32x16xi32, #tpu.memory_space<hbm>> -> memref<1x1x16xi32, #tpu.memory_space<hbm>>
        %dma_start3A_256 = tpu.memref_squeeze %dma_start3A_255 : memref<1x1x16xi32, #tpu.memory_space<hbm>> -> memref<16xi32, #tpu.memory_space<hbm>>
        %dma_start3A_257 = arith.constant 0 : i32
        %dma_start3A_258 = tpu.memref_slice %arg6[%add3A, %run_scoped3A, %dma_start3A_257] : memref<32x32x16xi32, #tpu.memory_space<hbm>> -> memref<1x1x16xi32, #tpu.memory_space<hbm>>
        %dma_start3A_259 = tpu.memref_squeeze %dma_start3A_258 : memref<1x1x16xi32, #tpu.memory_space<hbm>> -> memref<16xi32, #tpu.memory_space<hbm>>
        tpu.enqueue_dma source(%arg10 : memref<16xi32, #tpu.memory_space<vmem>>) target(%dma_start3A_259 : memref<16xi32, #tpu.memory_space<hbm>>) target_semaphore(%run_scoped3A_254 : memref<!tpu.dma_semaphore, #tpu.memory_space<semaphore_mem>>)
        %dma_wait3A = arith.constant 0 : i32
        %dma_wait3A_260 = tpu.memref_slice %arg6[%add3A, %run_scoped3A, %dma_wait3A] : memref<32x32x16xi32, #tpu.memory_space<hbm>> -> memref<1x1x16xi32, #tpu.memory_space<hbm>>
        %dma_wait3A_261 = tpu.memref_squeeze %dma_wait3A_260 : memref<1x1x16xi32, #tpu.memory_space<hbm>> -> memref<16xi32, #tpu.memory_space<hbm>>
        %dma_wait3A_262 = arith.constant 0 : i32
        %dma_wait3A_263 = tpu.memref_slice %arg6[%add3A, %run_scoped3A, %dma_wait3A_262] : memref<32x32x16xi32, #tpu.memory_space<hbm>> -> memref<1x1x16xi32, #tpu.memory_space<hbm>>
        %dma_wait3A_264 = tpu.memref_squeeze %dma_wait3A_263 : memref<1x1x16xi32, #tpu.memory_space<hbm>> -> memref<16xi32, #tpu.memory_space<hbm>>
        tpu.wait_dma2 semaphore(%run_scoped3A_254 : memref<!tpu.dma_semaphore, #tpu.memory_space<semaphore_mem>>) src(%arg10 : memref<16xi32, #tpu.memory_space<vmem>>) dst(%dma_wait3A_264 : memref<16xi32, #tpu.memory_space<hbm>>)
        tpu.yield
      }) : () -> ()
    } else {
    }
    %lt3A_204 = arith.constant 22 : i32
    %lt3A_205 = arith.cmpi slt, %scan3A_86#1, %lt3A_204 : i32
    %convert_element_type3A_206 = arith.extui %lt3A_205 : i1 to i32
    %cond3A_207 = arith.constant 0 : i32
    %cond3A_208 = arith.cmpi ne, %convert_element_type3A_206, %cond3A_207 : i32
    scf.if %cond3A_208 {
      %run_scoped3A = arith.constant 22 : i32
      "tpu.region"() ({
        %run_scoped3A_254 = tpu.sem_alloc : memref<!tpu.dma_semaphore, #tpu.memory_space<semaphore_mem>>
        %dma_start3A = arith.constant 0 : i32
        %dma_start3A_255 = tpu.memref_slice %arg6[%add3A, %run_scoped3A, %dma_start3A] : memref<32x32x16xi32, #tpu.memory_space<hbm>> -> memref<1x1x16xi32, #tpu.memory_space<hbm>>
        %dma_start3A_256 = tpu.memref_squeeze %dma_start3A_255 : memref<1x1x16xi32, #tpu.memory_space<hbm>> -> memref<16xi32, #tpu.memory_space<hbm>>
        %dma_start3A_257 = arith.constant 0 : i32
        %dma_start3A_258 = tpu.memref_slice %arg6[%add3A, %run_scoped3A, %dma_start3A_257] : memref<32x32x16xi32, #tpu.memory_space<hbm>> -> memref<1x1x16xi32, #tpu.memory_space<hbm>>
        %dma_start3A_259 = tpu.memref_squeeze %dma_start3A_258 : memref<1x1x16xi32, #tpu.memory_space<hbm>> -> memref<16xi32, #tpu.memory_space<hbm>>
        tpu.enqueue_dma source(%arg10 : memref<16xi32, #tpu.memory_space<vmem>>) target(%dma_start3A_259 : memref<16xi32, #tpu.memory_space<hbm>>) target_semaphore(%run_scoped3A_254 : memref<!tpu.dma_semaphore, #tpu.memory_space<semaphore_mem>>)
        %dma_wait3A = arith.constant 0 : i32
        %dma_wait3A_260 = tpu.memref_slice %arg6[%add3A, %run_scoped3A, %dma_wait3A] : memref<32x32x16xi32, #tpu.memory_space<hbm>> -> memref<1x1x16xi32, #tpu.memory_space<hbm>>
        %dma_wait3A_261 = tpu.memref_squeeze %dma_wait3A_260 : memref<1x1x16xi32, #tpu.memory_space<hbm>> -> memref<16xi32, #tpu.memory_space<hbm>>
        %dma_wait3A_262 = arith.constant 0 : i32
        %dma_wait3A_263 = tpu.memref_slice %arg6[%add3A, %run_scoped3A, %dma_wait3A_262] : memref<32x32x16xi32, #tpu.memory_space<hbm>> -> memref<1x1x16xi32, #tpu.memory_space<hbm>>
        %dma_wait3A_264 = tpu.memref_squeeze %dma_wait3A_263 : memref<1x1x16xi32, #tpu.memory_space<hbm>> -> memref<16xi32, #tpu.memory_space<hbm>>
        tpu.wait_dma2 semaphore(%run_scoped3A_254 : memref<!tpu.dma_semaphore, #tpu.memory_space<semaphore_mem>>) src(%arg10 : memref<16xi32, #tpu.memory_space<vmem>>) dst(%dma_wait3A_264 : memref<16xi32, #tpu.memory_space<hbm>>)
        tpu.yield
      }) : () -> ()
    } else {
    }
    %lt3A_209 = arith.constant 23 : i32
    %lt3A_210 = arith.cmpi slt, %scan3A_86#1, %lt3A_209 : i32
    %convert_element_type3A_211 = arith.extui %lt3A_210 : i1 to i32
    %cond3A_212 = arith.constant 0 : i32
    %cond3A_213 = arith.cmpi ne, %convert_element_type3A_211, %cond3A_212 : i32
    scf.if %cond3A_213 {
      %run_scoped3A = arith.constant 23 : i32
      "tpu.region"() ({
        %run_scoped3A_254 = tpu.sem_alloc : memref<!tpu.dma_semaphore, #tpu.memory_space<semaphore_mem>>
        %dma_start3A = arith.constant 0 : i32
        %dma_start3A_255 = tpu.memref_slice %arg6[%add3A, %run_scoped3A, %dma_start3A] : memref<32x32x16xi32, #tpu.memory_space<hbm>> -> memref<1x1x16xi32, #tpu.memory_space<hbm>>
        %dma_start3A_256 = tpu.memref_squeeze %dma_start3A_255 : memref<1x1x16xi32, #tpu.memory_space<hbm>> -> memref<16xi32, #tpu.memory_space<hbm>>
        %dma_start3A_257 = arith.constant 0 : i32
        %dma_start3A_258 = tpu.memref_slice %arg6[%add3A, %run_scoped3A, %dma_start3A_257] : memref<32x32x16xi32, #tpu.memory_space<hbm>> -> memref<1x1x16xi32, #tpu.memory_space<hbm>>
        %dma_start3A_259 = tpu.memref_squeeze %dma_start3A_258 : memref<1x1x16xi32, #tpu.memory_space<hbm>> -> memref<16xi32, #tpu.memory_space<hbm>>
        tpu.enqueue_dma source(%arg10 : memref<16xi32, #tpu.memory_space<vmem>>) target(%dma_start3A_259 : memref<16xi32, #tpu.memory_space<hbm>>) target_semaphore(%run_scoped3A_254 : memref<!tpu.dma_semaphore, #tpu.memory_space<semaphore_mem>>)
        %dma_wait3A = arith.constant 0 : i32
        %dma_wait3A_260 = tpu.memref_slice %arg6[%add3A, %run_scoped3A, %dma_wait3A] : memref<32x32x16xi32, #tpu.memory_space<hbm>> -> memref<1x1x16xi32, #tpu.memory_space<hbm>>
        %dma_wait3A_261 = tpu.memref_squeeze %dma_wait3A_260 : memref<1x1x16xi32, #tpu.memory_space<hbm>> -> memref<16xi32, #tpu.memory_space<hbm>>
        %dma_wait3A_262 = arith.constant 0 : i32
        %dma_wait3A_263 = tpu.memref_slice %arg6[%add3A, %run_scoped3A, %dma_wait3A_262] : memref<32x32x16xi32, #tpu.memory_space<hbm>> -> memref<1x1x16xi32, #tpu.memory_space<hbm>>
        %dma_wait3A_264 = tpu.memref_squeeze %dma_wait3A_263 : memref<1x1x16xi32, #tpu.memory_space<hbm>> -> memref<16xi32, #tpu.memory_space<hbm>>
        tpu.wait_dma2 semaphore(%run_scoped3A_254 : memref<!tpu.dma_semaphore, #tpu.memory_space<semaphore_mem>>) src(%arg10 : memref<16xi32, #tpu.memory_space<vmem>>) dst(%dma_wait3A_264 : memref<16xi32, #tpu.memory_space<hbm>>)
        tpu.yield
      }) : () -> ()
    } else {
    }
    %lt3A_214 = arith.constant 24 : i32
    %lt3A_215 = arith.cmpi slt, %scan3A_86#1, %lt3A_214 : i32
    %convert_element_type3A_216 = arith.extui %lt3A_215 : i1 to i32
    %cond3A_217 = arith.constant 0 : i32
    %cond3A_218 = arith.cmpi ne, %convert_element_type3A_216, %cond3A_217 : i32
    scf.if %cond3A_218 {
      %run_scoped3A = arith.constant 24 : i32
      "tpu.region"() ({
        %run_scoped3A_254 = tpu.sem_alloc : memref<!tpu.dma_semaphore, #tpu.memory_space<semaphore_mem>>
        %dma_start3A = arith.constant 0 : i32
        %dma_start3A_255 = tpu.memref_slice %arg6[%add3A, %run_scoped3A, %dma_start3A] : memref<32x32x16xi32, #tpu.memory_space<hbm>> -> memref<1x1x16xi32, #tpu.memory_space<hbm>>
        %dma_start3A_256 = tpu.memref_squeeze %dma_start3A_255 : memref<1x1x16xi32, #tpu.memory_space<hbm>> -> memref<16xi32, #tpu.memory_space<hbm>>
        %dma_start3A_257 = arith.constant 0 : i32
        %dma_start3A_258 = tpu.memref_slice %arg6[%add3A, %run_scoped3A, %dma_start3A_257] : memref<32x32x16xi32, #tpu.memory_space<hbm>> -> memref<1x1x16xi32, #tpu.memory_space<hbm>>
        %dma_start3A_259 = tpu.memref_squeeze %dma_start3A_258 : memref<1x1x16xi32, #tpu.memory_space<hbm>> -> memref<16xi32, #tpu.memory_space<hbm>>
        tpu.enqueue_dma source(%arg10 : memref<16xi32, #tpu.memory_space<vmem>>) target(%dma_start3A_259 : memref<16xi32, #tpu.memory_space<hbm>>) target_semaphore(%run_scoped3A_254 : memref<!tpu.dma_semaphore, #tpu.memory_space<semaphore_mem>>)
        %dma_wait3A = arith.constant 0 : i32
        %dma_wait3A_260 = tpu.memref_slice %arg6[%add3A, %run_scoped3A, %dma_wait3A] : memref<32x32x16xi32, #tpu.memory_space<hbm>> -> memref<1x1x16xi32, #tpu.memory_space<hbm>>
        %dma_wait3A_261 = tpu.memref_squeeze %dma_wait3A_260 : memref<1x1x16xi32, #tpu.memory_space<hbm>> -> memref<16xi32, #tpu.memory_space<hbm>>
        %dma_wait3A_262 = arith.constant 0 : i32
        %dma_wait3A_263 = tpu.memref_slice %arg6[%add3A, %run_scoped3A, %dma_wait3A_262] : memref<32x32x16xi32, #tpu.memory_space<hbm>> -> memref<1x1x16xi32, #tpu.memory_space<hbm>>
        %dma_wait3A_264 = tpu.memref_squeeze %dma_wait3A_263 : memref<1x1x16xi32, #tpu.memory_space<hbm>> -> memref<16xi32, #tpu.memory_space<hbm>>
        tpu.wait_dma2 semaphore(%run_scoped3A_254 : memref<!tpu.dma_semaphore, #tpu.memory_space<semaphore_mem>>) src(%arg10 : memref<16xi32, #tpu.memory_space<vmem>>) dst(%dma_wait3A_264 : memref<16xi32, #tpu.memory_space<hbm>>)
        tpu.yield
      }) : () -> ()
    } else {
    }
    %lt3A_219 = arith.constant 25 : i32
    %lt3A_220 = arith.cmpi slt, %scan3A_86#1, %lt3A_219 : i32
    %convert_element_type3A_221 = arith.extui %lt3A_220 : i1 to i32
    %cond3A_222 = arith.constant 0 : i32
    %cond3A_223 = arith.cmpi ne, %convert_element_type3A_221, %cond3A_222 : i32
    scf.if %cond3A_223 {
      %run_scoped3A = arith.constant 25 : i32
      "tpu.region"() ({
        %run_scoped3A_254 = tpu.sem_alloc : memref<!tpu.dma_semaphore, #tpu.memory_space<semaphore_mem>>
        %dma_start3A = arith.constant 0 : i32
        %dma_start3A_255 = tpu.memref_slice %arg6[%add3A, %run_scoped3A, %dma_start3A] : memref<32x32x16xi32, #tpu.memory_space<hbm>> -> memref<1x1x16xi32, #tpu.memory_space<hbm>>
        %dma_start3A_256 = tpu.memref_squeeze %dma_start3A_255 : memref<1x1x16xi32, #tpu.memory_space<hbm>> -> memref<16xi32, #tpu.memory_space<hbm>>
        %dma_start3A_257 = arith.constant 0 : i32
        %dma_start3A_258 = tpu.memref_slice %arg6[%add3A, %run_scoped3A, %dma_start3A_257] : memref<32x32x16xi32, #tpu.memory_space<hbm>> -> memref<1x1x16xi32, #tpu.memory_space<hbm>>
        %dma_start3A_259 = tpu.memref_squeeze %dma_start3A_258 : memref<1x1x16xi32, #tpu.memory_space<hbm>> -> memref<16xi32, #tpu.memory_space<hbm>>
        tpu.enqueue_dma source(%arg10 : memref<16xi32, #tpu.memory_space<vmem>>) target(%dma_start3A_259 : memref<16xi32, #tpu.memory_space<hbm>>) target_semaphore(%run_scoped3A_254 : memref<!tpu.dma_semaphore, #tpu.memory_space<semaphore_mem>>)
        %dma_wait3A = arith.constant 0 : i32
        %dma_wait3A_260 = tpu.memref_slice %arg6[%add3A, %run_scoped3A, %dma_wait3A] : memref<32x32x16xi32, #tpu.memory_space<hbm>> -> memref<1x1x16xi32, #tpu.memory_space<hbm>>
        %dma_wait3A_261 = tpu.memref_squeeze %dma_wait3A_260 : memref<1x1x16xi32, #tpu.memory_space<hbm>> -> memref<16xi32, #tpu.memory_space<hbm>>
        %dma_wait3A_262 = arith.constant 0 : i32
        %dma_wait3A_263 = tpu.memref_slice %arg6[%add3A, %run_scoped3A, %dma_wait3A_262] : memref<32x32x16xi32, #tpu.memory_space<hbm>> -> memref<1x1x16xi32, #tpu.memory_space<hbm>>
        %dma_wait3A_264 = tpu.memref_squeeze %dma_wait3A_263 : memref<1x1x16xi32, #tpu.memory_space<hbm>> -> memref<16xi32, #tpu.memory_space<hbm>>
        tpu.wait_dma2 semaphore(%run_scoped3A_254 : memref<!tpu.dma_semaphore, #tpu.memory_space<semaphore_mem>>) src(%arg10 : memref<16xi32, #tpu.memory_space<vmem>>) dst(%dma_wait3A_264 : memref<16xi32, #tpu.memory_space<hbm>>)
        tpu.yield
      }) : () -> ()
    } else {
    }
    %lt3A_224 = arith.constant 26 : i32
    %lt3A_225 = arith.cmpi slt, %scan3A_86#1, %lt3A_224 : i32
    %convert_element_type3A_226 = arith.extui %lt3A_225 : i1 to i32
    %cond3A_227 = arith.constant 0 : i32
    %cond3A_228 = arith.cmpi ne, %convert_element_type3A_226, %cond3A_227 : i32
    scf.if %cond3A_228 {
      %run_scoped3A = arith.constant 26 : i32
      "tpu.region"() ({
        %run_scoped3A_254 = tpu.sem_alloc : memref<!tpu.dma_semaphore, #tpu.memory_space<semaphore_mem>>
        %dma_start3A = arith.constant 0 : i32
        %dma_start3A_255 = tpu.memref_slice %arg6[%add3A, %run_scoped3A, %dma_start3A] : memref<32x32x16xi32, #tpu.memory_space<hbm>> -> memref<1x1x16xi32, #tpu.memory_space<hbm>>
        %dma_start3A_256 = tpu.memref_squeeze %dma_start3A_255 : memref<1x1x16xi32, #tpu.memory_space<hbm>> -> memref<16xi32, #tpu.memory_space<hbm>>
        %dma_start3A_257 = arith.constant 0 : i32
        %dma_start3A_258 = tpu.memref_slice %arg6[%add3A, %run_scoped3A, %dma_start3A_257] : memref<32x32x16xi32, #tpu.memory_space<hbm>> -> memref<1x1x16xi32, #tpu.memory_space<hbm>>
        %dma_start3A_259 = tpu.memref_squeeze %dma_start3A_258 : memref<1x1x16xi32, #tpu.memory_space<hbm>> -> memref<16xi32, #tpu.memory_space<hbm>>
        tpu.enqueue_dma source(%arg10 : memref<16xi32, #tpu.memory_space<vmem>>) target(%dma_start3A_259 : memref<16xi32, #tpu.memory_space<hbm>>) target_semaphore(%run_scoped3A_254 : memref<!tpu.dma_semaphore, #tpu.memory_space<semaphore_mem>>)
        %dma_wait3A = arith.constant 0 : i32
        %dma_wait3A_260 = tpu.memref_slice %arg6[%add3A, %run_scoped3A, %dma_wait3A] : memref<32x32x16xi32, #tpu.memory_space<hbm>> -> memref<1x1x16xi32, #tpu.memory_space<hbm>>
        %dma_wait3A_261 = tpu.memref_squeeze %dma_wait3A_260 : memref<1x1x16xi32, #tpu.memory_space<hbm>> -> memref<16xi32, #tpu.memory_space<hbm>>
        %dma_wait3A_262 = arith.constant 0 : i32
        %dma_wait3A_263 = tpu.memref_slice %arg6[%add3A, %run_scoped3A, %dma_wait3A_262] : memref<32x32x16xi32, #tpu.memory_space<hbm>> -> memref<1x1x16xi32, #tpu.memory_space<hbm>>
        %dma_wait3A_264 = tpu.memref_squeeze %dma_wait3A_263 : memref<1x1x16xi32, #tpu.memory_space<hbm>> -> memref<16xi32, #tpu.memory_space<hbm>>
        tpu.wait_dma2 semaphore(%run_scoped3A_254 : memref<!tpu.dma_semaphore, #tpu.memory_space<semaphore_mem>>) src(%arg10 : memref<16xi32, #tpu.memory_space<vmem>>) dst(%dma_wait3A_264 : memref<16xi32, #tpu.memory_space<hbm>>)
        tpu.yield
      }) : () -> ()
    } else {
    }
    %lt3A_229 = arith.constant 27 : i32
    %lt3A_230 = arith.cmpi slt, %scan3A_86#1, %lt3A_229 : i32
    %convert_element_type3A_231 = arith.extui %lt3A_230 : i1 to i32
    %cond3A_232 = arith.constant 0 : i32
    %cond3A_233 = arith.cmpi ne, %convert_element_type3A_231, %cond3A_232 : i32
    scf.if %cond3A_233 {
      %run_scoped3A = arith.constant 27 : i32
      "tpu.region"() ({
        %run_scoped3A_254 = tpu.sem_alloc : memref<!tpu.dma_semaphore, #tpu.memory_space<semaphore_mem>>
        %dma_start3A = arith.constant 0 : i32
        %dma_start3A_255 = tpu.memref_slice %arg6[%add3A, %run_scoped3A, %dma_start3A] : memref<32x32x16xi32, #tpu.memory_space<hbm>> -> memref<1x1x16xi32, #tpu.memory_space<hbm>>
        %dma_start3A_256 = tpu.memref_squeeze %dma_start3A_255 : memref<1x1x16xi32, #tpu.memory_space<hbm>> -> memref<16xi32, #tpu.memory_space<hbm>>
        %dma_start3A_257 = arith.constant 0 : i32
        %dma_start3A_258 = tpu.memref_slice %arg6[%add3A, %run_scoped3A, %dma_start3A_257] : memref<32x32x16xi32, #tpu.memory_space<hbm>> -> memref<1x1x16xi32, #tpu.memory_space<hbm>>
        %dma_start3A_259 = tpu.memref_squeeze %dma_start3A_258 : memref<1x1x16xi32, #tpu.memory_space<hbm>> -> memref<16xi32, #tpu.memory_space<hbm>>
        tpu.enqueue_dma source(%arg10 : memref<16xi32, #tpu.memory_space<vmem>>) target(%dma_start3A_259 : memref<16xi32, #tpu.memory_space<hbm>>) target_semaphore(%run_scoped3A_254 : memref<!tpu.dma_semaphore, #tpu.memory_space<semaphore_mem>>)
        %dma_wait3A = arith.constant 0 : i32
        %dma_wait3A_260 = tpu.memref_slice %arg6[%add3A, %run_scoped3A, %dma_wait3A] : memref<32x32x16xi32, #tpu.memory_space<hbm>> -> memref<1x1x16xi32, #tpu.memory_space<hbm>>
        %dma_wait3A_261 = tpu.memref_squeeze %dma_wait3A_260 : memref<1x1x16xi32, #tpu.memory_space<hbm>> -> memref<16xi32, #tpu.memory_space<hbm>>
        %dma_wait3A_262 = arith.constant 0 : i32
        %dma_wait3A_263 = tpu.memref_slice %arg6[%add3A, %run_scoped3A, %dma_wait3A_262] : memref<32x32x16xi32, #tpu.memory_space<hbm>> -> memref<1x1x16xi32, #tpu.memory_space<hbm>>
        %dma_wait3A_264 = tpu.memref_squeeze %dma_wait3A_263 : memref<1x1x16xi32, #tpu.memory_space<hbm>> -> memref<16xi32, #tpu.memory_space<hbm>>
        tpu.wait_dma2 semaphore(%run_scoped3A_254 : memref<!tpu.dma_semaphore, #tpu.memory_space<semaphore_mem>>) src(%arg10 : memref<16xi32, #tpu.memory_space<vmem>>) dst(%dma_wait3A_264 : memref<16xi32, #tpu.memory_space<hbm>>)
        tpu.yield
      }) : () -> ()
    } else {
    }
    %lt3A_234 = arith.constant 28 : i32
    %lt3A_235 = arith.cmpi slt, %scan3A_86#1, %lt3A_234 : i32
    %convert_element_type3A_236 = arith.extui %lt3A_235 : i1 to i32
    %cond3A_237 = arith.constant 0 : i32
    %cond3A_238 = arith.cmpi ne, %convert_element_type3A_236, %cond3A_237 : i32
    scf.if %cond3A_238 {
      %run_scoped3A = arith.constant 28 : i32
      "tpu.region"() ({
        %run_scoped3A_254 = tpu.sem_alloc : memref<!tpu.dma_semaphore, #tpu.memory_space<semaphore_mem>>
        %dma_start3A = arith.constant 0 : i32
        %dma_start3A_255 = tpu.memref_slice %arg6[%add3A, %run_scoped3A, %dma_start3A] : memref<32x32x16xi32, #tpu.memory_space<hbm>> -> memref<1x1x16xi32, #tpu.memory_space<hbm>>
        %dma_start3A_256 = tpu.memref_squeeze %dma_start3A_255 : memref<1x1x16xi32, #tpu.memory_space<hbm>> -> memref<16xi32, #tpu.memory_space<hbm>>
        %dma_start3A_257 = arith.constant 0 : i32
        %dma_start3A_258 = tpu.memref_slice %arg6[%add3A, %run_scoped3A, %dma_start3A_257] : memref<32x32x16xi32, #tpu.memory_space<hbm>> -> memref<1x1x16xi32, #tpu.memory_space<hbm>>
        %dma_start3A_259 = tpu.memref_squeeze %dma_start3A_258 : memref<1x1x16xi32, #tpu.memory_space<hbm>> -> memref<16xi32, #tpu.memory_space<hbm>>
        tpu.enqueue_dma source(%arg10 : memref<16xi32, #tpu.memory_space<vmem>>) target(%dma_start3A_259 : memref<16xi32, #tpu.memory_space<hbm>>) target_semaphore(%run_scoped3A_254 : memref<!tpu.dma_semaphore, #tpu.memory_space<semaphore_mem>>)
        %dma_wait3A = arith.constant 0 : i32
        %dma_wait3A_260 = tpu.memref_slice %arg6[%add3A, %run_scoped3A, %dma_wait3A] : memref<32x32x16xi32, #tpu.memory_space<hbm>> -> memref<1x1x16xi32, #tpu.memory_space<hbm>>
        %dma_wait3A_261 = tpu.memref_squeeze %dma_wait3A_260 : memref<1x1x16xi32, #tpu.memory_space<hbm>> -> memref<16xi32, #tpu.memory_space<hbm>>
        %dma_wait3A_262 = arith.constant 0 : i32
        %dma_wait3A_263 = tpu.memref_slice %arg6[%add3A, %run_scoped3A, %dma_wait3A_262] : memref<32x32x16xi32, #tpu.memory_space<hbm>> -> memref<1x1x16xi32, #tpu.memory_space<hbm>>
        %dma_wait3A_264 = tpu.memref_squeeze %dma_wait3A_263 : memref<1x1x16xi32, #tpu.memory_space<hbm>> -> memref<16xi32, #tpu.memory_space<hbm>>
        tpu.wait_dma2 semaphore(%run_scoped3A_254 : memref<!tpu.dma_semaphore, #tpu.memory_space<semaphore_mem>>) src(%arg10 : memref<16xi32, #tpu.memory_space<vmem>>) dst(%dma_wait3A_264 : memref<16xi32, #tpu.memory_space<hbm>>)
        tpu.yield
      }) : () -> ()
    } else {
    }
    %lt3A_239 = arith.constant 29 : i32
    %lt3A_240 = arith.cmpi slt, %scan3A_86#1, %lt3A_239 : i32
    %convert_element_type3A_241 = arith.extui %lt3A_240 : i1 to i32
    %cond3A_242 = arith.constant 0 : i32
    %cond3A_243 = arith.cmpi ne, %convert_element_type3A_241, %cond3A_242 : i32
    scf.if %cond3A_243 {
      %run_scoped3A = arith.constant 29 : i32
      "tpu.region"() ({
        %run_scoped3A_254 = tpu.sem_alloc : memref<!tpu.dma_semaphore, #tpu.memory_space<semaphore_mem>>
        %dma_start3A = arith.constant 0 : i32
        %dma_start3A_255 = tpu.memref_slice %arg6[%add3A, %run_scoped3A, %dma_start3A] : memref<32x32x16xi32, #tpu.memory_space<hbm>> -> memref<1x1x16xi32, #tpu.memory_space<hbm>>
        %dma_start3A_256 = tpu.memref_squeeze %dma_start3A_255 : memref<1x1x16xi32, #tpu.memory_space<hbm>> -> memref<16xi32, #tpu.memory_space<hbm>>
        %dma_start3A_257 = arith.constant 0 : i32
        %dma_start3A_258 = tpu.memref_slice %arg6[%add3A, %run_scoped3A, %dma_start3A_257] : memref<32x32x16xi32, #tpu.memory_space<hbm>> -> memref<1x1x16xi32, #tpu.memory_space<hbm>>
        %dma_start3A_259 = tpu.memref_squeeze %dma_start3A_258 : memref<1x1x16xi32, #tpu.memory_space<hbm>> -> memref<16xi32, #tpu.memory_space<hbm>>
        tpu.enqueue_dma source(%arg10 : memref<16xi32, #tpu.memory_space<vmem>>) target(%dma_start3A_259 : memref<16xi32, #tpu.memory_space<hbm>>) target_semaphore(%run_scoped3A_254 : memref<!tpu.dma_semaphore, #tpu.memory_space<semaphore_mem>>)
        %dma_wait3A = arith.constant 0 : i32
        %dma_wait3A_260 = tpu.memref_slice %arg6[%add3A, %run_scoped3A, %dma_wait3A] : memref<32x32x16xi32, #tpu.memory_space<hbm>> -> memref<1x1x16xi32, #tpu.memory_space<hbm>>
        %dma_wait3A_261 = tpu.memref_squeeze %dma_wait3A_260 : memref<1x1x16xi32, #tpu.memory_space<hbm>> -> memref<16xi32, #tpu.memory_space<hbm>>
        %dma_wait3A_262 = arith.constant 0 : i32
        %dma_wait3A_263 = tpu.memref_slice %arg6[%add3A, %run_scoped3A, %dma_wait3A_262] : memref<32x32x16xi32, #tpu.memory_space<hbm>> -> memref<1x1x16xi32, #tpu.memory_space<hbm>>
        %dma_wait3A_264 = tpu.memref_squeeze %dma_wait3A_263 : memref<1x1x16xi32, #tpu.memory_space<hbm>> -> memref<16xi32, #tpu.memory_space<hbm>>
        tpu.wait_dma2 semaphore(%run_scoped3A_254 : memref<!tpu.dma_semaphore, #tpu.memory_space<semaphore_mem>>) src(%arg10 : memref<16xi32, #tpu.memory_space<vmem>>) dst(%dma_wait3A_264 : memref<16xi32, #tpu.memory_space<hbm>>)
        tpu.yield
      }) : () -> ()
    } else {
    }
    %lt3A_244 = arith.constant 30 : i32
    %lt3A_245 = arith.cmpi slt, %scan3A_86#1, %lt3A_244 : i32
    %convert_element_type3A_246 = arith.extui %lt3A_245 : i1 to i32
    %cond3A_247 = arith.constant 0 : i32
    %cond3A_248 = arith.cmpi ne, %convert_element_type3A_246, %cond3A_247 : i32
    scf.if %cond3A_248 {
      %run_scoped3A = arith.constant 30 : i32
      "tpu.region"() ({
        %run_scoped3A_254 = tpu.sem_alloc : memref<!tpu.dma_semaphore, #tpu.memory_space<semaphore_mem>>
        %dma_start3A = arith.constant 0 : i32
        %dma_start3A_255 = tpu.memref_slice %arg6[%add3A, %run_scoped3A, %dma_start3A] : memref<32x32x16xi32, #tpu.memory_space<hbm>> -> memref<1x1x16xi32, #tpu.memory_space<hbm>>
        %dma_start3A_256 = tpu.memref_squeeze %dma_start3A_255 : memref<1x1x16xi32, #tpu.memory_space<hbm>> -> memref<16xi32, #tpu.memory_space<hbm>>
        %dma_start3A_257 = arith.constant 0 : i32
        %dma_start3A_258 = tpu.memref_slice %arg6[%add3A, %run_scoped3A, %dma_start3A_257] : memref<32x32x16xi32, #tpu.memory_space<hbm>> -> memref<1x1x16xi32, #tpu.memory_space<hbm>>
        %dma_start3A_259 = tpu.memref_squeeze %dma_start3A_258 : memref<1x1x16xi32, #tpu.memory_space<hbm>> -> memref<16xi32, #tpu.memory_space<hbm>>
        tpu.enqueue_dma source(%arg10 : memref<16xi32, #tpu.memory_space<vmem>>) target(%dma_start3A_259 : memref<16xi32, #tpu.memory_space<hbm>>) target_semaphore(%run_scoped3A_254 : memref<!tpu.dma_semaphore, #tpu.memory_space<semaphore_mem>>)
        %dma_wait3A = arith.constant 0 : i32
        %dma_wait3A_260 = tpu.memref_slice %arg6[%add3A, %run_scoped3A, %dma_wait3A] : memref<32x32x16xi32, #tpu.memory_space<hbm>> -> memref<1x1x16xi32, #tpu.memory_space<hbm>>
        %dma_wait3A_261 = tpu.memref_squeeze %dma_wait3A_260 : memref<1x1x16xi32, #tpu.memory_space<hbm>> -> memref<16xi32, #tpu.memory_space<hbm>>
        %dma_wait3A_262 = arith.constant 0 : i32
        %dma_wait3A_263 = tpu.memref_slice %arg6[%add3A, %run_scoped3A, %dma_wait3A_262] : memref<32x32x16xi32, #tpu.memory_space<hbm>> -> memref<1x1x16xi32, #tpu.memory_space<hbm>>
        %dma_wait3A_264 = tpu.memref_squeeze %dma_wait3A_263 : memref<1x1x16xi32, #tpu.memory_space<hbm>> -> memref<16xi32, #tpu.memory_space<hbm>>
        tpu.wait_dma2 semaphore(%run_scoped3A_254 : memref<!tpu.dma_semaphore, #tpu.memory_space<semaphore_mem>>) src(%arg10 : memref<16xi32, #tpu.memory_space<vmem>>) dst(%dma_wait3A_264 : memref<16xi32, #tpu.memory_space<hbm>>)
        tpu.yield
      }) : () -> ()
    } else {
    }
    %lt3A_249 = arith.constant 31 : i32
    %lt3A_250 = arith.cmpi slt, %scan3A_86#1, %lt3A_249 : i32
    %convert_element_type3A_251 = arith.extui %lt3A_250 : i1 to i32
    %cond3A_252 = arith.constant 0 : i32
    %cond3A_253 = arith.cmpi ne, %convert_element_type3A_251, %cond3A_252 : i32
    scf.if %cond3A_253 {
      %run_scoped3A = arith.constant 31 : i32
      "tpu.region"() ({
        %run_scoped3A_254 = tpu.sem_alloc : memref<!tpu.dma_semaphore, #tpu.memory_space<semaphore_mem>>
        %dma_start3A = arith.constant 0 : i32
        %dma_start3A_255 = tpu.memref_slice %arg6[%add3A, %run_scoped3A, %dma_start3A] : memref<32x32x16xi32, #tpu.memory_space<hbm>> -> memref<1x1x16xi32, #tpu.memory_space<hbm>>
        %dma_start3A_256 = tpu.memref_squeeze %dma_start3A_255 : memref<1x1x16xi32, #tpu.memory_space<hbm>> -> memref<16xi32, #tpu.memory_space<hbm>>
        %dma_start3A_257 = arith.constant 0 : i32
        %dma_start3A_258 = tpu.memref_slice %arg6[%add3A, %run_scoped3A, %dma_start3A_257] : memref<32x32x16xi32, #tpu.memory_space<hbm>> -> memref<1x1x16xi32, #tpu.memory_space<hbm>>
        %dma_start3A_259 = tpu.memref_squeeze %dma_start3A_258 : memref<1x1x16xi32, #tpu.memory_space<hbm>> -> memref<16xi32, #tpu.memory_space<hbm>>
        tpu.enqueue_dma source(%arg10 : memref<16xi32, #tpu.memory_space<vmem>>) target(%dma_start3A_259 : memref<16xi32, #tpu.memory_space<hbm>>) target_semaphore(%run_scoped3A_254 : memref<!tpu.dma_semaphore, #tpu.memory_space<semaphore_mem>>)
        %dma_wait3A = arith.constant 0 : i32
        %dma_wait3A_260 = tpu.memref_slice %arg6[%add3A, %run_scoped3A, %dma_wait3A] : memref<32x32x16xi32, #tpu.memory_space<hbm>> -> memref<1x1x16xi32, #tpu.memory_space<hbm>>
        %dma_wait3A_261 = tpu.memref_squeeze %dma_wait3A_260 : memref<1x1x16xi32, #tpu.memory_space<hbm>> -> memref<16xi32, #tpu.memory_space<hbm>>
        %dma_wait3A_262 = arith.constant 0 : i32
        %dma_wait3A_263 = tpu.memref_slice %arg6[%add3A, %run_scoped3A, %dma_wait3A_262] : memref<32x32x16xi32, #tpu.memory_space<hbm>> -> memref<1x1x16xi32, #tpu.memory_space<hbm>>
        %dma_wait3A_264 = tpu.memref_squeeze %dma_wait3A_263 : memref<1x1x16xi32, #tpu.memory_space<hbm>> -> memref<16xi32, #tpu.memory_space<hbm>>
        tpu.wait_dma2 semaphore(%run_scoped3A_254 : memref<!tpu.dma_semaphore, #tpu.memory_space<semaphore_mem>>) src(%arg10 : memref<16xi32, #tpu.memory_space<vmem>>) dst(%dma_wait3A_264 : memref<16xi32, #tpu.memory_space<hbm>>)
        tpu.yield
      }) : () -> ()
    } else {
    }
    return
  }
}

module attributes {stable_mosaic.version = 14 : i64} {
  func.func @body(%arg0: i32, %arg1: memref<2000x100xf32, #tpu.memory_space<vmem>>, %arg2: memref<2000x1xf32, #tpu.memory_space<vmem>>, %arg3: memref<2000x1xf32, #tpu.memory_space<vmem>>, %arg4: memref<2000x100xf32, #tpu.memory_space<vmem>>, %arg5: memref<2000x1xf32, #tpu.memory_space<vmem>>, %arg6: memref<2000x1xf32, #tpu.memory_space<vmem>>, %arg7: memref<2000x112xf32, #tpu.memory_space<vmem>>) attributes {dimension_semantics = [#tpu.dimension_semantics<arbitrary>], iteration_bounds = array<i64: 50>, scalar_prefetch = 0 : i64, scratch_operands = 0 : i64, tpu.core_type = #tpu.core_type<tc>, window_params = [{transform_indices = @transform_0, window_bounds = array<i64: 2000, 100>}, {transform_indices = @transform_1, window_bounds = array<i64: 2000, 1>}, {transform_indices = @transform_2, window_bounds = array<i64: 2000, 1>}, {transform_indices = @transform_3, window_bounds = array<i64: 2000, 100>}, {transform_indices = @transform_4, window_bounds = array<i64: 2000, 1>}, {transform_indices = @transform_5, window_bounds = array<i64: 2000, 1>}, {transform_indices = @transform_6, window_bounds = array<i64: 2000, 112>}]} {
    %broadcast_in_dim3A = arith.constant 0.000000e+00 : f32
    %broadcast_in_dim3A_0 = vector.broadcast %broadcast_in_dim3A : f32 to vector<2000x12xf32>
    %lt3A = arith.constant 20 : i32
    %lt3A_1 = arith.cmpi slt, %arg0, %lt3A : i32
    %convert_element_type3A = arith.extui %lt3A_1 : i1 to i32
    %cond3A = arith.constant 0 : i32
    %cond3A_2 = arith.cmpi ne, %convert_element_type3A, %cond3A : i32
    scf.if %cond3A_2 {
      %get3A = arith.constant 0 : index
      %get3A_7 = arith.constant 0 : index
      %get3A_8 = vector.load %arg2[%get3A, %get3A_7] : memref<2000x1xf32, #tpu.memory_space<vmem>>, vector<2000x1xf32>
      %mul3A = arith.constant 5.000000e-01 : f32
      %mul3A_9 = vector.broadcast %mul3A : f32 to vector<2000x1xf32>
      %mul3A_10 = arith.mulf %mul3A_9, %get3A_8 : vector<2000x1xf32>
      %get3A_11 = arith.constant 0 : index
      %get3A_12 = arith.constant 0 : index
      %get3A_13 = vector.load %arg1[%get3A_11, %get3A_12] : memref<2000x100xf32, #tpu.memory_space<vmem>>, vector<2000x100xf32>
      %get3A_14 = arith.constant 0 : index
      %get3A_15 = arith.constant 0 : index
      %get3A_16 = vector.load %arg3[%get3A_14, %get3A_15] : memref<2000x1xf32, #tpu.memory_space<vmem>>, vector<2000x1xf32>
      %sub3A = vector.broadcast %get3A_16 : vector<2000x1xf32> to vector<2000x100xf32>
      %sub3A_17 = arith.subf %get3A_13, %sub3A : vector<2000x100xf32>
      %integer_pow3A = arith.mulf %sub3A_17, %sub3A_17 : vector<2000x100xf32>
      %mul3A_18 = vector.broadcast %mul3A_10 : vector<2000x1xf32> to vector<2000x100xf32>
      %mul3A_19 = arith.mulf %mul3A_18, %integer_pow3A : vector<2000x100xf32>
      %concatenate3A = tpu.concatenate %mul3A_19, %broadcast_in_dim3A_0 in 1 : vector<2000x100xf32>, vector<2000x12xf32> -> vector<2000x112xf32>
      %swap3A = arith.constant 0 : index
      %swap3A_20 = arith.constant 0 : index
      %swap3A_21 = vector.load %arg7[%swap3A, %swap3A_20] : memref<2000x112xf32, #tpu.memory_space<vmem>>, vector<2000x112xf32>
      tpu.vector_store %arg7[%swap3A, %swap3A_20], %concatenate3A {strides = array<i32>} : memref<2000x112xf32, #tpu.memory_space<vmem>>, vector<2000x112xf32>,
    } else {
    }
    %ge3A = arith.constant 20 : i32
    %ge3A_3 = arith.cmpi sge, %arg0, %ge3A : i32
    %convert_element_type3A_4 = arith.extui %ge3A_3 : i1 to i32
    %cond3A_5 = arith.constant 0 : i32
    %cond3A_6 = arith.cmpi ne, %convert_element_type3A_4, %cond3A_5 : i32
    scf.if %cond3A_6 {
      %get3A = arith.constant 0 : index
      %get3A_7 = arith.constant 0 : index
      %get3A_8 = vector.load %arg5[%get3A, %get3A_7] : memref<2000x1xf32, #tpu.memory_space<vmem>>, vector<2000x1xf32>
      %mul3A = arith.constant 5.000000e-01 : f32
      %mul3A_9 = vector.broadcast %mul3A : f32 to vector<2000x1xf32>
      %mul3A_10 = arith.mulf %mul3A_9, %get3A_8 : vector<2000x1xf32>
      %get3A_11 = arith.constant 0 : index
      %get3A_12 = arith.constant 0 : index
      %get3A_13 = vector.load %arg4[%get3A_11, %get3A_12] : memref<2000x100xf32, #tpu.memory_space<vmem>>, vector<2000x100xf32>
      %get3A_14 = arith.constant 0 : index
      %get3A_15 = arith.constant 0 : index
      %get3A_16 = vector.load %arg6[%get3A_14, %get3A_15] : memref<2000x1xf32, #tpu.memory_space<vmem>>, vector<2000x1xf32>
      %sub3A = vector.broadcast %get3A_16 : vector<2000x1xf32> to vector<2000x100xf32>
      %sub3A_17 = arith.subf %get3A_13, %sub3A : vector<2000x100xf32>
      %integer_pow3A = arith.mulf %sub3A_17, %sub3A_17 : vector<2000x100xf32>
      %mul3A_18 = vector.broadcast %mul3A_10 : vector<2000x1xf32> to vector<2000x100xf32>
      %mul3A_19 = arith.mulf %mul3A_18, %integer_pow3A : vector<2000x100xf32>
      %concatenate3A = tpu.concatenate %mul3A_19, %broadcast_in_dim3A_0 in 1 : vector<2000x100xf32>, vector<2000x12xf32> -> vector<2000x112xf32>
      %swap3A = arith.constant 0 : index
      %swap3A_20 = arith.constant 0 : index
      %swap3A_21 = vector.load %arg7[%swap3A, %swap3A_20] : memref<2000x112xf32, #tpu.memory_space<vmem>>, vector<2000x112xf32>
      tpu.vector_store %arg7[%swap3A, %swap3A_20], %concatenate3A {strides = array<i32>} : memref<2000x112xf32, #tpu.memory_space<vmem>>, vector<2000x112xf32>,
    } else {
    }
    return
  }
  func.func @transform_0(%arg0: i32) -> (i32, i32) {
    %lt3A = arith.constant 20 : i32
    %lt3A_0 = arith.cmpi slt, %arg0, %lt3A : i32
    %jit3A = arith.constant 0 : i32
    %select_n3A = arith.select %lt3A_0, %arg0, %jit3A : i32
    %c0_i32 = arith.constant 0 : i32
    %c0_i32_1 = arith.constant 0 : i32
    return %select_n3A, %c0_i32 : i32, i32
  }
  func.func @transform_1(%arg0: i32) -> (i32, i32) {
    %lt3A = arith.constant 20 : i32
    %lt3A_0 = arith.cmpi slt, %arg0, %lt3A : i32
    %jit3A = arith.constant 0 : i32
    %select_n3A = arith.select %lt3A_0, %arg0, %jit3A : i32
    %c0_i32 = arith.constant 0 : i32
    %c0_i32_1 = arith.constant 0 : i32
    return %select_n3A, %c0_i32 : i32, i32
  }
  func.func @transform_2(%arg0: i32) -> (i32, i32) {
    %lt3A = arith.constant 20 : i32
    %lt3A_0 = arith.cmpi slt, %arg0, %lt3A : i32
    %jit3A = arith.constant 0 : i32
    %select_n3A = arith.select %lt3A_0, %arg0, %jit3A : i32
    %c0_i32 = arith.constant 0 : i32
    %c0_i32_1 = arith.constant 0 : i32
    return %select_n3A, %c0_i32 : i32, i32
  }
  func.func @transform_3(%arg0: i32) -> (i32, i32) {
    %ge3A = arith.constant 20 : i32
    %ge3A_0 = arith.cmpi sge, %arg0, %ge3A : i32
    %sub3A = arith.constant 20 : i32
    %sub3A_1 = arith.subi %arg0, %sub3A : i32
    %jit3A = arith.constant 0 : i32
    %select_n3A = arith.select %ge3A_0, %sub3A_1, %jit3A : i32
    %c0_i32 = arith.constant 0 : i32
    %c0_i32_2 = arith.constant 0 : i32
    return %select_n3A, %c0_i32 : i32, i32
  }
  func.func @transform_4(%arg0: i32) -> (i32, i32) {
    %ge3A = arith.constant 20 : i32
    %ge3A_0 = arith.cmpi sge, %arg0, %ge3A : i32
    %sub3A = arith.constant 20 : i32
    %sub3A_1 = arith.subi %arg0, %sub3A : i32
    %jit3A = arith.constant 0 : i32
    %select_n3A = arith.select %ge3A_0, %sub3A_1, %jit3A : i32
    %c0_i32 = arith.constant 0 : i32
    %c0_i32_2 = arith.constant 0 : i32
    return %select_n3A, %c0_i32 : i32, i32
  }
  func.func @transform_5(%arg0: i32) -> (i32, i32) {
    %ge3A = arith.constant 20 : i32
    %ge3A_0 = arith.cmpi sge, %arg0, %ge3A : i32
    %sub3A = arith.constant 20 : i32
    %sub3A_1 = arith.subi %arg0, %sub3A : i32
    %jit3A = arith.constant 0 : i32
    %select_n3A = arith.select %ge3A_0, %sub3A_1, %jit3A : i32
    %c0_i32 = arith.constant 0 : i32
    %c0_i32_2 = arith.constant 0 : i32
    return %select_n3A, %c0_i32 : i32, i32
  }
  func.func @transform_6(%arg0: i32) -> (i32, i32) {
    %c0_i32 = arith.constant 0 : i32
    %c0_i32_0 = arith.constant 0 : i32
    return %arg0, %c0_i32 : i32, i32
  }
}

module attributes {stable_mosaic.version = 14 : i64} {
  func.func @body(%arg0: i32, %arg1: memref<2000x100xf32, #tpu.memory_space<vmem>>, %arg2: memref<2000x6xf32, #tpu.memory_space<vmem>>, %arg3: memref<2000x112xf32, #tpu.memory_space<vmem>>) attributes {dimension_semantics = [#tpu.dimension_semantics<arbitrary>], iteration_bounds = array<i64: 40>, scalar_prefetch = 0 : i64, scratch_operands = 0 : i64, tpu.core_type = #tpu.core_type<tc>, window_params = [{transform_indices = @transform_0, window_bounds = array<i64: 2000, 100>}, {transform_indices = @transform_1, window_bounds = array<i64: 2000, 6>}, {transform_indices = @transform_2, window_bounds = array<i64: 2000, 112>}]} {
    %broadcast_in_dim3A = arith.constant 0.000000e+00 : f32
    %broadcast_in_dim3A_0 = vector.broadcast %broadcast_in_dim3A : f32 to vector<2000x12xf32>
    %get3A = arith.constant 0 : index
    %get3A_1 = arith.constant 0 : index
    %get3A_2 = vector.load %arg1[%get3A, %get3A_1] : memref<2000x100xf32, #tpu.memory_space<vmem>>, vector<2000x100xf32>
    %get3A_3 = arith.constant 0 : index
    %get3A_4 = arith.constant 0 : index
    %get3A_5 = vector.load %arg2[%get3A_3, %get3A_4] : memref<2000x6xf32, #tpu.memory_space<vmem>>, vector<2000x6xf32>
    %mul3A = arith.mulf %get3A_2, %get3A_2 : vector<2000x100xf32>
    %mul3A_6 = arith.constant 2.08767559E-9 : f32
    %mul3A_7 = vector.broadcast %mul3A_6 : f32 to vector<2000x100xf32>
    %mul3A_8 = arith.mulf %mul3A, %mul3A_7 : vector<2000x100xf32>
    %add3A = arith.constant -2.755732E-7 : f32
    %add3A_9 = vector.broadcast %add3A : f32 to vector<2000x100xf32>
    %add3A_10 = arith.addf %add3A_9, %mul3A_8 : vector<2000x100xf32>
    %mul3A_11 = arith.mulf %mul3A, %add3A_10 : vector<2000x100xf32>
    %add3A_12 = arith.constant 2.48015876E-5 : f32
    %add3A_13 = vector.broadcast %add3A_12 : f32 to vector<2000x100xf32>
    %add3A_14 = arith.addf %add3A_13, %mul3A_11 : vector<2000x100xf32>
    %mul3A_15 = arith.mulf %mul3A, %add3A_14 : vector<2000x100xf32>
    %add3A_16 = arith.constant -0.00138888892 : f32
    %add3A_17 = vector.broadcast %add3A_16 : f32 to vector<2000x100xf32>
    %add3A_18 = arith.addf %add3A_17, %mul3A_15 : vector<2000x100xf32>
    %mul3A_19 = arith.mulf %mul3A, %add3A_18 : vector<2000x100xf32>
    %add3A_20 = arith.constant 0.0416666679 : f32
    %add3A_21 = vector.broadcast %add3A_20 : f32 to vector<2000x100xf32>
    %add3A_22 = arith.addf %add3A_21, %mul3A_19 : vector<2000x100xf32>
    %mul3A_23 = arith.mulf %mul3A, %add3A_22 : vector<2000x100xf32>
    %add3A_24 = arith.constant -5.000000e-01 : f32
    %add3A_25 = vector.broadcast %add3A_24 : f32 to vector<2000x100xf32>
    %add3A_26 = arith.addf %add3A_25, %mul3A_23 : vector<2000x100xf32>
    %mul3A_27 = arith.mulf %mul3A, %add3A_26 : vector<2000x100xf32>
    %add3A_28 = arith.constant 1.000000e+00 : f32
    %add3A_29 = vector.broadcast %add3A_28 : f32 to vector<2000x100xf32>
    %add3A_30 = arith.addf %add3A_29, %mul3A_27 : vector<2000x100xf32>
    %broadcast_in_dim3A_31 = arith.constant 0.000000e+00 : f32
    %broadcast_in_dim3A_32 = vector.broadcast %broadcast_in_dim3A_31 : f32 to vector<2000x100xf32>
    %broadcast_in_dim3A_33 = arith.constant 0.000000e+00 : f32
    %broadcast_in_dim3A_34 = vector.broadcast %broadcast_in_dim3A_33 : f32 to vector<2000x100xf32>
    %slice3A = vector.extract_strided_slice %get3A_5 {offsets = [0, 5], sizes = [2000, 1], strides = [1, 1]} : vector<2000x6xf32> to vector<2000x1xf32>
    %mul3A_35 = arith.constant 2.000000e+00 : f32
    %mul3A_36 = vector.broadcast %mul3A_35 : f32 to vector<2000x100xf32>
    %mul3A_37 = arith.mulf %mul3A_36, %add3A_30 : vector<2000x100xf32>
    %mul3A_38 = arith.mulf %mul3A_37, %broadcast_in_dim3A_32 : vector<2000x100xf32>
    %add3A_39 = vector.broadcast %slice3A : vector<2000x1xf32> to vector<2000x100xf32>
    %add3A_40 = arith.addf %add3A_39, %mul3A_38 : vector<2000x100xf32>
    %sub3A = arith.subf %add3A_40, %broadcast_in_dim3A_34 : vector<2000x100xf32>
    %slice3A_41 = vector.extract_strided_slice %get3A_5 {offsets = [0, 4], sizes = [2000, 1], strides = [1, 1]} : vector<2000x6xf32> to vector<2000x1xf32>
    %mul3A_42 = arith.constant 2.000000e+00 : f32
    %mul3A_43 = vector.broadcast %mul3A_42 : f32 to vector<2000x100xf32>
    %mul3A_44 = arith.mulf %mul3A_43, %add3A_30 : vector<2000x100xf32>
    %mul3A_45 = arith.mulf %mul3A_44, %sub3A : vector<2000x100xf32>
    %add3A_46 = vector.broadcast %slice3A_41 : vector<2000x1xf32> to vector<2000x100xf32>
    %add3A_47 = arith.addf %add3A_46, %mul3A_45 : vector<2000x100xf32>
    %sub3A_48 = arith.subf %add3A_47, %broadcast_in_dim3A_32 : vector<2000x100xf32>
    %slice3A_49 = vector.extract_strided_slice %get3A_5 {offsets = [0, 3], sizes = [2000, 1], strides = [1, 1]} : vector<2000x6xf32> to vector<2000x1xf32>
    %mul3A_50 = arith.constant 2.000000e+00 : f32
    %mul3A_51 = vector.broadcast %mul3A_50 : f32 to vector<2000x100xf32>
    %mul3A_52 = arith.mulf %mul3A_51, %add3A_30 : vector<2000x100xf32>
    %mul3A_53 = arith.mulf %mul3A_52, %sub3A_48 : vector<2000x100xf32>
    %add3A_54 = vector.broadcast %slice3A_49 : vector<2000x1xf32> to vector<2000x100xf32>
    %add3A_55 = arith.addf %add3A_54, %mul3A_53 : vector<2000x100xf32>
    %sub3A_56 = arith.subf %add3A_55, %sub3A : vector<2000x100xf32>
    %slice3A_57 = vector.extract_strided_slice %get3A_5 {offsets = [0, 2], sizes = [2000, 1], strides = [1, 1]} : vector<2000x6xf32> to vector<2000x1xf32>
    %mul3A_58 = arith.constant 2.000000e+00 : f32
    %mul3A_59 = vector.broadcast %mul3A_58 : f32 to vector<2000x100xf32>
    %mul3A_60 = arith.mulf %mul3A_59, %add3A_30 : vector<2000x100xf32>
    %mul3A_61 = arith.mulf %mul3A_60, %sub3A_56 : vector<2000x100xf32>
    %add3A_62 = vector.broadcast %slice3A_57 : vector<2000x1xf32> to vector<2000x100xf32>
    %add3A_63 = arith.addf %add3A_62, %mul3A_61 : vector<2000x100xf32>
    %sub3A_64 = arith.subf %add3A_63, %sub3A_48 : vector<2000x100xf32>
    %slice3A_65 = vector.extract_strided_slice %get3A_5 {offsets = [0, 1], sizes = [2000, 1], strides = [1, 1]} : vector<2000x6xf32> to vector<2000x1xf32>
    %mul3A_66 = arith.constant 2.000000e+00 : f32
    %mul3A_67 = vector.broadcast %mul3A_66 : f32 to vector<2000x100xf32>
    %mul3A_68 = arith.mulf %mul3A_67, %add3A_30 : vector<2000x100xf32>
    %mul3A_69 = arith.mulf %mul3A_68, %sub3A_64 : vector<2000x100xf32>
    %add3A_70 = vector.broadcast %slice3A_65 : vector<2000x1xf32> to vector<2000x100xf32>
    %add3A_71 = arith.addf %add3A_70, %mul3A_69 : vector<2000x100xf32>
    %sub3A_72 = arith.subf %add3A_71, %sub3A_56 : vector<2000x100xf32>
    %slice3A_73 = vector.extract_strided_slice %get3A_5 {offsets = [0, 0], sizes = [2000, 1], strides = [1, 1]} : vector<2000x6xf32> to vector<2000x1xf32>
    %mul3A_74 = arith.constant 2.000000e+00 : f32
    %mul3A_75 = vector.broadcast %mul3A_74 : f32 to vector<2000x100xf32>
    %mul3A_76 = arith.mulf %mul3A_75, %add3A_30 : vector<2000x100xf32>
    %mul3A_77 = arith.mulf %mul3A_76, %sub3A_72 : vector<2000x100xf32>
    %add3A_78 = vector.broadcast %slice3A_73 : vector<2000x1xf32> to vector<2000x100xf32>
    %add3A_79 = arith.addf %add3A_78, %mul3A_77 : vector<2000x100xf32>
    %sub3A_80 = arith.subf %add3A_79, %sub3A_64 : vector<2000x100xf32>
    %mul3A_81 = arith.mulf %add3A_30, %sub3A_80 : vector<2000x100xf32>
    %sub3A_82 = arith.subf %mul3A_81, %sub3A_72 : vector<2000x100xf32>
    %reduce_sum3A = arith.constant dense<0.000000e+00> : vector<2000xf32>
    %reduce_sum3A_83 = vector.multi_reduction <add>, %get3A_5, %reduce_sum3A [1] : vector<2000x6xf32> to vector<2000xf32>
    %broadcast_in_dim3A_84 = vector.shape_cast %reduce_sum3A_83 : vector<2000xf32> to vector<2000x1xf32>
    %add3A_85 = vector.broadcast %broadcast_in_dim3A_84 : vector<2000x1xf32> to vector<2000x100xf32>
    %add3A_86 = arith.addf %sub3A_82, %add3A_85 : vector<2000x100xf32>
    %concatenate3A = tpu.concatenate %add3A_86, %broadcast_in_dim3A_0 in 1 : vector<2000x100xf32>, vector<2000x12xf32> -> vector<2000x112xf32>
    %swap3A = arith.constant 0 : index
    %swap3A_87 = arith.constant 0 : index
    %swap3A_88 = vector.load %arg3[%swap3A, %swap3A_87] : memref<2000x112xf32, #tpu.memory_space<vmem>>, vector<2000x112xf32>
    tpu.vector_store %arg3[%swap3A, %swap3A_87], %concatenate3A {strides = array<i32>} : memref<2000x112xf32, #tpu.memory_space<vmem>>, vector<2000x112xf32>,
    return
  }
  func.func @transform_0(%arg0: i32) -> (i32, i32) {
    %c0_i32 = arith.constant 0 : i32
    %c0_i32_0 = arith.constant 0 : i32
    return %arg0, %c0_i32 : i32, i32
  }
  func.func @transform_1(%arg0: i32) -> (i32, i32) {
    %c0_i32 = arith.constant 0 : i32
    %c0_i32_0 = arith.constant 0 : i32
    return %arg0, %c0_i32 : i32, i32
  }
  func.func @transform_2(%arg0: i32) -> (i32, i32) {
    %c0_i32 = arith.constant 0 : i32
    %c0_i32_0 = arith.constant 0 : i32
    return %arg0, %c0_i32 : i32, i32
  }
}

module attributes {stable_mosaic.version = 14 : i64} {
  func.func @body(%arg0: i32, %arg1: memref<16384xi32, #tpu.memory_space<smem>>, %arg2: memref<32x128x112xf32, #tpu.memory_space<vmem>>, %arg3: memref<1152x112xf32, #tpu.memory_space<vmem>>, %arg4: memref<1152x112xf32, #tpu.memory_space<vmem>>) attributes {dimension_semantics = [#tpu.dimension_semantics<arbitrary>], iteration_bounds = array<i64: 32>, scalar_prefetch = 1 : i64, scratch_operands = 0 : i64, tpu.core_type = #tpu.core_type<tc>, window_params = [{transform_indices = @transform_0, window_bounds = array<i64: 32, 128, 112>}, {pipeline_mode = #tpu.pipeline_mode<synchronous>, transform_indices = @transform_1, window_bounds = array<i64: 1152, 112>}, {pipeline_mode = #tpu.pipeline_mode<synchronous>, transform_indices = @transform_2, window_bounds = array<i64: 1152, 112>}]} {
    %eq3A = arith.constant 0 : i32
    %eq3A_0 = arith.cmpi eq, %arg0, %eq3A : i32
    %convert_element_type3A = arith.extui %eq3A_0 : i1 to i32
    %cond3A = arith.constant 0 : i32
    %cond3A_1 = arith.cmpi ne, %convert_element_type3A, %cond3A : i32
    scf.if %cond3A_1 {
      %get3A_702 = arith.constant 0 : index
      %get3A_703 = arith.constant 0 : index
      %get3A_704 = vector.load %arg3[%get3A_702, %get3A_703] : memref<1152x112xf32, #tpu.memory_space<vmem>>, vector<1152x112xf32>
      %swap3A_705 = arith.constant 0 : index
      %swap3A_706 = arith.constant 0 : index
      %swap3A_707 = vector.load %arg4[%swap3A_705, %swap3A_706] : memref<1152x112xf32, #tpu.memory_space<vmem>>, vector<1152x112xf32>
      tpu.vector_store %arg4[%swap3A_705, %swap3A_706], %get3A_704 {strides = array<i32>} : memref<1152x112xf32, #tpu.memory_space<vmem>>, vector<1152x112xf32>,
    } else {
    }
    %mul3A = arith.constant 32 : i32
    %mul3A_2 = arith.muli %arg0, %mul3A : i32
    %add3A = arith.constant 0 : i32
    %add3A_3 = arith.addi %mul3A_2, %add3A : i32
    %mul3A_4 = arith.constant 16 : i32
    %mul3A_5 = arith.muli %add3A_3, %mul3A_4 : i32
    %get3A = arith.index_cast %mul3A_5 : i32 to index
    %get3A_6 = memref.load %arg1[%get3A] : memref<16384xi32, #tpu.memory_space<smem>>
    %mul3A_7 = arith.constant 128 : i32
    %mul3A_8 = arith.muli %get3A_6, %mul3A_7 : i32
    %get3A_9 = arith.index_cast %mul3A_8 : i32 to index
    %get3A_10 = arith.constant 0 : index
    %get3A_11 = vector.load %arg4[%get3A_9, %get3A_10] : memref<1152x112xf32, #tpu.memory_space<vmem>>, vector<128x112xf32>
    %get3A_12 = arith.constant 0 : index
    %get3A_13 = arith.constant 0 : index
    %get3A_14 = arith.constant 0 : index
    %get3A_15 = vector.load %arg2[%get3A_12, %get3A_13, %get3A_14] : memref<32x128x112xf32, #tpu.memory_space<vmem>>, vector<1x128x112xf32>
    %get3A_16 = vector.shape_cast %get3A_15 : vector<1x128x112xf32> to vector<128x112xf32>
    %add3A_17 = arith.addf %get3A_11, %get3A_16 : vector<128x112xf32>
    %swap3A = arith.index_cast %mul3A_8 : i32 to index
    %swap3A_18 = arith.constant 0 : index
    %swap3A_19 = vector.load %arg4[%swap3A, %swap3A_18] : memref<1152x112xf32, #tpu.memory_space<vmem>>, vector<128x112xf32>
    tpu.vector_store %arg4[%swap3A, %swap3A_18], %add3A_17 {strides = array<i32>} : memref<1152x112xf32, #tpu.memory_space<vmem>>, vector<128x112xf32>,
    %mul3A_20 = arith.constant 32 : i32
    %mul3A_21 = arith.muli %arg0, %mul3A_20 : i32
    %add3A_22 = arith.constant 1 : i32
    %add3A_23 = arith.addi %mul3A_21, %add3A_22 : i32
    %mul3A_24 = arith.constant 16 : i32
    %mul3A_25 = arith.muli %add3A_23, %mul3A_24 : i32
    %get3A_26 = arith.index_cast %mul3A_25 : i32 to index
    %get3A_27 = memref.load %arg1[%get3A_26] : memref<16384xi32, #tpu.memory_space<smem>>
    %mul3A_28 = arith.constant 128 : i32
    %mul3A_29 = arith.muli %get3A_27, %mul3A_28 : i32
    %get3A_30 = arith.index_cast %mul3A_29 : i32 to index
    %get3A_31 = arith.constant 0 : index
    %get3A_32 = vector.load %arg4[%get3A_30, %get3A_31] : memref<1152x112xf32, #tpu.memory_space<vmem>>, vector<128x112xf32>
    %get3A_33 = arith.constant 1 : index
    %get3A_34 = arith.constant 0 : index
    %get3A_35 = arith.constant 0 : index
    %get3A_36 = vector.load %arg2[%get3A_33, %get3A_34, %get3A_35] : memref<32x128x112xf32, #tpu.memory_space<vmem>>, vector<1x128x112xf32>
    %get3A_37 = vector.shape_cast %get3A_36 : vector<1x128x112xf32> to vector<128x112xf32>
    %add3A_38 = arith.addf %get3A_32, %get3A_37 : vector<128x112xf32>
    %swap3A_39 = arith.index_cast %mul3A_29 : i32 to index
    %swap3A_40 = arith.constant 0 : index
    %swap3A_41 = vector.load %arg4[%swap3A_39, %swap3A_40] : memref<1152x112xf32, #tpu.memory_space<vmem>>, vector<128x112xf32>
    tpu.vector_store %arg4[%swap3A_39, %swap3A_40], %add3A_38 {strides = array<i32>} : memref<1152x112xf32, #tpu.memory_space<vmem>>, vector<128x112xf32>,
    %mul3A_42 = arith.constant 32 : i32
    %mul3A_43 = arith.muli %arg0, %mul3A_42 : i32
    %add3A_44 = arith.constant 2 : i32
    %add3A_45 = arith.addi %mul3A_43, %add3A_44 : i32
    %mul3A_46 = arith.constant 16 : i32
    %mul3A_47 = arith.muli %add3A_45, %mul3A_46 : i32
    %get3A_48 = arith.index_cast %mul3A_47 : i32 to index
    %get3A_49 = memref.load %arg1[%get3A_48] : memref<16384xi32, #tpu.memory_space<smem>>
    %mul3A_50 = arith.constant 128 : i32
    %mul3A_51 = arith.muli %get3A_49, %mul3A_50 : i32
    %get3A_52 = arith.index_cast %mul3A_51 : i32 to index
    %get3A_53 = arith.constant 0 : index
    %get3A_54 = vector.load %arg4[%get3A_52, %get3A_53] : memref<1152x112xf32, #tpu.memory_space<vmem>>, vector<128x112xf32>
    %get3A_55 = arith.constant 2 : index
    %get3A_56 = arith.constant 0 : index
    %get3A_57 = arith.constant 0 : index
    %get3A_58 = vector.load %arg2[%get3A_55, %get3A_56, %get3A_57] : memref<32x128x112xf32, #tpu.memory_space<vmem>>, vector<1x128x112xf32>
    %get3A_59 = vector.shape_cast %get3A_58 : vector<1x128x112xf32> to vector<128x112xf32>
    %add3A_60 = arith.addf %get3A_54, %get3A_59 : vector<128x112xf32>
    %swap3A_61 = arith.index_cast %mul3A_51 : i32 to index
    %swap3A_62 = arith.constant 0 : index
    %swap3A_63 = vector.load %arg4[%swap3A_61, %swap3A_62] : memref<1152x112xf32, #tpu.memory_space<vmem>>, vector<128x112xf32>
    tpu.vector_store %arg4[%swap3A_61, %swap3A_62], %add3A_60 {strides = array<i32>} : memref<1152x112xf32, #tpu.memory_space<vmem>>, vector<128x112xf32>,
    %mul3A_64 = arith.constant 32 : i32
    %mul3A_65 = arith.muli %arg0, %mul3A_64 : i32
    %add3A_66 = arith.constant 3 : i32
    %add3A_67 = arith.addi %mul3A_65, %add3A_66 : i32
    %mul3A_68 = arith.constant 16 : i32
    %mul3A_69 = arith.muli %add3A_67, %mul3A_68 : i32
    %get3A_70 = arith.index_cast %mul3A_69 : i32 to index
    %get3A_71 = memref.load %arg1[%get3A_70] : memref<16384xi32, #tpu.memory_space<smem>>
    %mul3A_72 = arith.constant 128 : i32
    %mul3A_73 = arith.muli %get3A_71, %mul3A_72 : i32
    %get3A_74 = arith.index_cast %mul3A_73 : i32 to index
    %get3A_75 = arith.constant 0 : index
    %get3A_76 = vector.load %arg4[%get3A_74, %get3A_75] : memref<1152x112xf32, #tpu.memory_space<vmem>>, vector<128x112xf32>
    %get3A_77 = arith.constant 3 : index
    %get3A_78 = arith.constant 0 : index
    %get3A_79 = arith.constant 0 : index
    %get3A_80 = vector.load %arg2[%get3A_77, %get3A_78, %get3A_79] : memref<32x128x112xf32, #tpu.memory_space<vmem>>, vector<1x128x112xf32>
    %get3A_81 = vector.shape_cast %get3A_80 : vector<1x128x112xf32> to vector<128x112xf32>
    %add3A_82 = arith.addf %get3A_76, %get3A_81 : vector<128x112xf32>
    %swap3A_83 = arith.index_cast %mul3A_73 : i32 to index
    %swap3A_84 = arith.constant 0 : index
    %swap3A_85 = vector.load %arg4[%swap3A_83, %swap3A_84] : memref<1152x112xf32, #tpu.memory_space<vmem>>, vector<128x112xf32>
    tpu.vector_store %arg4[%swap3A_83, %swap3A_84], %add3A_82 {strides = array<i32>} : memref<1152x112xf32, #tpu.memory_space<vmem>>, vector<128x112xf32>,
    %mul3A_86 = arith.constant 32 : i32
    %mul3A_87 = arith.muli %arg0, %mul3A_86 : i32
    %add3A_88 = arith.constant 4 : i32
    %add3A_89 = arith.addi %mul3A_87, %add3A_88 : i32
    %mul3A_90 = arith.constant 16 : i32
    %mul3A_91 = arith.muli %add3A_89, %mul3A_90 : i32
    %get3A_92 = arith.index_cast %mul3A_91 : i32 to index
    %get3A_93 = memref.load %arg1[%get3A_92] : memref<16384xi32, #tpu.memory_space<smem>>
    %mul3A_94 = arith.constant 128 : i32
    %mul3A_95 = arith.muli %get3A_93, %mul3A_94 : i32
    %get3A_96 = arith.index_cast %mul3A_95 : i32 to index
    %get3A_97 = arith.constant 0 : index
    %get3A_98 = vector.load %arg4[%get3A_96, %get3A_97] : memref<1152x112xf32, #tpu.memory_space<vmem>>, vector<128x112xf32>
    %get3A_99 = arith.constant 4 : index
    %get3A_100 = arith.constant 0 : index
    %get3A_101 = arith.constant 0 : index
    %get3A_102 = vector.load %arg2[%get3A_99, %get3A_100, %get3A_101] : memref<32x128x112xf32, #tpu.memory_space<vmem>>, vector<1x128x112xf32>
    %get3A_103 = vector.shape_cast %get3A_102 : vector<1x128x112xf32> to vector<128x112xf32>
    %add3A_104 = arith.addf %get3A_98, %get3A_103 : vector<128x112xf32>
    %swap3A_105 = arith.index_cast %mul3A_95 : i32 to index
    %swap3A_106 = arith.constant 0 : index
    %swap3A_107 = vector.load %arg4[%swap3A_105, %swap3A_106] : memref<1152x112xf32, #tpu.memory_space<vmem>>, vector<128x112xf32>
    tpu.vector_store %arg4[%swap3A_105, %swap3A_106], %add3A_104 {strides = array<i32>} : memref<1152x112xf32, #tpu.memory_space<vmem>>, vector<128x112xf32>,
    %mul3A_108 = arith.constant 32 : i32
    %mul3A_109 = arith.muli %arg0, %mul3A_108 : i32
    %add3A_110 = arith.constant 5 : i32
    %add3A_111 = arith.addi %mul3A_109, %add3A_110 : i32
    %mul3A_112 = arith.constant 16 : i32
    %mul3A_113 = arith.muli %add3A_111, %mul3A_112 : i32
    %get3A_114 = arith.index_cast %mul3A_113 : i32 to index
    %get3A_115 = memref.load %arg1[%get3A_114] : memref<16384xi32, #tpu.memory_space<smem>>
    %mul3A_116 = arith.constant 128 : i32
    %mul3A_117 = arith.muli %get3A_115, %mul3A_116 : i32
    %get3A_118 = arith.index_cast %mul3A_117 : i32 to index
    %get3A_119 = arith.constant 0 : index
    %get3A_120 = vector.load %arg4[%get3A_118, %get3A_119] : memref<1152x112xf32, #tpu.memory_space<vmem>>, vector<128x112xf32>
    %get3A_121 = arith.constant 5 : index
    %get3A_122 = arith.constant 0 : index
    %get3A_123 = arith.constant 0 : index
    %get3A_124 = vector.load %arg2[%get3A_121, %get3A_122, %get3A_123] : memref<32x128x112xf32, #tpu.memory_space<vmem>>, vector<1x128x112xf32>
    %get3A_125 = vector.shape_cast %get3A_124 : vector<1x128x112xf32> to vector<128x112xf32>
    %add3A_126 = arith.addf %get3A_120, %get3A_125 : vector<128x112xf32>
    %swap3A_127 = arith.index_cast %mul3A_117 : i32 to index
    %swap3A_128 = arith.constant 0 : index
    %swap3A_129 = vector.load %arg4[%swap3A_127, %swap3A_128] : memref<1152x112xf32, #tpu.memory_space<vmem>>, vector<128x112xf32>
    tpu.vector_store %arg4[%swap3A_127, %swap3A_128], %add3A_126 {strides = array<i32>} : memref<1152x112xf32, #tpu.memory_space<vmem>>, vector<128x112xf32>,
    %mul3A_130 = arith.constant 32 : i32
    %mul3A_131 = arith.muli %arg0, %mul3A_130 : i32
    %add3A_132 = arith.constant 6 : i32
    %add3A_133 = arith.addi %mul3A_131, %add3A_132 : i32
    %mul3A_134 = arith.constant 16 : i32
    %mul3A_135 = arith.muli %add3A_133, %mul3A_134 : i32
    %get3A_136 = arith.index_cast %mul3A_135 : i32 to index
    %get3A_137 = memref.load %arg1[%get3A_136] : memref<16384xi32, #tpu.memory_space<smem>>
    %mul3A_138 = arith.constant 128 : i32
    %mul3A_139 = arith.muli %get3A_137, %mul3A_138 : i32
    %get3A_140 = arith.index_cast %mul3A_139 : i32 to index
    %get3A_141 = arith.constant 0 : index
    %get3A_142 = vector.load %arg4[%get3A_140, %get3A_141] : memref<1152x112xf32, #tpu.memory_space<vmem>>, vector<128x112xf32>
    %get3A_143 = arith.constant 6 : index
    %get3A_144 = arith.constant 0 : index
    %get3A_145 = arith.constant 0 : index
    %get3A_146 = vector.load %arg2[%get3A_143, %get3A_144, %get3A_145] : memref<32x128x112xf32, #tpu.memory_space<vmem>>, vector<1x128x112xf32>
    %get3A_147 = vector.shape_cast %get3A_146 : vector<1x128x112xf32> to vector<128x112xf32>
    %add3A_148 = arith.addf %get3A_142, %get3A_147 : vector<128x112xf32>
    %swap3A_149 = arith.index_cast %mul3A_139 : i32 to index
    %swap3A_150 = arith.constant 0 : index
    %swap3A_151 = vector.load %arg4[%swap3A_149, %swap3A_150] : memref<1152x112xf32, #tpu.memory_space<vmem>>, vector<128x112xf32>
    tpu.vector_store %arg4[%swap3A_149, %swap3A_150], %add3A_148 {strides = array<i32>} : memref<1152x112xf32, #tpu.memory_space<vmem>>, vector<128x112xf32>,
    %mul3A_152 = arith.constant 32 : i32
    %mul3A_153 = arith.muli %arg0, %mul3A_152 : i32
    %add3A_154 = arith.constant 7 : i32
    %add3A_155 = arith.addi %mul3A_153, %add3A_154 : i32
    %mul3A_156 = arith.constant 16 : i32
    %mul3A_157 = arith.muli %add3A_155, %mul3A_156 : i32
    %get3A_158 = arith.index_cast %mul3A_157 : i32 to index
    %get3A_159 = memref.load %arg1[%get3A_158] : memref<16384xi32, #tpu.memory_space<smem>>
    %mul3A_160 = arith.constant 128 : i32
    %mul3A_161 = arith.muli %get3A_159, %mul3A_160 : i32
    %get3A_162 = arith.index_cast %mul3A_161 : i32 to index
    %get3A_163 = arith.constant 0 : index
    %get3A_164 = vector.load %arg4[%get3A_162, %get3A_163] : memref<1152x112xf32, #tpu.memory_space<vmem>>, vector<128x112xf32>
    %get3A_165 = arith.constant 7 : index
    %get3A_166 = arith.constant 0 : index
    %get3A_167 = arith.constant 0 : index
    %get3A_168 = vector.load %arg2[%get3A_165, %get3A_166, %get3A_167] : memref<32x128x112xf32, #tpu.memory_space<vmem>>, vector<1x128x112xf32>
    %get3A_169 = vector.shape_cast %get3A_168 : vector<1x128x112xf32> to vector<128x112xf32>
    %add3A_170 = arith.addf %get3A_164, %get3A_169 : vector<128x112xf32>
    %swap3A_171 = arith.index_cast %mul3A_161 : i32 to index
    %swap3A_172 = arith.constant 0 : index
    %swap3A_173 = vector.load %arg4[%swap3A_171, %swap3A_172] : memref<1152x112xf32, #tpu.memory_space<vmem>>, vector<128x112xf32>
    tpu.vector_store %arg4[%swap3A_171, %swap3A_172], %add3A_170 {strides = array<i32>} : memref<1152x112xf32, #tpu.memory_space<vmem>>, vector<128x112xf32>,
    %mul3A_174 = arith.constant 32 : i32
    %mul3A_175 = arith.muli %arg0, %mul3A_174 : i32
    %add3A_176 = arith.constant 8 : i32
    %add3A_177 = arith.addi %mul3A_175, %add3A_176 : i32
    %mul3A_178 = arith.constant 16 : i32
    %mul3A_179 = arith.muli %add3A_177, %mul3A_178 : i32
    %get3A_180 = arith.index_cast %mul3A_179 : i32 to index
    %get3A_181 = memref.load %arg1[%get3A_180] : memref<16384xi32, #tpu.memory_space<smem>>
    %mul3A_182 = arith.constant 128 : i32
    %mul3A_183 = arith.muli %get3A_181, %mul3A_182 : i32
    %get3A_184 = arith.index_cast %mul3A_183 : i32 to index
    %get3A_185 = arith.constant 0 : index
    %get3A_186 = vector.load %arg4[%get3A_184, %get3A_185] : memref<1152x112xf32, #tpu.memory_space<vmem>>, vector<128x112xf32>
    %get3A_187 = arith.constant 8 : index
    %get3A_188 = arith.constant 0 : index
    %get3A_189 = arith.constant 0 : index
    %get3A_190 = vector.load %arg2[%get3A_187, %get3A_188, %get3A_189] : memref<32x128x112xf32, #tpu.memory_space<vmem>>, vector<1x128x112xf32>
    %get3A_191 = vector.shape_cast %get3A_190 : vector<1x128x112xf32> to vector<128x112xf32>
    %add3A_192 = arith.addf %get3A_186, %get3A_191 : vector<128x112xf32>
    %swap3A_193 = arith.index_cast %mul3A_183 : i32 to index
    %swap3A_194 = arith.constant 0 : index
    %swap3A_195 = vector.load %arg4[%swap3A_193, %swap3A_194] : memref<1152x112xf32, #tpu.memory_space<vmem>>, vector<128x112xf32>
    tpu.vector_store %arg4[%swap3A_193, %swap3A_194], %add3A_192 {strides = array<i32>} : memref<1152x112xf32, #tpu.memory_space<vmem>>, vector<128x112xf32>,
    %mul3A_196 = arith.constant 32 : i32
    %mul3A_197 = arith.muli %arg0, %mul3A_196 : i32
    %add3A_198 = arith.constant 9 : i32
    %add3A_199 = arith.addi %mul3A_197, %add3A_198 : i32
    %mul3A_200 = arith.constant 16 : i32
    %mul3A_201 = arith.muli %add3A_199, %mul3A_200 : i32
    %get3A_202 = arith.index_cast %mul3A_201 : i32 to index
    %get3A_203 = memref.load %arg1[%get3A_202] : memref<16384xi32, #tpu.memory_space<smem>>
    %mul3A_204 = arith.constant 128 : i32
    %mul3A_205 = arith.muli %get3A_203, %mul3A_204 : i32
    %get3A_206 = arith.index_cast %mul3A_205 : i32 to index
    %get3A_207 = arith.constant 0 : index
    %get3A_208 = vector.load %arg4[%get3A_206, %get3A_207] : memref<1152x112xf32, #tpu.memory_space<vmem>>, vector<128x112xf32>
    %get3A_209 = arith.constant 9 : index
    %get3A_210 = arith.constant 0 : index
    %get3A_211 = arith.constant 0 : index
    %get3A_212 = vector.load %arg2[%get3A_209, %get3A_210, %get3A_211] : memref<32x128x112xf32, #tpu.memory_space<vmem>>, vector<1x128x112xf32>
    %get3A_213 = vector.shape_cast %get3A_212 : vector<1x128x112xf32> to vector<128x112xf32>
    %add3A_214 = arith.addf %get3A_208, %get3A_213 : vector<128x112xf32>
    %swap3A_215 = arith.index_cast %mul3A_205 : i32 to index
    %swap3A_216 = arith.constant 0 : index
    %swap3A_217 = vector.load %arg4[%swap3A_215, %swap3A_216] : memref<1152x112xf32, #tpu.memory_space<vmem>>, vector<128x112xf32>
    tpu.vector_store %arg4[%swap3A_215, %swap3A_216], %add3A_214 {strides = array<i32>} : memref<1152x112xf32, #tpu.memory_space<vmem>>, vector<128x112xf32>,
    %mul3A_218 = arith.constant 32 : i32
    %mul3A_219 = arith.muli %arg0, %mul3A_218 : i32
    %add3A_220 = arith.constant 10 : i32
    %add3A_221 = arith.addi %mul3A_219, %add3A_220 : i32
    %mul3A_222 = arith.constant 16 : i32
    %mul3A_223 = arith.muli %add3A_221, %mul3A_222 : i32
    %get3A_224 = arith.index_cast %mul3A_223 : i32 to index
    %get3A_225 = memref.load %arg1[%get3A_224] : memref<16384xi32, #tpu.memory_space<smem>>
    %mul3A_226 = arith.constant 128 : i32
    %mul3A_227 = arith.muli %get3A_225, %mul3A_226 : i32
    %get3A_228 = arith.index_cast %mul3A_227 : i32 to index
    %get3A_229 = arith.constant 0 : index
    %get3A_230 = vector.load %arg4[%get3A_228, %get3A_229] : memref<1152x112xf32, #tpu.memory_space<vmem>>, vector<128x112xf32>
    %get3A_231 = arith.constant 10 : index
    %get3A_232 = arith.constant 0 : index
    %get3A_233 = arith.constant 0 : index
    %get3A_234 = vector.load %arg2[%get3A_231, %get3A_232, %get3A_233] : memref<32x128x112xf32, #tpu.memory_space<vmem>>, vector<1x128x112xf32>
    %get3A_235 = vector.shape_cast %get3A_234 : vector<1x128x112xf32> to vector<128x112xf32>
    %add3A_236 = arith.addf %get3A_230, %get3A_235 : vector<128x112xf32>
    %swap3A_237 = arith.index_cast %mul3A_227 : i32 to index
    %swap3A_238 = arith.constant 0 : index
    %swap3A_239 = vector.load %arg4[%swap3A_237, %swap3A_238] : memref<1152x112xf32, #tpu.memory_space<vmem>>, vector<128x112xf32>
    tpu.vector_store %arg4[%swap3A_237, %swap3A_238], %add3A_236 {strides = array<i32>} : memref<1152x112xf32, #tpu.memory_space<vmem>>, vector<128x112xf32>,
    %mul3A_240 = arith.constant 32 : i32
    %mul3A_241 = arith.muli %arg0, %mul3A_240 : i32
    %add3A_242 = arith.constant 11 : i32
    %add3A_243 = arith.addi %mul3A_241, %add3A_242 : i32
    %mul3A_244 = arith.constant 16 : i32
    %mul3A_245 = arith.muli %add3A_243, %mul3A_244 : i32
    %get3A_246 = arith.index_cast %mul3A_245 : i32 to index
    %get3A_247 = memref.load %arg1[%get3A_246] : memref<16384xi32, #tpu.memory_space<smem>>
    %mul3A_248 = arith.constant 128 : i32
    %mul3A_249 = arith.muli %get3A_247, %mul3A_248 : i32
    %get3A_250 = arith.index_cast %mul3A_249 : i32 to index
    %get3A_251 = arith.constant 0 : index
    %get3A_252 = vector.load %arg4[%get3A_250, %get3A_251] : memref<1152x112xf32, #tpu.memory_space<vmem>>, vector<128x112xf32>
    %get3A_253 = arith.constant 11 : index
    %get3A_254 = arith.constant 0 : index
    %get3A_255 = arith.constant 0 : index
    %get3A_256 = vector.load %arg2[%get3A_253, %get3A_254, %get3A_255] : memref<32x128x112xf32, #tpu.memory_space<vmem>>, vector<1x128x112xf32>
    %get3A_257 = vector.shape_cast %get3A_256 : vector<1x128x112xf32> to vector<128x112xf32>
    %add3A_258 = arith.addf %get3A_252, %get3A_257 : vector<128x112xf32>
    %swap3A_259 = arith.index_cast %mul3A_249 : i32 to index
    %swap3A_260 = arith.constant 0 : index
    %swap3A_261 = vector.load %arg4[%swap3A_259, %swap3A_260] : memref<1152x112xf32, #tpu.memory_space<vmem>>, vector<128x112xf32>
    tpu.vector_store %arg4[%swap3A_259, %swap3A_260], %add3A_258 {strides = array<i32>} : memref<1152x112xf32, #tpu.memory_space<vmem>>, vector<128x112xf32>,
    %mul3A_262 = arith.constant 32 : i32
    %mul3A_263 = arith.muli %arg0, %mul3A_262 : i32
    %add3A_264 = arith.constant 12 : i32
    %add3A_265 = arith.addi %mul3A_263, %add3A_264 : i32
    %mul3A_266 = arith.constant 16 : i32
    %mul3A_267 = arith.muli %add3A_265, %mul3A_266 : i32
    %get3A_268 = arith.index_cast %mul3A_267 : i32 to index
    %get3A_269 = memref.load %arg1[%get3A_268] : memref<16384xi32, #tpu.memory_space<smem>>
    %mul3A_270 = arith.constant 128 : i32
    %mul3A_271 = arith.muli %get3A_269, %mul3A_270 : i32
    %get3A_272 = arith.index_cast %mul3A_271 : i32 to index
    %get3A_273 = arith.constant 0 : index
    %get3A_274 = vector.load %arg4[%get3A_272, %get3A_273] : memref<1152x112xf32, #tpu.memory_space<vmem>>, vector<128x112xf32>
    %get3A_275 = arith.constant 12 : index
    %get3A_276 = arith.constant 0 : index
    %get3A_277 = arith.constant 0 : index
    %get3A_278 = vector.load %arg2[%get3A_275, %get3A_276, %get3A_277] : memref<32x128x112xf32, #tpu.memory_space<vmem>>, vector<1x128x112xf32>
    %get3A_279 = vector.shape_cast %get3A_278 : vector<1x128x112xf32> to vector<128x112xf32>
    %add3A_280 = arith.addf %get3A_274, %get3A_279 : vector<128x112xf32>
    %swap3A_281 = arith.index_cast %mul3A_271 : i32 to index
    %swap3A_282 = arith.constant 0 : index
    %swap3A_283 = vector.load %arg4[%swap3A_281, %swap3A_282] : memref<1152x112xf32, #tpu.memory_space<vmem>>, vector<128x112xf32>
    tpu.vector_store %arg4[%swap3A_281, %swap3A_282], %add3A_280 {strides = array<i32>} : memref<1152x112xf32, #tpu.memory_space<vmem>>, vector<128x112xf32>,
    %mul3A_284 = arith.constant 32 : i32
    %mul3A_285 = arith.muli %arg0, %mul3A_284 : i32
    %add3A_286 = arith.constant 13 : i32
    %add3A_287 = arith.addi %mul3A_285, %add3A_286 : i32
    %mul3A_288 = arith.constant 16 : i32
    %mul3A_289 = arith.muli %add3A_287, %mul3A_288 : i32
    %get3A_290 = arith.index_cast %mul3A_289 : i32 to index
    %get3A_291 = memref.load %arg1[%get3A_290] : memref<16384xi32, #tpu.memory_space<smem>>
    %mul3A_292 = arith.constant 128 : i32
    %mul3A_293 = arith.muli %get3A_291, %mul3A_292 : i32
    %get3A_294 = arith.index_cast %mul3A_293 : i32 to index
    %get3A_295 = arith.constant 0 : index
    %get3A_296 = vector.load %arg4[%get3A_294, %get3A_295] : memref<1152x112xf32, #tpu.memory_space<vmem>>, vector<128x112xf32>
    %get3A_297 = arith.constant 13 : index
    %get3A_298 = arith.constant 0 : index
    %get3A_299 = arith.constant 0 : index
    %get3A_300 = vector.load %arg2[%get3A_297, %get3A_298, %get3A_299] : memref<32x128x112xf32, #tpu.memory_space<vmem>>, vector<1x128x112xf32>
    %get3A_301 = vector.shape_cast %get3A_300 : vector<1x128x112xf32> to vector<128x112xf32>
    %add3A_302 = arith.addf %get3A_296, %get3A_301 : vector<128x112xf32>
    %swap3A_303 = arith.index_cast %mul3A_293 : i32 to index
    %swap3A_304 = arith.constant 0 : index
    %swap3A_305 = vector.load %arg4[%swap3A_303, %swap3A_304] : memref<1152x112xf32, #tpu.memory_space<vmem>>, vector<128x112xf32>
    tpu.vector_store %arg4[%swap3A_303, %swap3A_304], %add3A_302 {strides = array<i32>} : memref<1152x112xf32, #tpu.memory_space<vmem>>, vector<128x112xf32>,
    %mul3A_306 = arith.constant 32 : i32
    %mul3A_307 = arith.muli %arg0, %mul3A_306 : i32
    %add3A_308 = arith.constant 14 : i32
    %add3A_309 = arith.addi %mul3A_307, %add3A_308 : i32
    %mul3A_310 = arith.constant 16 : i32
    %mul3A_311 = arith.muli %add3A_309, %mul3A_310 : i32
    %get3A_312 = arith.index_cast %mul3A_311 : i32 to index
    %get3A_313 = memref.load %arg1[%get3A_312] : memref<16384xi32, #tpu.memory_space<smem>>
    %mul3A_314 = arith.constant 128 : i32
    %mul3A_315 = arith.muli %get3A_313, %mul3A_314 : i32
    %get3A_316 = arith.index_cast %mul3A_315 : i32 to index
    %get3A_317 = arith.constant 0 : index
    %get3A_318 = vector.load %arg4[%get3A_316, %get3A_317] : memref<1152x112xf32, #tpu.memory_space<vmem>>, vector<128x112xf32>
    %get3A_319 = arith.constant 14 : index
    %get3A_320 = arith.constant 0 : index
    %get3A_321 = arith.constant 0 : index
    %get3A_322 = vector.load %arg2[%get3A_319, %get3A_320, %get3A_321] : memref<32x128x112xf32, #tpu.memory_space<vmem>>, vector<1x128x112xf32>
    %get3A_323 = vector.shape_cast %get3A_322 : vector<1x128x112xf32> to vector<128x112xf32>
    %add3A_324 = arith.addf %get3A_318, %get3A_323 : vector<128x112xf32>
    %swap3A_325 = arith.index_cast %mul3A_315 : i32 to index
    %swap3A_326 = arith.constant 0 : index
    %swap3A_327 = vector.load %arg4[%swap3A_325, %swap3A_326] : memref<1152x112xf32, #tpu.memory_space<vmem>>, vector<128x112xf32>
    tpu.vector_store %arg4[%swap3A_325, %swap3A_326], %add3A_324 {strides = array<i32>} : memref<1152x112xf32, #tpu.memory_space<vmem>>, vector<128x112xf32>,
    %mul3A_328 = arith.constant 32 : i32
    %mul3A_329 = arith.muli %arg0, %mul3A_328 : i32
    %add3A_330 = arith.constant 15 : i32
    %add3A_331 = arith.addi %mul3A_329, %add3A_330 : i32
    %mul3A_332 = arith.constant 16 : i32
    %mul3A_333 = arith.muli %add3A_331, %mul3A_332 : i32
    %get3A_334 = arith.index_cast %mul3A_333 : i32 to index
    %get3A_335 = memref.load %arg1[%get3A_334] : memref<16384xi32, #tpu.memory_space<smem>>
    %mul3A_336 = arith.constant 128 : i32
    %mul3A_337 = arith.muli %get3A_335, %mul3A_336 : i32
    %get3A_338 = arith.index_cast %mul3A_337 : i32 to index
    %get3A_339 = arith.constant 0 : index
    %get3A_340 = vector.load %arg4[%get3A_338, %get3A_339] : memref<1152x112xf32, #tpu.memory_space<vmem>>, vector<128x112xf32>
    %get3A_341 = arith.constant 15 : index
    %get3A_342 = arith.constant 0 : index
    %get3A_343 = arith.constant 0 : index
    %get3A_344 = vector.load %arg2[%get3A_341, %get3A_342, %get3A_343] : memref<32x128x112xf32, #tpu.memory_space<vmem>>, vector<1x128x112xf32>
    %get3A_345 = vector.shape_cast %get3A_344 : vector<1x128x112xf32> to vector<128x112xf32>
    %add3A_346 = arith.addf %get3A_340, %get3A_345 : vector<128x112xf32>
    %swap3A_347 = arith.index_cast %mul3A_337 : i32 to index
    %swap3A_348 = arith.constant 0 : index
    %swap3A_349 = vector.load %arg4[%swap3A_347, %swap3A_348] : memref<1152x112xf32, #tpu.memory_space<vmem>>, vector<128x112xf32>
    tpu.vector_store %arg4[%swap3A_347, %swap3A_348], %add3A_346 {strides = array<i32>} : memref<1152x112xf32, #tpu.memory_space<vmem>>, vector<128x112xf32>,
    %mul3A_350 = arith.constant 32 : i32
    %mul3A_351 = arith.muli %arg0, %mul3A_350 : i32
    %add3A_352 = arith.constant 16 : i32
    %add3A_353 = arith.addi %mul3A_351, %add3A_352 : i32
    %mul3A_354 = arith.constant 16 : i32
    %mul3A_355 = arith.muli %add3A_353, %mul3A_354 : i32
    %get3A_356 = arith.index_cast %mul3A_355 : i32 to index
    %get3A_357 = memref.load %arg1[%get3A_356] : memref<16384xi32, #tpu.memory_space<smem>>
    %mul3A_358 = arith.constant 128 : i32
    %mul3A_359 = arith.muli %get3A_357, %mul3A_358 : i32
    %get3A_360 = arith.index_cast %mul3A_359 : i32 to index
    %get3A_361 = arith.constant 0 : index
    %get3A_362 = vector.load %arg4[%get3A_360, %get3A_361] : memref<1152x112xf32, #tpu.memory_space<vmem>>, vector<128x112xf32>
    %get3A_363 = arith.constant 16 : index
    %get3A_364 = arith.constant 0 : index
    %get3A_365 = arith.constant 0 : index
    %get3A_366 = vector.load %arg2[%get3A_363, %get3A_364, %get3A_365] : memref<32x128x112xf32, #tpu.memory_space<vmem>>, vector<1x128x112xf32>
    %get3A_367 = vector.shape_cast %get3A_366 : vector<1x128x112xf32> to vector<128x112xf32>
    %add3A_368 = arith.addf %get3A_362, %get3A_367 : vector<128x112xf32>
    %swap3A_369 = arith.index_cast %mul3A_359 : i32 to index
    %swap3A_370 = arith.constant 0 : index
    %swap3A_371 = vector.load %arg4[%swap3A_369, %swap3A_370] : memref<1152x112xf32, #tpu.memory_space<vmem>>, vector<128x112xf32>
    tpu.vector_store %arg4[%swap3A_369, %swap3A_370], %add3A_368 {strides = array<i32>} : memref<1152x112xf32, #tpu.memory_space<vmem>>, vector<128x112xf32>,
    %mul3A_372 = arith.constant 32 : i32
    %mul3A_373 = arith.muli %arg0, %mul3A_372 : i32
    %add3A_374 = arith.constant 17 : i32
    %add3A_375 = arith.addi %mul3A_373, %add3A_374 : i32
    %mul3A_376 = arith.constant 16 : i32
    %mul3A_377 = arith.muli %add3A_375, %mul3A_376 : i32
    %get3A_378 = arith.index_cast %mul3A_377 : i32 to index
    %get3A_379 = memref.load %arg1[%get3A_378] : memref<16384xi32, #tpu.memory_space<smem>>
    %mul3A_380 = arith.constant 128 : i32
    %mul3A_381 = arith.muli %get3A_379, %mul3A_380 : i32
    %get3A_382 = arith.index_cast %mul3A_381 : i32 to index
    %get3A_383 = arith.constant 0 : index
    %get3A_384 = vector.load %arg4[%get3A_382, %get3A_383] : memref<1152x112xf32, #tpu.memory_space<vmem>>, vector<128x112xf32>
    %get3A_385 = arith.constant 17 : index
    %get3A_386 = arith.constant 0 : index
    %get3A_387 = arith.constant 0 : index
    %get3A_388 = vector.load %arg2[%get3A_385, %get3A_386, %get3A_387] : memref<32x128x112xf32, #tpu.memory_space<vmem>>, vector<1x128x112xf32>
    %get3A_389 = vector.shape_cast %get3A_388 : vector<1x128x112xf32> to vector<128x112xf32>
    %add3A_390 = arith.addf %get3A_384, %get3A_389 : vector<128x112xf32>
    %swap3A_391 = arith.index_cast %mul3A_381 : i32 to index
    %swap3A_392 = arith.constant 0 : index
    %swap3A_393 = vector.load %arg4[%swap3A_391, %swap3A_392] : memref<1152x112xf32, #tpu.memory_space<vmem>>, vector<128x112xf32>
    tpu.vector_store %arg4[%swap3A_391, %swap3A_392], %add3A_390 {strides = array<i32>} : memref<1152x112xf32, #tpu.memory_space<vmem>>, vector<128x112xf32>,
    %mul3A_394 = arith.constant 32 : i32
    %mul3A_395 = arith.muli %arg0, %mul3A_394 : i32
    %add3A_396 = arith.constant 18 : i32
    %add3A_397 = arith.addi %mul3A_395, %add3A_396 : i32
    %mul3A_398 = arith.constant 16 : i32
    %mul3A_399 = arith.muli %add3A_397, %mul3A_398 : i32
    %get3A_400 = arith.index_cast %mul3A_399 : i32 to index
    %get3A_401 = memref.load %arg1[%get3A_400] : memref<16384xi32, #tpu.memory_space<smem>>
    %mul3A_402 = arith.constant 128 : i32
    %mul3A_403 = arith.muli %get3A_401, %mul3A_402 : i32
    %get3A_404 = arith.index_cast %mul3A_403 : i32 to index
    %get3A_405 = arith.constant 0 : index
    %get3A_406 = vector.load %arg4[%get3A_404, %get3A_405] : memref<1152x112xf32, #tpu.memory_space<vmem>>, vector<128x112xf32>
    %get3A_407 = arith.constant 18 : index
    %get3A_408 = arith.constant 0 : index
    %get3A_409 = arith.constant 0 : index
    %get3A_410 = vector.load %arg2[%get3A_407, %get3A_408, %get3A_409] : memref<32x128x112xf32, #tpu.memory_space<vmem>>, vector<1x128x112xf32>
    %get3A_411 = vector.shape_cast %get3A_410 : vector<1x128x112xf32> to vector<128x112xf32>
    %add3A_412 = arith.addf %get3A_406, %get3A_411 : vector<128x112xf32>
    %swap3A_413 = arith.index_cast %mul3A_403 : i32 to index
    %swap3A_414 = arith.constant 0 : index
    %swap3A_415 = vector.load %arg4[%swap3A_413, %swap3A_414] : memref<1152x112xf32, #tpu.memory_space<vmem>>, vector<128x112xf32>
    tpu.vector_store %arg4[%swap3A_413, %swap3A_414], %add3A_412 {strides = array<i32>} : memref<1152x112xf32, #tpu.memory_space<vmem>>, vector<128x112xf32>,
    %mul3A_416 = arith.constant 32 : i32
    %mul3A_417 = arith.muli %arg0, %mul3A_416 : i32
    %add3A_418 = arith.constant 19 : i32
    %add3A_419 = arith.addi %mul3A_417, %add3A_418 : i32
    %mul3A_420 = arith.constant 16 : i32
    %mul3A_421 = arith.muli %add3A_419, %mul3A_420 : i32
    %get3A_422 = arith.index_cast %mul3A_421 : i32 to index
    %get3A_423 = memref.load %arg1[%get3A_422] : memref<16384xi32, #tpu.memory_space<smem>>
    %mul3A_424 = arith.constant 128 : i32
    %mul3A_425 = arith.muli %get3A_423, %mul3A_424 : i32
    %get3A_426 = arith.index_cast %mul3A_425 : i32 to index
    %get3A_427 = arith.constant 0 : index
    %get3A_428 = vector.load %arg4[%get3A_426, %get3A_427] : memref<1152x112xf32, #tpu.memory_space<vmem>>, vector<128x112xf32>
    %get3A_429 = arith.constant 19 : index
    %get3A_430 = arith.constant 0 : index
    %get3A_431 = arith.constant 0 : index
    %get3A_432 = vector.load %arg2[%get3A_429, %get3A_430, %get3A_431] : memref<32x128x112xf32, #tpu.memory_space<vmem>>, vector<1x128x112xf32>
    %get3A_433 = vector.shape_cast %get3A_432 : vector<1x128x112xf32> to vector<128x112xf32>
    %add3A_434 = arith.addf %get3A_428, %get3A_433 : vector<128x112xf32>
    %swap3A_435 = arith.index_cast %mul3A_425 : i32 to index
    %swap3A_436 = arith.constant 0 : index
    %swap3A_437 = vector.load %arg4[%swap3A_435, %swap3A_436] : memref<1152x112xf32, #tpu.memory_space<vmem>>, vector<128x112xf32>
    tpu.vector_store %arg4[%swap3A_435, %swap3A_436], %add3A_434 {strides = array<i32>} : memref<1152x112xf32, #tpu.memory_space<vmem>>, vector<128x112xf32>,
    %mul3A_438 = arith.constant 32 : i32
    %mul3A_439 = arith.muli %arg0, %mul3A_438 : i32
    %add3A_440 = arith.constant 20 : i32
    %add3A_441 = arith.addi %mul3A_439, %add3A_440 : i32
    %mul3A_442 = arith.constant 16 : i32
    %mul3A_443 = arith.muli %add3A_441, %mul3A_442 : i32
    %get3A_444 = arith.index_cast %mul3A_443 : i32 to index
    %get3A_445 = memref.load %arg1[%get3A_444] : memref<16384xi32, #tpu.memory_space<smem>>
    %mul3A_446 = arith.constant 128 : i32
    %mul3A_447 = arith.muli %get3A_445, %mul3A_446 : i32
    %get3A_448 = arith.index_cast %mul3A_447 : i32 to index
    %get3A_449 = arith.constant 0 : index
    %get3A_450 = vector.load %arg4[%get3A_448, %get3A_449] : memref<1152x112xf32, #tpu.memory_space<vmem>>, vector<128x112xf32>
    %get3A_451 = arith.constant 20 : index
    %get3A_452 = arith.constant 0 : index
    %get3A_453 = arith.constant 0 : index
    %get3A_454 = vector.load %arg2[%get3A_451, %get3A_452, %get3A_453] : memref<32x128x112xf32, #tpu.memory_space<vmem>>, vector<1x128x112xf32>
    %get3A_455 = vector.shape_cast %get3A_454 : vector<1x128x112xf32> to vector<128x112xf32>
    %add3A_456 = arith.addf %get3A_450, %get3A_455 : vector<128x112xf32>
    %swap3A_457 = arith.index_cast %mul3A_447 : i32 to index
    %swap3A_458 = arith.constant 0 : index
    %swap3A_459 = vector.load %arg4[%swap3A_457, %swap3A_458] : memref<1152x112xf32, #tpu.memory_space<vmem>>, vector<128x112xf32>
    tpu.vector_store %arg4[%swap3A_457, %swap3A_458], %add3A_456 {strides = array<i32>} : memref<1152x112xf32, #tpu.memory_space<vmem>>, vector<128x112xf32>,
    %mul3A_460 = arith.constant 32 : i32
    %mul3A_461 = arith.muli %arg0, %mul3A_460 : i32
    %add3A_462 = arith.constant 21 : i32
    %add3A_463 = arith.addi %mul3A_461, %add3A_462 : i32
    %mul3A_464 = arith.constant 16 : i32
    %mul3A_465 = arith.muli %add3A_463, %mul3A_464 : i32
    %get3A_466 = arith.index_cast %mul3A_465 : i32 to index
    %get3A_467 = memref.load %arg1[%get3A_466] : memref<16384xi32, #tpu.memory_space<smem>>
    %mul3A_468 = arith.constant 128 : i32
    %mul3A_469 = arith.muli %get3A_467, %mul3A_468 : i32
    %get3A_470 = arith.index_cast %mul3A_469 : i32 to index
    %get3A_471 = arith.constant 0 : index
    %get3A_472 = vector.load %arg4[%get3A_470, %get3A_471] : memref<1152x112xf32, #tpu.memory_space<vmem>>, vector<128x112xf32>
    %get3A_473 = arith.constant 21 : index
    %get3A_474 = arith.constant 0 : index
    %get3A_475 = arith.constant 0 : index
    %get3A_476 = vector.load %arg2[%get3A_473, %get3A_474, %get3A_475] : memref<32x128x112xf32, #tpu.memory_space<vmem>>, vector<1x128x112xf32>
    %get3A_477 = vector.shape_cast %get3A_476 : vector<1x128x112xf32> to vector<128x112xf32>
    %add3A_478 = arith.addf %get3A_472, %get3A_477 : vector<128x112xf32>
    %swap3A_479 = arith.index_cast %mul3A_469 : i32 to index
    %swap3A_480 = arith.constant 0 : index
    %swap3A_481 = vector.load %arg4[%swap3A_479, %swap3A_480] : memref<1152x112xf32, #tpu.memory_space<vmem>>, vector<128x112xf32>
    tpu.vector_store %arg4[%swap3A_479, %swap3A_480], %add3A_478 {strides = array<i32>} : memref<1152x112xf32, #tpu.memory_space<vmem>>, vector<128x112xf32>,
    %mul3A_482 = arith.constant 32 : i32
    %mul3A_483 = arith.muli %arg0, %mul3A_482 : i32
    %add3A_484 = arith.constant 22 : i32
    %add3A_485 = arith.addi %mul3A_483, %add3A_484 : i32
    %mul3A_486 = arith.constant 16 : i32
    %mul3A_487 = arith.muli %add3A_485, %mul3A_486 : i32
    %get3A_488 = arith.index_cast %mul3A_487 : i32 to index
    %get3A_489 = memref.load %arg1[%get3A_488] : memref<16384xi32, #tpu.memory_space<smem>>
    %mul3A_490 = arith.constant 128 : i32
    %mul3A_491 = arith.muli %get3A_489, %mul3A_490 : i32
    %get3A_492 = arith.index_cast %mul3A_491 : i32 to index
    %get3A_493 = arith.constant 0 : index
    %get3A_494 = vector.load %arg4[%get3A_492, %get3A_493] : memref<1152x112xf32, #tpu.memory_space<vmem>>, vector<128x112xf32>
    %get3A_495 = arith.constant 22 : index
    %get3A_496 = arith.constant 0 : index
    %get3A_497 = arith.constant 0 : index
    %get3A_498 = vector.load %arg2[%get3A_495, %get3A_496, %get3A_497] : memref<32x128x112xf32, #tpu.memory_space<vmem>>, vector<1x128x112xf32>
    %get3A_499 = vector.shape_cast %get3A_498 : vector<1x128x112xf32> to vector<128x112xf32>
    %add3A_500 = arith.addf %get3A_494, %get3A_499 : vector<128x112xf32>
    %swap3A_501 = arith.index_cast %mul3A_491 : i32 to index
    %swap3A_502 = arith.constant 0 : index
    %swap3A_503 = vector.load %arg4[%swap3A_501, %swap3A_502] : memref<1152x112xf32, #tpu.memory_space<vmem>>, vector<128x112xf32>
    tpu.vector_store %arg4[%swap3A_501, %swap3A_502], %add3A_500 {strides = array<i32>} : memref<1152x112xf32, #tpu.memory_space<vmem>>, vector<128x112xf32>,
    %mul3A_504 = arith.constant 32 : i32
    %mul3A_505 = arith.muli %arg0, %mul3A_504 : i32
    %add3A_506 = arith.constant 23 : i32
    %add3A_507 = arith.addi %mul3A_505, %add3A_506 : i32
    %mul3A_508 = arith.constant 16 : i32
    %mul3A_509 = arith.muli %add3A_507, %mul3A_508 : i32
    %get3A_510 = arith.index_cast %mul3A_509 : i32 to index
    %get3A_511 = memref.load %arg1[%get3A_510] : memref<16384xi32, #tpu.memory_space<smem>>
    %mul3A_512 = arith.constant 128 : i32
    %mul3A_513 = arith.muli %get3A_511, %mul3A_512 : i32
    %get3A_514 = arith.index_cast %mul3A_513 : i32 to index
    %get3A_515 = arith.constant 0 : index
    %get3A_516 = vector.load %arg4[%get3A_514, %get3A_515] : memref<1152x112xf32, #tpu.memory_space<vmem>>, vector<128x112xf32>
    %get3A_517 = arith.constant 23 : index
    %get3A_518 = arith.constant 0 : index
    %get3A_519 = arith.constant 0 : index
    %get3A_520 = vector.load %arg2[%get3A_517, %get3A_518, %get3A_519] : memref<32x128x112xf32, #tpu.memory_space<vmem>>, vector<1x128x112xf32>
    %get3A_521 = vector.shape_cast %get3A_520 : vector<1x128x112xf32> to vector<128x112xf32>
    %add3A_522 = arith.addf %get3A_516, %get3A_521 : vector<128x112xf32>
    %swap3A_523 = arith.index_cast %mul3A_513 : i32 to index
    %swap3A_524 = arith.constant 0 : index
    %swap3A_525 = vector.load %arg4[%swap3A_523, %swap3A_524] : memref<1152x112xf32, #tpu.memory_space<vmem>>, vector<128x112xf32>
    tpu.vector_store %arg4[%swap3A_523, %swap3A_524], %add3A_522 {strides = array<i32>} : memref<1152x112xf32, #tpu.memory_space<vmem>>, vector<128x112xf32>,
    %mul3A_526 = arith.constant 32 : i32
    %mul3A_527 = arith.muli %arg0, %mul3A_526 : i32
    %add3A_528 = arith.constant 24 : i32
    %add3A_529 = arith.addi %mul3A_527, %add3A_528 : i32
    %mul3A_530 = arith.constant 16 : i32
    %mul3A_531 = arith.muli %add3A_529, %mul3A_530 : i32
    %get3A_532 = arith.index_cast %mul3A_531 : i32 to index
    %get3A_533 = memref.load %arg1[%get3A_532] : memref<16384xi32, #tpu.memory_space<smem>>
    %mul3A_534 = arith.constant 128 : i32
    %mul3A_535 = arith.muli %get3A_533, %mul3A_534 : i32
    %get3A_536 = arith.index_cast %mul3A_535 : i32 to index
    %get3A_537 = arith.constant 0 : index
    %get3A_538 = vector.load %arg4[%get3A_536, %get3A_537] : memref<1152x112xf32, #tpu.memory_space<vmem>>, vector<128x112xf32>
    %get3A_539 = arith.constant 24 : index
    %get3A_540 = arith.constant 0 : index
    %get3A_541 = arith.constant 0 : index
    %get3A_542 = vector.load %arg2[%get3A_539, %get3A_540, %get3A_541] : memref<32x128x112xf32, #tpu.memory_space<vmem>>, vector<1x128x112xf32>
    %get3A_543 = vector.shape_cast %get3A_542 : vector<1x128x112xf32> to vector<128x112xf32>
    %add3A_544 = arith.addf %get3A_538, %get3A_543 : vector<128x112xf32>
    %swap3A_545 = arith.index_cast %mul3A_535 : i32 to index
    %swap3A_546 = arith.constant 0 : index
    %swap3A_547 = vector.load %arg4[%swap3A_545, %swap3A_546] : memref<1152x112xf32, #tpu.memory_space<vmem>>, vector<128x112xf32>
    tpu.vector_store %arg4[%swap3A_545, %swap3A_546], %add3A_544 {strides = array<i32>} : memref<1152x112xf32, #tpu.memory_space<vmem>>, vector<128x112xf32>,
    %mul3A_548 = arith.constant 32 : i32
    %mul3A_549 = arith.muli %arg0, %mul3A_548 : i32
    %add3A_550 = arith.constant 25 : i32
    %add3A_551 = arith.addi %mul3A_549, %add3A_550 : i32
    %mul3A_552 = arith.constant 16 : i32
    %mul3A_553 = arith.muli %add3A_551, %mul3A_552 : i32
    %get3A_554 = arith.index_cast %mul3A_553 : i32 to index
    %get3A_555 = memref.load %arg1[%get3A_554] : memref<16384xi32, #tpu.memory_space<smem>>
    %mul3A_556 = arith.constant 128 : i32
    %mul3A_557 = arith.muli %get3A_555, %mul3A_556 : i32
    %get3A_558 = arith.index_cast %mul3A_557 : i32 to index
    %get3A_559 = arith.constant 0 : index
    %get3A_560 = vector.load %arg4[%get3A_558, %get3A_559] : memref<1152x112xf32, #tpu.memory_space<vmem>>, vector<128x112xf32>
    %get3A_561 = arith.constant 25 : index
    %get3A_562 = arith.constant 0 : index
    %get3A_563 = arith.constant 0 : index
    %get3A_564 = vector.load %arg2[%get3A_561, %get3A_562, %get3A_563] : memref<32x128x112xf32, #tpu.memory_space<vmem>>, vector<1x128x112xf32>
    %get3A_565 = vector.shape_cast %get3A_564 : vector<1x128x112xf32> to vector<128x112xf32>
    %add3A_566 = arith.addf %get3A_560, %get3A_565 : vector<128x112xf32>
    %swap3A_567 = arith.index_cast %mul3A_557 : i32 to index
    %swap3A_568 = arith.constant 0 : index
    %swap3A_569 = vector.load %arg4[%swap3A_567, %swap3A_568] : memref<1152x112xf32, #tpu.memory_space<vmem>>, vector<128x112xf32>
    tpu.vector_store %arg4[%swap3A_567, %swap3A_568], %add3A_566 {strides = array<i32>} : memref<1152x112xf32, #tpu.memory_space<vmem>>, vector<128x112xf32>,
    %mul3A_570 = arith.constant 32 : i32
    %mul3A_571 = arith.muli %arg0, %mul3A_570 : i32
    %add3A_572 = arith.constant 26 : i32
    %add3A_573 = arith.addi %mul3A_571, %add3A_572 : i32
    %mul3A_574 = arith.constant 16 : i32
    %mul3A_575 = arith.muli %add3A_573, %mul3A_574 : i32
    %get3A_576 = arith.index_cast %mul3A_575 : i32 to index
    %get3A_577 = memref.load %arg1[%get3A_576] : memref<16384xi32, #tpu.memory_space<smem>>
    %mul3A_578 = arith.constant 128 : i32
    %mul3A_579 = arith.muli %get3A_577, %mul3A_578 : i32
    %get3A_580 = arith.index_cast %mul3A_579 : i32 to index
    %get3A_581 = arith.constant 0 : index
    %get3A_582 = vector.load %arg4[%get3A_580, %get3A_581] : memref<1152x112xf32, #tpu.memory_space<vmem>>, vector<128x112xf32>
    %get3A_583 = arith.constant 26 : index
    %get3A_584 = arith.constant 0 : index
    %get3A_585 = arith.constant 0 : index
    %get3A_586 = vector.load %arg2[%get3A_583, %get3A_584, %get3A_585] : memref<32x128x112xf32, #tpu.memory_space<vmem>>, vector<1x128x112xf32>
    %get3A_587 = vector.shape_cast %get3A_586 : vector<1x128x112xf32> to vector<128x112xf32>
    %add3A_588 = arith.addf %get3A_582, %get3A_587 : vector<128x112xf32>
    %swap3A_589 = arith.index_cast %mul3A_579 : i32 to index
    %swap3A_590 = arith.constant 0 : index
    %swap3A_591 = vector.load %arg4[%swap3A_589, %swap3A_590] : memref<1152x112xf32, #tpu.memory_space<vmem>>, vector<128x112xf32>
    tpu.vector_store %arg4[%swap3A_589, %swap3A_590], %add3A_588 {strides = array<i32>} : memref<1152x112xf32, #tpu.memory_space<vmem>>, vector<128x112xf32>,
    %mul3A_592 = arith.constant 32 : i32
    %mul3A_593 = arith.muli %arg0, %mul3A_592 : i32
    %add3A_594 = arith.constant 27 : i32
    %add3A_595 = arith.addi %mul3A_593, %add3A_594 : i32
    %mul3A_596 = arith.constant 16 : i32
    %mul3A_597 = arith.muli %add3A_595, %mul3A_596 : i32
    %get3A_598 = arith.index_cast %mul3A_597 : i32 to index
    %get3A_599 = memref.load %arg1[%get3A_598] : memref<16384xi32, #tpu.memory_space<smem>>
    %mul3A_600 = arith.constant 128 : i32
    %mul3A_601 = arith.muli %get3A_599, %mul3A_600 : i32
    %get3A_602 = arith.index_cast %mul3A_601 : i32 to index
    %get3A_603 = arith.constant 0 : index
    %get3A_604 = vector.load %arg4[%get3A_602, %get3A_603] : memref<1152x112xf32, #tpu.memory_space<vmem>>, vector<128x112xf32>
    %get3A_605 = arith.constant 27 : index
    %get3A_606 = arith.constant 0 : index
    %get3A_607 = arith.constant 0 : index
    %get3A_608 = vector.load %arg2[%get3A_605, %get3A_606, %get3A_607] : memref<32x128x112xf32, #tpu.memory_space<vmem>>, vector<1x128x112xf32>
    %get3A_609 = vector.shape_cast %get3A_608 : vector<1x128x112xf32> to vector<128x112xf32>
    %add3A_610 = arith.addf %get3A_604, %get3A_609 : vector<128x112xf32>
    %swap3A_611 = arith.index_cast %mul3A_601 : i32 to index
    %swap3A_612 = arith.constant 0 : index
    %swap3A_613 = vector.load %arg4[%swap3A_611, %swap3A_612] : memref<1152x112xf32, #tpu.memory_space<vmem>>, vector<128x112xf32>
    tpu.vector_store %arg4[%swap3A_611, %swap3A_612], %add3A_610 {strides = array<i32>} : memref<1152x112xf32, #tpu.memory_space<vmem>>, vector<128x112xf32>,
    %mul3A_614 = arith.constant 32 : i32
    %mul3A_615 = arith.muli %arg0, %mul3A_614 : i32
    %add3A_616 = arith.constant 28 : i32
    %add3A_617 = arith.addi %mul3A_615, %add3A_616 : i32
    %mul3A_618 = arith.constant 16 : i32
    %mul3A_619 = arith.muli %add3A_617, %mul3A_618 : i32
    %get3A_620 = arith.index_cast %mul3A_619 : i32 to index
    %get3A_621 = memref.load %arg1[%get3A_620] : memref<16384xi32, #tpu.memory_space<smem>>
    %mul3A_622 = arith.constant 128 : i32
    %mul3A_623 = arith.muli %get3A_621, %mul3A_622 : i32
    %get3A_624 = arith.index_cast %mul3A_623 : i32 to index
    %get3A_625 = arith.constant 0 : index
    %get3A_626 = vector.load %arg4[%get3A_624, %get3A_625] : memref<1152x112xf32, #tpu.memory_space<vmem>>, vector<128x112xf32>
    %get3A_627 = arith.constant 28 : index
    %get3A_628 = arith.constant 0 : index
    %get3A_629 = arith.constant 0 : index
    %get3A_630 = vector.load %arg2[%get3A_627, %get3A_628, %get3A_629] : memref<32x128x112xf32, #tpu.memory_space<vmem>>, vector<1x128x112xf32>
    %get3A_631 = vector.shape_cast %get3A_630 : vector<1x128x112xf32> to vector<128x112xf32>
    %add3A_632 = arith.addf %get3A_626, %get3A_631 : vector<128x112xf32>
    %swap3A_633 = arith.index_cast %mul3A_623 : i32 to index
    %swap3A_634 = arith.constant 0 : index
    %swap3A_635 = vector.load %arg4[%swap3A_633, %swap3A_634] : memref<1152x112xf32, #tpu.memory_space<vmem>>, vector<128x112xf32>
    tpu.vector_store %arg4[%swap3A_633, %swap3A_634], %add3A_632 {strides = array<i32>} : memref<1152x112xf32, #tpu.memory_space<vmem>>, vector<128x112xf32>,
    %mul3A_636 = arith.constant 32 : i32
    %mul3A_637 = arith.muli %arg0, %mul3A_636 : i32
    %add3A_638 = arith.constant 29 : i32
    %add3A_639 = arith.addi %mul3A_637, %add3A_638 : i32
    %mul3A_640 = arith.constant 16 : i32
    %mul3A_641 = arith.muli %add3A_639, %mul3A_640 : i32
    %get3A_642 = arith.index_cast %mul3A_641 : i32 to index
    %get3A_643 = memref.load %arg1[%get3A_642] : memref<16384xi32, #tpu.memory_space<smem>>
    %mul3A_644 = arith.constant 128 : i32
    %mul3A_645 = arith.muli %get3A_643, %mul3A_644 : i32
    %get3A_646 = arith.index_cast %mul3A_645 : i32 to index
    %get3A_647 = arith.constant 0 : index
    %get3A_648 = vector.load %arg4[%get3A_646, %get3A_647] : memref<1152x112xf32, #tpu.memory_space<vmem>>, vector<128x112xf32>
    %get3A_649 = arith.constant 29 : index
    %get3A_650 = arith.constant 0 : index
    %get3A_651 = arith.constant 0 : index
    %get3A_652 = vector.load %arg2[%get3A_649, %get3A_650, %get3A_651] : memref<32x128x112xf32, #tpu.memory_space<vmem>>, vector<1x128x112xf32>
    %get3A_653 = vector.shape_cast %get3A_652 : vector<1x128x112xf32> to vector<128x112xf32>
    %add3A_654 = arith.addf %get3A_648, %get3A_653 : vector<128x112xf32>
    %swap3A_655 = arith.index_cast %mul3A_645 : i32 to index
    %swap3A_656 = arith.constant 0 : index
    %swap3A_657 = vector.load %arg4[%swap3A_655, %swap3A_656] : memref<1152x112xf32, #tpu.memory_space<vmem>>, vector<128x112xf32>
    tpu.vector_store %arg4[%swap3A_655, %swap3A_656], %add3A_654 {strides = array<i32>} : memref<1152x112xf32, #tpu.memory_space<vmem>>, vector<128x112xf32>,
    %mul3A_658 = arith.constant 32 : i32
    %mul3A_659 = arith.muli %arg0, %mul3A_658 : i32
    %add3A_660 = arith.constant 30 : i32
    %add3A_661 = arith.addi %mul3A_659, %add3A_660 : i32
    %mul3A_662 = arith.constant 16 : i32
    %mul3A_663 = arith.muli %add3A_661, %mul3A_662 : i32
    %get3A_664 = arith.index_cast %mul3A_663 : i32 to index
    %get3A_665 = memref.load %arg1[%get3A_664] : memref<16384xi32, #tpu.memory_space<smem>>
    %mul3A_666 = arith.constant 128 : i32
    %mul3A_667 = arith.muli %get3A_665, %mul3A_666 : i32
    %get3A_668 = arith.index_cast %mul3A_667 : i32 to index
    %get3A_669 = arith.constant 0 : index
    %get3A_670 = vector.load %arg4[%get3A_668, %get3A_669] : memref<1152x112xf32, #tpu.memory_space<vmem>>, vector<128x112xf32>
    %get3A_671 = arith.constant 30 : index
    %get3A_672 = arith.constant 0 : index
    %get3A_673 = arith.constant 0 : index
    %get3A_674 = vector.load %arg2[%get3A_671, %get3A_672, %get3A_673] : memref<32x128x112xf32, #tpu.memory_space<vmem>>, vector<1x128x112xf32>
    %get3A_675 = vector.shape_cast %get3A_674 : vector<1x128x112xf32> to vector<128x112xf32>
    %add3A_676 = arith.addf %get3A_670, %get3A_675 : vector<128x112xf32>
    %swap3A_677 = arith.index_cast %mul3A_667 : i32 to index
    %swap3A_678 = arith.constant 0 : index
    %swap3A_679 = vector.load %arg4[%swap3A_677, %swap3A_678] : memref<1152x112xf32, #tpu.memory_space<vmem>>, vector<128x112xf32>
    tpu.vector_store %arg4[%swap3A_677, %swap3A_678], %add3A_676 {strides = array<i32>} : memref<1152x112xf32, #tpu.memory_space<vmem>>, vector<128x112xf32>,
    %mul3A_680 = arith.constant 32 : i32
    %mul3A_681 = arith.muli %arg0, %mul3A_680 : i32
    %add3A_682 = arith.constant 31 : i32
    %add3A_683 = arith.addi %mul3A_681, %add3A_682 : i32
    %mul3A_684 = arith.constant 16 : i32
    %mul3A_685 = arith.muli %add3A_683, %mul3A_684 : i32
    %get3A_686 = arith.index_cast %mul3A_685 : i32 to index
    %get3A_687 = memref.load %arg1[%get3A_686] : memref<16384xi32, #tpu.memory_space<smem>>
    %mul3A_688 = arith.constant 128 : i32
    %mul3A_689 = arith.muli %get3A_687, %mul3A_688 : i32
    %get3A_690 = arith.index_cast %mul3A_689 : i32 to index
    %get3A_691 = arith.constant 0 : index
    %get3A_692 = vector.load %arg4[%get3A_690, %get3A_691] : memref<1152x112xf32, #tpu.memory_space<vmem>>, vector<128x112xf32>
    %get3A_693 = arith.constant 31 : index
    %get3A_694 = arith.constant 0 : index
    %get3A_695 = arith.constant 0 : index
    %get3A_696 = vector.load %arg2[%get3A_693, %get3A_694, %get3A_695] : memref<32x128x112xf32, #tpu.memory_space<vmem>>, vector<1x128x112xf32>
    %get3A_697 = vector.shape_cast %get3A_696 : vector<1x128x112xf32> to vector<128x112xf32>
    %add3A_698 = arith.addf %get3A_692, %get3A_697 : vector<128x112xf32>
    %swap3A_699 = arith.index_cast %mul3A_689 : i32 to index
    %swap3A_700 = arith.constant 0 : index
    %swap3A_701 = vector.load %arg4[%swap3A_699, %swap3A_700] : memref<1152x112xf32, #tpu.memory_space<vmem>>, vector<128x112xf32>
    tpu.vector_store %arg4[%swap3A_699, %swap3A_700], %add3A_698 {strides = array<i32>} : memref<1152x112xf32, #tpu.memory_space<vmem>>, vector<128x112xf32>,
    return
  }
  func.func @transform_0(%arg0: i32, %arg1: memref<16384xi32, #tpu.memory_space<smem>>) -> (i32, i32, i32) {
    %c0_i32 = arith.constant 0 : i32
    %c0_i32_0 = arith.constant 0 : i32
    %c0_i32_1 = arith.constant 0 : i32
    return %arg0, %c0_i32, %c0_i32_0 : i32, i32, i32
  }
  func.func @transform_1(%arg0: i32, %arg1: memref<16384xi32, #tpu.memory_space<smem>>) -> (i32, i32) {
    %c0_i32 = arith.constant 0 : i32
    %c0_i32_0 = arith.constant 0 : i32
    %c0_i32_1 = arith.constant 0 : i32
    return %c0_i32, %c0_i32_0 : i32, i32
  }
  func.func @transform_2(%arg0: i32, %arg1: memref<16384xi32, #tpu.memory_space<smem>>) -> (i32, i32) {
    %c0_i32 = arith.constant 0 : i32
    %c0_i32_0 = arith.constant 0 : i32
    %c0_i32_1 = arith.constant 0 : i32
    return %c0_i32, %c0_i32_0 : i32, i32
  }
}

</mosaic_0001>

<sc_bundles>
// kernel: kernel.11.cloned.1.call-start
scs
__scs_entry_jumppad:
0x0: {  	(pc) =	sbr.rel $0x88, $3  }
0x1: {  	(tag) =	ssettag $0x0;
	lr =	simm.s32 $0x1  }
0x2: {  	[smem:$0x3F96] =	sst lr;
	_ =	strace $0xD0000000  }
0x3: {  	_ = 	snop  }
0x4: {  	_ = 	snop  }
0x5: {  	_ = 	snop  }
0x6: {  	_ = 	snop  }
0x7: {  	_ = 	snop  }
__scs_overlays_trampoline_lowered:
0x8: {  	[smem:$0x3FA5] =	sst s0  }
0x9: {  	[smem:$0x3FA6] =	sst s1  }
0xa: {  	[smem:$0x3FA7] =	sst s2  }
0xb: {  	[smem:$0x3FA8] =	sst s3  }
0xc: {  	[smem:$0x3FA9] =	sst s4  }
0xd: {  	[smem:$0x3FAA] =	sst s5  }
0xe: {  	[smem:$0x3FAB] =	sst s6  }
0xf: {  	[smem:$0x3FAC] =	sst s7  }
0x10: {  	[smem:$0x3FAD] =	sst s8  }
0x11: {  	[smem:$0x3FAE] =	sst s9;
	s0 =	simm.s32 @!p0 $0x0  }
0x12: {  	s1 =	sld [smem:$0x3F94];
	s0 =	simm.s32 @p0 $0x1  }
0x13: {  	[smem:$0x3FAF] =	sst s0;
	s0 =	simm.s32 @!p1 $0x0  }
0x14: {  	s2 =	sld [smem:$0x3F93];
	s0 =	simm.s32 @p1 $0x1  }
0x15: {  	[smem:$0x3FB0] =	sst s0;
	s0 =	simm.s32 @!p2 $0x0  }
0x16: {  	s3 =	sld [smem:$0x3FDB];
	s0 =	simm.s32 @p2 $0x1  }
0x17: {  	s4 =	simm.s32 $0x1BF5;
	[smem:$0x3FB2] =	sst s0  }
0x18: {  	s0 =	sld [smem:$0x3F95];
	_ =	swait.ge [sflag:s4], $0x0  }
0x19: {  	s7 =	sld [smem:$0x3F96]  }
0x1a: {  	s8 =	sadd.s32 $0xFFFFE003, lr  }
0x1b: {  	s9 =	sadd.s32 $0xFFFFFEF7, lr;
	s5 =	simm.s32 $0xFFFFFFFF;
	p2 =	slt.u32 s8, $0xFFFFF086  }
0x1c: {  	p1 =	slt.u32 s9, $0xF7A;
	s5 =	simm.s32 @!p2 $0x0  }
0x1d: {  	s5 =	simm.s32 @p1 $0x1;
	p0 =	seq.s32 s7, s2  }
0x1e: {  	s7 =	smul.u32 @!p0 $0xF7A, s2;
	p2 =	seq.s32 @!p0 s5, $0x0  }
0x1f: {  	s9 =	smul.u32 $0xF7A, s1;
	s8 =	simm.s32 @!p0 $0x1BF5;
	p2 =	por !p2, p0  }
0x20: {  	[sflag:s8] =	ssyncset.s32 @!p0 $0xFFFFF086;
	s6 =	sadd.s32 @!p0 s3, s7;
	s7 =	simm.s32 @!p0 $0x108  }
0x21: {  	s3 =	sadd.s32 s3, s9;
	s6 =	sadd.s32 @!p0 $0x88, s6;
	s7 =	simm.s32 @p2 $0x1082  }
0x22: {  	[simem:s7], [sflag:s8] =	dma.local @!p0 [hbm:s6], $0xF7A  }
0x23: {  	s9 =	sor.u32 $0xD0000000, s2;
	s6 =	simm.s32 $0x108;
	_ =	swait.ge @!p0 [sflag:s8], $0x0  }
0x24: {  	s3 =	sadd.s32 $0x88, s3;
	s6 =	simm.s32 @!p1 $0x1082;
	[sflag:s4] =	ssyncset.s32 $0xFFFFF086  }
0x25: {  	[simem:s6], [sflag:s4] =	dma.local [hbm:s3], $0xF7A  }
0x26: {  	[smem:$0x3F96] =	sst s1;
	(tag) =	ssettag s2;
	_ =	strace s9  }
0x27: {  	s1 =	sld [smem:$0x3FA6]  }
0x28: {  	s2 =	sld [smem:$0x3FA7]  }
0x29: {  	s4 =	sld [smem:$0x3FA9]  }
0x2a: {  	p0 =	seq.s32 s5, $0x0;
	s5 =	sld [smem:$0x3FAA]  }
0x2b: {  	s6 =	sld [smem:$0x3FAB]  }
0x2c: {  	s7 =	sld [smem:$0x3FAC]  }
0x2d: {  	s3 =	simm.s32 $0x108;
	s8 =	sld [smem:$0x3FAD]  }
0x2e: {  	s3 =	simm.s32 @!p0 $0x1082;
	s9 =	sld [smem:$0x3FAE]  }
0x2f: {  	lr =	sadd.s32 s0, s3;
	s0 =	sld [smem:$0x3FA5]  }
0x30: {  	s3 =	sld [smem:$0x3FA8]  }
0x31: {  	[smem:$0x3FB1] =	sst s10  }
0x32: {  	s10 =	sld [smem:$0x3FAF];
	_ =	sdelay $0x3  }
0x33: {  	p0 =	seq.s32 s10, $0x1;
	s10 =	sld [smem:$0x3FB1];
	_ =	sdelay $0x3  }
0x34: {  	[smem:$0x3FB1] =	sst s10  }
0x35: {  	s10 =	sld [smem:$0x3FB0];
	_ =	sdelay $0x3  }
0x36: {  	p1 =	seq.s32 s10, $0x1;
	s10 =	sld [smem:$0x3FB1];
	_ =	sdelay $0x3  }
0x37: {  	[smem:$0x3FB1] =	sst s10  }
0x38: {  	s10 =	sld [smem:$0x3FB2]  }
0x39: {  	_ = 	snop;
	(pc) =	sbr.ind lr, $3  }
0x3a: {  	_ = 	snop  }
0x3b: {  	_ = 	snop  }
0x3c: {  	p2 =	seq.s32 s10, $0x1;
	s10 =	sld [smem:$0x3FB1]  }
0x3d: {  	_ =	shalt  }
0x3e: {  	_ =	shalt  }
0x3f: {  	_ =	shalt  }
0x40: {  	_ =	shalt  }
0x41: {  	_ =	shalt  }
0x42: {  	_ =	shalt  }
0x43: {  	_ =	shalt  }
0x44: {  	_ =	shalt  }
0x45: {  	_ =	shalt  }
0x46: {  	_ =	shalt  }
0x47: {  	_ =	shalt  }
0x48: {  	_ =	shalt  }
0x49: {  	_ =	shalt  }
0x4a: {  	_ =	shalt  }
0x4b: {  	_ =	shalt  }
0x4c: {  	_ =	shalt  }
0x4d: {  	_ =	shalt  }
0x4e: {  	_ =	shalt  }
0x4f: {  	_ =	shalt  }
0x50: {  	_ =	shalt  }
0x51: {  	_ =	shalt  }
0x52: {  	_ =	shalt  }
0x53: {  	_ =	shalt  }
0x54: {  	_ =	shalt  }
0x55: {  	_ =	shalt  }
0x56: {  	_ =	shalt  }
0x57: {  	_ =	shalt  }
0x58: {  	_ =	shalt  }
0x59: {  	_ =	shalt  }
0x5a: {  	_ =	shalt  }
0x5b: {  	_ =	shalt  }
0x5c: {  	_ =	shalt  }
0x5d: {  	_ =	shalt  }
0x5e: {  	_ =	shalt  }
0x5f: {  	_ =	shalt  }
0x60: {  	_ =	shalt  }
0x61: {  	_ =	shalt  }
0x62: {  	_ =	shalt  }
0x63: {  	_ =	shalt  }
0x64: {  	_ =	shalt  }
0x65: {  	_ =	shalt  }
0x66: {  	_ =	shalt  }
0x67: {  	_ =	shalt  }
0x68: {  	_ =	shalt  }
0x69: {  	_ =	shalt  }
0x6a: {  	_ =	shalt  }
0x6b: {  	_ =	shalt  }
0x6c: {  	_ =	shalt  }
0x6d: {  	_ =	shalt  }
0x6e: {  	_ =	shalt  }
0x6f: {  	_ =	shalt  }
0x70: {  	_ =	shalt  }
0x71: {  	_ =	shalt  }
0x72: {  	_ =	shalt  }
0x73: {  	_ =	shalt  }
0x74: {  	_ =	shalt  }
0x75: {  	_ =	shalt  }
0x76: {  	_ =	shalt  }
0x77: {  	_ =	shalt  }
0x78: {  	_ =	shalt  }
0x79: {  	_ =	shalt  }
0x7a: {  	_ =	shalt  }
0x7b: {  	_ =	shalt  }
0x7c: {  	_ =	shalt  }
0x7d: {  	_ =	shalt  }
0x7e: {  	_ =	shalt  }
0x7f: {  	_ =	shalt  }
0x80: {  	_ =	shalt  }
0x81: {  	_ =	shalt  }
0x82: {  	_ =	shalt  }
0x83: {  	_ =	shalt  }
0x84: {  	_ =	shalt  }
0x85: {  	_ =	shalt  }
0x86: {  	_ =	shalt  }
0x87: {  	_ =	shalt  }
.Lfunc_end0:
.L_simem_size_0:
called_computation.1_lowered:
.L_overlay_start_0:
0x88: {  	s2 =	sld [smem:$0x3FD9]  }
0x89: {  	s3 =	sld [smem:$0x3FFE];
	_ =	sdelay $0x1  }
0x8a: {  	s1 =	srdreg.scid  }
0x8b: {  	s0 =	sand.u32 $0x1, s1  }
0x8c: {  	s17 =	sshll.u32 s0, $0xA;
	s2 =	sadd.s32 s3, s2  }
0x8d: {  	s2 =	sadd.s32 s2, s17  }
0x8e: {  	[smem:$0x3FBD] =	sst s2  }
0x8f: {  	_ = 	snop  }
0x90: {  	(tm) =	ssettm $0x1  }
0x91: {  	s18 =	sld [smem:$0x3FFB];
	_ =	sdelay $0x3  }
0x92: {  	_ =	strace s18  }
0x93: {  	s2 =	sld [smem:$0x3FFC];
	_ =	sdelay $0x3  }
0x94: {  	_ =	strace s2  }
0x95: {  	s2 =	sld [smem:$0x3FFD];
	_ =	sdelay $0x3  }
0x96: {  	_ =	strace s2  }
0x97: {  	_ =	strace $0x8FFFFFFF  }
0x98: {  	s19 =	sld [smem:$0x3FDB];
	_ =	sdelay $0x1  }
0x99: {  	s20 =	simm.s32 $_scs_section_size  }
0x9a: {  	s4 =	simm.s32 $_size__tile_overlayer_lowered;
	s5 =	simm.s32 $_tile_overlayer_lowered  }
0x9b: {  	s6 =	simm.s32 $0x1BFF;
	s21 =	sshll.u32 s5, $0x1;
	s3 =	sadd.s32 s20, s19  }
0x9c: {  	s22 =	simm.s32 $0x0;
	s4 =	sshll.u32 s4, $0x1;
	s5 =	sadd.s32 s21, s3  }
0x9d: {  	[timem:s22], [sflag:s6] =	dma.local [hbm:s5], s4  }
0x9e: {  	_ =	swait.ge [sflag:s6], s4  }
0x9f: {  	s4 =	ssub.s32 $0x0, s4;
	[sflag:s6] =	ssyncset.done $0x0  }
0xa0: {  	[sflag:s6] =	ssyncadd.s32 s4;
	_ =	sdelay $0x1  }
0xa1: {  	s23 =	simm.s32 $0x1B8B  }
0xa2: {  	_ =	swait.ge [sflag:s23], $0x1  }
0xa3: {  	[sflag:s23] =	ssyncset.done $0x0  }
0xa4: {  	[sflag:s23] =	ssyncadd.s32 $0xFFFFFFFF  }
0xa5: {  	s4 =	sld [smem:$0x0]  }
0xa6: {  	s5 =	sand.u32 $0xFFFFFFFE, s1  }
0xa7: {  	p0 =	sne.s32 s1, s5  }
0xa8: {  	s5 =	sshll.u32 @p0 s5, $0xE  }
0xa9: {  	s5 =	sadd.s32 @p0 $0x11B8D, s5;
	s6 =	sshll.u32 @p0 s4, $0x11  }
0xaa: {  	s5 =	sor.u32 @p0 s6, s5  }
0xab: {  	[sflag:s5] =	ssyncadd.remote.s32 @p0 $0x1;
	_ =	sdelay $0x1  }
0xac: {  	s5 =	simm.s32 @p0 $0x1B8D  }
0xad: {  	_ =	swait.eq @p0 [sflag:s5], $0x1  }
0xae: {  	[sflag:s5] =	ssyncadd.s32 @p0 $0xFFFFFFFF  }
0xaf: {  	s6 =	sshll.u32 @!p0 s1, $0xE  }
0xb0: {  	s6 =	sor.u32 @!p0 $0x4000, s6;
	s5 =	simm.s32 @!p0 $0x1B8D  }
0xb1: {  	s4 =	sshll.u32 @!p0 s4, $0x11;
	s6 =	sadd.s32 @!p0 $0x11B8D, s6;
	_ =	swait.eq @!p0 [sflag:s5], $0x1  }
0xb2: {  	s4 =	sor.u32 @!p0 s4, s6;
	[sflag:s5] =	ssyncadd.s32 @!p0 $0xFFFFFFFF  }
0xb3: {  	s25 =	simm.s32 $0x1B8E;
	s24 =	sld [smem:$0x3FFE];
	[sflag:s4] =	ssyncadd.remote.s32 @!p0 $0x1  }
0xb4: {  	s26 =	simm.s32 $execute0_lowered;
	[smem:$0x3FD2] =	sst s25  }
0xb5: {  	s5 =	sshll.u32 s26, $0x1;
	_ =	strace $0x80000049;
	[dreg:$0x1] =	wrdreg $0xFFFFFFFF  }
0xb6: {  	s28 =	simm.s32 $_size_execute0_lowered;
	s3 =	sadd.s32 s3, s5;
	[dreg:$0x0] =	wrdreg $0x0  }
0xb7: {  	s5 =	sshll.u32 s28, $0x1;
	[dreg:$0x2] =	wrdreg s3  }
0xb8: {  	[dreg:$0x3] =	wrdreg s5  }
0xb9: {  	[dreg:$0x4] =	wrdreg $0xC0  }
0xba: {  	_ =	task [dreg:s22], $0x5FFFF  }
0xbb: {  	[dreg:$0x1] =	wrdreg $0xFFFFFFFF  }
0xbc: {  	[dreg:$0x0] =	wrdreg $0x60  }
0xbd: {  	[dreg:$0x2] =	wrdreg s24  }
0xbe: {  	[dreg:$0x3] =	wrdreg $0xA  }
0xbf: {  	_ =	task.clear_ibuf [dreg:s22], $0x4FFFF;
	_ =	strace $0x90000049  }
0xc0: {  	s29 =	simm.s32 $0xA;
	_ =	strace $0x8000004B  }
0xc1: {  	_ =	swait.ge [sflag:s29], $0x1  }
0xc2: {  	[sflag:s29] =	ssyncadd.s32 $0xFFFFFFFF  }
0xc3: {  	_ =	strace $0x9000004B  }
0xc4: {  	_ =	sfence  }
0xc5: {  	s30 =	sld [smem:$0x0];
	_ =	sdelay $0x2  }
0xc6: {  	s31 =	sshll.u32 s1, $0xD;
	s1 =	sshrl.u32 s1, $0x2  }
0xc7: {  	s4 =	sand.u32 $0x4000, s31;
	s1 =	sadd.s32 s1, s30  }
0xc8: {  	s0 =	sor.u32 s4, s0;
	s1 =	sshll.u32 s1, $0x11  }
0xc9: {  	s0 =	sor.u32 s1, s0  }
0xca: {  	s0 =	sadd.s32 $0x8F2B, s0  }
0xcb: {  	[sflag:s0] =	ssyncadd.remote.s32 $0x1  }
0xcc: {  	_ =	sfence.sel $0xFFFF  }
0xcd: {  	[dreg:$0x0] =	wrdreg $0xFFFFFFFF;
	(pc) =	sbr.abs _section_cstart, $3  }
0xce: {  	[dreg:$0x1] =	wrdreg $0xFFFFFFFF  }
0xcf: {  	_ =	task.clear_ibuf [dreg:s22], $0x2FFFF;
	_ =	strace $0x9FFFFFFF  }
0xd0: {  	(tm) =	ssettm $0x7FFFFFFF  }
0xd1: {  	_ =	shalt  }
tec
execute0_lowered:
.L_overlay_start_1:
0x0: {  	(tag) =	ssettag $0x1  }
0x1: {  	s0 =	rddreg [dreg:$0x0];
	s2 =	simm.s32 $0x0;
	s1 =	srdreg.scid  }
0x2: {  	s3 =	stileid.u32;
	[smem:$0x7FF] =	sst s2  }
0x3: {  	s1 =	sand.u32 $0x1, s1;
	s3 =	sshll.u32 s3, $0x1;
	s6 =	sadd.s32 $0x6BBE00, s0  }
0x4: {  	s10 =	sadd.s32 $0x340C00, s0;
	s4 =	sadd.s32 $0x7F7E00, s0;
	s7 =	sor.u32 s1, s3  }
0x5: {  	s5 =	sadd.s32 $0x343400, s0;
	s1 =	ssub.s32 $0x2, s1;
	s11 =	smul.u32 $0x9E0, s7  }
0x6: {  	_ =	strace $0x8000004A;
	s8 =	smul.u32 $0x9E00, s7;
	s20 =	sshrl.u32 s1, $0x1  }
0x7: {  	s3 =	sadd.s32 $0x3C00, s0;
	s9 =	sshll.u32 s7, $0xC;
	s0 =	ssub.s32 s1, s20  }
0x8: {  	s21 =	sadd.s32 s6, s8;
	s22 =	sshrl.u32 s11, $0x3;
	s8 =	sshll.u32 s7, $0x13  }
0x9: {  	s23 =	sadd.s32 $0x278, s11;
	s13 =	sadd.s32 $0x4F0, s11;
	s31 =	sadd.s32 $0x768, s11  }
0xa: {  	s7 =	sshll.u32 s7, $0x9;
	s0 =	smax.u32 s0, $0x1;
	[dreg:$0x2] =	wrdreg s21  }
0xb: {  	s1 =	sadd.s32 s10, s22;
	s12 =	sshll.u32 s23, $0x4;
	[dreg:$0x12] =	wrdreg s0  }
0xc: {  	s24 =	sshll.u32 s13, $0x4;
	[dreg:$0x3] =	wrdreg s1;
	s12 =	sadd.s32 s6, s12  }
0xd: {  	s11 =	sshll.u32 s31, $0x4;
	s25 =	sadd.s32 s6, s24;
	[dreg:$0x4] =	wrdreg s12  }
0xe: {  	s14 =	sadd.s32 s5, s7;
	s6 =	sadd.s32 s6, s11;
	[dreg:$0x6] =	wrdreg s25  }
0xf: {  	s7 =	sadd.s32 $0x10, s14;
	[dreg:$0x8] =	wrdreg s6  }
0x10: {  	s11 =	sadd.s32 $0x30, s14;
	[dreg:$0xa] =	wrdreg s7  }
0x11: {  	s26 =	sshrl.u32 s13, $0x3;
	s13 =	sadd.s32 $0x50, s14;
	[dreg:$0xc] =	wrdreg s11  }
0x12: {  	s15 =	sadd.s32 $0x60, s14;
	[dreg:$0xe] =	wrdreg s13  }
0x13: {  	s16 =	sadd.s32 $0x70, s14;
	[dreg:$0xf] =	wrdreg s15  }
0x14: {  	s17 =	sadd.s32 $0x80, s14;
	[dreg:$0x10] =	wrdreg s16  }
0x15: {  	s18 =	sadd.s32 $0x90, s14;
	[dreg:$0x11] =	wrdreg s17  }
0x16: {  	s19 =	sadd.s32 $0xA0, s14;
	[dreg:$0x13] =	wrdreg s18  }
0x17: {  	s20 =	sadd.s32 $0xB0, s14;
	[dreg:$0x14] =	wrdreg s19  }
0x18: {  	s28 =	simm.s32 $0x13C00;
	s21 =	sadd.s32 $0xC0, s14;
	[dreg:$0x15] =	wrdreg s20  }
0x19: {  	s29 =	simm.s32 $0x17F00;
	s22 =	sadd.s32 $0xD0, s14;
	[dreg:$0x16] =	wrdreg s21  }
0x1a: {  	s1 =	sshrl.u32 s23, $0x3;
	s23 =	sadd.s32 $0xE0, s14;
	[dreg:$0x17] =	wrdreg s22  }
0x1b: {  	s30 =	simm.s32 $0x0;
	s24 =	sadd.s32 $0xF0, s14;
	[dreg:$0x18] =	wrdreg s23  }
0x1c: {  	s1 =	sadd.s32 s10, s1;
	s12 =	sadd.s32 $0x40, s14;
	[dreg:$0x19] =	wrdreg s24  }
0x1d: {  	s25 =	sadd.s32 $0x100, s14;
	s20 =	sadd.s32 $0x130, s14;
	s6 =	sadd.s32 $0x140, s14  }
0x1e: {  	s7 =	sadd.s32 $0x150, s14;
	s21 =	sadd.s32 $0x160, s14;
	s11 =	sadd.s32 $0x180, s14  }
0x1f: {  	s13 =	sadd.s32 $0x1A0, s14;
	s22 =	sadd.s32 $0x1B0, s14;
	[dreg:$0x5] =	wrdreg s1  }
0x20: {  	s15 =	sadd.s32 $0x1C0, s14;
	s16 =	sadd.s32 $0x1D0, s14;
	[dreg:$0xd] =	wrdreg s12  }
0x21: {  	s23 =	sadd.s32 $0x1E0, s14;
	s1 =	sadd.s32 s10, s26;
	[dreg:$0x1a] =	wrdreg s25  }
0x22: {  	s24 =	sadd.s32 $0x1F0, s14;
	s26 =	sadd.s32 $0x110, s14;
	[dreg:$0x7] =	wrdreg s1  }
0x23: {  	s1 =	sshrl.u32 s31, $0x3;
	[dreg:$0x1b] =	wrdreg s26;
	s31 =	sadd.s32 $0x120, s14  }
0x24: {  	s12 =	sadd.s32 $0x190, s14;
	s1 =	sadd.s32 s10, s1;
	[dreg:$0x1c] =	wrdreg s31  }
0x25: {  	s25 =	simm.s32 $0x1;
	s10 =	sadd.s32 $0x20, s14;
	[dreg:$0x9] =	wrdreg s1  }
0x26: {  	v0 =	vimm.s32 $0x8;
	s26 =	simm.s32 $0x13F00;
	[dreg:$0xb] =	wrdreg s10;
	s10 =	sadd.s32 $0x170, s14  }
.LBB2_1:
0x27: {  	[tilespmem:s26], [sflag:$0x1] =	stream.linear.gather [hbm4b:s3+s2], $0x4000, $0x38;
	[tilespmem:$0x17F80] =	vst v63  }
0x28: {  	_ =	swait.ge [sflag:s25], $0x4000  }
0x29: {  	[sflag:s25] =	ssyncset.done $0x0  }
0x2a: {  	s0 =	rddreg [dreg:$0x2];
	[sflag:s25] =	ssyncadd.s32 $0xFFFFC000  }
0x2b: {  	[tilespmem:s2], [sflag:$0x1] =	stream.linear.gather [hbm4b:s0+s2], $0x13C00, $0x38;
	[tilespmem:$0x17F80] =	vst v63  }
0x2c: {  	_ =	swait.ge [sflag:s25], $0x13C00  }
0x2d: {  	[sflag:s25] =	ssyncset.done $0x0  }
0x2e: {  	s17 =	rddreg [dreg:$0x3];
	[sflag:s25] =	ssyncadd.s32 $0xFFFEC400  }
0x2f: {  	[tilespmem:s28], [sflag:$0x1] =	stream.linear.gather [hbm4b:s17+s2], $0x278, $0x38;
	[tilespmem:$0x17F80] =	vst v63  }
0x30: {  	_ =	swait.ge [sflag:s25], $0x278  }
0x31: {  	[sflag:s25] =	ssyncset.done $0x0  }
0x32: {  	[sflag:s25] =	ssyncadd.s32 $0xFFFFFD88  }
0x33: {  	v1 =	vld [tilespmem:$0x13C00];
	_ =	sdelay $0x4  }
0x34: {  	(v2sf) =	vpush v1, $0x0;
	_ =	sdelay $0xe  }
0x35: {  	s18 =	spop (v2sf)  }
0x36: {  	s1 =	sand.u32 $0x7F, s18  }
0x37: {  	s17 =	sshra.s32 s18, $0x1F;
	p0 =	slt.s32 s18, $0x1;
	p1 =	sne.s32 s1, $0x0  }
0x38: {  	s19 =	sshrl.u32 s17, $0x19;
	s1 =	simm.s32 $0x1;
	p0 =	por !p0, !p1  }
.Ltmp0:
0x39: {  	s0 =	sadd.s32 s19, s18;
	p0 =	por !p0, !p0;
	(pc) =	sbr.rel .LBB2_2-.Ltmp0, $4  }
0x3a: {  	s0 =	sshra.s32 s0, $0x7;
	s1 =	simm.s32 @!p0 $0x0  }
0x3b: {  	s0 =	ssub.s32 s0, s1  }
0x3c: {  	v1 =	vmov s0  }
0x3d: {  	s31 =	simm.s32 $0x0;
	s17 =	simm.s32 $0x0;
	s1 =	simm.s32 $0x30;
	[tilespmem:$0x17F00] =	vst v1  }
.LBB2_4:
0x3e: {  	v1 =	vld [tilespmem:s1+$0xFFFFFFD0];
	_ =	sdelay $0x2  }
0x3f: {  	s19 =	sshll.u32 s0, $0xE;
	s18 =	sshll.u32 s18, $0x7  }
0x40: {  	s18 =	ssub.s32 s18, s19  }
0x41: {  	[tilespmem:s18+$0x13F00] =	vst.add.f32.msk $0xffff, v1  }
0x42: {  	v1 =	vld [tilespmem:s1+$0xFFFFFFE0];
	_ =	sdelay $0x4  }
0x43: {  	[tilespmem:s18+$0x13F10] =	vst.add.f32.msk $0xffff, v1  }
0x44: {  	v1 =	vld [tilespmem:s1+$0xFFFFFFF0];
	_ =	sdelay $0x4  }
0x45: {  	[tilespmem:s18+$0x13F20] =	vst.add.f32.msk $0xffff, v1  }
0x46: {  	v1 =	vld [tilespmem:s1+$0x0];
	_ =	sdelay $0x4  }
0x47: {  	[tilespmem:s18+$0x13F30] =	vst.add.f32.msk $0xffff, v1  }
0x48: {  	v1 =	vld [tilespmem:s1+$0x10];
	_ =	sdelay $0x4  }
0x49: {  	[tilespmem:s18+$0x13F40] =	vst.add.f32.msk $0xffff, v1  }
0x4a: {  	v1 =	vld [tilespmem:s1+$0x20];
	_ =	sdelay $0x4  }
0x4b: {  	s17 =	sadd.s32 $0x4, s17;
	[tilespmem:s18+$0x13F50] =	vst.add.f32.msk $0xffff, v1  }
0x4c: {  	p0 =	sne.s32 s17, $0x9E0;
	v1 =	vld [tilespmem:s1+$0x30]  }
.Ltmp1:
0x4d: {  	_ = 	snop;
	(pc) =	sbr.rel @!p0 .LBB2_5-.Ltmp1, $2  }
0x4e: {  	_ =	sdelay $0x2  }
0x4f: {  	s1 =	sadd.s32 $0x80, s1;
	[tilespmem:s18+$0x13F60] =	vst.add.f32.msk $0xffff, v1  }
.LBB2_2:
0x50: {  	s18 =	sshra.s32 s17, $0x2  }
0x51: {  	v1 =	vld [tilespmem:s18+$0x13C00];
	_ =	sdelay $0x4  }
0x52: {  	(v2sf) =	vpush v1, $0x0;
	_ =	sdelay $0xe  }
0x53: {  	s19 =	sshll.u32 s0, $0x7;
	s18 =	spop (v2sf)  }
0x54: {  	p0 =	slt.s32 s18, s19;
	s19 =	sadd.s32 $0x80, s19  }
0x55: {  	p1 =	slt.s32 @!p0 s18, s19  }
0x56: {  	p0 =	por p0, !p1  }
.Ltmp2:
0x57: {  	_ = 	snop;
	(pc) =	sbr.rel @!p0 .LBB2_4-.Ltmp2, $1  }
0x58: {  	_ =	sdelay $0x3  }
0x59: {  	s0 =	sshll.u32 s31, $0xE  }
0x5a: {  	s0 =	sadd.s32 s8, s0  }
0x5b: {  	s0 =	sshrl.u32 s0, $0x3  }
0x5c: {  	s0 =	sadd.s32 s4, s0  }
0x5d: {  	[hbm4b:s0+s2] =	stream.linear.scatter [tilespmem:s26], [sflag:$0x1], $0x4000, $0x38;
	[tilespmem:$0x17F80] =	vst v63  }
0x5e: {  	s0 =	sshll.u32 s31, $0x7  }
0x5f: {  	s19 =	sand.u32 $0xFFFFFC00, s0  }
0x60: {  	s0 =	sand.u32 $0x380, s0;
	s19 =	sadd.s32 s9, s19  }
0x61: {  	_ =	swait.ge [sflag:s25], $0x4000;
	s0 =	sor.u32 s0, s19  }
0x62: {  	[sflag:s25] =	ssyncset.done $0x0;
	s0 =	sshrl.u32 s0, $0x3  }
0x63: {  	p0 =	slt.s32 s18, $0x1;
	[sflag:s25] =	ssyncadd.s32 $0xFFFFC000;
	s0 =	sadd.s32 s5, s0  }
0x64: {  	[hbm4b:s0+s2] =	stream.linear.scatter [tilespmem:s29], [sflag:$0x1], $0x80, $0x38;
	[tilespmem:$0x17F80] =	vst v63  }
0x65: {  	s19 =	sshra.s32 s18, $0x1F;
	s0 =	sand.u32 $0x7F, s18;
	_ =	swait.ge [sflag:s25], $0x80  }
0x66: {  	s19 =	sshrl.u32 s19, $0x19;
	p1 =	sne.s32 s0, $0x0;
	[sflag:s25] =	ssyncset.done $0x0  }
0x67: {  	s0 =	sadd.s32 s19, s18;
	p0 =	por !p0, !p1;
	[sflag:s25] =	ssyncadd.s32 $0xFFFFFF80  }
0x68: {  	[tilespmem:s26], [sflag:$0x1] =	stream.linear.gather [hbm4b:s3+s2], $0x4000, $0x38;
	[tilespmem:$0x17F80] =	vst v63  }
.Ltmp3:
0x69: {  	s19 =	simm.s32 $0x1;
	p0 =	por !p0, !p0;
	(pc) =	sbr.rel .LBB2_4-.Ltmp3, $4  }
0x6a: {  	s0 =	sshra.s32 s0, $0x7;
	s19 =	simm.s32 @!p0 $0x0;
	_ =	swait.ge [sflag:s25], $0x4000  }
0x6b: {  	s0 =	ssub.s32 s0, s19;
	[sflag:s25] =	ssyncset.done $0x0  }
0x6c: {  	v1 =	vmov s0;
	[sflag:s25] =	ssyncadd.s32 $0xFFFFC000  }
0x6d: {  	s31 =	sadd.s32 $0x1, s31;
	[tilespmem:$0x17F00] =	vst v1  }
.LBB2_5:
0x6e: {  	s1 =	simm.s32 $0x0;
	s17 =	rddreg [dreg:$0x4]  }
0x6f: {  	[tilespmem:s1], [sflag:$0x1] =	stream.linear.gather [hbm4b:s17+s1], $0x13C00, $0x38;
	[tilespmem:$0x17F80] =	vst v63  }
0x70: {  	_ =	swait.ge [sflag:s25], $0x13C00  }
0x71: {  	[sflag:s25] =	ssyncset.done $0x0  }
.Ltmp4:
0x72: {  	s19 =	rddreg [dreg:$0x5];
	[sflag:s25] =	ssyncadd.s32 $0xFFFEC400;
	(pc) =	sbr.rel .LBB2_6-.Ltmp4, $4  }
0x73: {  	[tilespmem:s28], [sflag:$0x1] =	stream.linear.gather [hbm4b:s19+s1], $0x278, $0x38;
	[tilespmem:$0x17F80] =	vst v63  }
0x74: {  	_ =	swait.ge [sflag:s25], $0x278  }
0x75: {  	[sflag:s25] =	ssyncset.done $0x0  }
0x76: {  	s17 =	simm.s32 $0x30;
	[sflag:s25] =	ssyncadd.s32 $0xFFFFFD88  }
.LBB2_8:
0x77: {  	v1 =	vld [tilespmem:s17+$0xFFFFFFD0];
	_ =	sdelay $0x2  }
0x78: {  	s19 =	sshll.u32 s0, $0xE;
	s18 =	sshll.u32 s18, $0x7  }
0x79: {  	s18 =	ssub.s32 s18, s19  }
0x7a: {  	[tilespmem:s18+$0x13F00] =	vst.add.f32.msk $0xffff, v1  }
0x7b: {  	v1 =	vld [tilespmem:s17+$0xFFFFFFE0];
	_ =	sdelay $0x4  }
0x7c: {  	[tilespmem:s18+$0x13F10] =	vst.add.f32.msk $0xffff, v1  }
0x7d: {  	v1 =	vld [tilespmem:s17+$0xFFFFFFF0];
	_ =	sdelay $0x4  }
0x7e: {  	[tilespmem:s18+$0x13F20] =	vst.add.f32.msk $0xffff, v1  }
0x7f: {  	v1 =	vld [tilespmem:s17+$0x0];
	_ =	sdelay $0x4  }
0x80: {  	[tilespmem:s18+$0x13F30] =	vst.add.f32.msk $0xffff, v1  }
0x81: {  	v1 =	vld [tilespmem:s17+$0x10];
	_ =	sdelay $0x4  }
0x82: {  	[tilespmem:s18+$0x13F40] =	vst.add.f32.msk $0xffff, v1  }
0x83: {  	v1 =	vld [tilespmem:s17+$0x20];
	_ =	sdelay $0x4  }
0x84: {  	s1 =	sadd.s32 $0x4, s1;
	[tilespmem:s18+$0x13F50] =	vst.add.f32.msk $0xffff, v1  }
0x85: {  	p0 =	sne.s32 s1, $0x9E0;
	v1 =	vld [tilespmem:s17+$0x30]  }
.Ltmp5:
0x86: {  	_ = 	snop;
	(pc) =	sbr.rel @!p0 .LBB2_9-.Ltmp5, $2  }
0x87: {  	_ =	sdelay $0x2  }
0x88: {  	s17 =	sadd.s32 $0x80, s17;
	[tilespmem:s18+$0x13F60] =	vst.add.f32.msk $0xffff, v1  }
.LBB2_6:
0x89: {  	s18 =	sshra.s32 s1, $0x2  }
0x8a: {  	v1 =	vld [tilespmem:s18+$0x13C00];
	_ =	sdelay $0x4  }
0x8b: {  	(v2sf) =	vpush v1, $0x0;
	_ =	sdelay $0xe  }
0x8c: {  	s19 =	sshll.u32 s0, $0x7;
	s18 =	spop (v2sf)  }
0x8d: {  	p0 =	slt.s32 s18, s19;
	s19 =	sadd.s32 $0x80, s19  }
0x8e: {  	p1 =	slt.s32 @!p0 s18, s19  }
0x8f: {  	p0 =	por p0, !p1  }
.Ltmp6:
0x90: {  	_ = 	snop;
	(pc) =	sbr.rel @!p0 .LBB2_8-.Ltmp6, $1  }
0x91: {  	_ =	sdelay $0x3  }
0x92: {  	s0 =	sshll.u32 s31, $0xE  }
0x93: {  	s0 =	sadd.s32 s8, s0  }
0x94: {  	s0 =	sshrl.u32 s0, $0x3  }
0x95: {  	s0 =	sadd.s32 s4, s0  }
0x96: {  	[hbm4b:s0+s2] =	stream.linear.scatter [tilespmem:s26], [sflag:$0x1], $0x4000, $0x38;
	[tilespmem:$0x17F80] =	vst v63  }
0x97: {  	s0 =	sshll.u32 s31, $0x7  }
0x98: {  	s19 =	sand.u32 $0xFFFFFC00, s0  }
0x99: {  	s0 =	sand.u32 $0x380, s0;
	s19 =	sadd.s32 s9, s19  }
0x9a: {  	_ =	swait.ge [sflag:s25], $0x4000;
	s0 =	sor.u32 s0, s19  }
0x9b: {  	[sflag:s25] =	ssyncset.done $0x0;
	s0 =	sshrl.u32 s0, $0x3  }
0x9c: {  	p0 =	slt.s32 s18, $0x1;
	[sflag:s25] =	ssyncadd.s32 $0xFFFFC000;
	s0 =	sadd.s32 s5, s0  }
0x9d: {  	[hbm4b:s0+s2] =	stream.linear.scatter [tilespmem:s29], [sflag:$0x1], $0x80, $0x38;
	[tilespmem:$0x17F80] =	vst v63  }
0x9e: {  	s19 =	sshra.s32 s18, $0x1F;
	s0 =	sand.u32 $0x7F, s18;
	_ =	swait.ge [sflag:s25], $0x80  }
0x9f: {  	s19 =	sshrl.u32 s19, $0x19;
	p1 =	sne.s32 s0, $0x0;
	[sflag:s25] =	ssyncset.done $0x0  }
0xa0: {  	s0 =	sadd.s32 s19, s18;
	p0 =	por !p0, !p1;
	[sflag:s25] =	ssyncadd.s32 $0xFFFFFF80  }
0xa1: {  	[tilespmem:s26], [sflag:$0x1] =	stream.linear.gather [hbm4b:s3+s2], $0x4000, $0x38;
	[tilespmem:$0x17F80] =	vst v63  }
.Ltmp7:
0xa2: {  	s19 =	simm.s32 $0x1;
	p0 =	por !p0, !p0;
	(pc) =	sbr.rel .LBB2_8-.Ltmp7, $4  }
0xa3: {  	s0 =	sshra.s32 s0, $0x7;
	s19 =	simm.s32 @!p0 $0x0;
	_ =	swait.ge [sflag:s25], $0x4000  }
0xa4: {  	s0 =	ssub.s32 s0, s19;
	[sflag:s25] =	ssyncset.done $0x0  }
0xa5: {  	v1 =	vmov s0;
	[sflag:s25] =	ssyncadd.s32 $0xFFFFC000  }
0xa6: {  	s31 =	sadd.s32 $0x1, s31;
	[tilespmem:$0x17F00] =	vst v1  }
.LBB2_9:
0xa7: {  	s1 =	simm.s32 $0x0;
	s17 =	rddreg [dreg:$0x6]  }
0xa8: {  	[tilespmem:s1], [sflag:$0x1] =	stream.linear.gather [hbm4b:s17+s1], $0x13C00, $0x38;
	[tilespmem:$0x17F80] =	vst v63  }
0xa9: {  	_ =	swait.ge [sflag:s25], $0x13C00  }
0xaa: {  	[sflag:s25] =	ssyncset.done $0x0  }
.Ltmp8:
0xab: {  	s19 =	rddreg [dreg:$0x7];
	[sflag:s25] =	ssyncadd.s32 $0xFFFEC400;
	(pc) =	sbr.rel .LBB2_10-.Ltmp8, $4  }
0xac: {  	[tilespmem:s28], [sflag:$0x1] =	stream.linear.gather [hbm4b:s19+s1], $0x278, $0x38;
	[tilespmem:$0x17F80] =	vst v63  }
0xad: {  	_ =	swait.ge [sflag:s25], $0x278  }
0xae: {  	[sflag:s25] =	ssyncset.done $0x0  }
0xaf: {  	s17 =	simm.s32 $0x30;
	[sflag:s25] =	ssyncadd.s32 $0xFFFFFD88  }
.LBB2_12:
0xb0: {  	v1 =	vld [tilespmem:s17+$0xFFFFFFD0];
	_ =	sdelay $0x2  }
0xb1: {  	s19 =	sshll.u32 s0, $0xE;
	s18 =	sshll.u32 s18, $0x7  }
0xb2: {  	s18 =	ssub.s32 s18, s19  }
0xb3: {  	[tilespmem:s18+$0x13F00] =	vst.add.f32.msk $0xffff, v1  }
0xb4: {  	v1 =	vld [tilespmem:s17+$0xFFFFFFE0];
	_ =	sdelay $0x4  }
0xb5: {  	[tilespmem:s18+$0x13F10] =	vst.add.f32.msk $0xffff, v1  }
0xb6: {  	v1 =	vld [tilespmem:s17+$0xFFFFFFF0];
	_ =	sdelay $0x4  }
0xb7: {  	[tilespmem:s18+$0x13F20] =	vst.add.f32.msk $0xffff, v1  }
0xb8: {  	v1 =	vld [tilespmem:s17+$0x0];
	_ =	sdelay $0x4  }
0xb9: {  	[tilespmem:s18+$0x13F30] =	vst.add.f32.msk $0xffff, v1  }
0xba: {  	v1 =	vld [tilespmem:s17+$0x10];
	_ =	sdelay $0x4  }
0xbb: {  	[tilespmem:s18+$0x13F40] =	vst.add.f32.msk $0xffff, v1  }
0xbc: {  	v1 =	vld [tilespmem:s17+$0x20];
	_ =	sdelay $0x4  }
0xbd: {  	s1 =	sadd.s32 $0x4, s1;
	[tilespmem:s18+$0x13F50] =	vst.add.f32.msk $0xffff, v1  }
0xbe: {  	p0 =	sne.s32 s1, $0x9E0;
	v1 =	vld [tilespmem:s17+$0x30]  }
.Ltmp9:
0xbf: {  	_ = 	snop;
	(pc) =	sbr.rel @!p0 .LBB2_13-.Ltmp9, $2  }
0xc0: {  	_ =	sdelay $0x2  }
0xc1: {  	s17 =	sadd.s32 $0x80, s17;
	[tilespmem:s18+$0x13F60] =	vst.add.f32.msk $0xffff, v1  }
.LBB2_10:
0xc2: {  	s18 =	sshra.s32 s1, $0x2  }
0xc3: {  	v1 =	vld [tilespmem:s18+$0x13C00];
	_ =	sdelay $0x4  }
0xc4: {  	(v2sf) =	vpush v1, $0x0;
	_ =	sdelay $0xe  }
0xc5: {  	s19 =	sshll.u32 s0, $0x7;
	s18 =	spop (v2sf)  }
0xc6: {  	p0 =	slt.s32 s18, s19;
	s19 =	sadd.s32 $0x80, s19  }
0xc7: {  	p1 =	slt.s32 @!p0 s18, s19  }
0xc8: {  	p0 =	por p0, !p1  }
.Ltmp10:
0xc9: {  	_ = 	snop;
	(pc) =	sbr.rel @!p0 .LBB2_12-.Ltmp10, $1  }
0xca: {  	_ =	sdelay $0x3  }
0xcb: {  	s0 =	sshll.u32 s31, $0xE  }
0xcc: {  	s0 =	sadd.s32 s8, s0  }
0xcd: {  	s0 =	sshrl.u32 s0, $0x3  }
0xce: {  	s0 =	sadd.s32 s4, s0  }
0xcf: {  	[hbm4b:s0+s2] =	stream.linear.scatter [tilespmem:s26], [sflag:$0x1], $0x4000, $0x38;
	[tilespmem:$0x17F80] =	vst v63  }
0xd0: {  	s0 =	sshll.u32 s31, $0x7  }
0xd1: {  	s19 =	sand.u32 $0xFFFFFC00, s0  }
0xd2: {  	s0 =	sand.u32 $0x380, s0;
	s19 =	sadd.s32 s9, s19  }
0xd3: {  	_ =	swait.ge [sflag:s25], $0x4000;
	s0 =	sor.u32 s0, s19  }
0xd4: {  	[sflag:s25] =	ssyncset.done $0x0;
	s0 =	sshrl.u32 s0, $0x3  }
0xd5: {  	p0 =	slt.s32 s18, $0x1;
	[sflag:s25] =	ssyncadd.s32 $0xFFFFC000;
	s0 =	sadd.s32 s5, s0  }
0xd6: {  	[hbm4b:s0+s2] =	stream.linear.scatter [tilespmem:s29], [sflag:$0x1], $0x80, $0x38;
	[tilespmem:$0x17F80] =	vst v63  }
0xd7: {  	s19 =	sshra.s32 s18, $0x1F;
	s0 =	sand.u32 $0x7F, s18;
	_ =	swait.ge [sflag:s25], $0x80  }
0xd8: {  	s19 =	sshrl.u32 s19, $0x19;
	p1 =	sne.s32 s0, $0x0;
	[sflag:s25] =	ssyncset.done $0x0  }
0xd9: {  	s0 =	sadd.s32 s19, s18;
	p0 =	por !p0, !p1;
	[sflag:s25] =	ssyncadd.s32 $0xFFFFFF80  }
0xda: {  	[tilespmem:s26], [sflag:$0x1] =	stream.linear.gather [hbm4b:s3+s2], $0x4000, $0x38;
	[tilespmem:$0x17F80] =	vst v63  }
.Ltmp11:
0xdb: {  	s19 =	simm.s32 $0x1;
	p0 =	por !p0, !p0;
	(pc) =	sbr.rel .LBB2_12-.Ltmp11, $4  }
0xdc: {  	s0 =	sshra.s32 s0, $0x7;
	s19 =	simm.s32 @!p0 $0x0;
	_ =	swait.ge [sflag:s25], $0x4000  }
0xdd: {  	s0 =	ssub.s32 s0, s19;
	[sflag:s25] =	ssyncset.done $0x0  }
0xde: {  	v1 =	vmov s0;
	[sflag:s25] =	ssyncadd.s32 $0xFFFFC000  }
0xdf: {  	s31 =	sadd.s32 $0x1, s31;
	[tilespmem:$0x17F00] =	vst v1  }
.LBB2_13:
0xe0: {  	s1 =	simm.s32 $0x0;
	s17 =	rddreg [dreg:$0x8]  }
0xe1: {  	[tilespmem:s1], [sflag:$0x1] =	stream.linear.gather [hbm4b:s17+s1], $0x13C00, $0x38;
	[tilespmem:$0x17F80] =	vst v63  }
0xe2: {  	_ =	swait.ge [sflag:s25], $0x13C00  }
0xe3: {  	[sflag:s25] =	ssyncset.done $0x0  }
.Ltmp12:
0xe4: {  	s19 =	rddreg [dreg:$0x9];
	[sflag:s25] =	ssyncadd.s32 $0xFFFEC400;
	(pc) =	sbr.rel .LBB2_14-.Ltmp12, $4  }
0xe5: {  	[tilespmem:s28], [sflag:$0x1] =	stream.linear.gather [hbm4b:s19+s1], $0x278, $0x38;
	[tilespmem:$0x17F80] =	vst v63  }
0xe6: {  	_ =	swait.ge [sflag:s25], $0x278  }
0xe7: {  	[sflag:s25] =	ssyncset.done $0x0  }
0xe8: {  	s17 =	simm.s32 $0x30;
	[sflag:s25] =	ssyncadd.s32 $0xFFFFFD88  }
.LBB2_16:
0xe9: {  	v1 =	vld [tilespmem:s17+$0xFFFFFFD0];
	_ =	sdelay $0x2  }
0xea: {  	s19 =	sshll.u32 s0, $0xE;
	s18 =	sshll.u32 s18, $0x7  }
0xeb: {  	s18 =	ssub.s32 s18, s19  }
0xec: {  	[tilespmem:s18+$0x13F00] =	vst.add.f32.msk $0xffff, v1  }
0xed: {  	v1 =	vld [tilespmem:s17+$0xFFFFFFE0];
	_ =	sdelay $0x4  }
0xee: {  	[tilespmem:s18+$0x13F10] =	vst.add.f32.msk $0xffff, v1  }
0xef: {  	v1 =	vld [tilespmem:s17+$0xFFFFFFF0];
	_ =	sdelay $0x4  }
0xf0: {  	[tilespmem:s18+$0x13F20] =	vst.add.f32.msk $0xffff, v1  }
0xf1: {  	v1 =	vld [tilespmem:s17+$0x0];
	_ =	sdelay $0x4  }
0xf2: {  	[tilespmem:s18+$0x13F30] =	vst.add.f32.msk $0xffff, v1  }
0xf3: {  	v1 =	vld [tilespmem:s17+$0x10];
	_ =	sdelay $0x4  }
0xf4: {  	[tilespmem:s18+$0x13F40] =	vst.add.f32.msk $0xffff, v1  }
0xf5: {  	v1 =	vld [tilespmem:s17+$0x20];
	_ =	sdelay $0x4  }
0xf6: {  	s1 =	sadd.s32 $0x4, s1;
	[tilespmem:s18+$0x13F50] =	vst.add.f32.msk $0xffff, v1  }
0xf7: {  	p0 =	sne.s32 s1, $0x9E0;
	v1 =	vld [tilespmem:s17+$0x30]  }
.Ltmp13:
0xf8: {  	_ = 	snop;
	(pc) =	sbr.rel @!p0 .LBB2_17-.Ltmp13, $2  }
0xf9: {  	_ =	sdelay $0x2  }
0xfa: {  	s17 =	sadd.s32 $0x80, s17;
	[tilespmem:s18+$0x13F60] =	vst.add.f32.msk $0xffff, v1  }
.LBB2_14:
0xfb: {  	s18 =	sshra.s32 s1, $0x2  }
0xfc: {  	v1 =	vld [tilespmem:s18+$0x13C00];
	_ =	sdelay $0x4  }
0xfd: {  	(v2sf) =	vpush v1, $0x0;
	_ =	sdelay $0xe  }
0xfe: {  	s19 =	sshll.u32 s0, $0x7;
	s18 =	spop (v2sf)  }
0xff: {  	p0 =	slt.s32 s18, s19;
	s19 =	sadd.s32 $0x80, s19  }
0x100: {  	p1 =	slt.s32 @!p0 s18, s19  }
0x101: {  	p0 =	por p0, !p1  }
.Ltmp14:
0x102: {  	_ = 	snop;
	(pc) =	sbr.rel @!p0 .LBB2_16-.Ltmp14, $1  }
0x103: {  	_ =	sdelay $0x3  }
0x104: {  	s0 =	sshll.u32 s31, $0xE  }
0x105: {  	s0 =	sadd.s32 s8, s0  }
0x106: {  	s0 =	sshrl.u32 s0, $0x3  }
0x107: {  	s0 =	sadd.s32 s4, s0  }
0x108: {  	[hbm4b:s0+s2] =	stream.linear.scatter [tilespmem:s26], [sflag:$0x1], $0x4000, $0x38;
	[tilespmem:$0x17F80] =	vst v63  }
0x109: {  	s0 =	sshll.u32 s31, $0x7  }
0x10a: {  	s19 =	sand.u32 $0xFFFFFC00, s0  }
0x10b: {  	s0 =	sand.u32 $0x380, s0;
	s19 =	sadd.s32 s9, s19  }
0x10c: {  	_ =	swait.ge [sflag:s25], $0x4000;
	s0 =	sor.u32 s0, s19  }
0x10d: {  	[sflag:s25] =	ssyncset.done $0x0;
	s0 =	sshrl.u32 s0, $0x3  }
0x10e: {  	p0 =	slt.s32 s18, $0x1;
	[sflag:s25] =	ssyncadd.s32 $0xFFFFC000;
	s0 =	sadd.s32 s5, s0  }
0x10f: {  	[hbm4b:s0+s2] =	stream.linear.scatter [tilespmem:s29], [sflag:$0x1], $0x80, $0x38;
	[tilespmem:$0x17F80] =	vst v63  }
0x110: {  	s19 =	sshra.s32 s18, $0x1F;
	s0 =	sand.u32 $0x7F, s18;
	_ =	swait.ge [sflag:s25], $0x80  }
0x111: {  	s19 =	sshrl.u32 s19, $0x19;
	p1 =	sne.s32 s0, $0x0;
	[sflag:s25] =	ssyncset.done $0x0  }
0x112: {  	s0 =	sadd.s32 s19, s18;
	p0 =	por !p0, !p1;
	[sflag:s25] =	ssyncadd.s32 $0xFFFFFF80  }
0x113: {  	[tilespmem:s26], [sflag:$0x1] =	stream.linear.gather [hbm4b:s3+s2], $0x4000, $0x38;
	[tilespmem:$0x17F80] =	vst v63  }
.Ltmp15:
0x114: {  	s19 =	simm.s32 $0x1;
	p0 =	por !p0, !p0;
	(pc) =	sbr.rel .LBB2_16-.Ltmp15, $4  }
0x115: {  	s0 =	sshra.s32 s0, $0x7;
	s19 =	simm.s32 @!p0 $0x0;
	_ =	swait.ge [sflag:s25], $0x4000  }
0x116: {  	s0 =	ssub.s32 s0, s19;
	[sflag:s25] =	ssyncset.done $0x0  }
0x117: {  	v1 =	vmov s0;
	[sflag:s25] =	ssyncadd.s32 $0xFFFFC000  }
0x118: {  	s31 =	sadd.s32 $0x1, s31;
	[tilespmem:$0x17F00] =	vst v1  }
.LBB2_17:
0x119: {  	s0 =	sshll.u32 s31, $0xE  }
0x11a: {  	s0 =	sadd.s32 s8, s0  }
0x11b: {  	s19 =	sshll.u32 s31, $0x7;
	s0 =	sshrl.u32 s0, $0x3  }
0x11c: {  	s1 =	sand.u32 $0xFFFFFC00, s19;
	s0 =	sadd.s32 s4, s0  }
0x11d: {  	[hbm4b:s0+s2] =	stream.linear.scatter [tilespmem:s26], [sflag:$0x1], $0x4000, $0x38;
	[tilespmem:$0x17F80] =	vst v63  }
0x11e: {  	s1 =	sadd.s32 s9, s1;
	s0 =	sand.u32 $0x380, s19  }
0x11f: {  	_ =	swait.ge [sflag:s25], $0x4000;
	s0 =	sor.u32 s0, s1  }
0x120: {  	[sflag:s25] =	ssyncset.done $0x0;
	s0 =	sshrl.u32 s0, $0x3  }
0x121: {  	p0 =	sgt.s32 s31, $0xFFFFFFFF;
	[sflag:s25] =	ssyncadd.s32 $0xFFFFC000;
	s0 =	sadd.s32 s5, s0  }
0x122: {  	[hbm4b:s0+s2] =	stream.linear.scatter [tilespmem:s29], [sflag:$0x1], $0x80, $0x38;
	[tilespmem:$0x17F80] =	vst v63  }
.Ltmp16:
0x123: {  	_ = 	snop;
	(pc) =	sbr.rel @!p0 .LBB2_18-.Ltmp16, $4  }
0x124: {  	_ =	swait.ge [sflag:s25], $0x80  }
0x125: {  	[sflag:s25] =	ssyncset.done $0x0  }
0x126: {  	[sflag:s25] =	ssyncadd.s32 $0xFFFFFF80  }
0x127: {  	[tilespmem:$0x17F00] =	vst v0  }
0x128: {  	p0 =	seq.s32 s31, $0x1  }
.Ltmp17:
0x129: {  	_ = 	snop;
	(pc) =	sbr.rel @p0 .LBB2_22-.Ltmp17, $1  }
0x12a: {  	_ =	sdelay $0x3  }
0x12b: {  	p0 =	sne.s32 s31, $0x0  }
.Ltmp18:
0x12c: {  	_ = 	snop;
	(pc) =	sbr.rel @!p0 .LBB2_21-.Ltmp18, $1  }
0x12d: {  	_ =	sdelay $0x3  }
0x12e: {  	p0 =	sgt.u32 s31, $0x2  }
.Ltmp19:
0x12f: {  	_ = 	snop;
	(pc) =	sbr.rel @!p0 .LBB2_24-.Ltmp19, $1  }
0x130: {  	_ =	sdelay $0x3  }
0x131: {  	p0 =	sne.s32 s31, $0x3  }
.Ltmp20:
0x132: {  	_ = 	snop;
	(pc) =	sbr.rel @!p0 .LBB2_26-.Ltmp20, $1  }
0x133: {  	_ =	sdelay $0x3  }
0x134: {  	p0 =	sgt.u32 s31, $0x4  }
.Ltmp21:
0x135: {  	_ = 	snop;
	(pc) =	sbr.rel @!p0 .LBB2_28-.Ltmp21, $1  }
0x136: {  	_ =	sdelay $0x3  }
0x137: {  	p0 =	sne.s32 s31, $0x5  }
.Ltmp22:
0x138: {  	_ = 	snop;
	(pc) =	sbr.rel @!p0 .LBB2_30-.Ltmp22, $1  }
0x139: {  	_ =	sdelay $0x3  }
0x13a: {  	p0 =	sgt.u32 s31, $0x6  }
.Ltmp23:
0x13b: {  	_ = 	snop;
	(pc) =	sbr.rel @!p0 .LBB2_32-.Ltmp23, $1  }
0x13c: {  	_ =	sdelay $0x3  }
0x13d: {  	p0 =	sne.s32 s31, $0x7  }
.Ltmp24:
0x13e: {  	_ = 	snop;
	(pc) =	sbr.rel @!p0 .LBB2_34-.Ltmp24, $1  }
0x13f: {  	_ =	sdelay $0x3  }
0x140: {  	p0 =	sgt.u32 s31, $0x8  }
.Ltmp25:
0x141: {  	_ = 	snop;
	(pc) =	sbr.rel @!p0 .LBB2_36-.Ltmp25, $1  }
0x142: {  	_ =	sdelay $0x3  }
0x143: {  	p0 =	sne.s32 s31, $0x9  }
.Ltmp26:
0x144: {  	_ = 	snop;
	(pc) =	sbr.rel @!p0 .LBB2_38-.Ltmp26, $1  }
0x145: {  	_ =	sdelay $0x3  }
0x146: {  	p0 =	sgt.u32 s31, $0xA  }
.Ltmp27:
0x147: {  	_ = 	snop;
	(pc) =	sbr.rel @!p0 .LBB2_40-.Ltmp27, $1  }
0x148: {  	_ =	sdelay $0x3  }
0x149: {  	p0 =	sne.s32 s31, $0xB  }
.Ltmp28:
0x14a: {  	_ = 	snop;
	(pc) =	sbr.rel @!p0 .LBB2_42-.Ltmp28, $1  }
0x14b: {  	_ =	sdelay $0x3  }
0x14c: {  	p0 =	sgt.u32 s31, $0xC  }
.Ltmp29:
0x14d: {  	_ = 	snop;
	(pc) =	sbr.rel @!p0 .LBB2_44-.Ltmp29, $1  }
0x14e: {  	_ =	sdelay $0x3  }
0x14f: {  	p0 =	sne.s32 s31, $0xD  }
.Ltmp30:
0x150: {  	_ = 	snop;
	(pc) =	sbr.rel @!p0 .LBB2_46-.Ltmp30, $1  }
0x151: {  	_ =	sdelay $0x3  }
0x152: {  	p0 =	sgt.u32 s31, $0xE  }
.Ltmp31:
0x153: {  	_ = 	snop;
	(pc) =	sbr.rel @!p0 .LBB2_48-.Ltmp31, $1  }
0x154: {  	_ =	sdelay $0x3  }
0x155: {  	p0 =	sne.s32 s31, $0xF  }
.Ltmp32:
0x156: {  	_ = 	snop;
	(pc) =	sbr.rel @!p0 .LBB2_50-.Ltmp32, $1  }
0x157: {  	_ =	sdelay $0x3  }
0x158: {  	p0 =	sgt.u32 s31, $0x10  }
.Ltmp33:
0x159: {  	_ = 	snop;
	(pc) =	sbr.rel @!p0 .LBB2_52-.Ltmp33, $1  }
0x15a: {  	_ =	sdelay $0x3  }
0x15b: {  	p0 =	sne.s32 s31, $0x11  }
.Ltmp34:
0x15c: {  	_ = 	snop;
	(pc) =	sbr.rel @!p0 .LBB2_54-.Ltmp34, $1  }
0x15d: {  	_ =	sdelay $0x3  }
0x15e: {  	p0 =	sgt.u32 s31, $0x12  }
.Ltmp35:
0x15f: {  	_ = 	snop;
	(pc) =	sbr.rel @!p0 .LBB2_56-.Ltmp35, $1  }
0x160: {  	_ =	sdelay $0x3  }
0x161: {  	p0 =	sne.s32 s31, $0x13  }
.Ltmp36:
0x162: {  	_ = 	snop;
	(pc) =	sbr.rel @!p0 .LBB2_58-.Ltmp36, $1  }
0x163: {  	_ =	sdelay $0x3  }
0x164: {  	p0 =	sgt.u32 s31, $0x14  }
.Ltmp37:
0x165: {  	_ = 	snop;
	(pc) =	sbr.rel @!p0 .LBB2_60-.Ltmp37, $1  }
0x166: {  	_ =	sdelay $0x3  }
0x167: {  	p0 =	sne.s32 s31, $0x15  }
.Ltmp38:
0x168: {  	_ = 	snop;
	(pc) =	sbr.rel @!p0 .LBB2_62-.Ltmp38, $1  }
0x169: {  	_ =	sdelay $0x3  }
0x16a: {  	p0 =	sgt.u32 s31, $0x16  }
.Ltmp39:
0x16b: {  	_ = 	snop;
	(pc) =	sbr.rel @!p0 .LBB2_64-.Ltmp39, $1  }
0x16c: {  	_ =	sdelay $0x3  }
0x16d: {  	p0 =	sne.s32 s31, $0x17  }
.Ltmp40:
0x16e: {  	_ = 	snop;
	(pc) =	sbr.rel @!p0 .LBB2_66-.Ltmp40, $1  }
0x16f: {  	_ =	sdelay $0x3  }
0x170: {  	p0 =	sgt.u32 s31, $0x18  }
.Ltmp41:
0x171: {  	_ = 	snop;
	(pc) =	sbr.rel @!p0 .LBB2_68-.Ltmp41, $1  }
0x172: {  	_ =	sdelay $0x3  }
0x173: {  	p0 =	sne.s32 s31, $0x19  }
.Ltmp42:
0x174: {  	_ = 	snop;
	(pc) =	sbr.rel @!p0 .LBB2_70-.Ltmp42, $1  }
0x175: {  	_ =	sdelay $0x3  }
0x176: {  	p0 =	sgt.u32 s31, $0x1A  }
.Ltmp43:
0x177: {  	_ = 	snop;
	(pc) =	sbr.rel @!p0 .LBB2_72-.Ltmp43, $1  }
0x178: {  	_ =	sdelay $0x3  }
0x179: {  	p0 =	sne.s32 s31, $0x1B  }
.Ltmp44:
0x17a: {  	_ = 	snop;
	(pc) =	sbr.rel @!p0 .LBB2_74-.Ltmp44, $1  }
0x17b: {  	_ =	sdelay $0x3  }
0x17c: {  	p0 =	sgt.u32 s31, $0x1C  }
.Ltmp45:
0x17d: {  	_ = 	snop;
	(pc) =	sbr.rel @!p0 .LBB2_76-.Ltmp45, $1  }
0x17e: {  	_ =	sdelay $0x3  }
0x17f: {  	p0 =	sne.s32 s31, $0x1D  }
.Ltmp46:
0x180: {  	_ = 	snop;
	(pc) =	sbr.rel @!p0 .LBB2_78-.Ltmp46, $1  }
0x181: {  	_ =	sdelay $0x3  }
0x182: {  	p0 =	sgt.u32 s31, $0x1E  }
.Ltmp47:
0x183: {  	_ = 	snop;
	(pc) =	sbr.rel @p0 .LBB2_81-.Ltmp47, $4  }
.Ltmp48:
0x184: {  	_ = 	snop;
	(pc) =	sbr.rel @!p0 .LBB2_80-.Ltmp48, $4  }
0x185: {  	_ = 	snop  }
0x186: {  	_ = 	snop  }
0x187: {  	_ = 	snop  }
0x188: {  	_ = 	snop  }
.LBB2_18:
0x189: {  	[hbm4b:s14+s2] =	stream.linear.scatter [tilespmem:s29], [sflag:$0x1], $0x80, $0x38;
	[tilespmem:$0x17F80] =	vst v63  }
0x18a: {  	_ =	swait.ge [sflag:s25], $0x80  }
0x18b: {  	[sflag:s25] =	ssyncset.done $0x0  }
0x18c: {  	[sflag:s25] =	ssyncadd.s32 $0xFFFFFF80  }
.LBB2_21:
0x18d: {  	s0 =	rddreg [dreg:$0xa]  }
0x18e: {  	[hbm4b:s0+s2] =	stream.linear.scatter [tilespmem:s29], [sflag:$0x1], $0x80, $0x38;
	[tilespmem:$0x17F80] =	vst v63  }
0x18f: {  	_ =	swait.ge [sflag:s25], $0x80  }
0x190: {  	[sflag:s25] =	ssyncset.done $0x0  }
0x191: {  	[sflag:s25] =	ssyncadd.s32 $0xFFFFFF80  }
.LBB2_22:
0x192: {  	s0 =	rddreg [dreg:$0xb]  }
0x193: {  	[hbm4b:s0+s2] =	stream.linear.scatter [tilespmem:s29], [sflag:$0x1], $0x80, $0x38;
	[tilespmem:$0x17F80] =	vst v63  }
0x194: {  	_ =	swait.ge [sflag:s25], $0x80  }
0x195: {  	[sflag:s25] =	ssyncset.done $0x0  }
0x196: {  	[sflag:s25] =	ssyncadd.s32 $0xFFFFFF80  }
.LBB2_24:
0x197: {  	s0 =	rddreg [dreg:$0xc]  }
0x198: {  	[hbm4b:s0+s2] =	stream.linear.scatter [tilespmem:s29], [sflag:$0x1], $0x80, $0x38;
	[tilespmem:$0x17F80] =	vst v63  }
0x199: {  	_ =	swait.ge [sflag:s25], $0x80  }
0x19a: {  	[sflag:s25] =	ssyncset.done $0x0  }
0x19b: {  	[sflag:s25] =	ssyncadd.s32 $0xFFFFFF80  }
.LBB2_26:
0x19c: {  	s0 =	rddreg [dreg:$0xd]  }
0x19d: {  	[hbm4b:s0+s2] =	stream.linear.scatter [tilespmem:s29], [sflag:$0x1], $0x80, $0x38;
	[tilespmem:$0x17F80] =	vst v63  }
0x19e: {  	_ =	swait.ge [sflag:s25], $0x80  }
0x19f: {  	[sflag:s25] =	ssyncset.done $0x0  }
0x1a0: {  	[sflag:s25] =	ssyncadd.s32 $0xFFFFFF80  }
.LBB2_28:
0x1a1: {  	s0 =	rddreg [dreg:$0xe]  }
0x1a2: {  	[hbm4b:s0+s2] =	stream.linear.scatter [tilespmem:s29], [sflag:$0x1], $0x80, $0x38;
	[tilespmem:$0x17F80] =	vst v63  }
0x1a3: {  	_ =	swait.ge [sflag:s25], $0x80  }
0x1a4: {  	[sflag:s25] =	ssyncset.done $0x0  }
0x1a5: {  	[sflag:s25] =	ssyncadd.s32 $0xFFFFFF80  }
.LBB2_30:
0x1a6: {  	s0 =	rddreg [dreg:$0xf]  }
0x1a7: {  	[hbm4b:s0+s2] =	stream.linear.scatter [tilespmem:s29], [sflag:$0x1], $0x80, $0x38;
	[tilespmem:$0x17F80] =	vst v63  }
0x1a8: {  	_ =	swait.ge [sflag:s25], $0x80  }
0x1a9: {  	[sflag:s25] =	ssyncset.done $0x0  }
0x1aa: {  	[sflag:s25] =	ssyncadd.s32 $0xFFFFFF80  }
.LBB2_32:
0x1ab: {  	s0 =	rddreg [dreg:$0x10]  }
0x1ac: {  	[hbm4b:s0+s2] =	stream.linear.scatter [tilespmem:s29], [sflag:$0x1], $0x80, $0x38;
	[tilespmem:$0x17F80] =	vst v63  }
0x1ad: {  	_ =	swait.ge [sflag:s25], $0x80  }
0x1ae: {  	[sflag:s25] =	ssyncset.done $0x0  }
0x1af: {  	[sflag:s25] =	ssyncadd.s32 $0xFFFFFF80  }
.LBB2_34:
0x1b0: {  	s0 =	rddreg [dreg:$0x11]  }
0x1b1: {  	[hbm4b:s0+s2] =	stream.linear.scatter [tilespmem:s29], [sflag:$0x1], $0x80, $0x38;
	[tilespmem:$0x17F80] =	vst v63  }
0x1b2: {  	_ =	swait.ge [sflag:s25], $0x80  }
0x1b3: {  	[sflag:s25] =	ssyncset.done $0x0  }
0x1b4: {  	[sflag:s25] =	ssyncadd.s32 $0xFFFFFF80  }
.LBB2_36:
0x1b5: {  	s0 =	rddreg [dreg:$0x13]  }
0x1b6: {  	[hbm4b:s0+s2] =	stream.linear.scatter [tilespmem:s29], [sflag:$0x1], $0x80, $0x38;
	[tilespmem:$0x17F80] =	vst v63  }
0x1b7: {  	_ =	swait.ge [sflag:s25], $0x80  }
0x1b8: {  	[sflag:s25] =	ssyncset.done $0x0  }
0x1b9: {  	[sflag:s25] =	ssyncadd.s32 $0xFFFFFF80  }
.LBB2_38:
0x1ba: {  	s0 =	rddreg [dreg:$0x14]  }
0x1bb: {  	[hbm4b:s0+s2] =	stream.linear.scatter [tilespmem:s29], [sflag:$0x1], $0x80, $0x38;
	[tilespmem:$0x17F80] =	vst v63  }
0x1bc: {  	_ =	swait.ge [sflag:s25], $0x80  }
0x1bd: {  	[sflag:s25] =	ssyncset.done $0x0  }
0x1be: {  	[sflag:s25] =	ssyncadd.s32 $0xFFFFFF80  }
.LBB2_40:
0x1bf: {  	s0 =	rddreg [dreg:$0x15]  }
0x1c0: {  	[hbm4b:s0+s2] =	stream.linear.scatter [tilespmem:s29], [sflag:$0x1], $0x80, $0x38;
	[tilespmem:$0x17F80] =	vst v63  }
0x1c1: {  	_ =	swait.ge [sflag:s25], $0x80  }
0x1c2: {  	[sflag:s25] =	ssyncset.done $0x0  }
0x1c3: {  	[sflag:s25] =	ssyncadd.s32 $0xFFFFFF80  }
.LBB2_42:
0x1c4: {  	s0 =	rddreg [dreg:$0x16]  }
0x1c5: {  	[hbm4b:s0+s2] =	stream.linear.scatter [tilespmem:s29], [sflag:$0x1], $0x80, $0x38;
	[tilespmem:$0x17F80] =	vst v63  }
0x1c6: {  	_ =	swait.ge [sflag:s25], $0x80  }
0x1c7: {  	[sflag:s25] =	ssyncset.done $0x0  }
0x1c8: {  	[sflag:s25] =	ssyncadd.s32 $0xFFFFFF80  }
.LBB2_44:
0x1c9: {  	s0 =	rddreg [dreg:$0x17]  }
0x1ca: {  	[hbm4b:s0+s2] =	stream.linear.scatter [tilespmem:s29], [sflag:$0x1], $0x80, $0x38;
	[tilespmem:$0x17F80] =	vst v63  }
0x1cb: {  	_ =	swait.ge [sflag:s25], $0x80  }
0x1cc: {  	[sflag:s25] =	ssyncset.done $0x0  }
0x1cd: {  	[sflag:s25] =	ssyncadd.s32 $0xFFFFFF80  }
.LBB2_46:
0x1ce: {  	s0 =	rddreg [dreg:$0x18]  }
0x1cf: {  	[hbm4b:s0+s2] =	stream.linear.scatter [tilespmem:s29], [sflag:$0x1], $0x80, $0x38;
	[tilespmem:$0x17F80] =	vst v63  }
0x1d0: {  	_ =	swait.ge [sflag:s25], $0x80  }
0x1d1: {  	[sflag:s25] =	ssyncset.done $0x0  }
0x1d2: {  	[sflag:s25] =	ssyncadd.s32 $0xFFFFFF80  }
.LBB2_48:
0x1d3: {  	s0 =	rddreg [dreg:$0x19]  }
0x1d4: {  	[hbm4b:s0+s2] =	stream.linear.scatter [tilespmem:s29], [sflag:$0x1], $0x80, $0x38;
	[tilespmem:$0x17F80] =	vst v63  }
0x1d5: {  	_ =	swait.ge [sflag:s25], $0x80  }
0x1d6: {  	[sflag:s25] =	ssyncset.done $0x0  }
0x1d7: {  	[sflag:s25] =	ssyncadd.s32 $0xFFFFFF80  }
.LBB2_50:
0x1d8: {  	s0 =	rddreg [dreg:$0x1a]  }
0x1d9: {  	[hbm4b:s0+s2] =	stream.linear.scatter [tilespmem:s29], [sflag:$0x1], $0x80, $0x38;
	[tilespmem:$0x17F80] =	vst v63  }
0x1da: {  	_ =	swait.ge [sflag:s25], $0x80  }
0x1db: {  	[sflag:s25] =	ssyncset.done $0x0  }
0x1dc: {  	[sflag:s25] =	ssyncadd.s32 $0xFFFFFF80  }
.LBB2_52:
0x1dd: {  	s0 =	rddreg [dreg:$0x1b]  }
0x1de: {  	[hbm4b:s0+s2] =	stream.linear.scatter [tilespmem:s29], [sflag:$0x1], $0x80, $0x38;
	[tilespmem:$0x17F80] =	vst v63  }
0x1df: {  	_ =	swait.ge [sflag:s25], $0x80  }
0x1e0: {  	[sflag:s25] =	ssyncset.done $0x0  }
0x1e1: {  	[sflag:s25] =	ssyncadd.s32 $0xFFFFFF80  }
.LBB2_54:
0x1e2: {  	s0 =	rddreg [dreg:$0x1c]  }
0x1e3: {  	[hbm4b:s0+s2] =	stream.linear.scatter [tilespmem:s29], [sflag:$0x1], $0x80, $0x38;
	[tilespmem:$0x17F80] =	vst v63  }
0x1e4: {  	_ =	swait.ge [sflag:s25], $0x80  }
0x1e5: {  	[sflag:s25] =	ssyncset.done $0x0  }
0x1e6: {  	[sflag:s25] =	ssyncadd.s32 $0xFFFFFF80  }
.LBB2_56:
0x1e7: {  	[hbm4b:s20+s2] =	stream.linear.scatter [tilespmem:s29], [sflag:$0x1], $0x80, $0x38;
	[tilespmem:$0x17F80] =	vst v63  }
0x1e8: {  	_ =	swait.ge [sflag:s25], $0x80  }
0x1e9: {  	[sflag:s25] =	ssyncset.done $0x0  }
0x1ea: {  	[sflag:s25] =	ssyncadd.s32 $0xFFFFFF80  }
.LBB2_58:
0x1eb: {  	[hbm4b:s6+s2] =	stream.linear.scatter [tilespmem:s29], [sflag:$0x1], $0x80, $0x38;
	[tilespmem:$0x17F80] =	vst v63  }
0x1ec: {  	_ =	swait.ge [sflag:s25], $0x80  }
0x1ed: {  	[sflag:s25] =	ssyncset.done $0x0  }
0x1ee: {  	[sflag:s25] =	ssyncadd.s32 $0xFFFFFF80  }
.LBB2_60:
0x1ef: {  	[hbm4b:s7+s2] =	stream.linear.scatter [tilespmem:s29], [sflag:$0x1], $0x80, $0x38;
	[tilespmem:$0x17F80] =	vst v63  }
0x1f0: {  	_ =	swait.ge [sflag:s25], $0x80  }
0x1f1: {  	[sflag:s25] =	ssyncset.done $0x0  }
0x1f2: {  	[sflag:s25] =	ssyncadd.s32 $0xFFFFFF80  }
.LBB2_62:
0x1f3: {  	[hbm4b:s21+s2] =	stream.linear.scatter [tilespmem:s29], [sflag:$0x1], $0x80, $0x38;
	[tilespmem:$0x17F80] =	vst v63  }
0x1f4: {  	_ =	swait.ge [sflag:s25], $0x80  }
0x1f5: {  	[sflag:s25] =	ssyncset.done $0x0  }
0x1f6: {  	[sflag:s25] =	ssyncadd.s32 $0xFFFFFF80  }
.LBB2_64:
0x1f7: {  	[hbm4b:s10+s2] =	stream.linear.scatter [tilespmem:s29], [sflag:$0x1], $0x80, $0x38;
	[tilespmem:$0x17F80] =	vst v63  }
0x1f8: {  	_ =	swait.ge [sflag:s25], $0x80  }
0x1f9: {  	[sflag:s25] =	ssyncset.done $0x0  }
0x1fa: {  	[sflag:s25] =	ssyncadd.s32 $0xFFFFFF80  }
.LBB2_66:
0x1fb: {  	[hbm4b:s11+s2] =	stream.linear.scatter [tilespmem:s29], [sflag:$0x1], $0x80, $0x38;
	[tilespmem:$0x17F80] =	vst v63  }
0x1fc: {  	_ =	swait.ge [sflag:s25], $0x80  }
0x1fd: {  	[sflag:s25] =	ssyncset.done $0x0  }
0x1fe: {  	[sflag:s25] =	ssyncadd.s32 $0xFFFFFF80  }
.LBB2_68:
0x1ff: {  	[hbm4b:s12+s2] =	stream.linear.scatter [tilespmem:s29], [sflag:$0x1], $0x80, $0x38;
	[tilespmem:$0x17F80] =	vst v63  }
0x200: {  	_ =	swait.ge [sflag:s25], $0x80  }
0x201: {  	[sflag:s25] =	ssyncset.done $0x0  }
0x202: {  	[sflag:s25] =	ssyncadd.s32 $0xFFFFFF80  }
.LBB2_70:
0x203: {  	[hbm4b:s13+s2] =	stream.linear.scatter [tilespmem:s29], [sflag:$0x1], $0x80, $0x38;
	[tilespmem:$0x17F80] =	vst v63  }
0x204: {  	_ =	swait.ge [sflag:s25], $0x80  }
0x205: {  	[sflag:s25] =	ssyncset.done $0x0  }
0x206: {  	[sflag:s25] =	ssyncadd.s32 $0xFFFFFF80  }
.LBB2_72:
0x207: {  	[hbm4b:s22+s2] =	stream.linear.scatter [tilespmem:s29], [sflag:$0x1], $0x80, $0x38;
	[tilespmem:$0x17F80] =	vst v63  }
0x208: {  	_ =	swait.ge [sflag:s25], $0x80  }
0x209: {  	[sflag:s25] =	ssyncset.done $0x0  }
0x20a: {  	[sflag:s25] =	ssyncadd.s32 $0xFFFFFF80  }
.LBB2_74:
0x20b: {  	[hbm4b:s15+s2] =	stream.linear.scatter [tilespmem:s29], [sflag:$0x1], $0x80, $0x38;
	[tilespmem:$0x17F80] =	vst v63  }
0x20c: {  	_ =	swait.ge [sflag:s25], $0x80  }
0x20d: {  	[sflag:s25] =	ssyncset.done $0x0  }
0x20e: {  	[sflag:s25] =	ssyncadd.s32 $0xFFFFFF80  }
.LBB2_76:
0x20f: {  	[hbm4b:s16+s2] =	stream.linear.scatter [tilespmem:s29], [sflag:$0x1], $0x80, $0x38;
	[tilespmem:$0x17F80] =	vst v63  }
0x210: {  	_ =	swait.ge [sflag:s25], $0x80  }
0x211: {  	[sflag:s25] =	ssyncset.done $0x0  }
0x212: {  	[sflag:s25] =	ssyncadd.s32 $0xFFFFFF80  }
.LBB2_78:
0x213: {  	[hbm4b:s23+s2] =	stream.linear.scatter [tilespmem:s29], [sflag:$0x1], $0x80, $0x38;
	[tilespmem:$0x17F80] =	vst v63  }
0x214: {  	_ =	swait.ge [sflag:s25], $0x80  }
0x215: {  	[sflag:s25] =	ssyncset.done $0x0  }
0x216: {  	[sflag:s25] =	ssyncadd.s32 $0xFFFFFF80  }
.LBB2_80:
0x217: {  	[hbm4b:s24+s2] =	stream.linear.scatter [tilespmem:s29], [sflag:$0x1], $0x80, $0x38;
	[tilespmem:$0x17F80] =	vst v63  }
0x218: {  	_ =	swait.ge [sflag:s25], $0x80  }
0x219: {  	[sflag:s25] =	ssyncset.done $0x0  }
0x21a: {  	[sflag:s25] =	ssyncadd.s32 $0xFFFFFF80  }
.LBB2_81:
0x21b: {  	s30 =	sadd.s32 $0x1, s30;
	s0 =	rddreg [dreg:$0x12]  }
0x21c: {  	p0 =	sne.s32 s30, s0  }
.Ltmp49:
0x21d: {  	_ = 	snop;
	(pc) =	sbr.rel @p0 .LBB2_1-.Ltmp49, $1  }
0x21e: {  	_ =	sdelay $0x3  }
0x21f: {  	_ =	sfence.sel $0x180000  }
0x220: {  	[bflag:$0x0] =	sbarrier.arrive $0xFFFF  }
0x221: {  	_ =	strace $0x9000004A  }
0x222: {  	s0 =	stileid.u32;
	[bflag:$0x2] =	sbarrier.arrive $0xFFFF  }
0x223: {  	p0 =	sne.s32 s0, $0x0;
	s0 =	rddreg [dreg:$0x1]  }
0x224: {  	s0 =	sadd.s32 @!p0 $0x100000, s0  }
0x225: {  	[sflag:s0] =	ssyncadd.tile.s32 @!p0 $0x1;
	_ =	shalt  }
.Lfunc_end2:
_tile_overlayer_lowered:
.L_overlay_start_2:
0x226: {  	(tag) =	ssettag $0x2  }
0x227: {  	s0 =	rddreg [dreg:$0x0];
	s2 =	stileid.u32  }
0x228: {  	s1 =	rddreg [dreg:$0x1];
	p0 =	sne.s32 s2, $0x0  }
0x229: {  	s3 =	rddreg [dreg:$0x2];
	[bflag:$0x3] =	sbarrier.arrive $0xFFFF;
	s2 =	simm.s32 @!p0 $0x1C01  }
0x22a: {  	[timem:s3], [sflag:s2] =	dma.local @!p0 [hbm:s0], s1  }
0x22b: {  	s0 =	simm.s32 @!p0 $0x1  }
0x22c: {  	_ =	swait.ge @!p0 [sflag:s0], s1  }
0x22d: {  	s1 =	ssub.s32 @!p0 $0x0, s1;
	[sflag:s0] =	ssyncset.done @!p0 $0x0  }
0x22e: {  	[sflag:s0] =	ssyncadd.s32 @!p0 s1  }
0x22f: {  	[bflag:$0x3] =	sbarrier.arrive $0xFFFF  }
0x230: {  	_ =	shalt  }

// kernel: kernel.8.cloned.1.call-start
scs
__scs_entry_jumppad:
0x0: {  	(pc) =	sbr.rel $0x88, $3  }
0x1: {  	(tag) =	ssettag $0x0;
	lr =	simm.s32 $0x1  }
0x2: {  	[smem:$0x3F96] =	sst lr;
	_ =	strace $0xD0000000  }
0x3: {  	_ = 	snop  }
0x4: {  	_ = 	snop  }
0x5: {  	_ = 	snop  }
0x6: {  	_ = 	snop  }
0x7: {  	_ = 	snop  }
__scs_overlays_trampoline_lowered:
0x8: {  	[smem:$0x3FA5] =	sst s0  }
0x9: {  	[smem:$0x3FA6] =	sst s1  }
0xa: {  	[smem:$0x3FA7] =	sst s2  }
0xb: {  	[smem:$0x3FA8] =	sst s3  }
0xc: {  	[smem:$0x3FA9] =	sst s4  }
0xd: {  	[smem:$0x3FAA] =	sst s5  }
0xe: {  	[smem:$0x3FAB] =	sst s6  }
0xf: {  	[smem:$0x3FAC] =	sst s7  }
0x10: {  	[smem:$0x3FAD] =	sst s8  }
0x11: {  	[smem:$0x3FAE] =	sst s9;
	s0 =	simm.s32 @!p0 $0x0  }
0x12: {  	s1 =	sld [smem:$0x3F94];
	s0 =	simm.s32 @p0 $0x1  }
0x13: {  	[smem:$0x3FAF] =	sst s0;
	s0 =	simm.s32 @!p1 $0x0  }
0x14: {  	s2 =	sld [smem:$0x3F93];
	s0 =	simm.s32 @p1 $0x1  }
0x15: {  	[smem:$0x3FB0] =	sst s0;
	s0 =	simm.s32 @!p2 $0x0  }
0x16: {  	s3 =	sld [smem:$0x3FDB];
	s0 =	simm.s32 @p2 $0x1  }
0x17: {  	s4 =	simm.s32 $0x1BF5;
	[smem:$0x3FB2] =	sst s0  }
0x18: {  	s0 =	sld [smem:$0x3F95];
	_ =	swait.ge [sflag:s4], $0x0  }
0x19: {  	s7 =	sld [smem:$0x3F96]  }
0x1a: {  	s8 =	sadd.s32 $0xFFFFE003, lr  }
0x1b: {  	s9 =	sadd.s32 $0xFFFFFEF7, lr;
	s5 =	simm.s32 $0xFFFFFFFF;
	p2 =	slt.u32 s8, $0xFFFFF086  }
0x1c: {  	p1 =	slt.u32 s9, $0xF7A;
	s5 =	simm.s32 @!p2 $0x0  }
0x1d: {  	s5 =	simm.s32 @p1 $0x1;
	p0 =	seq.s32 s7, s2  }
0x1e: {  	s7 =	smul.u32 @!p0 $0xF7A, s2;
	p2 =	seq.s32 @!p0 s5, $0x0  }
0x1f: {  	s9 =	smul.u32 $0xF7A, s1;
	s8 =	simm.s32 @!p0 $0x1BF5;
	p2 =	por !p2, p0  }
0x20: {  	[sflag:s8] =	ssyncset.s32 @!p0 $0xFFFFF086;
	s6 =	sadd.s32 @!p0 s3, s7;
	s7 =	simm.s32 @!p0 $0x108  }
0x21: {  	s3 =	sadd.s32 s3, s9;
	s6 =	sadd.s32 @!p0 $0x88, s6;
	s7 =	simm.s32 @p2 $0x1082  }
0x22: {  	[simem:s7], [sflag:s8] =	dma.local @!p0 [hbm:s6], $0xF7A  }
0x23: {  	s9 =	sor.u32 $0xD0000000, s2;
	s6 =	simm.s32 $0x108;
	_ =	swait.ge @!p0 [sflag:s8], $0x0  }
0x24: {  	s3 =	sadd.s32 $0x88, s3;
	s6 =	simm.s32 @!p1 $0x1082;
	[sflag:s4] =	ssyncset.s32 $0xFFFFF086  }
0x25: {  	[simem:s6], [sflag:s4] =	dma.local [hbm:s3], $0xF7A  }
0x26: {  	[smem:$0x3F96] =	sst s1;
	(tag) =	ssettag s2;
	_ =	strace s9  }
0x27: {  	s1 =	sld [smem:$0x3FA6]  }
0x28: {  	s2 =	sld [smem:$0x3FA7]  }
0x29: {  	s4 =	sld [smem:$0x3FA9]  }
0x2a: {  	p0 =	seq.s32 s5, $0x0;
	s5 =	sld [smem:$0x3FAA]  }
0x2b: {  	s6 =	sld [smem:$0x3FAB]  }
0x2c: {  	s7 =	sld [smem:$0x3FAC]  }
0x2d: {  	s3 =	simm.s32 $0x108;
	s8 =	sld [smem:$0x3FAD]  }
0x2e: {  	s3 =	simm.s32 @!p0 $0x1082;
	s9 =	sld [smem:$0x3FAE]  }
0x2f: {  	lr =	sadd.s32 s0, s3;
	s0 =	sld [smem:$0x3FA5]  }
0x30: {  	s3 =	sld [smem:$0x3FA8]  }
0x31: {  	[smem:$0x3FB1] =	sst s10  }
0x32: {  	s10 =	sld [smem:$0x3FAF];
	_ =	sdelay $0x3  }
0x33: {  	p0 =	seq.s32 s10, $0x1;
	s10 =	sld [smem:$0x3FB1];
	_ =	sdelay $0x3  }
0x34: {  	[smem:$0x3FB1] =	sst s10  }
0x35: {  	s10 =	sld [smem:$0x3FB0];
	_ =	sdelay $0x3  }
0x36: {  	p1 =	seq.s32 s10, $0x1;
	s10 =	sld [smem:$0x3FB1];
	_ =	sdelay $0x3  }
0x37: {  	[smem:$0x3FB1] =	sst s10  }
0x38: {  	s10 =	sld [smem:$0x3FB2]  }
0x39: {  	_ = 	snop;
	(pc) =	sbr.ind lr, $3  }
0x3a: {  	_ = 	snop  }
0x3b: {  	_ = 	snop  }
0x3c: {  	p2 =	seq.s32 s10, $0x1;
	s10 =	sld [smem:$0x3FB1]  }
0x3d: {  	_ =	shalt  }
0x3e: {  	_ =	shalt  }
0x3f: {  	_ =	shalt  }
0x40: {  	_ =	shalt  }
0x41: {  	_ =	shalt  }
0x42: {  	_ =	shalt  }
0x43: {  	_ =	shalt  }
0x44: {  	_ =	shalt  }
0x45: {  	_ =	shalt  }
0x46: {  	_ =	shalt  }
0x47: {  	_ =	shalt  }
0x48: {  	_ =	shalt  }
0x49: {  	_ =	shalt  }
0x4a: {  	_ =	shalt  }
0x4b: {  	_ =	shalt  }
0x4c: {  	_ =	shalt  }
0x4d: {  	_ =	shalt  }
0x4e: {  	_ =	shalt  }
0x4f: {  	_ =	shalt  }
0x50: {  	_ =	shalt  }
0x51: {  	_ =	shalt  }
0x52: {  	_ =	shalt  }
0x53: {  	_ =	shalt  }
0x54: {  	_ =	shalt  }
0x55: {  	_ =	shalt  }
0x56: {  	_ =	shalt  }
0x57: {  	_ =	shalt  }
0x58: {  	_ =	shalt  }
0x59: {  	_ =	shalt  }
0x5a: {  	_ =	shalt  }
0x5b: {  	_ =	shalt  }
0x5c: {  	_ =	shalt  }
0x5d: {  	_ =	shalt  }
0x5e: {  	_ =	shalt  }
0x5f: {  	_ =	shalt  }
0x60: {  	_ =	shalt  }
0x61: {  	_ =	shalt  }
0x62: {  	_ =	shalt  }
0x63: {  	_ =	shalt  }
0x64: {  	_ =	shalt  }
0x65: {  	_ =	shalt  }
0x66: {  	_ =	shalt  }
0x67: {  	_ =	shalt  }
0x68: {  	_ =	shalt  }
0x69: {  	_ =	shalt  }
0x6a: {  	_ =	shalt  }
0x6b: {  	_ =	shalt  }
0x6c: {  	_ =	shalt  }
0x6d: {  	_ =	shalt  }
0x6e: {  	_ =	shalt  }
0x6f: {  	_ =	shalt  }
0x70: {  	_ =	shalt  }
0x71: {  	_ =	shalt  }
0x72: {  	_ =	shalt  }
0x73: {  	_ =	shalt  }
0x74: {  	_ =	shalt  }
0x75: {  	_ =	shalt  }
0x76: {  	_ =	shalt  }
0x77: {  	_ =	shalt  }
0x78: {  	_ =	shalt  }
0x79: {  	_ =	shalt  }
0x7a: {  	_ =	shalt  }
0x7b: {  	_ =	shalt  }
0x7c: {  	_ =	shalt  }
0x7d: {  	_ =	shalt  }
0x7e: {  	_ =	shalt  }
0x7f: {  	_ =	shalt  }
0x80: {  	_ =	shalt  }
0x81: {  	_ =	shalt  }
0x82: {  	_ =	shalt  }
0x83: {  	_ =	shalt  }
0x84: {  	_ =	shalt  }
0x85: {  	_ =	shalt  }
0x86: {  	_ =	shalt  }
0x87: {  	_ =	shalt  }
.Lfunc_end0:
.L_simem_size_0:
called_computation_lowered:
.L_overlay_start_0:
0x88: {  	s2 =	sld [smem:$0x3FD9]  }
0x89: {  	s3 =	sld [smem:$0x3FFE];
	_ =	sdelay $0x1  }
0x8a: {  	s1 =	srdreg.scid  }
0x8b: {  	s0 =	sand.u32 $0x1, s1  }
0x8c: {  	s17 =	sshll.u32 s0, $0xA;
	s2 =	sadd.s32 s3, s2  }
0x8d: {  	s2 =	sadd.s32 s2, s17  }
0x8e: {  	[smem:$0x3FBD] =	sst s2  }
0x8f: {  	_ = 	snop  }
0x90: {  	s2 =	sld [smem:$0x3FD0];
	(tm) =	ssettm $0x1  }
0x91: {  	s18 =	sld [smem:$0x3FFB];
	_ =	sdelay $0x3  }
0x92: {  	_ =	strace s18  }
0x93: {  	s3 =	sld [smem:$0x3FFC];
	_ =	sdelay $0x3  }
0x94: {  	_ =	strace s3  }
0x95: {  	s3 =	sld [smem:$0x3FFD];
	_ =	sdelay $0x3  }
0x96: {  	_ =	strace s3  }
0x97: {  	_ =	strace $0x8FFFFFFF  }
0x98: {  	s19 =	sld [smem:$0x3FDB];
	_ =	sdelay $0x1  }
0x99: {  	s4 =	simm.s32 $_scs_section_size  }
0x9a: {  	s5 =	simm.s32 $_size__tile_overlayer_lowered;
	s6 =	simm.s32 $_tile_overlayer_lowered  }
0x9b: {  	s22 =	simm.s32 $0x1BFF;
	s21 =	sshll.u32 s6, $0x1;
	s3 =	sadd.s32 s4, s19  }
0x9c: {  	s7 =	simm.s32 $0x0;
	s20 =	sshll.u32 s5, $0x1;
	s5 =	sadd.s32 s21, s3  }
0x9d: {  	[timem:s7], [sflag:s22] =	dma.local [hbm:s5], s20  }
0x9e: {  	_ =	swait.ge [sflag:s22], s20  }
0x9f: {  	s4 =	ssub.s32 $0x0, s20;
	[sflag:s22] =	ssyncset.done $0x0  }
0xa0: {  	[sflag:s22] =	ssyncadd.s32 s4;
	_ =	sdelay $0x1  }
0xa1: {  	s23 =	simm.s32 $0x1B8B  }
0xa2: {  	_ =	swait.ge [sflag:s23], $0x1  }
0xa3: {  	[sflag:s23] =	ssyncset.done $0x0  }
0xa4: {  	s25 =	simm.s32 $0x1B8E;
	s24 =	sld [smem:$0x3FFE];
	[sflag:s23] =	ssyncadd.s32 $0xFFFFFFFF  }
0xa5: {  	s26 =	simm.s32 $execute0_lowered;
	[smem:$0x3FD2] =	sst s25  }
0xa6: {  	s5 =	sshll.u32 s26, $0x1;
	_ =	strace $0x80000046;
	[dreg:$0x1] =	wrdreg $0xFFFFFFFF  }
0xa7: {  	s28 =	simm.s32 $_size_execute0_lowered;
	s3 =	sadd.s32 s3, s5;
	[dreg:$0x0] =	wrdreg $0x0  }
0xa8: {  	s5 =	sshll.u32 s28, $0x1;
	[dreg:$0x2] =	wrdreg s3  }
0xa9: {  	[dreg:$0x3] =	wrdreg s5  }
0xaa: {  	[dreg:$0x4] =	wrdreg $0xC0  }
0xab: {  	_ =	task [dreg:s7], $0x5FFFF  }
0xac: {  	[dreg:$0x1] =	wrdreg $0xFFFFFFFF  }
0xad: {  	[dreg:$0x0] =	wrdreg $0x60  }
0xae: {  	[dreg:$0x2] =	wrdreg s24  }
0xaf: {  	[dreg:$0x3] =	wrdreg s2  }
0xb0: {  	[dreg:$0x4] =	wrdreg $0x9  }
0xb1: {  	_ =	task.clear_ibuf [dreg:s7], $0x5FFFF;
	_ =	strace $0x90000046  }
0xb2: {  	s29 =	simm.s32 $0x9;
	_ =	strace $0x80000048  }
0xb3: {  	_ =	swait.ge [sflag:s29], $0x1  }
0xb4: {  	[sflag:s29] =	ssyncadd.s32 $0xFFFFFFFF  }
0xb5: {  	_ =	strace $0x90000048  }
0xb6: {  	_ =	sfence  }
0xb7: {  	s30 =	sld [smem:$0x0];
	_ =	sdelay $0x2  }
0xb8: {  	s31 =	sshll.u32 s1, $0xD;
	s1 =	sshrl.u32 s1, $0x2  }
0xb9: {  	s3 =	sand.u32 $0x4000, s31;
	s1 =	sadd.s32 s1, s30  }
0xba: {  	s0 =	sor.u32 s3, s0;
	s1 =	sshll.u32 s1, $0x11  }
0xbb: {  	s0 =	sor.u32 s1, s0  }
0xbc: {  	s0 =	sadd.s32 $0x8F2B, s0  }
0xbd: {  	[sflag:s0] =	ssyncadd.remote.s32 $0x1  }
0xbe: {  	_ =	sfence.sel $0xFFFF  }
0xbf: {  	[dreg:$0x0] =	wrdreg $0xFFFFFFFF;
	(pc) =	sbr.abs _section_cstart, $3  }
0xc0: {  	[dreg:$0x1] =	wrdreg $0xFFFFFFFF  }
0xc1: {  	_ =	task.clear_ibuf [dreg:s7], $0x2FFFF;
	_ =	strace $0x9FFFFFFF  }
0xc2: {  	(tm) =	ssettm $0x7FFFFFFF  }
0xc3: {  	_ =	shalt  }
tec
execute0_lowered:
.L_overlay_start_1:
0x0: {  	(tag) =	ssettag $0x1  }
0x1: {  	s0 =	rddreg [dreg:$0x0]  }
0x2: {  	s1 =	rddreg [dreg:$0x1]  }
0x3: {  	s2 =	simm.s32 $0x0;
	s3 =	srdreg.scid;
	s5 =	stileid.u32  }
0x4: {  	[smem:$0x7FF] =	sst s2;
	s4 =	sand.u32 $0x1, s3;
	s19 =	sshll.u32 s5, $0x1  }
0x5: {  	s7 =	sadd.s32 $0x3FB600, s0;
	s3 =	sadd.s32 $0x3C00, s0;
	s6 =	sor.u32 s4, s19  }
0x6: {  	s5 =	sadd.s32 $0x4400, s0;
	s8 =	ssub.s32 $0x2, s4;
	s9 =	smul.u32 $0xC400, s6  }
0x7: {  	_ =	strace $0x80000047;
	s10 =	smul.u32 $0xC40, s6;
	s20 =	sshrl.u32 s8, $0x1  }
0x8: {  	s4 =	sadd.s32 $0x8400, s0;
	s0 =	ssub.s32 s8, s20;
	s21 =	sadd.s32 s7, s9  }
0x9: {  	s22 =	sshrl.u32 s10, $0x3;
	s11 =	sadd.s32 $0x310, s10;
	s9 =	sshll.u32 s6, $0xC  }
0xa: {  	s13 =	sadd.s32 $0x620, s10;
	s10 =	sadd.s32 $0x930, s10;
	s0 =	smax.u32 s0, $0x1  }
0xb: {  	[dreg:$0x3] =	wrdreg s21;
	s8 =	sadd.s32 s1, s22;
	s12 =	sshll.u32 s11, $0x4  }
0xc: {  	s11 =	sshrl.u32 s11, $0x3;
	s23 =	sshll.u32 s13, $0x4;
	[dreg:$0x13] =	wrdreg s0  }
0xd: {  	s25 =	sshrl.u32 s13, $0x3;
	[dreg:$0x4] =	wrdreg s8;
	s12 =	sadd.s32 s7, s12  }
0xe: {  	s26 =	sshll.u32 s10, $0x4;
	s11 =	sadd.s32 s1, s11;
	[dreg:$0x5] =	wrdreg s12  }
0xf: {  	s10 =	sshrl.u32 s10, $0x3;
	s24 =	sadd.s32 s7, s23;
	[dreg:$0x6] =	wrdreg s11  }
0x10: {  	s8 =	sshll.u32 s6, $0x13;
	s31 =	sadd.s32 s7, s26;
	[dreg:$0x7] =	wrdreg s24  }
0x11: {  	s6 =	sshll.u32 s6, $0x9;
	s11 =	sadd.s32 s1, s25;
	[dreg:$0x9] =	wrdreg s31  }
0x12: {  	s14 =	sadd.s32 s5, s6;
	s1 =	sadd.s32 s1, s10;
	[dreg:$0x8] =	wrdreg s11  }
0x13: {  	[dreg:$0xa] =	wrdreg s1;
	s7 =	sadd.s32 $0x10, s14  }
0x14: {  	s10 =	sadd.s32 $0x20, s14;
	[dreg:$0xb] =	wrdreg s7  }
0x15: {  	s11 =	sadd.s32 $0x30, s14;
	[dreg:$0xc] =	wrdreg s10  }
0x16: {  	s12 =	sadd.s32 $0x40, s14;
	[dreg:$0xd] =	wrdreg s11  }
0x17: {  	s13 =	sadd.s32 $0x50, s14;
	[dreg:$0xe] =	wrdreg s12  }
0x18: {  	s15 =	sadd.s32 $0x60, s14;
	[dreg:$0xf] =	wrdreg s13  }
0x19: {  	s16 =	sadd.s32 $0x70, s14;
	[dreg:$0x10] =	wrdreg s15  }
0x1a: {  	s17 =	sadd.s32 $0x80, s14;
	[dreg:$0x11] =	wrdreg s16  }
0x1b: {  	s18 =	sadd.s32 $0x90, s14;
	[dreg:$0x12] =	wrdreg s17  }
0x1c: {  	s19 =	sadd.s32 $0xA0, s14;
	[dreg:$0x14] =	wrdreg s18  }
0x1d: {  	s20 =	sadd.s32 $0xB0, s14;
	[dreg:$0x15] =	wrdreg s19  }
0x1e: {  	s21 =	sadd.s32 $0xC0, s14;
	[dreg:$0x16] =	wrdreg s20  }
0x1f: {  	s22 =	sadd.s32 $0xD0, s14;
	[dreg:$0x17] =	wrdreg s21  }
0x20: {  	s23 =	sadd.s32 $0xE0, s14;
	[dreg:$0x18] =	wrdreg s22  }
0x21: {  	s28 =	simm.s32 $0x18800;
	s24 =	sadd.s32 $0xF0, s14;
	[dreg:$0x19] =	wrdreg s23  }
0x22: {  	s29 =	simm.s32 $0x1CB80;
	s25 =	sadd.s32 $0x100, s14;
	[dreg:$0x1a] =	wrdreg s24  }
0x23: {  	s30 =	simm.s32 $0x0;
	s26 =	sadd.s32 $0x110, s14;
	[dreg:$0x1b] =	wrdreg s25  }
0x24: {  	s31 =	sadd.s32 $0x120, s14;
	s6 =	sadd.s32 $0x140, s14;
	[dreg:$0x1c] =	wrdreg s26  }
0x25: {  	[dreg:$0x1d] =	wrdreg s31;
	s20 =	sadd.s32 $0x130, s14;
	s7 =	sadd.s32 $0x150, s14  }
0x26: {  	s21 =	sadd.s32 $0x160, s14;
	s10 =	sadd.s32 $0x170, s14;
	s11 =	sadd.s32 $0x180, s14  }
0x27: {  	s12 =	sadd.s32 $0x190, s14;
	s13 =	sadd.s32 $0x1A0, s14;
	s22 =	sadd.s32 $0x1B0, s14  }
0x28: {  	s15 =	sadd.s32 $0x1C0, s14;
	s16 =	sadd.s32 $0x1D0, s14;
	s23 =	sadd.s32 $0x1E0, s14  }
0x29: {  	v0 =	vimm.s32 $0x8;
	s24 =	sadd.s32 $0x1F0, s14;
	s26 =	simm.s32 $0x18B80;
	s25 =	simm.s32 $0x1  }
.LBB2_1:
0x2a: {  	[tilespmem:s26], [sflag:$0x1] =	stream.linear.gather [hbm4b:s3+s2], $0x4000, $0x38;
	[tilespmem:$0x1CC00] =	vst v63  }
0x2b: {  	_ =	swait.ge [sflag:s25], $0x4000  }
0x2c: {  	[sflag:s25] =	ssyncset.done $0x0  }
0x2d: {  	s0 =	rddreg [dreg:$0x3];
	[sflag:s25] =	ssyncadd.s32 $0xFFFFC000  }
0x2e: {  	[tilespmem:s2], [sflag:$0x1] =	stream.linear.gather [hbm4b:s0+s2], $0x18800, $0x38;
	[tilespmem:$0x1CC00] =	vst v63  }
0x2f: {  	_ =	swait.ge [sflag:s25], $0x18800  }
0x30: {  	[sflag:s25] =	ssyncset.done $0x0  }
0x31: {  	s17 =	rddreg [dreg:$0x4];
	[sflag:s25] =	ssyncadd.s32 $0xFFFE7800  }
0x32: {  	[tilespmem:s28], [sflag:$0x1] =	stream.linear.gather [hbm4b:s17+s2], $0x310, $0x38;
	[tilespmem:$0x1CC00] =	vst v63  }
0x33: {  	_ =	swait.ge [sflag:s25], $0x310  }
0x34: {  	[sflag:s25] =	ssyncset.done $0x0  }
0x35: {  	[sflag:s25] =	ssyncadd.s32 $0xFFFFFCF0  }
0x36: {  	v1 =	vld [tilespmem:$0x18800];
	_ =	sdelay $0x4  }
0x37: {  	(v2sf) =	vpush v1, $0x0;
	_ =	sdelay $0xe  }
0x38: {  	s18 =	spop (v2sf)  }
0x39: {  	s1 =	sand.u32 $0x7F, s18  }
0x3a: {  	s17 =	sshra.s32 s18, $0x1F;
	p0 =	slt.s32 s18, $0x1;
	p1 =	sne.s32 s1, $0x0  }
0x3b: {  	s19 =	sshrl.u32 s17, $0x19;
	s1 =	simm.s32 $0x1;
	p0 =	por !p0, !p1  }
.Ltmp0:
0x3c: {  	s0 =	sadd.s32 s19, s18;
	p0 =	por !p0, !p0;
	(pc) =	sbr.rel .LBB2_2-.Ltmp0, $4  }
0x3d: {  	s0 =	sshra.s32 s0, $0x7;
	s1 =	simm.s32 @!p0 $0x0  }
0x3e: {  	s0 =	ssub.s32 s0, s1  }
0x3f: {  	v1 =	vmov s0  }
0x40: {  	s31 =	simm.s32 $0x0;
	s17 =	simm.s32 $0x0;
	s1 =	simm.s32 $0x30;
	[tilespmem:$0x1CB80] =	vst v1  }
.LBB2_4:
0x41: {  	v1 =	vld [tilespmem:s1+$0xFFFFFFD0];
	_ =	sdelay $0x2  }
0x42: {  	s19 =	sshll.u32 s0, $0xE;
	s18 =	sshll.u32 s18, $0x7  }
0x43: {  	s18 =	ssub.s32 s18, s19  }
0x44: {  	[tilespmem:s18+$0x18B80] =	vst.add.f32.msk $0xffff, v1  }
0x45: {  	v1 =	vld [tilespmem:s1+$0xFFFFFFE0];
	_ =	sdelay $0x4  }
0x46: {  	[tilespmem:s18+$0x18B90] =	vst.add.f32.msk $0xffff, v1  }
0x47: {  	v1 =	vld [tilespmem:s1+$0xFFFFFFF0];
	_ =	sdelay $0x4  }
0x48: {  	[tilespmem:s18+$0x18BA0] =	vst.add.f32.msk $0xffff, v1  }
0x49: {  	v1 =	vld [tilespmem:s1+$0x0];
	_ =	sdelay $0x4  }
0x4a: {  	[tilespmem:s18+$0x18BB0] =	vst.add.f32.msk $0xffff, v1  }
0x4b: {  	v1 =	vld [tilespmem:s1+$0x10];
	_ =	sdelay $0x4  }
0x4c: {  	[tilespmem:s18+$0x18BC0] =	vst.add.f32.msk $0xffff, v1  }
0x4d: {  	v1 =	vld [tilespmem:s1+$0x20];
	_ =	sdelay $0x4  }
0x4e: {  	s17 =	sadd.s32 $0x4, s17;
	[tilespmem:s18+$0x18BD0] =	vst.add.f32.msk $0xffff, v1  }
0x4f: {  	p0 =	sne.s32 s17, $0xC40;
	v1 =	vld [tilespmem:s1+$0x30]  }
.Ltmp1:
0x50: {  	_ = 	snop;
	(pc) =	sbr.rel @!p0 .LBB2_5-.Ltmp1, $2  }
0x51: {  	_ =	sdelay $0x2  }
0x52: {  	s1 =	sadd.s32 $0x80, s1;
	[tilespmem:s18+$0x18BE0] =	vst.add.f32.msk $0xffff, v1  }
.LBB2_2:
0x53: {  	s18 =	sshra.s32 s17, $0x2  }
0x54: {  	v1 =	vld [tilespmem:s18+$0x18800];
	_ =	sdelay $0x4  }
0x55: {  	(v2sf) =	vpush v1, $0x0;
	_ =	sdelay $0xe  }
0x56: {  	s19 =	sshll.u32 s0, $0x7;
	s18 =	spop (v2sf)  }
0x57: {  	p0 =	slt.s32 s18, s19;
	s19 =	sadd.s32 $0x80, s19  }
0x58: {  	p1 =	slt.s32 @!p0 s18, s19  }
0x59: {  	p0 =	por p0, !p1  }
.Ltmp2:
0x5a: {  	_ = 	snop;
	(pc) =	sbr.rel @!p0 .LBB2_4-.Ltmp2, $1  }
0x5b: {  	_ =	sdelay $0x3  }
0x5c: {  	s0 =	sshll.u32 s31, $0xE  }
0x5d: {  	s0 =	sadd.s32 s8, s0  }
0x5e: {  	s0 =	sshrl.u32 s0, $0x3  }
0x5f: {  	s0 =	sadd.s32 s4, s0  }
0x60: {  	[hbm4b:s0+s2] =	stream.linear.scatter [tilespmem:s26], [sflag:$0x1], $0x4000, $0x38;
	[tilespmem:$0x1CC00] =	vst v63  }
0x61: {  	s0 =	sshll.u32 s31, $0x7  }
0x62: {  	s19 =	sand.u32 $0xFFFFFC00, s0  }
0x63: {  	s0 =	sand.u32 $0x380, s0;
	s19 =	sadd.s32 s9, s19  }
0x64: {  	_ =	swait.ge [sflag:s25], $0x4000;
	s0 =	sor.u32 s0, s19  }
0x65: {  	[sflag:s25] =	ssyncset.done $0x0;
	s0 =	sshrl.u32 s0, $0x3  }
0x66: {  	p0 =	slt.s32 s18, $0x1;
	[sflag:s25] =	ssyncadd.s32 $0xFFFFC000;
	s0 =	sadd.s32 s5, s0  }
0x67: {  	[hbm4b:s0+s2] =	stream.linear.scatter [tilespmem:s29], [sflag:$0x1], $0x80, $0x38;
	[tilespmem:$0x1CC00] =	vst v63  }
0x68: {  	s19 =	sshra.s32 s18, $0x1F;
	s0 =	sand.u32 $0x7F, s18;
	_ =	swait.ge [sflag:s25], $0x80  }
0x69: {  	s19 =	sshrl.u32 s19, $0x19;
	p1 =	sne.s32 s0, $0x0;
	[sflag:s25] =	ssyncset.done $0x0  }
0x6a: {  	s0 =	sadd.s32 s19, s18;
	p0 =	por !p0, !p1;
	[sflag:s25] =	ssyncadd.s32 $0xFFFFFF80  }
0x6b: {  	[tilespmem:s26], [sflag:$0x1] =	stream.linear.gather [hbm4b:s3+s2], $0x4000, $0x38;
	[tilespmem:$0x1CC00] =	vst v63  }
.Ltmp3:
0x6c: {  	s19 =	simm.s32 $0x1;
	p0 =	por !p0, !p0;
	(pc) =	sbr.rel .LBB2_4-.Ltmp3, $4  }
0x6d: {  	s0 =	sshra.s32 s0, $0x7;
	s19 =	simm.s32 @!p0 $0x0;
	_ =	swait.ge [sflag:s25], $0x4000  }
0x6e: {  	s0 =	ssub.s32 s0, s19;
	[sflag:s25] =	ssyncset.done $0x0  }
0x6f: {  	v1 =	vmov s0;
	[sflag:s25] =	ssyncadd.s32 $0xFFFFC000  }
0x70: {  	s31 =	sadd.s32 $0x1, s31;
	[tilespmem:$0x1CB80] =	vst v1  }
.LBB2_5:
0x71: {  	s1 =	simm.s32 $0x0;
	s17 =	rddreg [dreg:$0x5]  }
0x72: {  	[tilespmem:s1], [sflag:$0x1] =	stream.linear.gather [hbm4b:s17+s1], $0x18800, $0x38;
	[tilespmem:$0x1CC00] =	vst v63  }
0x73: {  	_ =	swait.ge [sflag:s25], $0x18800  }
0x74: {  	[sflag:s25] =	ssyncset.done $0x0  }
.Ltmp4:
0x75: {  	s19 =	rddreg [dreg:$0x6];
	[sflag:s25] =	ssyncadd.s32 $0xFFFE7800;
	(pc) =	sbr.rel .LBB2_6-.Ltmp4, $4  }
0x76: {  	[tilespmem:s28], [sflag:$0x1] =	stream.linear.gather [hbm4b:s19+s1], $0x310, $0x38;
	[tilespmem:$0x1CC00] =	vst v63  }
0x77: {  	_ =	swait.ge [sflag:s25], $0x310  }
0x78: {  	[sflag:s25] =	ssyncset.done $0x0  }
0x79: {  	s17 =	simm.s32 $0x30;
	[sflag:s25] =	ssyncadd.s32 $0xFFFFFCF0  }
.LBB2_8:
0x7a: {  	v1 =	vld [tilespmem:s17+$0xFFFFFFD0];
	_ =	sdelay $0x2  }
0x7b: {  	s19 =	sshll.u32 s0, $0xE;
	s18 =	sshll.u32 s18, $0x7  }
0x7c: {  	s18 =	ssub.s32 s18, s19  }
0x7d: {  	[tilespmem:s18+$0x18B80] =	vst.add.f32.msk $0xffff, v1  }
0x7e: {  	v1 =	vld [tilespmem:s17+$0xFFFFFFE0];
	_ =	sdelay $0x4  }
0x7f: {  	[tilespmem:s18+$0x18B90] =	vst.add.f32.msk $0xffff, v1  }
0x80: {  	v1 =	vld [tilespmem:s17+$0xFFFFFFF0];
	_ =	sdelay $0x4  }
0x81: {  	[tilespmem:s18+$0x18BA0] =	vst.add.f32.msk $0xffff, v1  }
0x82: {  	v1 =	vld [tilespmem:s17+$0x0];
	_ =	sdelay $0x4  }
0x83: {  	[tilespmem:s18+$0x18BB0] =	vst.add.f32.msk $0xffff, v1  }
0x84: {  	v1 =	vld [tilespmem:s17+$0x10];
	_ =	sdelay $0x4  }
0x85: {  	[tilespmem:s18+$0x18BC0] =	vst.add.f32.msk $0xffff, v1  }
0x86: {  	v1 =	vld [tilespmem:s17+$0x20];
	_ =	sdelay $0x4  }
0x87: {  	s1 =	sadd.s32 $0x4, s1;
	[tilespmem:s18+$0x18BD0] =	vst.add.f32.msk $0xffff, v1  }
0x88: {  	p0 =	sne.s32 s1, $0xC40;
	v1 =	vld [tilespmem:s17+$0x30]  }
.Ltmp5:
0x89: {  	_ = 	snop;
	(pc) =	sbr.rel @!p0 .LBB2_9-.Ltmp5, $2  }
0x8a: {  	_ =	sdelay $0x2  }
0x8b: {  	s17 =	sadd.s32 $0x80, s17;
	[tilespmem:s18+$0x18BE0] =	vst.add.f32.msk $0xffff, v1  }
.LBB2_6:
0x8c: {  	s18 =	sshra.s32 s1, $0x2  }
0x8d: {  	v1 =	vld [tilespmem:s18+$0x18800];
	_ =	sdelay $0x4  }
0x8e: {  	(v2sf) =	vpush v1, $0x0;
	_ =	sdelay $0xe  }
0x8f: {  	s19 =	sshll.u32 s0, $0x7;
	s18 =	spop (v2sf)  }
0x90: {  	p0 =	slt.s32 s18, s19;
	s19 =	sadd.s32 $0x80, s19  }
0x91: {  	p1 =	slt.s32 @!p0 s18, s19  }
0x92: {  	p0 =	por p0, !p1  }
.Ltmp6:
0x93: {  	_ = 	snop;
	(pc) =	sbr.rel @!p0 .LBB2_8-.Ltmp6, $1  }
0x94: {  	_ =	sdelay $0x3  }
0x95: {  	s0 =	sshll.u32 s31, $0xE  }
0x96: {  	s0 =	sadd.s32 s8, s0  }
0x97: {  	s0 =	sshrl.u32 s0, $0x3  }
0x98: {  	s0 =	sadd.s32 s4, s0  }
0x99: {  	[hbm4b:s0+s2] =	stream.linear.scatter [tilespmem:s26], [sflag:$0x1], $0x4000, $0x38;
	[tilespmem:$0x1CC00] =	vst v63  }
0x9a: {  	s0 =	sshll.u32 s31, $0x7  }
0x9b: {  	s19 =	sand.u32 $0xFFFFFC00, s0  }
0x9c: {  	s0 =	sand.u32 $0x380, s0;
	s19 =	sadd.s32 s9, s19  }
0x9d: {  	_ =	swait.ge [sflag:s25], $0x4000;
	s0 =	sor.u32 s0, s19  }
0x9e: {  	[sflag:s25] =	ssyncset.done $0x0;
	s0 =	sshrl.u32 s0, $0x3  }
0x9f: {  	p0 =	slt.s32 s18, $0x1;
	[sflag:s25] =	ssyncadd.s32 $0xFFFFC000;
	s0 =	sadd.s32 s5, s0  }
0xa0: {  	[hbm4b:s0+s2] =	stream.linear.scatter [tilespmem:s29], [sflag:$0x1], $0x80, $0x38;
	[tilespmem:$0x1CC00] =	vst v63  }
0xa1: {  	s19 =	sshra.s32 s18, $0x1F;
	s0 =	sand.u32 $0x7F, s18;
	_ =	swait.ge [sflag:s25], $0x80  }
0xa2: {  	s19 =	sshrl.u32 s19, $0x19;
	p1 =	sne.s32 s0, $0x0;
	[sflag:s25] =	ssyncset.done $0x0  }
0xa3: {  	s0 =	sadd.s32 s19, s18;
	p0 =	por !p0, !p1;
	[sflag:s25] =	ssyncadd.s32 $0xFFFFFF80  }
0xa4: {  	[tilespmem:s26], [sflag:$0x1] =	stream.linear.gather [hbm4b:s3+s2], $0x4000, $0x38;
	[tilespmem:$0x1CC00] =	vst v63  }
.Ltmp7:
0xa5: {  	s19 =	simm.s32 $0x1;
	p0 =	por !p0, !p0;
	(pc) =	sbr.rel .LBB2_8-.Ltmp7, $4  }
0xa6: {  	s0 =	sshra.s32 s0, $0x7;
	s19 =	simm.s32 @!p0 $0x0;
	_ =	swait.ge [sflag:s25], $0x4000  }
0xa7: {  	s0 =	ssub.s32 s0, s19;
	[sflag:s25] =	ssyncset.done $0x0  }
0xa8: {  	v1 =	vmov s0;
	[sflag:s25] =	ssyncadd.s32 $0xFFFFC000  }
0xa9: {  	s31 =	sadd.s32 $0x1, s31;
	[tilespmem:$0x1CB80] =	vst v1  }
.LBB2_9:
0xaa: {  	s1 =	simm.s32 $0x0;
	s17 =	rddreg [dreg:$0x7]  }
0xab: {  	[tilespmem:s1], [sflag:$0x1] =	stream.linear.gather [hbm4b:s17+s1], $0x18800, $0x38;
	[tilespmem:$0x1CC00] =	vst v63  }
0xac: {  	_ =	swait.ge [sflag:s25], $0x18800  }
0xad: {  	[sflag:s25] =	ssyncset.done $0x0  }
.Ltmp8:
0xae: {  	s19 =	rddreg [dreg:$0x8];
	[sflag:s25] =	ssyncadd.s32 $0xFFFE7800;
	(pc) =	sbr.rel .LBB2_10-.Ltmp8, $4  }
0xaf: {  	[tilespmem:s28], [sflag:$0x1] =	stream.linear.gather [hbm4b:s19+s1], $0x310, $0x38;
	[tilespmem:$0x1CC00] =	vst v63  }
0xb0: {  	_ =	swait.ge [sflag:s25], $0x310  }
0xb1: {  	[sflag:s25] =	ssyncset.done $0x0  }
0xb2: {  	s17 =	simm.s32 $0x30;
	[sflag:s25] =	ssyncadd.s32 $0xFFFFFCF0  }
.LBB2_12:
0xb3: {  	v1 =	vld [tilespmem:s17+$0xFFFFFFD0];
	_ =	sdelay $0x2  }
0xb4: {  	s19 =	sshll.u32 s0, $0xE;
	s18 =	sshll.u32 s18, $0x7  }
0xb5: {  	s18 =	ssub.s32 s18, s19  }
0xb6: {  	[tilespmem:s18+$0x18B80] =	vst.add.f32.msk $0xffff, v1  }
0xb7: {  	v1 =	vld [tilespmem:s17+$0xFFFFFFE0];
	_ =	sdelay $0x4  }
0xb8: {  	[tilespmem:s18+$0x18B90] =	vst.add.f32.msk $0xffff, v1  }
0xb9: {  	v1 =	vld [tilespmem:s17+$0xFFFFFFF0];
	_ =	sdelay $0x4  }
0xba: {  	[tilespmem:s18+$0x18BA0] =	vst.add.f32.msk $0xffff, v1  }
0xbb: {  	v1 =	vld [tilespmem:s17+$0x0];
	_ =	sdelay $0x4  }
0xbc: {  	[tilespmem:s18+$0x18BB0] =	vst.add.f32.msk $0xffff, v1  }
0xbd: {  	v1 =	vld [tilespmem:s17+$0x10];
	_ =	sdelay $0x4  }
0xbe: {  	[tilespmem:s18+$0x18BC0] =	vst.add.f32.msk $0xffff, v1  }
0xbf: {  	v1 =	vld [tilespmem:s17+$0x20];
	_ =	sdelay $0x4  }
0xc0: {  	s1 =	sadd.s32 $0x4, s1;
	[tilespmem:s18+$0x18BD0] =	vst.add.f32.msk $0xffff, v1  }
0xc1: {  	p0 =	sne.s32 s1, $0xC40;
	v1 =	vld [tilespmem:s17+$0x30]  }
.Ltmp9:
0xc2: {  	_ = 	snop;
	(pc) =	sbr.rel @!p0 .LBB2_13-.Ltmp9, $2  }
0xc3: {  	_ =	sdelay $0x2  }
0xc4: {  	s17 =	sadd.s32 $0x80, s17;
	[tilespmem:s18+$0x18BE0] =	vst.add.f32.msk $0xffff, v1  }
.LBB2_10:
0xc5: {  	s18 =	sshra.s32 s1, $0x2  }
0xc6: {  	v1 =	vld [tilespmem:s18+$0x18800];
	_ =	sdelay $0x4  }
0xc7: {  	(v2sf) =	vpush v1, $0x0;
	_ =	sdelay $0xe  }
0xc8: {  	s19 =	sshll.u32 s0, $0x7;
	s18 =	spop (v2sf)  }
0xc9: {  	p0 =	slt.s32 s18, s19;
	s19 =	sadd.s32 $0x80, s19  }
0xca: {  	p1 =	slt.s32 @!p0 s18, s19  }
0xcb: {  	p0 =	por p0, !p1  }
.Ltmp10:
0xcc: {  	_ = 	snop;
	(pc) =	sbr.rel @!p0 .LBB2_12-.Ltmp10, $1  }
0xcd: {  	_ =	sdelay $0x3  }
0xce: {  	s0 =	sshll.u32 s31, $0xE  }
0xcf: {  	s0 =	sadd.s32 s8, s0  }
0xd0: {  	s0 =	sshrl.u32 s0, $0x3  }
0xd1: {  	s0 =	sadd.s32 s4, s0  }
0xd2: {  	[hbm4b:s0+s2] =	stream.linear.scatter [tilespmem:s26], [sflag:$0x1], $0x4000, $0x38;
	[tilespmem:$0x1CC00] =	vst v63  }
0xd3: {  	s0 =	sshll.u32 s31, $0x7  }
0xd4: {  	s19 =	sand.u32 $0xFFFFFC00, s0  }
0xd5: {  	s0 =	sand.u32 $0x380, s0;
	s19 =	sadd.s32 s9, s19  }
0xd6: {  	_ =	swait.ge [sflag:s25], $0x4000;
	s0 =	sor.u32 s0, s19  }
0xd7: {  	[sflag:s25] =	ssyncset.done $0x0;
	s0 =	sshrl.u32 s0, $0x3  }
0xd8: {  	p0 =	slt.s32 s18, $0x1;
	[sflag:s25] =	ssyncadd.s32 $0xFFFFC000;
	s0 =	sadd.s32 s5, s0  }
0xd9: {  	[hbm4b:s0+s2] =	stream.linear.scatter [tilespmem:s29], [sflag:$0x1], $0x80, $0x38;
	[tilespmem:$0x1CC00] =	vst v63  }
0xda: {  	s19 =	sshra.s32 s18, $0x1F;
	s0 =	sand.u32 $0x7F, s18;
	_ =	swait.ge [sflag:s25], $0x80  }
0xdb: {  	s19 =	sshrl.u32 s19, $0x19;
	p1 =	sne.s32 s0, $0x0;
	[sflag:s25] =	ssyncset.done $0x0  }
0xdc: {  	s0 =	sadd.s32 s19, s18;
	p0 =	por !p0, !p1;
	[sflag:s25] =	ssyncadd.s32 $0xFFFFFF80  }
0xdd: {  	[tilespmem:s26], [sflag:$0x1] =	stream.linear.gather [hbm4b:s3+s2], $0x4000, $0x38;
	[tilespmem:$0x1CC00] =	vst v63  }
.Ltmp11:
0xde: {  	s19 =	simm.s32 $0x1;
	p0 =	por !p0, !p0;
	(pc) =	sbr.rel .LBB2_12-.Ltmp11, $4  }
0xdf: {  	s0 =	sshra.s32 s0, $0x7;
	s19 =	simm.s32 @!p0 $0x0;
	_ =	swait.ge [sflag:s25], $0x4000  }
0xe0: {  	s0 =	ssub.s32 s0, s19;
	[sflag:s25] =	ssyncset.done $0x0  }
0xe1: {  	v1 =	vmov s0;
	[sflag:s25] =	ssyncadd.s32 $0xFFFFC000  }
0xe2: {  	s31 =	sadd.s32 $0x1, s31;
	[tilespmem:$0x1CB80] =	vst v1  }
.LBB2_13:
0xe3: {  	s1 =	simm.s32 $0x0;
	s17 =	rddreg [dreg:$0x9]  }
0xe4: {  	[tilespmem:s1], [sflag:$0x1] =	stream.linear.gather [hbm4b:s17+s1], $0x18800, $0x38;
	[tilespmem:$0x1CC00] =	vst v63  }
0xe5: {  	_ =	swait.ge [sflag:s25], $0x18800  }
0xe6: {  	[sflag:s25] =	ssyncset.done $0x0  }
.Ltmp12:
0xe7: {  	s19 =	rddreg [dreg:$0xa];
	[sflag:s25] =	ssyncadd.s32 $0xFFFE7800;
	(pc) =	sbr.rel .LBB2_14-.Ltmp12, $4  }
0xe8: {  	[tilespmem:s28], [sflag:$0x1] =	stream.linear.gather [hbm4b:s19+s1], $0x310, $0x38;
	[tilespmem:$0x1CC00] =	vst v63  }
0xe9: {  	_ =	swait.ge [sflag:s25], $0x310  }
0xea: {  	[sflag:s25] =	ssyncset.done $0x0  }
0xeb: {  	s17 =	simm.s32 $0x30;
	[sflag:s25] =	ssyncadd.s32 $0xFFFFFCF0  }
.LBB2_16:
0xec: {  	v1 =	vld [tilespmem:s17+$0xFFFFFFD0];
	_ =	sdelay $0x2  }
0xed: {  	s19 =	sshll.u32 s0, $0xE;
	s18 =	sshll.u32 s18, $0x7  }
0xee: {  	s18 =	ssub.s32 s18, s19  }
0xef: {  	[tilespmem:s18+$0x18B80] =	vst.add.f32.msk $0xffff, v1  }
0xf0: {  	v1 =	vld [tilespmem:s17+$0xFFFFFFE0];
	_ =	sdelay $0x4  }
0xf1: {  	[tilespmem:s18+$0x18B90] =	vst.add.f32.msk $0xffff, v1  }
0xf2: {  	v1 =	vld [tilespmem:s17+$0xFFFFFFF0];
	_ =	sdelay $0x4  }
0xf3: {  	[tilespmem:s18+$0x18BA0] =	vst.add.f32.msk $0xffff, v1  }
0xf4: {  	v1 =	vld [tilespmem:s17+$0x0];
	_ =	sdelay $0x4  }
0xf5: {  	[tilespmem:s18+$0x18BB0] =	vst.add.f32.msk $0xffff, v1  }
0xf6: {  	v1 =	vld [tilespmem:s17+$0x10];
	_ =	sdelay $0x4  }
0xf7: {  	[tilespmem:s18+$0x18BC0] =	vst.add.f32.msk $0xffff, v1  }
0xf8: {  	v1 =	vld [tilespmem:s17+$0x20];
	_ =	sdelay $0x4  }
0xf9: {  	s1 =	sadd.s32 $0x4, s1;
	[tilespmem:s18+$0x18BD0] =	vst.add.f32.msk $0xffff, v1  }
0xfa: {  	p0 =	sne.s32 s1, $0xC40;
	v1 =	vld [tilespmem:s17+$0x30]  }
.Ltmp13:
0xfb: {  	_ = 	snop;
	(pc) =	sbr.rel @!p0 .LBB2_17-.Ltmp13, $2  }
0xfc: {  	_ =	sdelay $0x2  }
0xfd: {  	s17 =	sadd.s32 $0x80, s17;
	[tilespmem:s18+$0x18BE0] =	vst.add.f32.msk $0xffff, v1  }
.LBB2_14:
0xfe: {  	s18 =	sshra.s32 s1, $0x2  }
0xff: {  	v1 =	vld [tilespmem:s18+$0x18800];
	_ =	sdelay $0x4  }
0x100: {  	(v2sf) =	vpush v1, $0x0;
	_ =	sdelay $0xe  }
0x101: {  	s19 =	sshll.u32 s0, $0x7;
	s18 =	spop (v2sf)  }
0x102: {  	p0 =	slt.s32 s18, s19;
	s19 =	sadd.s32 $0x80, s19  }
0x103: {  	p1 =	slt.s32 @!p0 s18, s19  }
0x104: {  	p0 =	por p0, !p1  }
.Ltmp14:
0x105: {  	_ = 	snop;
	(pc) =	sbr.rel @!p0 .LBB2_16-.Ltmp14, $1  }
0x106: {  	_ =	sdelay $0x3  }
0x107: {  	s0 =	sshll.u32 s31, $0xE  }
0x108: {  	s0 =	sadd.s32 s8, s0  }
0x109: {  	s0 =	sshrl.u32 s0, $0x3  }
0x10a: {  	s0 =	sadd.s32 s4, s0  }
0x10b: {  	[hbm4b:s0+s2] =	stream.linear.scatter [tilespmem:s26], [sflag:$0x1], $0x4000, $0x38;
	[tilespmem:$0x1CC00] =	vst v63  }
0x10c: {  	s0 =	sshll.u32 s31, $0x7  }
0x10d: {  	s19 =	sand.u32 $0xFFFFFC00, s0  }
0x10e: {  	s0 =	sand.u32 $0x380, s0;
	s19 =	sadd.s32 s9, s19  }
0x10f: {  	_ =	swait.ge [sflag:s25], $0x4000;
	s0 =	sor.u32 s0, s19  }
0x110: {  	[sflag:s25] =	ssyncset.done $0x0;
	s0 =	sshrl.u32 s0, $0x3  }
0x111: {  	p0 =	slt.s32 s18, $0x1;
	[sflag:s25] =	ssyncadd.s32 $0xFFFFC000;
	s0 =	sadd.s32 s5, s0  }
0x112: {  	[hbm4b:s0+s2] =	stream.linear.scatter [tilespmem:s29], [sflag:$0x1], $0x80, $0x38;
	[tilespmem:$0x1CC00] =	vst v63  }
0x113: {  	s19 =	sshra.s32 s18, $0x1F;
	s0 =	sand.u32 $0x7F, s18;
	_ =	swait.ge [sflag:s25], $0x80  }
0x114: {  	s19 =	sshrl.u32 s19, $0x19;
	p1 =	sne.s32 s0, $0x0;
	[sflag:s25] =	ssyncset.done $0x0  }
0x115: {  	s0 =	sadd.s32 s19, s18;
	p0 =	por !p0, !p1;
	[sflag:s25] =	ssyncadd.s32 $0xFFFFFF80  }
0x116: {  	[tilespmem:s26], [sflag:$0x1] =	stream.linear.gather [hbm4b:s3+s2], $0x4000, $0x38;
	[tilespmem:$0x1CC00] =	vst v63  }
.Ltmp15:
0x117: {  	s19 =	simm.s32 $0x1;
	p0 =	por !p0, !p0;
	(pc) =	sbr.rel .LBB2_16-.Ltmp15, $4  }
0x118: {  	s0 =	sshra.s32 s0, $0x7;
	s19 =	simm.s32 @!p0 $0x0;
	_ =	swait.ge [sflag:s25], $0x4000  }
0x119: {  	s0 =	ssub.s32 s0, s19;
	[sflag:s25] =	ssyncset.done $0x0  }
0x11a: {  	v1 =	vmov s0;
	[sflag:s25] =	ssyncadd.s32 $0xFFFFC000  }
0x11b: {  	s31 =	sadd.s32 $0x1, s31;
	[tilespmem:$0x1CB80] =	vst v1  }
.LBB2_17:
0x11c: {  	s0 =	sshll.u32 s31, $0xE  }
0x11d: {  	s0 =	sadd.s32 s8, s0  }
0x11e: {  	s19 =	sshll.u32 s31, $0x7;
	s0 =	sshrl.u32 s0, $0x3  }
0x11f: {  	s1 =	sand.u32 $0xFFFFFC00, s19;
	s0 =	sadd.s32 s4, s0  }
0x120: {  	[hbm4b:s0+s2] =	stream.linear.scatter [tilespmem:s26], [sflag:$0x1], $0x4000, $0x38;
	[tilespmem:$0x1CC00] =	vst v63  }
0x121: {  	s1 =	sadd.s32 s9, s1;
	s0 =	sand.u32 $0x380, s19  }
0x122: {  	_ =	swait.ge [sflag:s25], $0x4000;
	s0 =	sor.u32 s0, s1  }
0x123: {  	[sflag:s25] =	ssyncset.done $0x0;
	s0 =	sshrl.u32 s0, $0x3  }
0x124: {  	p0 =	sgt.s32 s31, $0xFFFFFFFF;
	[sflag:s25] =	ssyncadd.s32 $0xFFFFC000;
	s0 =	sadd.s32 s5, s0  }
0x125: {  	[hbm4b:s0+s2] =	stream.linear.scatter [tilespmem:s29], [sflag:$0x1], $0x80, $0x38;
	[tilespmem:$0x1CC00] =	vst v63  }
.Ltmp16:
0x126: {  	_ = 	snop;
	(pc) =	sbr.rel @!p0 .LBB2_18-.Ltmp16, $4  }
0x127: {  	_ =	swait.ge [sflag:s25], $0x80  }
0x128: {  	[sflag:s25] =	ssyncset.done $0x0  }
0x129: {  	[sflag:s25] =	ssyncadd.s32 $0xFFFFFF80  }
0x12a: {  	[tilespmem:$0x1CB80] =	vst v0  }
0x12b: {  	p0 =	seq.s32 s31, $0x1  }
.Ltmp17:
0x12c: {  	_ = 	snop;
	(pc) =	sbr.rel @p0 .LBB2_22-.Ltmp17, $1  }
0x12d: {  	_ =	sdelay $0x3  }
0x12e: {  	p0 =	sne.s32 s31, $0x0  }
.Ltmp18:
0x12f: {  	_ = 	snop;
	(pc) =	sbr.rel @!p0 .LBB2_21-.Ltmp18, $1  }
0x130: {  	_ =	sdelay $0x3  }
0x131: {  	p0 =	sgt.u32 s31, $0x2  }
.Ltmp19:
0x132: {  	_ = 	snop;
	(pc) =	sbr.rel @!p0 .LBB2_24-.Ltmp19, $1  }
0x133: {  	_ =	sdelay $0x3  }
0x134: {  	p0 =	sne.s32 s31, $0x3  }
.Ltmp20:
0x135: {  	_ = 	snop;
	(pc) =	sbr.rel @!p0 .LBB2_26-.Ltmp20, $1  }
0x136: {  	_ =	sdelay $0x3  }
0x137: {  	p0 =	sgt.u32 s31, $0x4  }
.Ltmp21:
0x138: {  	_ = 	snop;
	(pc) =	sbr.rel @!p0 .LBB2_28-.Ltmp21, $1  }
0x139: {  	_ =	sdelay $0x3  }
0x13a: {  	p0 =	sne.s32 s31, $0x5  }
.Ltmp22:
0x13b: {  	_ = 	snop;
	(pc) =	sbr.rel @!p0 .LBB2_30-.Ltmp22, $1  }
0x13c: {  	_ =	sdelay $0x3  }
0x13d: {  	p0 =	sgt.u32 s31, $0x6  }
.Ltmp23:
0x13e: {  	_ = 	snop;
	(pc) =	sbr.rel @!p0 .LBB2_32-.Ltmp23, $1  }
0x13f: {  	_ =	sdelay $0x3  }
0x140: {  	p0 =	sne.s32 s31, $0x7  }
.Ltmp24:
0x141: {  	_ = 	snop;
	(pc) =	sbr.rel @!p0 .LBB2_34-.Ltmp24, $1  }
0x142: {  	_ =	sdelay $0x3  }
0x143: {  	p0 =	sgt.u32 s31, $0x8  }
.Ltmp25:
0x144: {  	_ = 	snop;
	(pc) =	sbr.rel @!p0 .LBB2_36-.Ltmp25, $1  }
0x145: {  	_ =	sdelay $0x3  }
0x146: {  	p0 =	sne.s32 s31, $0x9  }
.Ltmp26:
0x147: {  	_ = 	snop;
	(pc) =	sbr.rel @!p0 .LBB2_38-.Ltmp26, $1  }
0x148: {  	_ =	sdelay $0x3  }
0x149: {  	p0 =	sgt.u32 s31, $0xA  }
.Ltmp27:
0x14a: {  	_ = 	snop;
	(pc) =	sbr.rel @!p0 .LBB2_40-.Ltmp27, $1  }
0x14b: {  	_ =	sdelay $0x3  }
0x14c: {  	p0 =	sne.s32 s31, $0xB  }
.Ltmp28:
0x14d: {  	_ = 	snop;
	(pc) =	sbr.rel @!p0 .LBB2_42-.Ltmp28, $1  }
0x14e: {  	_ =	sdelay $0x3  }
0x14f: {  	p0 =	sgt.u32 s31, $0xC  }
.Ltmp29:
0x150: {  	_ = 	snop;
	(pc) =	sbr.rel @!p0 .LBB2_44-.Ltmp29, $1  }
0x151: {  	_ =	sdelay $0x3  }
0x152: {  	p0 =	sne.s32 s31, $0xD  }
.Ltmp30:
0x153: {  	_ = 	snop;
	(pc) =	sbr.rel @!p0 .LBB2_46-.Ltmp30, $1  }
0x154: {  	_ =	sdelay $0x3  }
0x155: {  	p0 =	sgt.u32 s31, $0xE  }
.Ltmp31:
0x156: {  	_ = 	snop;
	(pc) =	sbr.rel @!p0 .LBB2_48-.Ltmp31, $1  }
0x157: {  	_ =	sdelay $0x3  }
0x158: {  	p0 =	sne.s32 s31, $0xF  }
.Ltmp32:
0x159: {  	_ = 	snop;
	(pc) =	sbr.rel @!p0 .LBB2_50-.Ltmp32, $1  }
0x15a: {  	_ =	sdelay $0x3  }
0x15b: {  	p0 =	sgt.u32 s31, $0x10  }
.Ltmp33:
0x15c: {  	_ = 	snop;
	(pc) =	sbr.rel @!p0 .LBB2_52-.Ltmp33, $1  }
0x15d: {  	_ =	sdelay $0x3  }
0x15e: {  	p0 =	sne.s32 s31, $0x11  }
.Ltmp34:
0x15f: {  	_ = 	snop;
	(pc) =	sbr.rel @!p0 .LBB2_54-.Ltmp34, $1  }
0x160: {  	_ =	sdelay $0x3  }
0x161: {  	p0 =	sgt.u32 s31, $0x12  }
.Ltmp35:
0x162: {  	_ = 	snop;
	(pc) =	sbr.rel @!p0 .LBB2_56-.Ltmp35, $1  }
0x163: {  	_ =	sdelay $0x3  }
0x164: {  	p0 =	sne.s32 s31, $0x13  }
.Ltmp36:
0x165: {  	_ = 	snop;
	(pc) =	sbr.rel @!p0 .LBB2_58-.Ltmp36, $1  }
0x166: {  	_ =	sdelay $0x3  }
0x167: {  	p0 =	sgt.u32 s31, $0x14  }
.Ltmp37:
0x168: {  	_ = 	snop;
	(pc) =	sbr.rel @!p0 .LBB2_60-.Ltmp37, $1  }
0x169: {  	_ =	sdelay $0x3  }
0x16a: {  	p0 =	sne.s32 s31, $0x15  }
.Ltmp38:
0x16b: {  	_ = 	snop;
	(pc) =	sbr.rel @!p0 .LBB2_62-.Ltmp38, $1  }
0x16c: {  	_ =	sdelay $0x3  }
0x16d: {  	p0 =	sgt.u32 s31, $0x16  }
.Ltmp39:
0x16e: {  	_ = 	snop;
	(pc) =	sbr.rel @!p0 .LBB2_64-.Ltmp39, $1  }
0x16f: {  	_ =	sdelay $0x3  }
0x170: {  	p0 =	sne.s32 s31, $0x17  }
.Ltmp40:
0x171: {  	_ = 	snop;
	(pc) =	sbr.rel @!p0 .LBB2_66-.Ltmp40, $1  }
0x172: {  	_ =	sdelay $0x3  }
0x173: {  	p0 =	sgt.u32 s31, $0x18  }
.Ltmp41:
0x174: {  	_ = 	snop;
	(pc) =	sbr.rel @!p0 .LBB2_68-.Ltmp41, $1  }
0x175: {  	_ =	sdelay $0x3  }
0x176: {  	p0 =	sne.s32 s31, $0x19  }
.Ltmp42:
0x177: {  	_ = 	snop;
	(pc) =	sbr.rel @!p0 .LBB2_70-.Ltmp42, $1  }
0x178: {  	_ =	sdelay $0x3  }
0x179: {  	p0 =	sgt.u32 s31, $0x1A  }
.Ltmp43:
0x17a: {  	_ = 	snop;
	(pc) =	sbr.rel @!p0 .LBB2_72-.Ltmp43, $1  }
0x17b: {  	_ =	sdelay $0x3  }
0x17c: {  	p0 =	sne.s32 s31, $0x1B  }
.Ltmp44:
0x17d: {  	_ = 	snop;
	(pc) =	sbr.rel @!p0 .LBB2_74-.Ltmp44, $1  }
0x17e: {  	_ =	sdelay $0x3  }
0x17f: {  	p0 =	sgt.u32 s31, $0x1C  }
.Ltmp45:
0x180: {  	_ = 	snop;
	(pc) =	sbr.rel @!p0 .LBB2_76-.Ltmp45, $1  }
0x181: {  	_ =	sdelay $0x3  }
0x182: {  	p0 =	sne.s32 s31, $0x1D  }
.Ltmp46:
0x183: {  	_ = 	snop;
	(pc) =	sbr.rel @!p0 .LBB2_78-.Ltmp46, $1  }
0x184: {  	_ =	sdelay $0x3  }
0x185: {  	p0 =	sgt.u32 s31, $0x1E  }
.Ltmp47:
0x186: {  	_ = 	snop;
	(pc) =	sbr.rel @p0 .LBB2_81-.Ltmp47, $4  }
.Ltmp48:
0x187: {  	_ = 	snop;
	(pc) =	sbr.rel @!p0 .LBB2_80-.Ltmp48, $4  }
0x188: {  	_ = 	snop  }
0x189: {  	_ = 	snop  }
0x18a: {  	_ = 	snop  }
0x18b: {  	_ = 	snop  }
.LBB2_18:
0x18c: {  	[hbm4b:s14+s2] =	stream.linear.scatter [tilespmem:s29], [sflag:$0x1], $0x80, $0x38;
	[tilespmem:$0x1CC00] =	vst v63  }
0x18d: {  	_ =	swait.ge [sflag:s25], $0x80  }
0x18e: {  	[sflag:s25] =	ssyncset.done $0x0  }
0x18f: {  	[sflag:s25] =	ssyncadd.s32 $0xFFFFFF80  }
.LBB2_21:
0x190: {  	s0 =	rddreg [dreg:$0xb]  }
0x191: {  	[hbm4b:s0+s2] =	stream.linear.scatter [tilespmem:s29], [sflag:$0x1], $0x80, $0x38;
	[tilespmem:$0x1CC00] =	vst v63  }
0x192: {  	_ =	swait.ge [sflag:s25], $0x80  }
0x193: {  	[sflag:s25] =	ssyncset.done $0x0  }
0x194: {  	[sflag:s25] =	ssyncadd.s32 $0xFFFFFF80  }
.LBB2_22:
0x195: {  	s0 =	rddreg [dreg:$0xc]  }
0x196: {  	[hbm4b:s0+s2] =	stream.linear.scatter [tilespmem:s29], [sflag:$0x1], $0x80, $0x38;
	[tilespmem:$0x1CC00] =	vst v63  }
0x197: {  	_ =	swait.ge [sflag:s25], $0x80  }
0x198: {  	[sflag:s25] =	ssyncset.done $0x0  }
0x199: {  	[sflag:s25] =	ssyncadd.s32 $0xFFFFFF80  }
.LBB2_24:
0x19a: {  	s0 =	rddreg [dreg:$0xd]  }
0x19b: {  	[hbm4b:s0+s2] =	stream.linear.scatter [tilespmem:s29], [sflag:$0x1], $0x80, $0x38;
	[tilespmem:$0x1CC00] =	vst v63  }
0x19c: {  	_ =	swait.ge [sflag:s25], $0x80  }
0x19d: {  	[sflag:s25] =	ssyncset.done $0x0  }
0x19e: {  	[sflag:s25] =	ssyncadd.s32 $0xFFFFFF80  }
.LBB2_26:
0x19f: {  	s0 =	rddreg [dreg:$0xe]  }
0x1a0: {  	[hbm4b:s0+s2] =	stream.linear.scatter [tilespmem:s29], [sflag:$0x1], $0x80, $0x38;
	[tilespmem:$0x1CC00] =	vst v63  }
0x1a1: {  	_ =	swait.ge [sflag:s25], $0x80  }
0x1a2: {  	[sflag:s25] =	ssyncset.done $0x0  }
0x1a3: {  	[sflag:s25] =	ssyncadd.s32 $0xFFFFFF80  }
.LBB2_28:
0x1a4: {  	s0 =	rddreg [dreg:$0xf]  }
0x1a5: {  	[hbm4b:s0+s2] =	stream.linear.scatter [tilespmem:s29], [sflag:$0x1], $0x80, $0x38;
	[tilespmem:$0x1CC00] =	vst v63  }
0x1a6: {  	_ =	swait.ge [sflag:s25], $0x80  }
0x1a7: {  	[sflag:s25] =	ssyncset.done $0x0  }
0x1a8: {  	[sflag:s25] =	ssyncadd.s32 $0xFFFFFF80  }
.LBB2_30:
0x1a9: {  	s0 =	rddreg [dreg:$0x10]  }
0x1aa: {  	[hbm4b:s0+s2] =	stream.linear.scatter [tilespmem:s29], [sflag:$0x1], $0x80, $0x38;
	[tilespmem:$0x1CC00] =	vst v63  }
0x1ab: {  	_ =	swait.ge [sflag:s25], $0x80  }
0x1ac: {  	[sflag:s25] =	ssyncset.done $0x0  }
0x1ad: {  	[sflag:s25] =	ssyncadd.s32 $0xFFFFFF80  }
.LBB2_32:
0x1ae: {  	s0 =	rddreg [dreg:$0x11]  }
0x1af: {  	[hbm4b:s0+s2] =	stream.linear.scatter [tilespmem:s29], [sflag:$0x1], $0x80, $0x38;
	[tilespmem:$0x1CC00] =	vst v63  }
0x1b0: {  	_ =	swait.ge [sflag:s25], $0x80  }
0x1b1: {  	[sflag:s25] =	ssyncset.done $0x0  }
0x1b2: {  	[sflag:s25] =	ssyncadd.s32 $0xFFFFFF80  }
.LBB2_34:
0x1b3: {  	s0 =	rddreg [dreg:$0x12]  }
0x1b4: {  	[hbm4b:s0+s2] =	stream.linear.scatter [tilespmem:s29], [sflag:$0x1], $0x80, $0x38;
	[tilespmem:$0x1CC00] =	vst v63  }
0x1b5: {  	_ =	swait.ge [sflag:s25], $0x80  }
0x1b6: {  	[sflag:s25] =	ssyncset.done $0x0  }
0x1b7: {  	[sflag:s25] =	ssyncadd.s32 $0xFFFFFF80  }
.LBB2_36:
0x1b8: {  	s0 =	rddreg [dreg:$0x14]  }
0x1b9: {  	[hbm4b:s0+s2] =	stream.linear.scatter [tilespmem:s29], [sflag:$0x1], $0x80, $0x38;
	[tilespmem:$0x1CC00] =	vst v63  }
0x1ba: {  	_ =	swait.ge [sflag:s25], $0x80  }
0x1bb: {  	[sflag:s25] =	ssyncset.done $0x0  }
0x1bc: {  	[sflag:s25] =	ssyncadd.s32 $0xFFFFFF80  }
.LBB2_38:
0x1bd: {  	s0 =	rddreg [dreg:$0x15]  }
0x1be: {  	[hbm4b:s0+s2] =	stream.linear.scatter [tilespmem:s29], [sflag:$0x1], $0x80, $0x38;
	[tilespmem:$0x1CC00] =	vst v63  }
0x1bf: {  	_ =	swait.ge [sflag:s25], $0x80  }
0x1c0: {  	[sflag:s25] =	ssyncset.done $0x0  }
0x1c1: {  	[sflag:s25] =	ssyncadd.s32 $0xFFFFFF80  }
.LBB2_40:
0x1c2: {  	s0 =	rddreg [dreg:$0x16]  }
0x1c3: {  	[hbm4b:s0+s2] =	stream.linear.scatter [tilespmem:s29], [sflag:$0x1], $0x80, $0x38;
	[tilespmem:$0x1CC00] =	vst v63  }
0x1c4: {  	_ =	swait.ge [sflag:s25], $0x80  }
0x1c5: {  	[sflag:s25] =	ssyncset.done $0x0  }
0x1c6: {  	[sflag:s25] =	ssyncadd.s32 $0xFFFFFF80  }
.LBB2_42:
0x1c7: {  	s0 =	rddreg [dreg:$0x17]  }
0x1c8: {  	[hbm4b:s0+s2] =	stream.linear.scatter [tilespmem:s29], [sflag:$0x1], $0x80, $0x38;
	[tilespmem:$0x1CC00] =	vst v63  }
0x1c9: {  	_ =	swait.ge [sflag:s25], $0x80  }
0x1ca: {  	[sflag:s25] =	ssyncset.done $0x0  }
0x1cb: {  	[sflag:s25] =	ssyncadd.s32 $0xFFFFFF80  }
.LBB2_44:
0x1cc: {  	s0 =	rddreg [dreg:$0x18]  }
0x1cd: {  	[hbm4b:s0+s2] =	stream.linear.scatter [tilespmem:s29], [sflag:$0x1], $0x80, $0x38;
	[tilespmem:$0x1CC00] =	vst v63  }
0x1ce: {  	_ =	swait.ge [sflag:s25], $0x80  }
0x1cf: {  	[sflag:s25] =	ssyncset.done $0x0  }
0x1d0: {  	[sflag:s25] =	ssyncadd.s32 $0xFFFFFF80  }
.LBB2_46:
0x1d1: {  	s0 =	rddreg [dreg:$0x19]  }
0x1d2: {  	[hbm4b:s0+s2] =	stream.linear.scatter [tilespmem:s29], [sflag:$0x1], $0x80, $0x38;
	[tilespmem:$0x1CC00] =	vst v63  }
0x1d3: {  	_ =	swait.ge [sflag:s25], $0x80  }
0x1d4: {  	[sflag:s25] =	ssyncset.done $0x0  }
0x1d5: {  	[sflag:s25] =	ssyncadd.s32 $0xFFFFFF80  }
.LBB2_48:
0x1d6: {  	s0 =	rddreg [dreg:$0x1a]  }
0x1d7: {  	[hbm4b:s0+s2] =	stream.linear.scatter [tilespmem:s29], [sflag:$0x1], $0x80, $0x38;
	[tilespmem:$0x1CC00] =	vst v63  }
0x1d8: {  	_ =	swait.ge [sflag:s25], $0x80  }
0x1d9: {  	[sflag:s25] =	ssyncset.done $0x0  }
0x1da: {  	[sflag:s25] =	ssyncadd.s32 $0xFFFFFF80  }
.LBB2_50:
0x1db: {  	s0 =	rddreg [dreg:$0x1b]  }
0x1dc: {  	[hbm4b:s0+s2] =	stream.linear.scatter [tilespmem:s29], [sflag:$0x1], $0x80, $0x38;
	[tilespmem:$0x1CC00] =	vst v63  }
0x1dd: {  	_ =	swait.ge [sflag:s25], $0x80  }
0x1de: {  	[sflag:s25] =	ssyncset.done $0x0  }
0x1df: {  	[sflag:s25] =	ssyncadd.s32 $0xFFFFFF80  }
.LBB2_52:
0x1e0: {  	s0 =	rddreg [dreg:$0x1c]  }
0x1e1: {  	[hbm4b:s0+s2] =	stream.linear.scatter [tilespmem:s29], [sflag:$0x1], $0x80, $0x38;
	[tilespmem:$0x1CC00] =	vst v63  }
0x1e2: {  	_ =	swait.ge [sflag:s25], $0x80  }
0x1e3: {  	[sflag:s25] =	ssyncset.done $0x0  }
0x1e4: {  	[sflag:s25] =	ssyncadd.s32 $0xFFFFFF80  }
.LBB2_54:
0x1e5: {  	s0 =	rddreg [dreg:$0x1d]  }
0x1e6: {  	[hbm4b:s0+s2] =	stream.linear.scatter [tilespmem:s29], [sflag:$0x1], $0x80, $0x38;
	[tilespmem:$0x1CC00] =	vst v63  }
0x1e7: {  	_ =	swait.ge [sflag:s25], $0x80  }
0x1e8: {  	[sflag:s25] =	ssyncset.done $0x0  }
0x1e9: {  	[sflag:s25] =	ssyncadd.s32 $0xFFFFFF80  }
.LBB2_56:
0x1ea: {  	[hbm4b:s20+s2] =	stream.linear.scatter [tilespmem:s29], [sflag:$0x1], $0x80, $0x38;
	[tilespmem:$0x1CC00] =	vst v63  }
0x1eb: {  	_ =	swait.ge [sflag:s25], $0x80  }
0x1ec: {  	[sflag:s25] =	ssyncset.done $0x0  }
0x1ed: {  	[sflag:s25] =	ssyncadd.s32 $0xFFFFFF80  }
.LBB2_58:
0x1ee: {  	[hbm4b:s6+s2] =	stream.linear.scatter [tilespmem:s29], [sflag:$0x1], $0x80, $0x38;
	[tilespmem:$0x1CC00] =	vst v63  }
0x1ef: {  	_ =	swait.ge [sflag:s25], $0x80  }
0x1f0: {  	[sflag:s25] =	ssyncset.done $0x0  }
0x1f1: {  	[sflag:s25] =	ssyncadd.s32 $0xFFFFFF80  }
.LBB2_60:
0x1f2: {  	[hbm4b:s7+s2] =	stream.linear.scatter [tilespmem:s29], [sflag:$0x1], $0x80, $0x38;
	[tilespmem:$0x1CC00] =	vst v63  }
0x1f3: {  	_ =	swait.ge [sflag:s25], $0x80  }
0x1f4: {  	[sflag:s25] =	ssyncset.done $0x0  }
0x1f5: {  	[sflag:s25] =	ssyncadd.s32 $0xFFFFFF80  }
.LBB2_62:
0x1f6: {  	[hbm4b:s21+s2] =	stream.linear.scatter [tilespmem:s29], [sflag:$0x1], $0x80, $0x38;
	[tilespmem:$0x1CC00] =	vst v63  }
0x1f7: {  	_ =	swait.ge [sflag:s25], $0x80  }
0x1f8: {  	[sflag:s25] =	ssyncset.done $0x0  }
0x1f9: {  	[sflag:s25] =	ssyncadd.s32 $0xFFFFFF80  }
.LBB2_64:
0x1fa: {  	[hbm4b:s10+s2] =	stream.linear.scatter [tilespmem:s29], [sflag:$0x1], $0x80, $0x38;
	[tilespmem:$0x1CC00] =	vst v63  }
0x1fb: {  	_ =	swait.ge [sflag:s25], $0x80  }
0x1fc: {  	[sflag:s25] =	ssyncset.done $0x0  }
0x1fd: {  	[sflag:s25] =	ssyncadd.s32 $0xFFFFFF80  }
.LBB2_66:
0x1fe: {  	[hbm4b:s11+s2] =	stream.linear.scatter [tilespmem:s29], [sflag:$0x1], $0x80, $0x38;
	[tilespmem:$0x1CC00] =	vst v63  }
0x1ff: {  	_ =	swait.ge [sflag:s25], $0x80  }
0x200: {  	[sflag:s25] =	ssyncset.done $0x0  }
0x201: {  	[sflag:s25] =	ssyncadd.s32 $0xFFFFFF80  }
.LBB2_68:
0x202: {  	[hbm4b:s12+s2] =	stream.linear.scatter [tilespmem:s29], [sflag:$0x1], $0x80, $0x38;
	[tilespmem:$0x1CC00] =	vst v63  }
0x203: {  	_ =	swait.ge [sflag:s25], $0x80  }
0x204: {  	[sflag:s25] =	ssyncset.done $0x0  }
0x205: {  	[sflag:s25] =	ssyncadd.s32 $0xFFFFFF80  }
.LBB2_70:
0x206: {  	[hbm4b:s13+s2] =	stream.linear.scatter [tilespmem:s29], [sflag:$0x1], $0x80, $0x38;
	[tilespmem:$0x1CC00] =	vst v63  }
0x207: {  	_ =	swait.ge [sflag:s25], $0x80  }
0x208: {  	[sflag:s25] =	ssyncset.done $0x0  }
0x209: {  	[sflag:s25] =	ssyncadd.s32 $0xFFFFFF80  }
.LBB2_72:
0x20a: {  	[hbm4b:s22+s2] =	stream.linear.scatter [tilespmem:s29], [sflag:$0x1], $0x80, $0x38;
	[tilespmem:$0x1CC00] =	vst v63  }
0x20b: {  	_ =	swait.ge [sflag:s25], $0x80  }
0x20c: {  	[sflag:s25] =	ssyncset.done $0x0  }
0x20d: {  	[sflag:s25] =	ssyncadd.s32 $0xFFFFFF80  }
.LBB2_74:
0x20e: {  	[hbm4b:s15+s2] =	stream.linear.scatter [tilespmem:s29], [sflag:$0x1], $0x80, $0x38;
	[tilespmem:$0x1CC00] =	vst v63  }
0x20f: {  	_ =	swait.ge [sflag:s25], $0x80  }
0x210: {  	[sflag:s25] =	ssyncset.done $0x0  }
0x211: {  	[sflag:s25] =	ssyncadd.s32 $0xFFFFFF80  }
.LBB2_76:
0x212: {  	[hbm4b:s16+s2] =	stream.linear.scatter [tilespmem:s29], [sflag:$0x1], $0x80, $0x38;
	[tilespmem:$0x1CC00] =	vst v63  }
0x213: {  	_ =	swait.ge [sflag:s25], $0x80  }
0x214: {  	[sflag:s25] =	ssyncset.done $0x0  }
0x215: {  	[sflag:s25] =	ssyncadd.s32 $0xFFFFFF80  }
.LBB2_78:
0x216: {  	[hbm4b:s23+s2] =	stream.linear.scatter [tilespmem:s29], [sflag:$0x1], $0x80, $0x38;
	[tilespmem:$0x1CC00] =	vst v63  }
0x217: {  	_ =	swait.ge [sflag:s25], $0x80  }
0x218: {  	[sflag:s25] =	ssyncset.done $0x0  }
0x219: {  	[sflag:s25] =	ssyncadd.s32 $0xFFFFFF80  }
.LBB2_80:
0x21a: {  	[hbm4b:s24+s2] =	stream.linear.scatter [tilespmem:s29], [sflag:$0x1], $0x80, $0x38;
	[tilespmem:$0x1CC00] =	vst v63  }
0x21b: {  	_ =	swait.ge [sflag:s25], $0x80  }
0x21c: {  	[sflag:s25] =	ssyncset.done $0x0  }
0x21d: {  	[sflag:s25] =	ssyncadd.s32 $0xFFFFFF80  }
.LBB2_81:
0x21e: {  	s30 =	sadd.s32 $0x1, s30;
	s0 =	rddreg [dreg:$0x13]  }
0x21f: {  	p0 =	sne.s32 s30, s0  }
.Ltmp49:
0x220: {  	_ = 	snop;
	(pc) =	sbr.rel @p0 .LBB2_1-.Ltmp49, $1  }
0x221: {  	_ =	sdelay $0x3  }
0x222: {  	_ =	sfence.sel $0x180000  }
0x223: {  	[bflag:$0x0] =	sbarrier.arrive $0xFFFF  }
0x224: {  	_ =	strace $0x90000047  }
0x225: {  	s0 =	stileid.u32;
	[bflag:$0x2] =	sbarrier.arrive $0xFFFF  }
0x226: {  	p0 =	sne.s32 s0, $0x0;
	s0 =	rddreg [dreg:$0x2]  }
0x227: {  	s0 =	sadd.s32 @!p0 $0x100000, s0  }
0x228: {  	[sflag:s0] =	ssyncadd.tile.s32 @!p0 $0x1;
	_ =	shalt  }
.Lfunc_end2:
_tile_overlayer_lowered:
.L_overlay_start_2:
0x229: {  	(tag) =	ssettag $0x2  }
0x22a: {  	s0 =	rddreg [dreg:$0x0];
	s2 =	stileid.u32  }
0x22b: {  	s1 =	rddreg [dreg:$0x1];
	p0 =	sne.s32 s2, $0x0  }
0x22c: {  	s3 =	rddreg [dreg:$0x2];
	[bflag:$0x3] =	sbarrier.arrive $0xFFFF;
	s2 =	simm.s32 @!p0 $0x1C01  }
0x22d: {  	[timem:s3], [sflag:s2] =	dma.local @!p0 [hbm:s0], s1  }
0x22e: {  	s0 =	simm.s32 @!p0 $0x1  }
0x22f: {  	_ =	swait.ge @!p0 [sflag:s0], s1  }
0x230: {  	s1 =	ssub.s32 @!p0 $0x0, s1;
	[sflag:s0] =	ssyncset.done @!p0 $0x0  }
0x231: {  	[sflag:s0] =	ssyncadd.s32 @!p0 s1  }
0x232: {  	[bflag:$0x3] =	sbarrier.arrive $0xFFFF  }
0x233: {  	_ =	shalt  }

</sc_bundles>
